<compile_context>
chip_gen: v7x
topology: tpu7x:2x2x1
jax: 0.10.2.dev20260603
libtpu: 0.0.44.dev20260713+nightly
codegen_flags: <defaults>
</compile_context>

<pallas_src>
import functools

import jax
import jax.numpy as jnp
from jax import lax
from jax.experimental import pallas as pl
from jax.experimental.pallas import tpu as pltpu
from jax.experimental.pallas import tpu_sc as plsc

VOCAB = 1000000
DIM = 64
DIMP = 128
B_TOK = 16384
SEQ = 50
SEQP = 56

NC = 2
NS = 16
NW = NC * NS

R_PER_W = B_TOK // NW
CH = 4
NCHUNK = R_PER_W // CH
NBUF = 4
NGRP = NCHUNK // NBUF

TBLK = 16384

_mesh = plsc.VectorSubcoreMesh(core_axis_name="c", subcore_axis_name="s")


def _tpad_body(wt_ref, out_ref):
    out_ref[:, :DIM] = wt_ref[...].T


def _transpose_pad(wt):
    grid = (VOCAB + TBLK - 1) // TBLK
    return pl.pallas_call(
        _tpad_body,
        grid=(grid,),
        in_specs=[pl.BlockSpec((DIM, TBLK), lambda j: (0, j))],
        out_specs=pl.BlockSpec((TBLK, DIMP), lambda j: (j, 0)),
        out_shape=jax.ShapeDtypeStruct((VOCAB, DIMP), jnp.float32),
    )(wt)


@functools.partial(
    pl.kernel,
    mesh=_mesh,
    out_type=jax.ShapeDtypeStruct((B_TOK, SEQP, DIMP), jnp.float32),
    scratch_types=[
        pltpu.VMEM((R_PER_W, SEQ), jnp.int32),
        pltpu.VMEM((NBUF, CH, SEQ, DIM), jnp.float32),
        pltpu.SemaphoreType.DMA((NBUF,)),
        pltpu.SemaphoreType.DMA((NBUF,)),
    ],
    compiler_params=pltpu.CompilerParams(use_tc_tiling_on_sc=False),
)
def _emb_lookup(ind_hbm, wpad_hbm, out_hbm, idx_v, rows_v, gsem, wsem):
    wid = lax.axis_index("s") * NC + lax.axis_index("c")
    row0 = wid * R_PER_W
    pltpu.sync_copy(ind_hbm.at[pl.ds(row0, R_PER_W)], idx_v)

    def start_gathers(chunk, b):
        for j in range(CH):
            pltpu.async_copy(
                wpad_hbm.at[idx_v.at[chunk * CH + j]],
                rows_v.at[b].at[j], gsem.at[b])

    def wait_gathers(b):
        for j in range(CH):
            pltpu.make_async_copy(
                wpad_hbm.at[idx_v.at[0]],
                rows_v.at[b].at[j], gsem.at[b]).wait()

    def start_writes(chunk, b):
        for j in range(CH):
            pltpu.async_copy(
                rows_v.at[b].at[j],
                out_hbm.at[row0 + chunk * CH + j].at[pl.ds(0, SEQ), pl.ds(0, DIM)],
                wsem.at[b])

    def wait_writes(b):
        for j in range(CH):
            pltpu.make_async_copy(
                rows_v.at[b].at[j],
                out_hbm.at[row0].at[pl.ds(0, SEQ), pl.ds(0, DIM)],
                wsem.at[b]).wait()

    for b in range(NBUF):
        start_gathers(b, b)

    def group(i, carry):
        for b in range(NBUF):
            wait_gathers(b)
            start_writes(i * NBUF + b, b)

        @pl.when(i < NGRP - 1)
        def _():
            for b in range(NBUF):
                wait_writes(b)
                start_gathers((i + 1) * NBUF + b, b)

        return carry

    lax.fori_loop(0, NGRP, group, 0)
    for b in range(NBUF):
        wait_writes(b)


def kernel(ind, weight):
    wpad = _transpose_pad(weight.T)
    w2 = wpad.reshape(2 * VOCAB, DIM)
    outp = _emb_lookup(ind * 2, w2)
    return outp[:, :SEQ, :DIM]

# --- scband reference (transcript-rebuilt; emitter-appended) ---
"""Pipeline reference for scband-embedding-72816875536476 (READ-ONLY COPY).

The authoritative reference and input builder live on the scoring server;
editing this copy changes nothing except your own understanding.
"""

import jax, jax.numpy as jnp
import numpy as np

VOCAB = 1000000
DIM = 64

def setup_inputs(seed: int = 0) -> dict:
    key = jax.random.key(seed)
    k1, k2 = jax.random.split(key)
    ind = jax.random.randint(k1, (16384, 50), 0, VOCAB, dtype=jnp.int64 if jax.config.jax_enable_x64 else jnp.int32)
    weight = jax.random.normal(k2, (VOCAB, DIM), dtype=jnp.float32) * 0.02
    return {"ind": ind, "weight": weight}

def reference(ind, weight):
    # weight_type_int < 2 path: plain embedding lookup
    table = weight.reshape(VOCAB, DIM)
    out = jnp.take(table, ind, axis=0)  # [B, L, DIM]
    return out

if __name__ == "__main__":
    import jax
    _d = setup_inputs()
    print(jax.jit(kernel)(*tuple(_d.values())))

</pallas_src>

<mosaic_0001>
#map = affine_map<(d0, d1) -> (0, 0)>
#map1 = affine_map<(d0, d1) -> (0, 0, 0)>
module attributes {stable_mosaic.version = 14 : i64} {
  func.func @_emb_lookup(%arg0: i32, %arg1: i32, %arg2: memref<16384x50xi32, #tpu.memory_space<hbm>>, %arg3: memref<2000000x64xf32, #tpu.memory_space<hbm>>, %arg4: memref<16384x56x128xf32, #tpu.memory_space<hbm>>, %arg5: memref<512x50xi32, #tpu.memory_space<vmem>>, %arg6: memref<4x4x50x64xf32, #tpu.memory_space<vmem>>, %arg7: memref<4x!tpu.dma_semaphore, #tpu.memory_space<semaphore_mem>>, %arg8: memref<4x!tpu.dma_semaphore, #tpu.memory_space<semaphore_mem>>) attributes {dimension_semantics = [#tpu.dimension_semantics<core_parallel>, #tpu.dimension_semantics<subcore_parallel>], iteration_bounds = array<i64: 2, 16>, scalar_prefetch = 0 : i64, scratch_operands = 4 : i64, tpu.core_type = #tpu.core_type<sc_vector_subcore>, window_params = [{transform_indices = #map}, {transform_indices = #map}, {transform_indices = #map1}]} {
    %mul3A = arith.constant 2 : i32
    %mul3A_0 = arith.muli %arg1, %mul3A : i32
    %add3A = arith.addi %mul3A_0, %arg0 : i32
    %mul3A_1 = arith.constant 512 : i32
    %mul3A_2 = arith.muli %add3A, %mul3A_1 : i32
    "tpu.region"() ({
      %run_scoped3A = tpu.sem_alloc : memref<!tpu.dma_semaphore, #tpu.memory_space<semaphore_mem>>
      %dma_start3A_934 = arith.constant 0 : i32
      %dma_start3A_935 = tpu.memref_slice %arg2[%mul3A_2, %dma_start3A_934] : memref<16384x50xi32, #tpu.memory_space<hbm>> -> memref<512x50xi32, #tpu.memory_space<hbm>>
      %dma_start3A_936 = arith.constant 0 : i32
      %dma_start3A_937 = tpu.memref_slice %arg2[%mul3A_2, %dma_start3A_936] : memref<16384x50xi32, #tpu.memory_space<hbm>> -> memref<512x50xi32, #tpu.memory_space<hbm>>
      tpu.enqueue_dma source(%dma_start3A_937 : memref<512x50xi32, #tpu.memory_space<hbm>>) target(%arg5 : memref<512x50xi32, #tpu.memory_space<vmem>>) target_semaphore(%run_scoped3A : memref<!tpu.dma_semaphore, #tpu.memory_space<semaphore_mem>>)
      %dma_wait3A_938 = arith.constant 0 : i32
      %dma_wait3A_939 = tpu.memref_slice %arg2[%mul3A_2, %dma_wait3A_938] : memref<16384x50xi32, #tpu.memory_space<hbm>> -> memref<512x50xi32, #tpu.memory_space<hbm>>
      %dma_wait3A_940 = arith.constant 0 : i32
      %dma_wait3A_941 = tpu.memref_slice %arg2[%mul3A_2, %dma_wait3A_940] : memref<16384x50xi32, #tpu.memory_space<hbm>> -> memref<512x50xi32, #tpu.memory_space<hbm>>
      tpu.wait_dma2 semaphore(%run_scoped3A : memref<!tpu.dma_semaphore, #tpu.memory_space<semaphore_mem>>) src(%dma_wait3A_941 : memref<512x50xi32, #tpu.memory_space<hbm>>) dst(%arg5 : memref<512x50xi32, #tpu.memory_space<vmem>>)
      tpu.yield
    }) : () -> ()
    %dma_start3A = arith.constant 0 : i32
    %dma_start3A_3 = arith.constant 0 : i32
    %dma_start3A_4 = arith.constant 0 : i32
    %dma_start3A_5 = arith.constant 0 : i32
    %dma_start3A_6 = arith.constant 0 : i32
    %dma_start3A_7 = arith.constant 0 : i32
    %dma_start3A_8 = arith.constant 0 : i32
    %dma_start3A_9 = tpu.memref_slice %arg6[%dma_start3A_3, %dma_start3A_6, %dma_start3A_7, %dma_start3A_8] : memref<4x4x50x64xf32, #tpu.memory_space<vmem>> -> memref<1x4x50x64xf32, #tpu.memory_space<vmem>>
    %dma_start3A_10 = tpu.memref_squeeze %dma_start3A_9 : memref<1x4x50x64xf32, #tpu.memory_space<vmem>> -> memref<4x50x64xf32, #tpu.memory_space<vmem>>
    %dma_start3A_11 = arith.constant 0 : i32
    %dma_start3A_12 = arith.constant 0 : i32
    %dma_start3A_13 = tpu.memref_slice %dma_start3A_10[%dma_start3A_4, %dma_start3A_11, %dma_start3A_12] : memref<4x50x64xf32, #tpu.memory_space<vmem>> -> memref<1x50x64xf32, #tpu.memory_space<vmem>>
    %dma_start3A_14 = tpu.memref_squeeze %dma_start3A_13 : memref<1x50x64xf32, #tpu.memory_space<vmem>> -> memref<50x64xf32, #tpu.memory_space<vmem>>
    %dma_start3A_15 = arith.constant 0 : i32
    %dma_start3A_16 = tpu.memref_slice %arg5[%dma_start3A, %dma_start3A_15] : memref<512x50xi32, #tpu.memory_space<vmem>> -> memref<1x50xi32, #tpu.memory_space<vmem>>
    %dma_start3A_17 = tpu.memref_squeeze %dma_start3A_16 : memref<1x50xi32, #tpu.memory_space<vmem>> -> memref<50xi32, #tpu.memory_space<vmem>>
    %dma_start3A_18 = arith.constant 0 : i32
    %dma_start3A_19 = arith.constant 0 : i32
    %dma_start3A_20 = tpu.memref_slice %arg3[%dma_start3A_18, %dma_start3A_19] : memref<2000000x64xf32, #tpu.memory_space<hbm>> -> memref<2000000x64xf32, #tpu.memory_space<hbm>>
    %dma_start3A_21 = tpu.memref_slice %arg7[%dma_start3A_5] : memref<4x!tpu.dma_semaphore, #tpu.memory_space<semaphore_mem>> -> memref<1x!tpu.dma_semaphore, #tpu.memory_space<semaphore_mem>>
    %dma_start3A_22 = tpu.memref_squeeze %dma_start3A_21 : memref<1x!tpu.dma_semaphore, #tpu.memory_space<semaphore_mem>> -> memref<!tpu.dma_semaphore, #tpu.memory_space<semaphore_mem>>
    tpu.enqueue_indirect_dma source(%dma_start3A_20 : memref<2000000x64xf32, #tpu.memory_space<hbm>>) target(%dma_start3A_14 : memref<50x64xf32, #tpu.memory_space<vmem>>) offsets(%dma_start3A_17 : memref<50xi32, #tpu.memory_space<vmem>>) semaphore(%dma_start3A_22 : memref<!tpu.dma_semaphore, #tpu.memory_space<semaphore_mem>>)
    %dma_start3A_23 = arith.constant 1 : i32
    %dma_start3A_24 = arith.constant 0 : i32
    %dma_start3A_25 = arith.constant 1 : i32
    %dma_start3A_26 = arith.constant 0 : i32
    %dma_start3A_27 = arith.constant 0 : i32
    %dma_start3A_28 = arith.constant 0 : i32
    %dma_start3A_29 = arith.constant 0 : i32
    %dma_start3A_30 = tpu.memref_slice %arg6[%dma_start3A_24, %dma_start3A_27, %dma_start3A_28, %dma_start3A_29] : memref<4x4x50x64xf32, #tpu.memory_space<vmem>> -> memref<1x4x50x64xf32, #tpu.memory_space<vmem>>
    %dma_start3A_31 = tpu.memref_squeeze %dma_start3A_30 : memref<1x4x50x64xf32, #tpu.memory_space<vmem>> -> memref<4x50x64xf32, #tpu.memory_space<vmem>>
    %dma_start3A_32 = arith.constant 0 : i32
    %dma_start3A_33 = arith.constant 0 : i32
    %dma_start3A_34 = tpu.memref_slice %dma_start3A_31[%dma_start3A_25, %dma_start3A_32, %dma_start3A_33] : memref<4x50x64xf32, #tpu.memory_space<vmem>> -> memref<1x50x64xf32, #tpu.memory_space<vmem>>
    %dma_start3A_35 = tpu.memref_squeeze %dma_start3A_34 : memref<1x50x64xf32, #tpu.memory_space<vmem>> -> memref<50x64xf32, #tpu.memory_space<vmem>>
    %dma_start3A_36 = arith.constant 0 : i32
    %dma_start3A_37 = tpu.memref_slice %arg5[%dma_start3A_23, %dma_start3A_36] : memref<512x50xi32, #tpu.memory_space<vmem>> -> memref<1x50xi32, #tpu.memory_space<vmem>>
    %dma_start3A_38 = tpu.memref_squeeze %dma_start3A_37 : memref<1x50xi32, #tpu.memory_space<vmem>> -> memref<50xi32, #tpu.memory_space<vmem>>
    %dma_start3A_39 = arith.constant 0 : i32
    %dma_start3A_40 = arith.constant 0 : i32
    %dma_start3A_41 = tpu.memref_slice %arg3[%dma_start3A_39, %dma_start3A_40] : memref<2000000x64xf32, #tpu.memory_space<hbm>> -> memref<2000000x64xf32, #tpu.memory_space<hbm>>
    %dma_start3A_42 = tpu.memref_slice %arg7[%dma_start3A_26] : memref<4x!tpu.dma_semaphore, #tpu.memory_space<semaphore_mem>> -> memref<1x!tpu.dma_semaphore, #tpu.memory_space<semaphore_mem>>
    %dma_start3A_43 = tpu.memref_squeeze %dma_start3A_42 : memref<1x!tpu.dma_semaphore, #tpu.memory_space<semaphore_mem>> -> memref<!tpu.dma_semaphore, #tpu.memory_space<semaphore_mem>>
    tpu.enqueue_indirect_dma source(%dma_start3A_41 : memref<2000000x64xf32, #tpu.memory_space<hbm>>) target(%dma_start3A_35 : memref<50x64xf32, #tpu.memory_space<vmem>>) offsets(%dma_start3A_38 : memref<50xi32, #tpu.memory_space<vmem>>) semaphore(%dma_start3A_43 : memref<!tpu.dma_semaphore, #tpu.memory_space<semaphore_mem>>)
    %dma_start3A_44 = arith.constant 2 : i32
    %dma_start3A_45 = arith.constant 0 : i32
    %dma_start3A_46 = arith.constant 2 : i32
    %dma_start3A_47 = arith.constant 0 : i32
    %dma_start3A_48 = arith.constant 0 : i32
    %dma_start3A_49 = arith.constant 0 : i32
    %dma_start3A_50 = arith.constant 0 : i32
    %dma_start3A_51 = tpu.memref_slice %arg6[%dma_start3A_45, %dma_start3A_48, %dma_start3A_49, %dma_start3A_50] : memref<4x4x50x64xf32, #tpu.memory_space<vmem>> -> memref<1x4x50x64xf32, #tpu.memory_space<vmem>>
    %dma_start3A_52 = tpu.memref_squeeze %dma_start3A_51 : memref<1x4x50x64xf32, #tpu.memory_space<vmem>> -> memref<4x50x64xf32, #tpu.memory_space<vmem>>
    %dma_start3A_53 = arith.constant 0 : i32
    %dma_start3A_54 = arith.constant 0 : i32
    %dma_start3A_55 = tpu.memref_slice %dma_start3A_52[%dma_start3A_46, %dma_start3A_53, %dma_start3A_54] : memref<4x50x64xf32, #tpu.memory_space<vmem>> -> memref<1x50x64xf32, #tpu.memory_space<vmem>>
    %dma_start3A_56 = tpu.memref_squeeze %dma_start3A_55 : memref<1x50x64xf32, #tpu.memory_space<vmem>> -> memref<50x64xf32, #tpu.memory_space<vmem>>
    %dma_start3A_57 = arith.constant 0 : i32
    %dma_start3A_58 = tpu.memref_slice %arg5[%dma_start3A_44, %dma_start3A_57] : memref<512x50xi32, #tpu.memory_space<vmem>> -> memref<1x50xi32, #tpu.memory_space<vmem>>
    %dma_start3A_59 = tpu.memref_squeeze %dma_start3A_58 : memref<1x50xi32, #tpu.memory_space<vmem>> -> memref<50xi32, #tpu.memory_space<vmem>>
    %dma_start3A_60 = arith.constant 0 : i32
    %dma_start3A_61 = arith.constant 0 : i32
    %dma_start3A_62 = tpu.memref_slice %arg3[%dma_start3A_60, %dma_start3A_61] : memref<2000000x64xf32, #tpu.memory_space<hbm>> -> memref<2000000x64xf32, #tpu.memory_space<hbm>>
    %dma_start3A_63 = tpu.memref_slice %arg7[%dma_start3A_47] : memref<4x!tpu.dma_semaphore, #tpu.memory_space<semaphore_mem>> -> memref<1x!tpu.dma_semaphore, #tpu.memory_space<semaphore_mem>>
    %dma_start3A_64 = tpu.memref_squeeze %dma_start3A_63 : memref<1x!tpu.dma_semaphore, #tpu.memory_space<semaphore_mem>> -> memref<!tpu.dma_semaphore, #tpu.memory_space<semaphore_mem>>
    tpu.enqueue_indirect_dma source(%dma_start3A_62 : memref<2000000x64xf32, #tpu.memory_space<hbm>>) target(%dma_start3A_56 : memref<50x64xf32, #tpu.memory_space<vmem>>) offsets(%dma_start3A_59 : memref<50xi32, #tpu.memory_space<vmem>>) semaphore(%dma_start3A_64 : memref<!tpu.dma_semaphore, #tpu.memory_space<semaphore_mem>>)
    %dma_start3A_65 = arith.constant 3 : i32
    %dma_start3A_66 = arith.constant 0 : i32
    %dma_start3A_67 = arith.constant 3 : i32
    %dma_start3A_68 = arith.constant 0 : i32
    %dma_start3A_69 = arith.constant 0 : i32
    %dma_start3A_70 = arith.constant 0 : i32
    %dma_start3A_71 = arith.constant 0 : i32
    %dma_start3A_72 = tpu.memref_slice %arg6[%dma_start3A_66, %dma_start3A_69, %dma_start3A_70, %dma_start3A_71] : memref<4x4x50x64xf32, #tpu.memory_space<vmem>> -> memref<1x4x50x64xf32, #tpu.memory_space<vmem>>
    %dma_start3A_73 = tpu.memref_squeeze %dma_start3A_72 : memref<1x4x50x64xf32, #tpu.memory_space<vmem>> -> memref<4x50x64xf32, #tpu.memory_space<vmem>>
    %dma_start3A_74 = arith.constant 0 : i32
    %dma_start3A_75 = arith.constant 0 : i32
    %dma_start3A_76 = tpu.memref_slice %dma_start3A_73[%dma_start3A_67, %dma_start3A_74, %dma_start3A_75] : memref<4x50x64xf32, #tpu.memory_space<vmem>> -> memref<1x50x64xf32, #tpu.memory_space<vmem>>
    %dma_start3A_77 = tpu.memref_squeeze %dma_start3A_76 : memref<1x50x64xf32, #tpu.memory_space<vmem>> -> memref<50x64xf32, #tpu.memory_space<vmem>>
    %dma_start3A_78 = arith.constant 0 : i32
    %dma_start3A_79 = tpu.memref_slice %arg5[%dma_start3A_65, %dma_start3A_78] : memref<512x50xi32, #tpu.memory_space<vmem>> -> memref<1x50xi32, #tpu.memory_space<vmem>>
    %dma_start3A_80 = tpu.memref_squeeze %dma_start3A_79 : memref<1x50xi32, #tpu.memory_space<vmem>> -> memref<50xi32, #tpu.memory_space<vmem>>
    %dma_start3A_81 = arith.constant 0 : i32
    %dma_start3A_82 = arith.constant 0 : i32
    %dma_start3A_83 = tpu.memref_slice %arg3[%dma_start3A_81, %dma_start3A_82] : memref<2000000x64xf32, #tpu.memory_space<hbm>> -> memref<2000000x64xf32, #tpu.memory_space<hbm>>
    %dma_start3A_84 = tpu.memref_slice %arg7[%dma_start3A_68] : memref<4x!tpu.dma_semaphore, #tpu.memory_space<semaphore_mem>> -> memref<1x!tpu.dma_semaphore, #tpu.memory_space<semaphore_mem>>
    %dma_start3A_85 = tpu.memref_squeeze %dma_start3A_84 : memref<1x!tpu.dma_semaphore, #tpu.memory_space<semaphore_mem>> -> memref<!tpu.dma_semaphore, #tpu.memory_space<semaphore_mem>>
    tpu.enqueue_indirect_dma source(%dma_start3A_83 : memref<2000000x64xf32, #tpu.memory_space<hbm>>) target(%dma_start3A_77 : memref<50x64xf32, #tpu.memory_space<vmem>>) offsets(%dma_start3A_80 : memref<50xi32, #tpu.memory_space<vmem>>) semaphore(%dma_start3A_85 : memref<!tpu.dma_semaphore, #tpu.memory_space<semaphore_mem>>)
    %dma_start3A_86 = arith.constant 4 : i32
    %dma_start3A_87 = arith.constant 1 : i32
    %dma_start3A_88 = arith.constant 0 : i32
    %dma_start3A_89 = arith.constant 1 : i32
    %dma_start3A_90 = arith.constant 0 : i32
    %dma_start3A_91 = arith.constant 0 : i32
    %dma_start3A_92 = arith.constant 0 : i32
    %dma_start3A_93 = tpu.memref_slice %arg6[%dma_start3A_87, %dma_start3A_90, %dma_start3A_91, %dma_start3A_92] : memref<4x4x50x64xf32, #tpu.memory_space<vmem>> -> memref<1x4x50x64xf32, #tpu.memory_space<vmem>>
    %dma_start3A_94 = tpu.memref_squeeze %dma_start3A_93 : memref<1x4x50x64xf32, #tpu.memory_space<vmem>> -> memref<4x50x64xf32, #tpu.memory_space<vmem>>
    %dma_start3A_95 = arith.constant 0 : i32
    %dma_start3A_96 = arith.constant 0 : i32
    %dma_start3A_97 = tpu.memref_slice %dma_start3A_94[%dma_start3A_88, %dma_start3A_95, %dma_start3A_96] : memref<4x50x64xf32, #tpu.memory_space<vmem>> -> memref<1x50x64xf32, #tpu.memory_space<vmem>>
    %dma_start3A_98 = tpu.memref_squeeze %dma_start3A_97 : memref<1x50x64xf32, #tpu.memory_space<vmem>> -> memref<50x64xf32, #tpu.memory_space<vmem>>
    %dma_start3A_99 = arith.constant 0 : i32
    %dma_start3A_100 = tpu.memref_slice %arg5[%dma_start3A_86, %dma_start3A_99] : memref<512x50xi32, #tpu.memory_space<vmem>> -> memref<1x50xi32, #tpu.memory_space<vmem>>
    %dma_start3A_101 = tpu.memref_squeeze %dma_start3A_100 : memref<1x50xi32, #tpu.memory_space<vmem>> -> memref<50xi32, #tpu.memory_space<vmem>>
    %dma_start3A_102 = arith.constant 0 : i32
    %dma_start3A_103 = arith.constant 0 : i32
    %dma_start3A_104 = tpu.memref_slice %arg3[%dma_start3A_102, %dma_start3A_103] : memref<2000000x64xf32, #tpu.memory_space<hbm>> -> memref<2000000x64xf32, #tpu.memory_space<hbm>>
    %dma_start3A_105 = tpu.memref_slice %arg7[%dma_start3A_89] : memref<4x!tpu.dma_semaphore, #tpu.memory_space<semaphore_mem>> -> memref<1x!tpu.dma_semaphore, #tpu.memory_space<semaphore_mem>>
    %dma_start3A_106 = tpu.memref_squeeze %dma_start3A_105 : memref<1x!tpu.dma_semaphore, #tpu.memory_space<semaphore_mem>> -> memref<!tpu.dma_semaphore, #tpu.memory_space<semaphore_mem>>
    tpu.enqueue_indirect_dma source(%dma_start3A_104 : memref<2000000x64xf32, #tpu.memory_space<hbm>>) target(%dma_start3A_98 : memref<50x64xf32, #tpu.memory_space<vmem>>) offsets(%dma_start3A_101 : memref<50xi32, #tpu.memory_space<vmem>>) semaphore(%dma_start3A_106 : memref<!tpu.dma_semaphore, #tpu.memory_space<semaphore_mem>>)
    %dma_start3A_107 = arith.constant 5 : i32
    %dma_start3A_108 = arith.constant 1 : i32
    %dma_start3A_109 = arith.constant 1 : i32
    %dma_start3A_110 = arith.constant 1 : i32
    %dma_start3A_111 = arith.constant 0 : i32
    %dma_start3A_112 = arith.constant 0 : i32
    %dma_start3A_113 = arith.constant 0 : i32
    %dma_start3A_114 = tpu.memref_slice %arg6[%dma_start3A_108, %dma_start3A_111, %dma_start3A_112, %dma_start3A_113] : memref<4x4x50x64xf32, #tpu.memory_space<vmem>> -> memref<1x4x50x64xf32, #tpu.memory_space<vmem>>
    %dma_start3A_115 = tpu.memref_squeeze %dma_start3A_114 : memref<1x4x50x64xf32, #tpu.memory_space<vmem>> -> memref<4x50x64xf32, #tpu.memory_space<vmem>>
    %dma_start3A_116 = arith.constant 0 : i32
    %dma_start3A_117 = arith.constant 0 : i32
    %dma_start3A_118 = tpu.memref_slice %dma_start3A_115[%dma_start3A_109, %dma_start3A_116, %dma_start3A_117] : memref<4x50x64xf32, #tpu.memory_space<vmem>> -> memref<1x50x64xf32, #tpu.memory_space<vmem>>
    %dma_start3A_119 = tpu.memref_squeeze %dma_start3A_118 : memref<1x50x64xf32, #tpu.memory_space<vmem>> -> memref<50x64xf32, #tpu.memory_space<vmem>>
    %dma_start3A_120 = arith.constant 0 : i32
    %dma_start3A_121 = tpu.memref_slice %arg5[%dma_start3A_107, %dma_start3A_120] : memref<512x50xi32, #tpu.memory_space<vmem>> -> memref<1x50xi32, #tpu.memory_space<vmem>>
    %dma_start3A_122 = tpu.memref_squeeze %dma_start3A_121 : memref<1x50xi32, #tpu.memory_space<vmem>> -> memref<50xi32, #tpu.memory_space<vmem>>
    %dma_start3A_123 = arith.constant 0 : i32
    %dma_start3A_124 = arith.constant 0 : i32
    %dma_start3A_125 = tpu.memref_slice %arg3[%dma_start3A_123, %dma_start3A_124] : memref<2000000x64xf32, #tpu.memory_space<hbm>> -> memref<2000000x64xf32, #tpu.memory_space<hbm>>
    %dma_start3A_126 = tpu.memref_slice %arg7[%dma_start3A_110] : memref<4x!tpu.dma_semaphore, #tpu.memory_space<semaphore_mem>> -> memref<1x!tpu.dma_semaphore, #tpu.memory_space<semaphore_mem>>
    %dma_start3A_127 = tpu.memref_squeeze %dma_start3A_126 : memref<1x!tpu.dma_semaphore, #tpu.memory_space<semaphore_mem>> -> memref<!tpu.dma_semaphore, #tpu.memory_space<semaphore_mem>>
    tpu.enqueue_indirect_dma source(%dma_start3A_125 : memref<2000000x64xf32, #tpu.memory_space<hbm>>) target(%dma_start3A_119 : memref<50x64xf32, #tpu.memory_space<vmem>>) offsets(%dma_start3A_122 : memref<50xi32, #tpu.memory_space<vmem>>) semaphore(%dma_start3A_127 : memref<!tpu.dma_semaphore, #tpu.memory_space<semaphore_mem>>)
    %dma_start3A_128 = arith.constant 6 : i32
    %dma_start3A_129 = arith.constant 1 : i32
    %dma_start3A_130 = arith.constant 2 : i32
    %dma_start3A_131 = arith.constant 1 : i32
    %dma_start3A_132 = arith.constant 0 : i32
    %dma_start3A_133 = arith.constant 0 : i32
    %dma_start3A_134 = arith.constant 0 : i32
    %dma_start3A_135 = tpu.memref_slice %arg6[%dma_start3A_129, %dma_start3A_132, %dma_start3A_133, %dma_start3A_134] : memref<4x4x50x64xf32, #tpu.memory_space<vmem>> -> memref<1x4x50x64xf32, #tpu.memory_space<vmem>>
    %dma_start3A_136 = tpu.memref_squeeze %dma_start3A_135 : memref<1x4x50x64xf32, #tpu.memory_space<vmem>> -> memref<4x50x64xf32, #tpu.memory_space<vmem>>
    %dma_start3A_137 = arith.constant 0 : i32
    %dma_start3A_138 = arith.constant 0 : i32
    %dma_start3A_139 = tpu.memref_slice %dma_start3A_136[%dma_start3A_130, %dma_start3A_137, %dma_start3A_138] : memref<4x50x64xf32, #tpu.memory_space<vmem>> -> memref<1x50x64xf32, #tpu.memory_space<vmem>>
    %dma_start3A_140 = tpu.memref_squeeze %dma_start3A_139 : memref<1x50x64xf32, #tpu.memory_space<vmem>> -> memref<50x64xf32, #tpu.memory_space<vmem>>
    %dma_start3A_141 = arith.constant 0 : i32
    %dma_start3A_142 = tpu.memref_slice %arg5[%dma_start3A_128, %dma_start3A_141] : memref<512x50xi32, #tpu.memory_space<vmem>> -> memref<1x50xi32, #tpu.memory_space<vmem>>
    %dma_start3A_143 = tpu.memref_squeeze %dma_start3A_142 : memref<1x50xi32, #tpu.memory_space<vmem>> -> memref<50xi32, #tpu.memory_space<vmem>>
    %dma_start3A_144 = arith.constant 0 : i32
    %dma_start3A_145 = arith.constant 0 : i32
    %dma_start3A_146 = tpu.memref_slice %arg3[%dma_start3A_144, %dma_start3A_145] : memref<2000000x64xf32, #tpu.memory_space<hbm>> -> memref<2000000x64xf32, #tpu.memory_space<hbm>>
    %dma_start3A_147 = tpu.memref_slice %arg7[%dma_start3A_131] : memref<4x!tpu.dma_semaphore, #tpu.memory_space<semaphore_mem>> -> memref<1x!tpu.dma_semaphore, #tpu.memory_space<semaphore_mem>>
    %dma_start3A_148 = tpu.memref_squeeze %dma_start3A_147 : memref<1x!tpu.dma_semaphore, #tpu.memory_space<semaphore_mem>> -> memref<!tpu.dma_semaphore, #tpu.memory_space<semaphore_mem>>
    tpu.enqueue_indirect_dma source(%dma_start3A_146 : memref<2000000x64xf32, #tpu.memory_space<hbm>>) target(%dma_start3A_140 : memref<50x64xf32, #tpu.memory_space<vmem>>) offsets(%dma_start3A_143 : memref<50xi32, #tpu.memory_space<vmem>>) semaphore(%dma_start3A_148 : memref<!tpu.dma_semaphore, #tpu.memory_space<semaphore_mem>>)
    %dma_start3A_149 = arith.constant 7 : i32
    %dma_start3A_150 = arith.constant 1 : i32
    %dma_start3A_151 = arith.constant 3 : i32
    %dma_start3A_152 = arith.constant 1 : i32
    %dma_start3A_153 = arith.constant 0 : i32
    %dma_start3A_154 = arith.constant 0 : i32
    %dma_start3A_155 = arith.constant 0 : i32
    %dma_start3A_156 = tpu.memref_slice %arg6[%dma_start3A_150, %dma_start3A_153, %dma_start3A_154, %dma_start3A_155] : memref<4x4x50x64xf32, #tpu.memory_space<vmem>> -> memref<1x4x50x64xf32, #tpu.memory_space<vmem>>
    %dma_start3A_157 = tpu.memref_squeeze %dma_start3A_156 : memref<1x4x50x64xf32, #tpu.memory_space<vmem>> -> memref<4x50x64xf32, #tpu.memory_space<vmem>>
    %dma_start3A_158 = arith.constant 0 : i32
    %dma_start3A_159 = arith.constant 0 : i32
    %dma_start3A_160 = tpu.memref_slice %dma_start3A_157[%dma_start3A_151, %dma_start3A_158, %dma_start3A_159] : memref<4x50x64xf32, #tpu.memory_space<vmem>> -> memref<1x50x64xf32, #tpu.memory_space<vmem>>
    %dma_start3A_161 = tpu.memref_squeeze %dma_start3A_160 : memref<1x50x64xf32, #tpu.memory_space<vmem>> -> memref<50x64xf32, #tpu.memory_space<vmem>>
    %dma_start3A_162 = arith.constant 0 : i32
    %dma_start3A_163 = tpu.memref_slice %arg5[%dma_start3A_149, %dma_start3A_162] : memref<512x50xi32, #tpu.memory_space<vmem>> -> memref<1x50xi32, #tpu.memory_space<vmem>>
    %dma_start3A_164 = tpu.memref_squeeze %dma_start3A_163 : memref<1x50xi32, #tpu.memory_space<vmem>> -> memref<50xi32, #tpu.memory_space<vmem>>
    %dma_start3A_165 = arith.constant 0 : i32
    %dma_start3A_166 = arith.constant 0 : i32
    %dma_start3A_167 = tpu.memref_slice %arg3[%dma_start3A_165, %dma_start3A_166] : memref<2000000x64xf32, #tpu.memory_space<hbm>> -> memref<2000000x64xf32, #tpu.memory_space<hbm>>
    %dma_start3A_168 = tpu.memref_slice %arg7[%dma_start3A_152] : memref<4x!tpu.dma_semaphore, #tpu.memory_space<semaphore_mem>> -> memref<1x!tpu.dma_semaphore, #tpu.memory_space<semaphore_mem>>
    %dma_start3A_169 = tpu.memref_squeeze %dma_start3A_168 : memref<1x!tpu.dma_semaphore, #tpu.memory_space<semaphore_mem>> -> memref<!tpu.dma_semaphore, #tpu.memory_space<semaphore_mem>>
    tpu.enqueue_indirect_dma source(%dma_start3A_167 : memref<2000000x64xf32, #tpu.memory_space<hbm>>) target(%dma_start3A_161 : memref<50x64xf32, #tpu.memory_space<vmem>>) offsets(%dma_start3A_164 : memref<50xi32, #tpu.memory_space<vmem>>) semaphore(%dma_start3A_169 : memref<!tpu.dma_semaphore, #tpu.memory_space<semaphore_mem>>)
    %dma_start3A_170 = arith.constant 8 : i32
    %dma_start3A_171 = arith.constant 2 : i32
    %dma_start3A_172 = arith.constant 0 : i32
    %dma_start3A_173 = arith.constant 2 : i32
    %dma_start3A_174 = arith.constant 0 : i32
    %dma_start3A_175 = arith.constant 0 : i32
    %dma_start3A_176 = arith.constant 0 : i32
    %dma_start3A_177 = tpu.memref_slice %arg6[%dma_start3A_171, %dma_start3A_174, %dma_start3A_175, %dma_start3A_176] : memref<4x4x50x64xf32, #tpu.memory_space<vmem>> -> memref<1x4x50x64xf32, #tpu.memory_space<vmem>>
    %dma_start3A_178 = tpu.memref_squeeze %dma_start3A_177 : memref<1x4x50x64xf32, #tpu.memory_space<vmem>> -> memref<4x50x64xf32, #tpu.memory_space<vmem>>
    %dma_start3A_179 = arith.constant 0 : i32
    %dma_start3A_180 = arith.constant 0 : i32
    %dma_start3A_181 = tpu.memref_slice %dma_start3A_178[%dma_start3A_172, %dma_start3A_179, %dma_start3A_180] : memref<4x50x64xf32, #tpu.memory_space<vmem>> -> memref<1x50x64xf32, #tpu.memory_space<vmem>>
    %dma_start3A_182 = tpu.memref_squeeze %dma_start3A_181 : memref<1x50x64xf32, #tpu.memory_space<vmem>> -> memref<50x64xf32, #tpu.memory_space<vmem>>
    %dma_start3A_183 = arith.constant 0 : i32
    %dma_start3A_184 = tpu.memref_slice %arg5[%dma_start3A_170, %dma_start3A_183] : memref<512x50xi32, #tpu.memory_space<vmem>> -> memref<1x50xi32, #tpu.memory_space<vmem>>
    %dma_start3A_185 = tpu.memref_squeeze %dma_start3A_184 : memref<1x50xi32, #tpu.memory_space<vmem>> -> memref<50xi32, #tpu.memory_space<vmem>>
    %dma_start3A_186 = arith.constant 0 : i32
    %dma_start3A_187 = arith.constant 0 : i32
    %dma_start3A_188 = tpu.memref_slice %arg3[%dma_start3A_186, %dma_start3A_187] : memref<2000000x64xf32, #tpu.memory_space<hbm>> -> memref<2000000x64xf32, #tpu.memory_space<hbm>>
    %dma_start3A_189 = tpu.memref_slice %arg7[%dma_start3A_173] : memref<4x!tpu.dma_semaphore, #tpu.memory_space<semaphore_mem>> -> memref<1x!tpu.dma_semaphore, #tpu.memory_space<semaphore_mem>>
    %dma_start3A_190 = tpu.memref_squeeze %dma_start3A_189 : memref<1x!tpu.dma_semaphore, #tpu.memory_space<semaphore_mem>> -> memref<!tpu.dma_semaphore, #tpu.memory_space<semaphore_mem>>
    tpu.enqueue_indirect_dma source(%dma_start3A_188 : memref<2000000x64xf32, #tpu.memory_space<hbm>>) target(%dma_start3A_182 : memref<50x64xf32, #tpu.memory_space<vmem>>) offsets(%dma_start3A_185 : memref<50xi32, #tpu.memory_space<vmem>>) semaphore(%dma_start3A_190 : memref<!tpu.dma_semaphore, #tpu.memory_space<semaphore_mem>>)
    %dma_start3A_191 = arith.constant 9 : i32
    %dma_start3A_192 = arith.constant 2 : i32
    %dma_start3A_193 = arith.constant 1 : i32
    %dma_start3A_194 = arith.constant 2 : i32
    %dma_start3A_195 = arith.constant 0 : i32
    %dma_start3A_196 = arith.constant 0 : i32
    %dma_start3A_197 = arith.constant 0 : i32
    %dma_start3A_198 = tpu.memref_slice %arg6[%dma_start3A_192, %dma_start3A_195, %dma_start3A_196, %dma_start3A_197] : memref<4x4x50x64xf32, #tpu.memory_space<vmem>> -> memref<1x4x50x64xf32, #tpu.memory_space<vmem>>
    %dma_start3A_199 = tpu.memref_squeeze %dma_start3A_198 : memref<1x4x50x64xf32, #tpu.memory_space<vmem>> -> memref<4x50x64xf32, #tpu.memory_space<vmem>>
    %dma_start3A_200 = arith.constant 0 : i32
    %dma_start3A_201 = arith.constant 0 : i32
    %dma_start3A_202 = tpu.memref_slice %dma_start3A_199[%dma_start3A_193, %dma_start3A_200, %dma_start3A_201] : memref<4x50x64xf32, #tpu.memory_space<vmem>> -> memref<1x50x64xf32, #tpu.memory_space<vmem>>
    %dma_start3A_203 = tpu.memref_squeeze %dma_start3A_202 : memref<1x50x64xf32, #tpu.memory_space<vmem>> -> memref<50x64xf32, #tpu.memory_space<vmem>>
    %dma_start3A_204 = arith.constant 0 : i32
    %dma_start3A_205 = tpu.memref_slice %arg5[%dma_start3A_191, %dma_start3A_204] : memref<512x50xi32, #tpu.memory_space<vmem>> -> memref<1x50xi32, #tpu.memory_space<vmem>>
    %dma_start3A_206 = tpu.memref_squeeze %dma_start3A_205 : memref<1x50xi32, #tpu.memory_space<vmem>> -> memref<50xi32, #tpu.memory_space<vmem>>
    %dma_start3A_207 = arith.constant 0 : i32
    %dma_start3A_208 = arith.constant 0 : i32
    %dma_start3A_209 = tpu.memref_slice %arg3[%dma_start3A_207, %dma_start3A_208] : memref<2000000x64xf32, #tpu.memory_space<hbm>> -> memref<2000000x64xf32, #tpu.memory_space<hbm>>
    %dma_start3A_210 = tpu.memref_slice %arg7[%dma_start3A_194] : memref<4x!tpu.dma_semaphore, #tpu.memory_space<semaphore_mem>> -> memref<1x!tpu.dma_semaphore, #tpu.memory_space<semaphore_mem>>
    %dma_start3A_211 = tpu.memref_squeeze %dma_start3A_210 : memref<1x!tpu.dma_semaphore, #tpu.memory_space<semaphore_mem>> -> memref<!tpu.dma_semaphore, #tpu.memory_space<semaphore_mem>>
    tpu.enqueue_indirect_dma source(%dma_start3A_209 : memref<2000000x64xf32, #tpu.memory_space<hbm>>) target(%dma_start3A_203 : memref<50x64xf32, #tpu.memory_space<vmem>>) offsets(%dma_start3A_206 : memref<50xi32, #tpu.memory_space<vmem>>) semaphore(%dma_start3A_211 : memref<!tpu.dma_semaphore, #tpu.memory_space<semaphore_mem>>)
    %dma_start3A_212 = arith.constant 10 : i32
    %dma_start3A_213 = arith.constant 2 : i32
    %dma_start3A_214 = arith.constant 2 : i32
    %dma_start3A_215 = arith.constant 2 : i32
    %dma_start3A_216 = arith.constant 0 : i32
    %dma_start3A_217 = arith.constant 0 : i32
    %dma_start3A_218 = arith.constant 0 : i32
    %dma_start3A_219 = tpu.memref_slice %arg6[%dma_start3A_213, %dma_start3A_216, %dma_start3A_217, %dma_start3A_218] : memref<4x4x50x64xf32, #tpu.memory_space<vmem>> -> memref<1x4x50x64xf32, #tpu.memory_space<vmem>>
    %dma_start3A_220 = tpu.memref_squeeze %dma_start3A_219 : memref<1x4x50x64xf32, #tpu.memory_space<vmem>> -> memref<4x50x64xf32, #tpu.memory_space<vmem>>
    %dma_start3A_221 = arith.constant 0 : i32
    %dma_start3A_222 = arith.constant 0 : i32
    %dma_start3A_223 = tpu.memref_slice %dma_start3A_220[%dma_start3A_214, %dma_start3A_221, %dma_start3A_222] : memref<4x50x64xf32, #tpu.memory_space<vmem>> -> memref<1x50x64xf32, #tpu.memory_space<vmem>>
    %dma_start3A_224 = tpu.memref_squeeze %dma_start3A_223 : memref<1x50x64xf32, #tpu.memory_space<vmem>> -> memref<50x64xf32, #tpu.memory_space<vmem>>
    %dma_start3A_225 = arith.constant 0 : i32
    %dma_start3A_226 = tpu.memref_slice %arg5[%dma_start3A_212, %dma_start3A_225] : memref<512x50xi32, #tpu.memory_space<vmem>> -> memref<1x50xi32, #tpu.memory_space<vmem>>
    %dma_start3A_227 = tpu.memref_squeeze %dma_start3A_226 : memref<1x50xi32, #tpu.memory_space<vmem>> -> memref<50xi32, #tpu.memory_space<vmem>>
    %dma_start3A_228 = arith.constant 0 : i32
    %dma_start3A_229 = arith.constant 0 : i32
    %dma_start3A_230 = tpu.memref_slice %arg3[%dma_start3A_228, %dma_start3A_229] : memref<2000000x64xf32, #tpu.memory_space<hbm>> -> memref<2000000x64xf32, #tpu.memory_space<hbm>>
    %dma_start3A_231 = tpu.memref_slice %arg7[%dma_start3A_215] : memref<4x!tpu.dma_semaphore, #tpu.memory_space<semaphore_mem>> -> memref<1x!tpu.dma_semaphore, #tpu.memory_space<semaphore_mem>>
    %dma_start3A_232 = tpu.memref_squeeze %dma_start3A_231 : memref<1x!tpu.dma_semaphore, #tpu.memory_space<semaphore_mem>> -> memref<!tpu.dma_semaphore, #tpu.memory_space<semaphore_mem>>
    tpu.enqueue_indirect_dma source(%dma_start3A_230 : memref<2000000x64xf32, #tpu.memory_space<hbm>>) target(%dma_start3A_224 : memref<50x64xf32, #tpu.memory_space<vmem>>) offsets(%dma_start3A_227 : memref<50xi32, #tpu.memory_space<vmem>>) semaphore(%dma_start3A_232 : memref<!tpu.dma_semaphore, #tpu.memory_space<semaphore_mem>>)
    %dma_start3A_233 = arith.constant 11 : i32
    %dma_start3A_234 = arith.constant 2 : i32
    %dma_start3A_235 = arith.constant 3 : i32
    %dma_start3A_236 = arith.constant 2 : i32
    %dma_start3A_237 = arith.constant 0 : i32
    %dma_start3A_238 = arith.constant 0 : i32
    %dma_start3A_239 = arith.constant 0 : i32
    %dma_start3A_240 = tpu.memref_slice %arg6[%dma_start3A_234, %dma_start3A_237, %dma_start3A_238, %dma_start3A_239] : memref<4x4x50x64xf32, #tpu.memory_space<vmem>> -> memref<1x4x50x64xf32, #tpu.memory_space<vmem>>
    %dma_start3A_241 = tpu.memref_squeeze %dma_start3A_240 : memref<1x4x50x64xf32, #tpu.memory_space<vmem>> -> memref<4x50x64xf32, #tpu.memory_space<vmem>>
    %dma_start3A_242 = arith.constant 0 : i32
    %dma_start3A_243 = arith.constant 0 : i32
    %dma_start3A_244 = tpu.memref_slice %dma_start3A_241[%dma_start3A_235, %dma_start3A_242, %dma_start3A_243] : memref<4x50x64xf32, #tpu.memory_space<vmem>> -> memref<1x50x64xf32, #tpu.memory_space<vmem>>
    %dma_start3A_245 = tpu.memref_squeeze %dma_start3A_244 : memref<1x50x64xf32, #tpu.memory_space<vmem>> -> memref<50x64xf32, #tpu.memory_space<vmem>>
    %dma_start3A_246 = arith.constant 0 : i32
    %dma_start3A_247 = tpu.memref_slice %arg5[%dma_start3A_233, %dma_start3A_246] : memref<512x50xi32, #tpu.memory_space<vmem>> -> memref<1x50xi32, #tpu.memory_space<vmem>>
    %dma_start3A_248 = tpu.memref_squeeze %dma_start3A_247 : memref<1x50xi32, #tpu.memory_space<vmem>> -> memref<50xi32, #tpu.memory_space<vmem>>
    %dma_start3A_249 = arith.constant 0 : i32
    %dma_start3A_250 = arith.constant 0 : i32
    %dma_start3A_251 = tpu.memref_slice %arg3[%dma_start3A_249, %dma_start3A_250] : memref<2000000x64xf32, #tpu.memory_space<hbm>> -> memref<2000000x64xf32, #tpu.memory_space<hbm>>
    %dma_start3A_252 = tpu.memref_slice %arg7[%dma_start3A_236] : memref<4x!tpu.dma_semaphore, #tpu.memory_space<semaphore_mem>> -> memref<1x!tpu.dma_semaphore, #tpu.memory_space<semaphore_mem>>
    %dma_start3A_253 = tpu.memref_squeeze %dma_start3A_252 : memref<1x!tpu.dma_semaphore, #tpu.memory_space<semaphore_mem>> -> memref<!tpu.dma_semaphore, #tpu.memory_space<semaphore_mem>>
    tpu.enqueue_indirect_dma source(%dma_start3A_251 : memref<2000000x64xf32, #tpu.memory_space<hbm>>) target(%dma_start3A_245 : memref<50x64xf32, #tpu.memory_space<vmem>>) offsets(%dma_start3A_248 : memref<50xi32, #tpu.memory_space<vmem>>) semaphore(%dma_start3A_253 : memref<!tpu.dma_semaphore, #tpu.memory_space<semaphore_mem>>)
    %dma_start3A_254 = arith.constant 12 : i32
    %dma_start3A_255 = arith.constant 3 : i32
    %dma_start3A_256 = arith.constant 0 : i32
    %dma_start3A_257 = arith.constant 3 : i32
    %dma_start3A_258 = arith.constant 0 : i32
    %dma_start3A_259 = arith.constant 0 : i32
    %dma_start3A_260 = arith.constant 0 : i32
    %dma_start3A_261 = tpu.memref_slice %arg6[%dma_start3A_255, %dma_start3A_258, %dma_start3A_259, %dma_start3A_260] : memref<4x4x50x64xf32, #tpu.memory_space<vmem>> -> memref<1x4x50x64xf32, #tpu.memory_space<vmem>>
    %dma_start3A_262 = tpu.memref_squeeze %dma_start3A_261 : memref<1x4x50x64xf32, #tpu.memory_space<vmem>> -> memref<4x50x64xf32, #tpu.memory_space<vmem>>
    %dma_start3A_263 = arith.constant 0 : i32
    %dma_start3A_264 = arith.constant 0 : i32
    %dma_start3A_265 = tpu.memref_slice %dma_start3A_262[%dma_start3A_256, %dma_start3A_263, %dma_start3A_264] : memref<4x50x64xf32, #tpu.memory_space<vmem>> -> memref<1x50x64xf32, #tpu.memory_space<vmem>>
    %dma_start3A_266 = tpu.memref_squeeze %dma_start3A_265 : memref<1x50x64xf32, #tpu.memory_space<vmem>> -> memref<50x64xf32, #tpu.memory_space<vmem>>
    %dma_start3A_267 = arith.constant 0 : i32
    %dma_start3A_268 = tpu.memref_slice %arg5[%dma_start3A_254, %dma_start3A_267] : memref<512x50xi32, #tpu.memory_space<vmem>> -> memref<1x50xi32, #tpu.memory_space<vmem>>
    %dma_start3A_269 = tpu.memref_squeeze %dma_start3A_268 : memref<1x50xi32, #tpu.memory_space<vmem>> -> memref<50xi32, #tpu.memory_space<vmem>>
    %dma_start3A_270 = arith.constant 0 : i32
    %dma_start3A_271 = arith.constant 0 : i32
    %dma_start3A_272 = tpu.memref_slice %arg3[%dma_start3A_270, %dma_start3A_271] : memref<2000000x64xf32, #tpu.memory_space<hbm>> -> memref<2000000x64xf32, #tpu.memory_space<hbm>>
    %dma_start3A_273 = tpu.memref_slice %arg7[%dma_start3A_257] : memref<4x!tpu.dma_semaphore, #tpu.memory_space<semaphore_mem>> -> memref<1x!tpu.dma_semaphore, #tpu.memory_space<semaphore_mem>>
    %dma_start3A_274 = tpu.memref_squeeze %dma_start3A_273 : memref<1x!tpu.dma_semaphore, #tpu.memory_space<semaphore_mem>> -> memref<!tpu.dma_semaphore, #tpu.memory_space<semaphore_mem>>
    tpu.enqueue_indirect_dma source(%dma_start3A_272 : memref<2000000x64xf32, #tpu.memory_space<hbm>>) target(%dma_start3A_266 : memref<50x64xf32, #tpu.memory_space<vmem>>) offsets(%dma_start3A_269 : memref<50xi32, #tpu.memory_space<vmem>>) semaphore(%dma_start3A_274 : memref<!tpu.dma_semaphore, #tpu.memory_space<semaphore_mem>>)
    %dma_start3A_275 = arith.constant 13 : i32
    %dma_start3A_276 = arith.constant 3 : i32
    %dma_start3A_277 = arith.constant 1 : i32
    %dma_start3A_278 = arith.constant 3 : i32
    %dma_start3A_279 = arith.constant 0 : i32
    %dma_start3A_280 = arith.constant 0 : i32
    %dma_start3A_281 = arith.constant 0 : i32
    %dma_start3A_282 = tpu.memref_slice %arg6[%dma_start3A_276, %dma_start3A_279, %dma_start3A_280, %dma_start3A_281] : memref<4x4x50x64xf32, #tpu.memory_space<vmem>> -> memref<1x4x50x64xf32, #tpu.memory_space<vmem>>
    %dma_start3A_283 = tpu.memref_squeeze %dma_start3A_282 : memref<1x4x50x64xf32, #tpu.memory_space<vmem>> -> memref<4x50x64xf32, #tpu.memory_space<vmem>>
    %dma_start3A_284 = arith.constant 0 : i32
    %dma_start3A_285 = arith.constant 0 : i32
    %dma_start3A_286 = tpu.memref_slice %dma_start3A_283[%dma_start3A_277, %dma_start3A_284, %dma_start3A_285] : memref<4x50x64xf32, #tpu.memory_space<vmem>> -> memref<1x50x64xf32, #tpu.memory_space<vmem>>
    %dma_start3A_287 = tpu.memref_squeeze %dma_start3A_286 : memref<1x50x64xf32, #tpu.memory_space<vmem>> -> memref<50x64xf32, #tpu.memory_space<vmem>>
    %dma_start3A_288 = arith.constant 0 : i32
    %dma_start3A_289 = tpu.memref_slice %arg5[%dma_start3A_275, %dma_start3A_288] : memref<512x50xi32, #tpu.memory_space<vmem>> -> memref<1x50xi32, #tpu.memory_space<vmem>>
    %dma_start3A_290 = tpu.memref_squeeze %dma_start3A_289 : memref<1x50xi32, #tpu.memory_space<vmem>> -> memref<50xi32, #tpu.memory_space<vmem>>
    %dma_start3A_291 = arith.constant 0 : i32
    %dma_start3A_292 = arith.constant 0 : i32
    %dma_start3A_293 = tpu.memref_slice %arg3[%dma_start3A_291, %dma_start3A_292] : memref<2000000x64xf32, #tpu.memory_space<hbm>> -> memref<2000000x64xf32, #tpu.memory_space<hbm>>
    %dma_start3A_294 = tpu.memref_slice %arg7[%dma_start3A_278] : memref<4x!tpu.dma_semaphore, #tpu.memory_space<semaphore_mem>> -> memref<1x!tpu.dma_semaphore, #tpu.memory_space<semaphore_mem>>
    %dma_start3A_295 = tpu.memref_squeeze %dma_start3A_294 : memref<1x!tpu.dma_semaphore, #tpu.memory_space<semaphore_mem>> -> memref<!tpu.dma_semaphore, #tpu.memory_space<semaphore_mem>>
    tpu.enqueue_indirect_dma source(%dma_start3A_293 : memref<2000000x64xf32, #tpu.memory_space<hbm>>) target(%dma_start3A_287 : memref<50x64xf32, #tpu.memory_space<vmem>>) offsets(%dma_start3A_290 : memref<50xi32, #tpu.memory_space<vmem>>) semaphore(%dma_start3A_295 : memref<!tpu.dma_semaphore, #tpu.memory_space<semaphore_mem>>)
    %dma_start3A_296 = arith.constant 14 : i32
    %dma_start3A_297 = arith.constant 3 : i32
    %dma_start3A_298 = arith.constant 2 : i32
    %dma_start3A_299 = arith.constant 3 : i32
    %dma_start3A_300 = arith.constant 0 : i32
    %dma_start3A_301 = arith.constant 0 : i32
    %dma_start3A_302 = arith.constant 0 : i32
    %dma_start3A_303 = tpu.memref_slice %arg6[%dma_start3A_297, %dma_start3A_300, %dma_start3A_301, %dma_start3A_302] : memref<4x4x50x64xf32, #tpu.memory_space<vmem>> -> memref<1x4x50x64xf32, #tpu.memory_space<vmem>>
    %dma_start3A_304 = tpu.memref_squeeze %dma_start3A_303 : memref<1x4x50x64xf32, #tpu.memory_space<vmem>> -> memref<4x50x64xf32, #tpu.memory_space<vmem>>
    %dma_start3A_305 = arith.constant 0 : i32
    %dma_start3A_306 = arith.constant 0 : i32
    %dma_start3A_307 = tpu.memref_slice %dma_start3A_304[%dma_start3A_298, %dma_start3A_305, %dma_start3A_306] : memref<4x50x64xf32, #tpu.memory_space<vmem>> -> memref<1x50x64xf32, #tpu.memory_space<vmem>>
    %dma_start3A_308 = tpu.memref_squeeze %dma_start3A_307 : memref<1x50x64xf32, #tpu.memory_space<vmem>> -> memref<50x64xf32, #tpu.memory_space<vmem>>
    %dma_start3A_309 = arith.constant 0 : i32
    %dma_start3A_310 = tpu.memref_slice %arg5[%dma_start3A_296, %dma_start3A_309] : memref<512x50xi32, #tpu.memory_space<vmem>> -> memref<1x50xi32, #tpu.memory_space<vmem>>
    %dma_start3A_311 = tpu.memref_squeeze %dma_start3A_310 : memref<1x50xi32, #tpu.memory_space<vmem>> -> memref<50xi32, #tpu.memory_space<vmem>>
    %dma_start3A_312 = arith.constant 0 : i32
    %dma_start3A_313 = arith.constant 0 : i32
    %dma_start3A_314 = tpu.memref_slice %arg3[%dma_start3A_312, %dma_start3A_313] : memref<2000000x64xf32, #tpu.memory_space<hbm>> -> memref<2000000x64xf32, #tpu.memory_space<hbm>>
    %dma_start3A_315 = tpu.memref_slice %arg7[%dma_start3A_299] : memref<4x!tpu.dma_semaphore, #tpu.memory_space<semaphore_mem>> -> memref<1x!tpu.dma_semaphore, #tpu.memory_space<semaphore_mem>>
    %dma_start3A_316 = tpu.memref_squeeze %dma_start3A_315 : memref<1x!tpu.dma_semaphore, #tpu.memory_space<semaphore_mem>> -> memref<!tpu.dma_semaphore, #tpu.memory_space<semaphore_mem>>
    tpu.enqueue_indirect_dma source(%dma_start3A_314 : memref<2000000x64xf32, #tpu.memory_space<hbm>>) target(%dma_start3A_308 : memref<50x64xf32, #tpu.memory_space<vmem>>) offsets(%dma_start3A_311 : memref<50xi32, #tpu.memory_space<vmem>>) semaphore(%dma_start3A_316 : memref<!tpu.dma_semaphore, #tpu.memory_space<semaphore_mem>>)
    %dma_start3A_317 = arith.constant 15 : i32
    %dma_start3A_318 = arith.constant 3 : i32
    %dma_start3A_319 = arith.constant 3 : i32
    %dma_start3A_320 = arith.constant 3 : i32
    %dma_start3A_321 = arith.constant 0 : i32
    %dma_start3A_322 = arith.constant 0 : i32
    %dma_start3A_323 = arith.constant 0 : i32
    %dma_start3A_324 = tpu.memref_slice %arg6[%dma_start3A_318, %dma_start3A_321, %dma_start3A_322, %dma_start3A_323] : memref<4x4x50x64xf32, #tpu.memory_space<vmem>> -> memref<1x4x50x64xf32, #tpu.memory_space<vmem>>
    %dma_start3A_325 = tpu.memref_squeeze %dma_start3A_324 : memref<1x4x50x64xf32, #tpu.memory_space<vmem>> -> memref<4x50x64xf32, #tpu.memory_space<vmem>>
    %dma_start3A_326 = arith.constant 0 : i32
    %dma_start3A_327 = arith.constant 0 : i32
    %dma_start3A_328 = tpu.memref_slice %dma_start3A_325[%dma_start3A_319, %dma_start3A_326, %dma_start3A_327] : memref<4x50x64xf32, #tpu.memory_space<vmem>> -> memref<1x50x64xf32, #tpu.memory_space<vmem>>
    %dma_start3A_329 = tpu.memref_squeeze %dma_start3A_328 : memref<1x50x64xf32, #tpu.memory_space<vmem>> -> memref<50x64xf32, #tpu.memory_space<vmem>>
    %dma_start3A_330 = arith.constant 0 : i32
    %dma_start3A_331 = tpu.memref_slice %arg5[%dma_start3A_317, %dma_start3A_330] : memref<512x50xi32, #tpu.memory_space<vmem>> -> memref<1x50xi32, #tpu.memory_space<vmem>>
    %dma_start3A_332 = tpu.memref_squeeze %dma_start3A_331 : memref<1x50xi32, #tpu.memory_space<vmem>> -> memref<50xi32, #tpu.memory_space<vmem>>
    %dma_start3A_333 = arith.constant 0 : i32
    %dma_start3A_334 = arith.constant 0 : i32
    %dma_start3A_335 = tpu.memref_slice %arg3[%dma_start3A_333, %dma_start3A_334] : memref<2000000x64xf32, #tpu.memory_space<hbm>> -> memref<2000000x64xf32, #tpu.memory_space<hbm>>
    %dma_start3A_336 = tpu.memref_slice %arg7[%dma_start3A_320] : memref<4x!tpu.dma_semaphore, #tpu.memory_space<semaphore_mem>> -> memref<1x!tpu.dma_semaphore, #tpu.memory_space<semaphore_mem>>
    %dma_start3A_337 = tpu.memref_squeeze %dma_start3A_336 : memref<1x!tpu.dma_semaphore, #tpu.memory_space<semaphore_mem>> -> memref<!tpu.dma_semaphore, #tpu.memory_space<semaphore_mem>>
    tpu.enqueue_indirect_dma source(%dma_start3A_335 : memref<2000000x64xf32, #tpu.memory_space<hbm>>) target(%dma_start3A_329 : memref<50x64xf32, #tpu.memory_space<vmem>>) offsets(%dma_start3A_332 : memref<50xi32, #tpu.memory_space<vmem>>) semaphore(%dma_start3A_337 : memref<!tpu.dma_semaphore, #tpu.memory_space<semaphore_mem>>)
    %scan3A = arith.constant 0 : i32
    %scan3A_338 = arith.constant 0 : i32
    %scan3A_339 = arith.constant 32 : i32
    %scan3A_340 = arith.addi %scan3A_338, %scan3A_339 : i32
    %scan3A_341 = arith.constant 1 : i32
    scf.for %scan3A_934 = %scan3A_338 to %scan3A_340 step %scan3A_341  : i32 {
      %dma_wait3A_935 = arith.constant 0 : i32
      %dma_wait3A_936 = arith.constant 0 : i32
      %dma_wait3A_937 = arith.constant 0 : i32
      %dma_wait3A_938 = arith.constant 0 : i32
      %dma_wait3A_939 = arith.constant 0 : i32
      %dma_wait3A_940 = arith.constant 0 : i32
      %dma_wait3A_941 = arith.constant 0 : i32
      %dma_wait3A_942 = tpu.memref_slice %arg6[%dma_wait3A_936, %dma_wait3A_939, %dma_wait3A_940, %dma_wait3A_941] : memref<4x4x50x64xf32, #tpu.memory_space<vmem>> -> memref<1x4x50x64xf32, #tpu.memory_space<vmem>>
      %dma_wait3A_943 = tpu.memref_squeeze %dma_wait3A_942 : memref<1x4x50x64xf32, #tpu.memory_space<vmem>> -> memref<4x50x64xf32, #tpu.memory_space<vmem>>
      %dma_wait3A_944 = arith.constant 0 : i32
      %dma_wait3A_945 = arith.constant 0 : i32
      %dma_wait3A_946 = tpu.memref_slice %dma_wait3A_943[%dma_wait3A_937, %dma_wait3A_944, %dma_wait3A_945] : memref<4x50x64xf32, #tpu.memory_space<vmem>> -> memref<1x50x64xf32, #tpu.memory_space<vmem>>
      %dma_wait3A_947 = tpu.memref_squeeze %dma_wait3A_946 : memref<1x50x64xf32, #tpu.memory_space<vmem>> -> memref<50x64xf32, #tpu.memory_space<vmem>>
      %dma_wait3A_948 = arith.constant 0 : i32
      %dma_wait3A_949 = tpu.memref_slice %arg5[%dma_wait3A_935, %dma_wait3A_948] : memref<512x50xi32, #tpu.memory_space<vmem>> -> memref<1x50xi32, #tpu.memory_space<vmem>>
      %dma_wait3A_950 = tpu.memref_squeeze %dma_wait3A_949 : memref<1x50xi32, #tpu.memory_space<vmem>> -> memref<50xi32, #tpu.memory_space<vmem>>
      %dma_wait3A_951 = arith.constant 0 : i32
      %dma_wait3A_952 = arith.constant 0 : i32
      %dma_wait3A_953 = tpu.memref_slice %arg3[%dma_wait3A_951, %dma_wait3A_952] : memref<2000000x64xf32, #tpu.memory_space<hbm>> -> memref<2000000x64xf32, #tpu.memory_space<hbm>>
      %dma_wait3A_954 = tpu.memref_slice %arg7[%dma_wait3A_938] : memref<4x!tpu.dma_semaphore, #tpu.memory_space<semaphore_mem>> -> memref<1x!tpu.dma_semaphore, #tpu.memory_space<semaphore_mem>>
      %dma_wait3A_955 = tpu.memref_squeeze %dma_wait3A_954 : memref<1x!tpu.dma_semaphore, #tpu.memory_space<semaphore_mem>> -> memref<!tpu.dma_semaphore, #tpu.memory_space<semaphore_mem>>
      tpu.wait_indirect_dma semaphore(%dma_wait3A_955 : memref<!tpu.dma_semaphore, #tpu.memory_space<semaphore_mem>>) src(%dma_wait3A_953 : memref<2000000x64xf32, #tpu.memory_space<hbm>>) dst(%dma_wait3A_947 : memref<50x64xf32, #tpu.memory_space<vmem>>)
      %dma_wait3A_956 = arith.constant 0 : i32
      %dma_wait3A_957 = arith.constant 0 : i32
      %dma_wait3A_958 = arith.constant 1 : i32
      %dma_wait3A_959 = arith.constant 0 : i32
      %dma_wait3A_960 = arith.constant 0 : i32
      %dma_wait3A_961 = arith.constant 0 : i32
      %dma_wait3A_962 = arith.constant 0 : i32
      %dma_wait3A_963 = tpu.memref_slice %arg6[%dma_wait3A_957, %dma_wait3A_960, %dma_wait3A_961, %dma_wait3A_962] : memref<4x4x50x64xf32, #tpu.memory_space<vmem>> -> memref<1x4x50x64xf32, #tpu.memory_space<vmem>>
      %dma_wait3A_964 = tpu.memref_squeeze %dma_wait3A_963 : memref<1x4x50x64xf32, #tpu.memory_space<vmem>> -> memref<4x50x64xf32, #tpu.memory_space<vmem>>
      %dma_wait3A_965 = arith.constant 0 : i32
      %dma_wait3A_966 = arith.constant 0 : i32
      %dma_wait3A_967 = tpu.memref_slice %dma_wait3A_964[%dma_wait3A_958, %dma_wait3A_965, %dma_wait3A_966] : memref<4x50x64xf32, #tpu.memory_space<vmem>> -> memref<1x50x64xf32, #tpu.memory_space<vmem>>
      %dma_wait3A_968 = tpu.memref_squeeze %dma_wait3A_967 : memref<1x50x64xf32, #tpu.memory_space<vmem>> -> memref<50x64xf32, #tpu.memory_space<vmem>>
      %dma_wait3A_969 = arith.constant 0 : i32
      %dma_wait3A_970 = tpu.memref_slice %arg5[%dma_wait3A_956, %dma_wait3A_969] : memref<512x50xi32, #tpu.memory_space<vmem>> -> memref<1x50xi32, #tpu.memory_space<vmem>>
      %dma_wait3A_971 = tpu.memref_squeeze %dma_wait3A_970 : memref<1x50xi32, #tpu.memory_space<vmem>> -> memref<50xi32, #tpu.memory_space<vmem>>
      %dma_wait3A_972 = arith.constant 0 : i32
      %dma_wait3A_973 = arith.constant 0 : i32
      %dma_wait3A_974 = tpu.memref_slice %arg3[%dma_wait3A_972, %dma_wait3A_973] : memref<2000000x64xf32, #tpu.memory_space<hbm>> -> memref<2000000x64xf32, #tpu.memory_space<hbm>>
      %dma_wait3A_975 = tpu.memref_slice %arg7[%dma_wait3A_959] : memref<4x!tpu.dma_semaphore, #tpu.memory_space<semaphore_mem>> -> memref<1x!tpu.dma_semaphore, #tpu.memory_space<semaphore_mem>>
      %dma_wait3A_976 = tpu.memref_squeeze %dma_wait3A_975 : memref<1x!tpu.dma_semaphore, #tpu.memory_space<semaphore_mem>> -> memref<!tpu.dma_semaphore, #tpu.memory_space<semaphore_mem>>
      tpu.wait_indirect_dma semaphore(%dma_wait3A_976 : memref<!tpu.dma_semaphore, #tpu.memory_space<semaphore_mem>>) src(%dma_wait3A_974 : memref<2000000x64xf32, #tpu.memory_space<hbm>>) dst(%dma_wait3A_968 : memref<50x64xf32, #tpu.memory_space<vmem>>)
      %dma_wait3A_977 = arith.constant 0 : i32
      %dma_wait3A_978 = arith.constant 0 : i32
      %dma_wait3A_979 = arith.constant 2 : i32
      %dma_wait3A_980 = arith.constant 0 : i32
      %dma_wait3A_981 = arith.constant 0 : i32
      %dma_wait3A_982 = arith.constant 0 : i32
      %dma_wait3A_983 = arith.constant 0 : i32
      %dma_wait3A_984 = tpu.memref_slice %arg6[%dma_wait3A_978, %dma_wait3A_981, %dma_wait3A_982, %dma_wait3A_983] : memref<4x4x50x64xf32, #tpu.memory_space<vmem>> -> memref<1x4x50x64xf32, #tpu.memory_space<vmem>>
      %dma_wait3A_985 = tpu.memref_squeeze %dma_wait3A_984 : memref<1x4x50x64xf32, #tpu.memory_space<vmem>> -> memref<4x50x64xf32, #tpu.memory_space<vmem>>
      %dma_wait3A_986 = arith.constant 0 : i32
      %dma_wait3A_987 = arith.constant 0 : i32
      %dma_wait3A_988 = tpu.memref_slice %dma_wait3A_985[%dma_wait3A_979, %dma_wait3A_986, %dma_wait3A_987] : memref<4x50x64xf32, #tpu.memory_space<vmem>> -> memref<1x50x64xf32, #tpu.memory_space<vmem>>
      %dma_wait3A_989 = tpu.memref_squeeze %dma_wait3A_988 : memref<1x50x64xf32, #tpu.memory_space<vmem>> -> memref<50x64xf32, #tpu.memory_space<vmem>>
      %dma_wait3A_990 = arith.constant 0 : i32
      %dma_wait3A_991 = tpu.memref_slice %arg5[%dma_wait3A_977, %dma_wait3A_990] : memref<512x50xi32, #tpu.memory_space<vmem>> -> memref<1x50xi32, #tpu.memory_space<vmem>>
      %dma_wait3A_992 = tpu.memref_squeeze %dma_wait3A_991 : memref<1x50xi32, #tpu.memory_space<vmem>> -> memref<50xi32, #tpu.memory_space<vmem>>
      %dma_wait3A_993 = arith.constant 0 : i32
      %dma_wait3A_994 = arith.constant 0 : i32
      %dma_wait3A_995 = tpu.memref_slice %arg3[%dma_wait3A_993, %dma_wait3A_994] : memref<2000000x64xf32, #tpu.memory_space<hbm>> -> memref<2000000x64xf32, #tpu.memory_space<hbm>>
      %dma_wait3A_996 = tpu.memref_slice %arg7[%dma_wait3A_980] : memref<4x!tpu.dma_semaphore, #tpu.memory_space<semaphore_mem>> -> memref<1x!tpu.dma_semaphore, #tpu.memory_space<semaphore_mem>>
      %dma_wait3A_997 = tpu.memref_squeeze %dma_wait3A_996 : memref<1x!tpu.dma_semaphore, #tpu.memory_space<semaphore_mem>> -> memref<!tpu.dma_semaphore, #tpu.memory_space<semaphore_mem>>
      tpu.wait_indirect_dma semaphore(%dma_wait3A_997 : memref<!tpu.dma_semaphore, #tpu.memory_space<semaphore_mem>>) src(%dma_wait3A_995 : memref<2000000x64xf32, #tpu.memory_space<hbm>>) dst(%dma_wait3A_989 : memref<50x64xf32, #tpu.memory_space<vmem>>)
      %dma_wait3A_998 = arith.constant 0 : i32
      %dma_wait3A_999 = arith.constant 0 : i32
      %dma_wait3A_1000 = arith.constant 3 : i32
      %dma_wait3A_1001 = arith.constant 0 : i32
      %dma_wait3A_1002 = arith.constant 0 : i32
      %dma_wait3A_1003 = arith.constant 0 : i32
      %dma_wait3A_1004 = arith.constant 0 : i32
      %dma_wait3A_1005 = tpu.memref_slice %arg6[%dma_wait3A_999, %dma_wait3A_1002, %dma_wait3A_1003, %dma_wait3A_1004] : memref<4x4x50x64xf32, #tpu.memory_space<vmem>> -> memref<1x4x50x64xf32, #tpu.memory_space<vmem>>
      %dma_wait3A_1006 = tpu.memref_squeeze %dma_wait3A_1005 : memref<1x4x50x64xf32, #tpu.memory_space<vmem>> -> memref<4x50x64xf32, #tpu.memory_space<vmem>>
      %dma_wait3A_1007 = arith.constant 0 : i32
      %dma_wait3A_1008 = arith.constant 0 : i32
      %dma_wait3A_1009 = tpu.memref_slice %dma_wait3A_1006[%dma_wait3A_1000, %dma_wait3A_1007, %dma_wait3A_1008] : memref<4x50x64xf32, #tpu.memory_space<vmem>> -> memref<1x50x64xf32, #tpu.memory_space<vmem>>
      %dma_wait3A_1010 = tpu.memref_squeeze %dma_wait3A_1009 : memref<1x50x64xf32, #tpu.memory_space<vmem>> -> memref<50x64xf32, #tpu.memory_space<vmem>>
      %dma_wait3A_1011 = arith.constant 0 : i32
      %dma_wait3A_1012 = tpu.memref_slice %arg5[%dma_wait3A_998, %dma_wait3A_1011] : memref<512x50xi32, #tpu.memory_space<vmem>> -> memref<1x50xi32, #tpu.memory_space<vmem>>
      %dma_wait3A_1013 = tpu.memref_squeeze %dma_wait3A_1012 : memref<1x50xi32, #tpu.memory_space<vmem>> -> memref<50xi32, #tpu.memory_space<vmem>>
      %dma_wait3A_1014 = arith.constant 0 : i32
      %dma_wait3A_1015 = arith.constant 0 : i32
      %dma_wait3A_1016 = tpu.memref_slice %arg3[%dma_wait3A_1014, %dma_wait3A_1015] : memref<2000000x64xf32, #tpu.memory_space<hbm>> -> memref<2000000x64xf32, #tpu.memory_space<hbm>>
      %dma_wait3A_1017 = tpu.memref_slice %arg7[%dma_wait3A_1001] : memref<4x!tpu.dma_semaphore, #tpu.memory_space<semaphore_mem>> -> memref<1x!tpu.dma_semaphore, #tpu.memory_space<semaphore_mem>>
      %dma_wait3A_1018 = tpu.memref_squeeze %dma_wait3A_1017 : memref<1x!tpu.dma_semaphore, #tpu.memory_space<semaphore_mem>> -> memref<!tpu.dma_semaphore, #tpu.memory_space<semaphore_mem>>
      tpu.wait_indirect_dma semaphore(%dma_wait3A_1018 : memref<!tpu.dma_semaphore, #tpu.memory_space<semaphore_mem>>) src(%dma_wait3A_1016 : memref<2000000x64xf32, #tpu.memory_space<hbm>>) dst(%dma_wait3A_1010 : memref<50x64xf32, #tpu.memory_space<vmem>>)
      %mul3A_1019 = arith.constant 4 : i32
      %mul3A_1020 = arith.muli %scan3A_934, %mul3A_1019 : i32
      %add3A_1021 = arith.constant 0 : i32
      %add3A_1022 = arith.addi %mul3A_1020, %add3A_1021 : i32
      %mul3A_1023 = arith.constant 4 : i32
      %mul3A_1024 = arith.muli %add3A_1022, %mul3A_1023 : i32
      %add3A_1025 = arith.addi %mul3A_2, %mul3A_1024 : i32
      %add3A_1026 = arith.constant 0 : i32
      %add3A_1027 = arith.addi %add3A_1025, %add3A_1026 : i32
      %dma_start3A_1028 = arith.constant 0 : i32
      %dma_start3A_1029 = arith.constant 0 : i32
      %dma_start3A_1030 = arith.constant 0 : i32
      %dma_start3A_1031 = arith.constant 0 : i32
      %dma_start3A_1032 = arith.constant 0 : i32
      %dma_start3A_1033 = arith.constant 0 : i32
      %dma_start3A_1034 = tpu.memref_slice %arg6[%dma_start3A_1028, %dma_start3A_1031, %dma_start3A_1032, %dma_start3A_1033] : memref<4x4x50x64xf32, #tpu.memory_space<vmem>> -> memref<1x4x50x64xf32, #tpu.memory_space<vmem>>
      %dma_start3A_1035 = tpu.memref_squeeze %dma_start3A_1034 : memref<1x4x50x64xf32, #tpu.memory_space<vmem>> -> memref<4x50x64xf32, #tpu.memory_space<vmem>>
      %dma_start3A_1036 = arith.constant 0 : i32
      %dma_start3A_1037 = arith.constant 0 : i32
      %dma_start3A_1038 = tpu.memref_slice %dma_start3A_1035[%dma_start3A_1029, %dma_start3A_1036, %dma_start3A_1037] : memref<4x50x64xf32, #tpu.memory_space<vmem>> -> memref<1x50x64xf32, #tpu.memory_space<vmem>>
      %dma_start3A_1039 = tpu.memref_squeeze %dma_start3A_1038 : memref<1x50x64xf32, #tpu.memory_space<vmem>> -> memref<50x64xf32, #tpu.memory_space<vmem>>
      %dma_start3A_1040 = arith.constant 0 : i32
      %dma_start3A_1041 = arith.constant 0 : i32
      %dma_start3A_1042 = tpu.memref_slice %arg4[%add3A_1027, %dma_start3A_1040, %dma_start3A_1041] : memref<16384x56x128xf32, #tpu.memory_space<hbm>> -> memref<1x56x128xf32, #tpu.memory_space<hbm>>
      %dma_start3A_1043 = tpu.memref_squeeze %dma_start3A_1042 : memref<1x56x128xf32, #tpu.memory_space<hbm>> -> memref<56x128xf32, #tpu.memory_space<hbm>>
      %dma_start3A_1044 = arith.constant 0 : i32
      %dma_start3A_1045 = arith.constant 0 : i32
      %dma_start3A_1046 = tpu.memref_slice %dma_start3A_1043[%dma_start3A_1044, %dma_start3A_1045] : memref<56x128xf32, #tpu.memory_space<hbm>> -> memref<50x64xf32, #tpu.memory_space<hbm>>
      %dma_start3A_1047 = tpu.memref_slice %arg8[%dma_start3A_1030] : memref<4x!tpu.dma_semaphore, #tpu.memory_space<semaphore_mem>> -> memref<1x!tpu.dma_semaphore, #tpu.memory_space<semaphore_mem>>
      %dma_start3A_1048 = tpu.memref_squeeze %dma_start3A_1047 : memref<1x!tpu.dma_semaphore, #tpu.memory_space<semaphore_mem>> -> memref<!tpu.dma_semaphore, #tpu.memory_space<semaphore_mem>>
      %dma_start3A_1049 = arith.constant 0 : i32
      %dma_start3A_1050 = arith.constant 0 : i32
      %dma_start3A_1051 = tpu.memref_slice %arg4[%add3A_1027, %dma_start3A_1049, %dma_start3A_1050] : memref<16384x56x128xf32, #tpu.memory_space<hbm>> -> memref<1x56x128xf32, #tpu.memory_space<hbm>>
      %dma_start3A_1052 = tpu.memref_squeeze %dma_start3A_1051 : memref<1x56x128xf32, #tpu.memory_space<hbm>> -> memref<56x128xf32, #tpu.memory_space<hbm>>
      %dma_start3A_1053 = arith.constant 0 : i32
      %dma_start3A_1054 = arith.constant 0 : i32
      %dma_start3A_1055 = tpu.memref_slice %dma_start3A_1052[%dma_start3A_1053, %dma_start3A_1054] : memref<56x128xf32, #tpu.memory_space<hbm>> -> memref<50x64xf32, #tpu.memory_space<hbm>>
      %dma_start3A_1056 = arith.constant 0 : i32
      %dma_start3A_1057 = arith.constant 0 : i32
      %dma_start3A_1058 = arith.constant 0 : i32
      %dma_start3A_1059 = tpu.memref_slice %arg6[%dma_start3A_1028, %dma_start3A_1056, %dma_start3A_1057, %dma_start3A_1058] : memref<4x4x50x64xf32, #tpu.memory_space<vmem>> -> memref<1x4x50x64xf32, #tpu.memory_space<vmem>>
      %dma_start3A_1060 = tpu.memref_squeeze %dma_start3A_1059 : memref<1x4x50x64xf32, #tpu.memory_space<vmem>> -> memref<4x50x64xf32, #tpu.memory_space<vmem>>
      %dma_start3A_1061 = arith.constant 0 : i32
      %dma_start3A_1062 = arith.constant 0 : i32
      %dma_start3A_1063 = tpu.memref_slice %dma_start3A_1060[%dma_start3A_1029, %dma_start3A_1061, %dma_start3A_1062] : memref<4x50x64xf32, #tpu.memory_space<vmem>> -> memref<1x50x64xf32, #tpu.memory_space<vmem>>
      %dma_start3A_1064 = tpu.memref_squeeze %dma_start3A_1063 : memref<1x50x64xf32, #tpu.memory_space<vmem>> -> memref<50x64xf32, #tpu.memory_space<vmem>>
      tpu.enqueue_dma source(%dma_start3A_1064 : memref<50x64xf32, #tpu.memory_space<vmem>>) target(%dma_start3A_1055 : memref<50x64xf32, #tpu.memory_space<hbm>>) target_semaphore(%dma_start3A_1048 : memref<!tpu.dma_semaphore, #tpu.memory_space<semaphore_mem>>)
      %mul3A_1065 = arith.constant 4 : i32
      %mul3A_1066 = arith.muli %add3A_1022, %mul3A_1065 : i32
      %add3A_1067 = arith.addi %mul3A_2, %mul3A_1066 : i32
      %add3A_1068 = arith.constant 1 : i32
      %add3A_1069 = arith.addi %add3A_1067, %add3A_1068 : i32
      %dma_start3A_1070 = arith.constant 0 : i32
      %dma_start3A_1071 = arith.constant 1 : i32
      %dma_start3A_1072 = arith.constant 0 : i32
      %dma_start3A_1073 = arith.constant 0 : i32
      %dma_start3A_1074 = arith.constant 0 : i32
      %dma_start3A_1075 = arith.constant 0 : i32
      %dma_start3A_1076 = tpu.memref_slice %arg6[%dma_start3A_1070, %dma_start3A_1073, %dma_start3A_1074, %dma_start3A_1075] : memref<4x4x50x64xf32, #tpu.memory_space<vmem>> -> memref<1x4x50x64xf32, #tpu.memory_space<vmem>>
      %dma_start3A_1077 = tpu.memref_squeeze %dma_start3A_1076 : memref<1x4x50x64xf32, #tpu.memory_space<vmem>> -> memref<4x50x64xf32, #tpu.memory_space<vmem>>
      %dma_start3A_1078 = arith.constant 0 : i32
      %dma_start3A_1079 = arith.constant 0 : i32
      %dma_start3A_1080 = tpu.memref_slice %dma_start3A_1077[%dma_start3A_1071, %dma_start3A_1078, %dma_start3A_1079] : memref<4x50x64xf32, #tpu.memory_space<vmem>> -> memref<1x50x64xf32, #tpu.memory_space<vmem>>
      %dma_start3A_1081 = tpu.memref_squeeze %dma_start3A_1080 : memref<1x50x64xf32, #tpu.memory_space<vmem>> -> memref<50x64xf32, #tpu.memory_space<vmem>>
      %dma_start3A_1082 = arith.constant 0 : i32
      %dma_start3A_1083 = arith.constant 0 : i32
      %dma_start3A_1084 = tpu.memref_slice %arg4[%add3A_1069, %dma_start3A_1082, %dma_start3A_1083] : memref<16384x56x128xf32, #tpu.memory_space<hbm>> -> memref<1x56x128xf32, #tpu.memory_space<hbm>>
      %dma_start3A_1085 = tpu.memref_squeeze %dma_start3A_1084 : memref<1x56x128xf32, #tpu.memory_space<hbm>> -> memref<56x128xf32, #tpu.memory_space<hbm>>
      %dma_start3A_1086 = arith.constant 0 : i32
      %dma_start3A_1087 = arith.constant 0 : i32
      %dma_start3A_1088 = tpu.memref_slice %dma_start3A_1085[%dma_start3A_1086, %dma_start3A_1087] : memref<56x128xf32, #tpu.memory_space<hbm>> -> memref<50x64xf32, #tpu.memory_space<hbm>>
      %dma_start3A_1089 = tpu.memref_slice %arg8[%dma_start3A_1072] : memref<4x!tpu.dma_semaphore, #tpu.memory_space<semaphore_mem>> -> memref<1x!tpu.dma_semaphore, #tpu.memory_space<semaphore_mem>>
      %dma_start3A_1090 = tpu.memref_squeeze %dma_start3A_1089 : memref<1x!tpu.dma_semaphore, #tpu.memory_space<semaphore_mem>> -> memref<!tpu.dma_semaphore, #tpu.memory_space<semaphore_mem>>
      %dma_start3A_1091 = arith.constant 0 : i32
      %dma_start3A_1092 = arith.constant 0 : i32
      %dma_start3A_1093 = tpu.memref_slice %arg4[%add3A_1069, %dma_start3A_1091, %dma_start3A_1092] : memref<16384x56x128xf32, #tpu.memory_space<hbm>> -> memref<1x56x128xf32, #tpu.memory_space<hbm>>
      %dma_start3A_1094 = tpu.memref_squeeze %dma_start3A_1093 : memref<1x56x128xf32, #tpu.memory_space<hbm>> -> memref<56x128xf32, #tpu.memory_space<hbm>>
      %dma_start3A_1095 = arith.constant 0 : i32
      %dma_start3A_1096 = arith.constant 0 : i32
      %dma_start3A_1097 = tpu.memref_slice %dma_start3A_1094[%dma_start3A_1095, %dma_start3A_1096] : memref<56x128xf32, #tpu.memory_space<hbm>> -> memref<50x64xf32, #tpu.memory_space<hbm>>
      %dma_start3A_1098 = arith.constant 0 : i32
      %dma_start3A_1099 = arith.constant 0 : i32
      %dma_start3A_1100 = arith.constant 0 : i32
      %dma_start3A_1101 = tpu.memref_slice %arg6[%dma_start3A_1070, %dma_start3A_1098, %dma_start3A_1099, %dma_start3A_1100] : memref<4x4x50x64xf32, #tpu.memory_space<vmem>> -> memref<1x4x50x64xf32, #tpu.memory_space<vmem>>
      %dma_start3A_1102 = tpu.memref_squeeze %dma_start3A_1101 : memref<1x4x50x64xf32, #tpu.memory_space<vmem>> -> memref<4x50x64xf32, #tpu.memory_space<vmem>>
      %dma_start3A_1103 = arith.constant 0 : i32
      %dma_start3A_1104 = arith.constant 0 : i32
      %dma_start3A_1105 = tpu.memref_slice %dma_start3A_1102[%dma_start3A_1071, %dma_start3A_1103, %dma_start3A_1104] : memref<4x50x64xf32, #tpu.memory_space<vmem>> -> memref<1x50x64xf32, #tpu.memory_space<vmem>>
      %dma_start3A_1106 = tpu.memref_squeeze %dma_start3A_1105 : memref<1x50x64xf32, #tpu.memory_space<vmem>> -> memref<50x64xf32, #tpu.memory_space<vmem>>
      tpu.enqueue_dma source(%dma_start3A_1106 : memref<50x64xf32, #tpu.memory_space<vmem>>) target(%dma_start3A_1097 : memref<50x64xf32, #tpu.memory_space<hbm>>) target_semaphore(%dma_start3A_1090 : memref<!tpu.dma_semaphore, #tpu.memory_space<semaphore_mem>>)
      %mul3A_1107 = arith.constant 4 : i32
      %mul3A_1108 = arith.muli %add3A_1022, %mul3A_1107 : i32
      %add3A_1109 = arith.addi %mul3A_2, %mul3A_1108 : i32
      %add3A_1110 = arith.constant 2 : i32
      %add3A_1111 = arith.addi %add3A_1109, %add3A_1110 : i32
      %dma_start3A_1112 = arith.constant 0 : i32
      %dma_start3A_1113 = arith.constant 2 : i32
      %dma_start3A_1114 = arith.constant 0 : i32
      %dma_start3A_1115 = arith.constant 0 : i32
      %dma_start3A_1116 = arith.constant 0 : i32
      %dma_start3A_1117 = arith.constant 0 : i32
      %dma_start3A_1118 = tpu.memref_slice %arg6[%dma_start3A_1112, %dma_start3A_1115, %dma_start3A_1116, %dma_start3A_1117] : memref<4x4x50x64xf32, #tpu.memory_space<vmem>> -> memref<1x4x50x64xf32, #tpu.memory_space<vmem>>
      %dma_start3A_1119 = tpu.memref_squeeze %dma_start3A_1118 : memref<1x4x50x64xf32, #tpu.memory_space<vmem>> -> memref<4x50x64xf32, #tpu.memory_space<vmem>>
      %dma_start3A_1120 = arith.constant 0 : i32
      %dma_start3A_1121 = arith.constant 0 : i32
      %dma_start3A_1122 = tpu.memref_slice %dma_start3A_1119[%dma_start3A_1113, %dma_start3A_1120, %dma_start3A_1121] : memref<4x50x64xf32, #tpu.memory_space<vmem>> -> memref<1x50x64xf32, #tpu.memory_space<vmem>>
      %dma_start3A_1123 = tpu.memref_squeeze %dma_start3A_1122 : memref<1x50x64xf32, #tpu.memory_space<vmem>> -> memref<50x64xf32, #tpu.memory_space<vmem>>
      %dma_start3A_1124 = arith.constant 0 : i32
      %dma_start3A_1125 = arith.constant 0 : i32
      %dma_start3A_1126 = tpu.memref_slice %arg4[%add3A_1111, %dma_start3A_1124, %dma_start3A_1125] : memref<16384x56x128xf32, #tpu.memory_space<hbm>> -> memref<1x56x128xf32, #tpu.memory_space<hbm>>
      %dma_start3A_1127 = tpu.memref_squeeze %dma_start3A_1126 : memref<1x56x128xf32, #tpu.memory_space<hbm>> -> memref<56x128xf32, #tpu.memory_space<hbm>>
      %dma_start3A_1128 = arith.constant 0 : i32
      %dma_start3A_1129 = arith.constant 0 : i32
      %dma_start3A_1130 = tpu.memref_slice %dma_start3A_1127[%dma_start3A_1128, %dma_start3A_1129] : memref<56x128xf32, #tpu.memory_space<hbm>> -> memref<50x64xf32, #tpu.memory_space<hbm>>
      %dma_start3A_1131 = tpu.memref_slice %arg8[%dma_start3A_1114] : memref<4x!tpu.dma_semaphore, #tpu.memory_space<semaphore_mem>> -> memref<1x!tpu.dma_semaphore, #tpu.memory_space<semaphore_mem>>
      %dma_start3A_1132 = tpu.memref_squeeze %dma_start3A_1131 : memref<1x!tpu.dma_semaphore, #tpu.memory_space<semaphore_mem>> -> memref<!tpu.dma_semaphore, #tpu.memory_space<semaphore_mem>>
      %dma_start3A_1133 = arith.constant 0 : i32
      %dma_start3A_1134 = arith.constant 0 : i32
      %dma_start3A_1135 = tpu.memref_slice %arg4[%add3A_1111, %dma_start3A_1133, %dma_start3A_1134] : memref<16384x56x128xf32, #tpu.memory_space<hbm>> -> memref<1x56x128xf32, #tpu.memory_space<hbm>>
      %dma_start3A_1136 = tpu.memref_squeeze %dma_start3A_1135 : memref<1x56x128xf32, #tpu.memory_space<hbm>> -> memref<56x128xf32, #tpu.memory_space<hbm>>
      %dma_start3A_1137 = arith.constant 0 : i32
      %dma_start3A_1138 = arith.constant 0 : i32
      %dma_start3A_1139 = tpu.memref_slice %dma_start3A_1136[%dma_start3A_1137, %dma_start3A_1138] : memref<56x128xf32, #tpu.memory_space<hbm>> -> memref<50x64xf32, #tpu.memory_space<hbm>>
      %dma_start3A_1140 = arith.constant 0 : i32
      %dma_start3A_1141 = arith.constant 0 : i32
      %dma_start3A_1142 = arith.constant 0 : i32
      %dma_start3A_1143 = tpu.memref_slice %arg6[%dma_start3A_1112, %dma_start3A_1140, %dma_start3A_1141, %dma_start3A_1142] : memref<4x4x50x64xf32, #tpu.memory_space<vmem>> -> memref<1x4x50x64xf32, #tpu.memory_space<vmem>>
      %dma_start3A_1144 = tpu.memref_squeeze %dma_start3A_1143 : memref<1x4x50x64xf32, #tpu.memory_space<vmem>> -> memref<4x50x64xf32, #tpu.memory_space<vmem>>
      %dma_start3A_1145 = arith.constant 0 : i32
      %dma_start3A_1146 = arith.constant 0 : i32
      %dma_start3A_1147 = tpu.memref_slice %dma_start3A_1144[%dma_start3A_1113, %dma_start3A_1145, %dma_start3A_1146] : memref<4x50x64xf32, #tpu.memory_space<vmem>> -> memref<1x50x64xf32, #tpu.memory_space<vmem>>
      %dma_start3A_1148 = tpu.memref_squeeze %dma_start3A_1147 : memref<1x50x64xf32, #tpu.memory_space<vmem>> -> memref<50x64xf32, #tpu.memory_space<vmem>>
      tpu.enqueue_dma source(%dma_start3A_1148 : memref<50x64xf32, #tpu.memory_space<vmem>>) target(%dma_start3A_1139 : memref<50x64xf32, #tpu.memory_space<hbm>>) target_semaphore(%dma_start3A_1132 : memref<!tpu.dma_semaphore, #tpu.memory_space<semaphore_mem>>)
      %mul3A_1149 = arith.constant 4 : i32
      %mul3A_1150 = arith.muli %add3A_1022, %mul3A_1149 : i32
      %add3A_1151 = arith.addi %mul3A_2, %mul3A_1150 : i32
      %add3A_1152 = arith.constant 3 : i32
      %add3A_1153 = arith.addi %add3A_1151, %add3A_1152 : i32
      %dma_start3A_1154 = arith.constant 0 : i32
      %dma_start3A_1155 = arith.constant 3 : i32
      %dma_start3A_1156 = arith.constant 0 : i32
      %dma_start3A_1157 = arith.constant 0 : i32
      %dma_start3A_1158 = arith.constant 0 : i32
      %dma_start3A_1159 = arith.constant 0 : i32
      %dma_start3A_1160 = tpu.memref_slice %arg6[%dma_start3A_1154, %dma_start3A_1157, %dma_start3A_1158, %dma_start3A_1159] : memref<4x4x50x64xf32, #tpu.memory_space<vmem>> -> memref<1x4x50x64xf32, #tpu.memory_space<vmem>>
      %dma_start3A_1161 = tpu.memref_squeeze %dma_start3A_1160 : memref<1x4x50x64xf32, #tpu.memory_space<vmem>> -> memref<4x50x64xf32, #tpu.memory_space<vmem>>
      %dma_start3A_1162 = arith.constant 0 : i32
      %dma_start3A_1163 = arith.constant 0 : i32
      %dma_start3A_1164 = tpu.memref_slice %dma_start3A_1161[%dma_start3A_1155, %dma_start3A_1162, %dma_start3A_1163] : memref<4x50x64xf32, #tpu.memory_space<vmem>> -> memref<1x50x64xf32, #tpu.memory_space<vmem>>
      %dma_start3A_1165 = tpu.memref_squeeze %dma_start3A_1164 : memref<1x50x64xf32, #tpu.memory_space<vmem>> -> memref<50x64xf32, #tpu.memory_space<vmem>>
      %dma_start3A_1166 = arith.constant 0 : i32
      %dma_start3A_1167 = arith.constant 0 : i32
      %dma_start3A_1168 = tpu.memref_slice %arg4[%add3A_1153, %dma_start3A_1166, %dma_start3A_1167] : memref<16384x56x128xf32, #tpu.memory_space<hbm>> -> memref<1x56x128xf32, #tpu.memory_space<hbm>>
      %dma_start3A_1169 = tpu.memref_squeeze %dma_start3A_1168 : memref<1x56x128xf32, #tpu.memory_space<hbm>> -> memref<56x128xf32, #tpu.memory_space<hbm>>
      %dma_start3A_1170 = arith.constant 0 : i32
      %dma_start3A_1171 = arith.constant 0 : i32
      %dma_start3A_1172 = tpu.memref_slice %dma_start3A_1169[%dma_start3A_1170, %dma_start3A_1171] : memref<56x128xf32, #tpu.memory_space<hbm>> -> memref<50x64xf32, #tpu.memory_space<hbm>>
      %dma_start3A_1173 = tpu.memref_slice %arg8[%dma_start3A_1156] : memref<4x!tpu.dma_semaphore, #tpu.memory_space<semaphore_mem>> -> memref<1x!tpu.dma_semaphore, #tpu.memory_space<semaphore_mem>>
      %dma_start3A_1174 = tpu.memref_squeeze %dma_start3A_1173 : memref<1x!tpu.dma_semaphore, #tpu.memory_space<semaphore_mem>> -> memref<!tpu.dma_semaphore, #tpu.memory_space<semaphore_mem>>
      %dma_start3A_1175 = arith.constant 0 : i32
      %dma_start3A_1176 = arith.constant 0 : i32
      %dma_start3A_1177 = tpu.memref_slice %arg4[%add3A_1153, %dma_start3A_1175, %dma_start3A_1176] : memref<16384x56x128xf32, #tpu.memory_space<hbm>> -> memref<1x56x128xf32, #tpu.memory_space<hbm>>
      %dma_start3A_1178 = tpu.memref_squeeze %dma_start3A_1177 : memref<1x56x128xf32, #tpu.memory_space<hbm>> -> memref<56x128xf32, #tpu.memory_space<hbm>>
      %dma_start3A_1179 = arith.constant 0 : i32
      %dma_start3A_1180 = arith.constant 0 : i32
      %dma_start3A_1181 = tpu.memref_slice %dma_start3A_1178[%dma_start3A_1179, %dma_start3A_1180] : memref<56x128xf32, #tpu.memory_space<hbm>> -> memref<50x64xf32, #tpu.memory_space<hbm>>
      %dma_start3A_1182 = arith.constant 0 : i32
      %dma_start3A_1183 = arith.constant 0 : i32
      %dma_start3A_1184 = arith.constant 0 : i32
      %dma_start3A_1185 = tpu.memref_slice %arg6[%dma_start3A_1154, %dma_start3A_1182, %dma_start3A_1183, %dma_start3A_1184] : memref<4x4x50x64xf32, #tpu.memory_space<vmem>> -> memref<1x4x50x64xf32, #tpu.memory_space<vmem>>
      %dma_start3A_1186 = tpu.memref_squeeze %dma_start3A_1185 : memref<1x4x50x64xf32, #tpu.memory_space<vmem>> -> memref<4x50x64xf32, #tpu.memory_space<vmem>>
      %dma_start3A_1187 = arith.constant 0 : i32
      %dma_start3A_1188 = arith.constant 0 : i32
      %dma_start3A_1189 = tpu.memref_slice %dma_start3A_1186[%dma_start3A_1155, %dma_start3A_1187, %dma_start3A_1188] : memref<4x50x64xf32, #tpu.memory_space<vmem>> -> memref<1x50x64xf32, #tpu.memory_space<vmem>>
      %dma_start3A_1190 = tpu.memref_squeeze %dma_start3A_1189 : memref<1x50x64xf32, #tpu.memory_space<vmem>> -> memref<50x64xf32, #tpu.memory_space<vmem>>
      tpu.enqueue_dma source(%dma_start3A_1190 : memref<50x64xf32, #tpu.memory_space<vmem>>) target(%dma_start3A_1181 : memref<50x64xf32, #tpu.memory_space<hbm>>) target_semaphore(%dma_start3A_1174 : memref<!tpu.dma_semaphore, #tpu.memory_space<semaphore_mem>>)
      %dma_wait3A_1191 = arith.constant 0 : i32
      %dma_wait3A_1192 = arith.constant 1 : i32
      %dma_wait3A_1193 = arith.constant 0 : i32
      %dma_wait3A_1194 = arith.constant 1 : i32
      %dma_wait3A_1195 = arith.constant 0 : i32
      %dma_wait3A_1196 = arith.constant 0 : i32
      %dma_wait3A_1197 = arith.constant 0 : i32
      %dma_wait3A_1198 = tpu.memref_slice %arg6[%dma_wait3A_1192, %dma_wait3A_1195, %dma_wait3A_1196, %dma_wait3A_1197] : memref<4x4x50x64xf32, #tpu.memory_space<vmem>> -> memref<1x4x50x64xf32, #tpu.memory_space<vmem>>
      %dma_wait3A_1199 = tpu.memref_squeeze %dma_wait3A_1198 : memref<1x4x50x64xf32, #tpu.memory_space<vmem>> -> memref<4x50x64xf32, #tpu.memory_space<vmem>>
      %dma_wait3A_1200 = arith.constant 0 : i32
      %dma_wait3A_1201 = arith.constant 0 : i32
      %dma_wait3A_1202 = tpu.memref_slice %dma_wait3A_1199[%dma_wait3A_1193, %dma_wait3A_1200, %dma_wait3A_1201] : memref<4x50x64xf32, #tpu.memory_space<vmem>> -> memref<1x50x64xf32, #tpu.memory_space<vmem>>
      %dma_wait3A_1203 = tpu.memref_squeeze %dma_wait3A_1202 : memref<1x50x64xf32, #tpu.memory_space<vmem>> -> memref<50x64xf32, #tpu.memory_space<vmem>>
      %dma_wait3A_1204 = arith.constant 0 : i32
      %dma_wait3A_1205 = tpu.memref_slice %arg5[%dma_wait3A_1191, %dma_wait3A_1204] : memref<512x50xi32, #tpu.memory_space<vmem>> -> memref<1x50xi32, #tpu.memory_space<vmem>>
      %dma_wait3A_1206 = tpu.memref_squeeze %dma_wait3A_1205 : memref<1x50xi32, #tpu.memory_space<vmem>> -> memref<50xi32, #tpu.memory_space<vmem>>
      %dma_wait3A_1207 = arith.constant 0 : i32
      %dma_wait3A_1208 = arith.constant 0 : i32
      %dma_wait3A_1209 = tpu.memref_slice %arg3[%dma_wait3A_1207, %dma_wait3A_1208] : memref<2000000x64xf32, #tpu.memory_space<hbm>> -> memref<2000000x64xf32, #tpu.memory_space<hbm>>
      %dma_wait3A_1210 = tpu.memref_slice %arg7[%dma_wait3A_1194] : memref<4x!tpu.dma_semaphore, #tpu.memory_space<semaphore_mem>> -> memref<1x!tpu.dma_semaphore, #tpu.memory_space<semaphore_mem>>
      %dma_wait3A_1211 = tpu.memref_squeeze %dma_wait3A_1210 : memref<1x!tpu.dma_semaphore, #tpu.memory_space<semaphore_mem>> -> memref<!tpu.dma_semaphore, #tpu.memory_space<semaphore_mem>>
      tpu.wait_indirect_dma semaphore(%dma_wait3A_1211 : memref<!tpu.dma_semaphore, #tpu.memory_space<semaphore_mem>>) src(%dma_wait3A_1209 : memref<2000000x64xf32, #tpu.memory_space<hbm>>) dst(%dma_wait3A_1203 : memref<50x64xf32, #tpu.memory_space<vmem>>)
      %dma_wait3A_1212 = arith.constant 0 : i32
      %dma_wait3A_1213 = arith.constant 1 : i32
      %dma_wait3A_1214 = arith.constant 1 : i32
      %dma_wait3A_1215 = arith.constant 1 : i32
      %dma_wait3A_1216 = arith.constant 0 : i32
      %dma_wait3A_1217 = arith.constant 0 : i32
      %dma_wait3A_1218 = arith.constant 0 : i32
      %dma_wait3A_1219 = tpu.memref_slice %arg6[%dma_wait3A_1213, %dma_wait3A_1216, %dma_wait3A_1217, %dma_wait3A_1218] : memref<4x4x50x64xf32, #tpu.memory_space<vmem>> -> memref<1x4x50x64xf32, #tpu.memory_space<vmem>>
      %dma_wait3A_1220 = tpu.memref_squeeze %dma_wait3A_1219 : memref<1x4x50x64xf32, #tpu.memory_space<vmem>> -> memref<4x50x64xf32, #tpu.memory_space<vmem>>
      %dma_wait3A_1221 = arith.constant 0 : i32
      %dma_wait3A_1222 = arith.constant 0 : i32
      %dma_wait3A_1223 = tpu.memref_slice %dma_wait3A_1220[%dma_wait3A_1214, %dma_wait3A_1221, %dma_wait3A_1222] : memref<4x50x64xf32, #tpu.memory_space<vmem>> -> memref<1x50x64xf32, #tpu.memory_space<vmem>>
      %dma_wait3A_1224 = tpu.memref_squeeze %dma_wait3A_1223 : memref<1x50x64xf32, #tpu.memory_space<vmem>> -> memref<50x64xf32, #tpu.memory_space<vmem>>
      %dma_wait3A_1225 = arith.constant 0 : i32
      %dma_wait3A_1226 = tpu.memref_slice %arg5[%dma_wait3A_1212, %dma_wait3A_1225] : memref<512x50xi32, #tpu.memory_space<vmem>> -> memref<1x50xi32, #tpu.memory_space<vmem>>
      %dma_wait3A_1227 = tpu.memref_squeeze %dma_wait3A_1226 : memref<1x50xi32, #tpu.memory_space<vmem>> -> memref<50xi32, #tpu.memory_space<vmem>>
      %dma_wait3A_1228 = arith.constant 0 : i32
      %dma_wait3A_1229 = arith.constant 0 : i32
      %dma_wait3A_1230 = tpu.memref_slice %arg3[%dma_wait3A_1228, %dma_wait3A_1229] : memref<2000000x64xf32, #tpu.memory_space<hbm>> -> memref<2000000x64xf32, #tpu.memory_space<hbm>>
      %dma_wait3A_1231 = tpu.memref_slice %arg7[%dma_wait3A_1215] : memref<4x!tpu.dma_semaphore, #tpu.memory_space<semaphore_mem>> -> memref<1x!tpu.dma_semaphore, #tpu.memory_space<semaphore_mem>>
      %dma_wait3A_1232 = tpu.memref_squeeze %dma_wait3A_1231 : memref<1x!tpu.dma_semaphore, #tpu.memory_space<semaphore_mem>> -> memref<!tpu.dma_semaphore, #tpu.memory_space<semaphore_mem>>
      tpu.wait_indirect_dma semaphore(%dma_wait3A_1232 : memref<!tpu.dma_semaphore, #tpu.memory_space<semaphore_mem>>) src(%dma_wait3A_1230 : memref<2000000x64xf32, #tpu.memory_space<hbm>>) dst(%dma_wait3A_1224 : memref<50x64xf32, #tpu.memory_space<vmem>>)
      %dma_wait3A_1233 = arith.constant 0 : i32
      %dma_wait3A_1234 = arith.constant 1 : i32
      %dma_wait3A_1235 = arith.constant 2 : i32
      %dma_wait3A_1236 = arith.constant 1 : i32
      %dma_wait3A_1237 = arith.constant 0 : i32
      %dma_wait3A_1238 = arith.constant 0 : i32
      %dma_wait3A_1239 = arith.constant 0 : i32
      %dma_wait3A_1240 = tpu.memref_slice %arg6[%dma_wait3A_1234, %dma_wait3A_1237, %dma_wait3A_1238, %dma_wait3A_1239] : memref<4x4x50x64xf32, #tpu.memory_space<vmem>> -> memref<1x4x50x64xf32, #tpu.memory_space<vmem>>
      %dma_wait3A_1241 = tpu.memref_squeeze %dma_wait3A_1240 : memref<1x4x50x64xf32, #tpu.memory_space<vmem>> -> memref<4x50x64xf32, #tpu.memory_space<vmem>>
      %dma_wait3A_1242 = arith.constant 0 : i32
      %dma_wait3A_1243 = arith.constant 0 : i32
      %dma_wait3A_1244 = tpu.memref_slice %dma_wait3A_1241[%dma_wait3A_1235, %dma_wait3A_1242, %dma_wait3A_1243] : memref<4x50x64xf32, #tpu.memory_space<vmem>> -> memref<1x50x64xf32, #tpu.memory_space<vmem>>
      %dma_wait3A_1245 = tpu.memref_squeeze %dma_wait3A_1244 : memref<1x50x64xf32, #tpu.memory_space<vmem>> -> memref<50x64xf32, #tpu.memory_space<vmem>>
      %dma_wait3A_1246 = arith.constant 0 : i32
      %dma_wait3A_1247 = tpu.memref_slice %arg5[%dma_wait3A_1233, %dma_wait3A_1246] : memref<512x50xi32, #tpu.memory_space<vmem>> -> memref<1x50xi32, #tpu.memory_space<vmem>>
      %dma_wait3A_1248 = tpu.memref_squeeze %dma_wait3A_1247 : memref<1x50xi32, #tpu.memory_space<vmem>> -> memref<50xi32, #tpu.memory_space<vmem>>
      %dma_wait3A_1249 = arith.constant 0 : i32
      %dma_wait3A_1250 = arith.constant 0 : i32
      %dma_wait3A_1251 = tpu.memref_slice %arg3[%dma_wait3A_1249, %dma_wait3A_1250] : memref<2000000x64xf32, #tpu.memory_space<hbm>> -> memref<2000000x64xf32, #tpu.memory_space<hbm>>
      %dma_wait3A_1252 = tpu.memref_slice %arg7[%dma_wait3A_1236] : memref<4x!tpu.dma_semaphore, #tpu.memory_space<semaphore_mem>> -> memref<1x!tpu.dma_semaphore, #tpu.memory_space<semaphore_mem>>
      %dma_wait3A_1253 = tpu.memref_squeeze %dma_wait3A_1252 : memref<1x!tpu.dma_semaphore, #tpu.memory_space<semaphore_mem>> -> memref<!tpu.dma_semaphore, #tpu.memory_space<semaphore_mem>>
      tpu.wait_indirect_dma semaphore(%dma_wait3A_1253 : memref<!tpu.dma_semaphore, #tpu.memory_space<semaphore_mem>>) src(%dma_wait3A_1251 : memref<2000000x64xf32, #tpu.memory_space<hbm>>) dst(%dma_wait3A_1245 : memref<50x64xf32, #tpu.memory_space<vmem>>)
      %dma_wait3A_1254 = arith.constant 0 : i32
      %dma_wait3A_1255 = arith.constant 1 : i32
      %dma_wait3A_1256 = arith.constant 3 : i32
      %dma_wait3A_1257 = arith.constant 1 : i32
      %dma_wait3A_1258 = arith.constant 0 : i32
      %dma_wait3A_1259 = arith.constant 0 : i32
      %dma_wait3A_1260 = arith.constant 0 : i32
      %dma_wait3A_1261 = tpu.memref_slice %arg6[%dma_wait3A_1255, %dma_wait3A_1258, %dma_wait3A_1259, %dma_wait3A_1260] : memref<4x4x50x64xf32, #tpu.memory_space<vmem>> -> memref<1x4x50x64xf32, #tpu.memory_space<vmem>>
      %dma_wait3A_1262 = tpu.memref_squeeze %dma_wait3A_1261 : memref<1x4x50x64xf32, #tpu.memory_space<vmem>> -> memref<4x50x64xf32, #tpu.memory_space<vmem>>
      %dma_wait3A_1263 = arith.constant 0 : i32
      %dma_wait3A_1264 = arith.constant 0 : i32
      %dma_wait3A_1265 = tpu.memref_slice %dma_wait3A_1262[%dma_wait3A_1256, %dma_wait3A_1263, %dma_wait3A_1264] : memref<4x50x64xf32, #tpu.memory_space<vmem>> -> memref<1x50x64xf32, #tpu.memory_space<vmem>>
      %dma_wait3A_1266 = tpu.memref_squeeze %dma_wait3A_1265 : memref<1x50x64xf32, #tpu.memory_space<vmem>> -> memref<50x64xf32, #tpu.memory_space<vmem>>
      %dma_wait3A_1267 = arith.constant 0 : i32
      %dma_wait3A_1268 = tpu.memref_slice %arg5[%dma_wait3A_1254, %dma_wait3A_1267] : memref<512x50xi32, #tpu.memory_space<vmem>> -> memref<1x50xi32, #tpu.memory_space<vmem>>
      %dma_wait3A_1269 = tpu.memref_squeeze %dma_wait3A_1268 : memref<1x50xi32, #tpu.memory_space<vmem>> -> memref<50xi32, #tpu.memory_space<vmem>>
      %dma_wait3A_1270 = arith.constant 0 : i32
      %dma_wait3A_1271 = arith.constant 0 : i32
      %dma_wait3A_1272 = tpu.memref_slice %arg3[%dma_wait3A_1270, %dma_wait3A_1271] : memref<2000000x64xf32, #tpu.memory_space<hbm>> -> memref<2000000x64xf32, #tpu.memory_space<hbm>>
      %dma_wait3A_1273 = tpu.memref_slice %arg7[%dma_wait3A_1257] : memref<4x!tpu.dma_semaphore, #tpu.memory_space<semaphore_mem>> -> memref<1x!tpu.dma_semaphore, #tpu.memory_space<semaphore_mem>>
      %dma_wait3A_1274 = tpu.memref_squeeze %dma_wait3A_1273 : memref<1x!tpu.dma_semaphore, #tpu.memory_space<semaphore_mem>> -> memref<!tpu.dma_semaphore, #tpu.memory_space<semaphore_mem>>
      tpu.wait_indirect_dma semaphore(%dma_wait3A_1274 : memref<!tpu.dma_semaphore, #tpu.memory_space<semaphore_mem>>) src(%dma_wait3A_1272 : memref<2000000x64xf32, #tpu.memory_space<hbm>>) dst(%dma_wait3A_1266 : memref<50x64xf32, #tpu.memory_space<vmem>>)
      %mul3A_1275 = arith.constant 4 : i32
      %mul3A_1276 = arith.muli %scan3A_934, %mul3A_1275 : i32
      %add3A_1277 = arith.constant 1 : i32
      %add3A_1278 = arith.addi %mul3A_1276, %add3A_1277 : i32
      %mul3A_1279 = arith.constant 4 : i32
      %mul3A_1280 = arith.muli %add3A_1278, %mul3A_1279 : i32
      %add3A_1281 = arith.addi %mul3A_2, %mul3A_1280 : i32
      %add3A_1282 = arith.constant 0 : i32
      %add3A_1283 = arith.addi %add3A_1281, %add3A_1282 : i32
      %dma_start3A_1284 = arith.constant 1 : i32
      %dma_start3A_1285 = arith.constant 0 : i32
      %dma_start3A_1286 = arith.constant 1 : i32
      %dma_start3A_1287 = arith.constant 0 : i32
      %dma_start3A_1288 = arith.constant 0 : i32
      %dma_start3A_1289 = arith.constant 0 : i32
      %dma_start3A_1290 = tpu.memref_slice %arg6[%dma_start3A_1284, %dma_start3A_1287, %dma_start3A_1288, %dma_start3A_1289] : memref<4x4x50x64xf32, #tpu.memory_space<vmem>> -> memref<1x4x50x64xf32, #tpu.memory_space<vmem>>
      %dma_start3A_1291 = tpu.memref_squeeze %dma_start3A_1290 : memref<1x4x50x64xf32, #tpu.memory_space<vmem>> -> memref<4x50x64xf32, #tpu.memory_space<vmem>>
      %dma_start3A_1292 = arith.constant 0 : i32
      %dma_start3A_1293 = arith.constant 0 : i32
      %dma_start3A_1294 = tpu.memref_slice %dma_start3A_1291[%dma_start3A_1285, %dma_start3A_1292, %dma_start3A_1293] : memref<4x50x64xf32, #tpu.memory_space<vmem>> -> memref<1x50x64xf32, #tpu.memory_space<vmem>>
      %dma_start3A_1295 = tpu.memref_squeeze %dma_start3A_1294 : memref<1x50x64xf32, #tpu.memory_space<vmem>> -> memref<50x64xf32, #tpu.memory_space<vmem>>
      %dma_start3A_1296 = arith.constant 0 : i32
      %dma_start3A_1297 = arith.constant 0 : i32
      %dma_start3A_1298 = tpu.memref_slice %arg4[%add3A_1283, %dma_start3A_1296, %dma_start3A_1297] : memref<16384x56x128xf32, #tpu.memory_space<hbm>> -> memref<1x56x128xf32, #tpu.memory_space<hbm>>
      %dma_start3A_1299 = tpu.memref_squeeze %dma_start3A_1298 : memref<1x56x128xf32, #tpu.memory_space<hbm>> -> memref<56x128xf32, #tpu.memory_space<hbm>>
      %dma_start3A_1300 = arith.constant 0 : i32
      %dma_start3A_1301 = arith.constant 0 : i32
      %dma_start3A_1302 = tpu.memref_slice %dma_start3A_1299[%dma_start3A_1300, %dma_start3A_1301] : memref<56x128xf32, #tpu.memory_space<hbm>> -> memref<50x64xf32, #tpu.memory_space<hbm>>
      %dma_start3A_1303 = tpu.memref_slice %arg8[%dma_start3A_1286] : memref<4x!tpu.dma_semaphore, #tpu.memory_space<semaphore_mem>> -> memref<1x!tpu.dma_semaphore, #tpu.memory_space<semaphore_mem>>
      %dma_start3A_1304 = tpu.memref_squeeze %dma_start3A_1303 : memref<1x!tpu.dma_semaphore, #tpu.memory_space<semaphore_mem>> -> memref<!tpu.dma_semaphore, #tpu.memory_space<semaphore_mem>>
      %dma_start3A_1305 = arith.constant 0 : i32
      %dma_start3A_1306 = arith.constant 0 : i32
      %dma_start3A_1307 = tpu.memref_slice %arg4[%add3A_1283, %dma_start3A_1305, %dma_start3A_1306] : memref<16384x56x128xf32, #tpu.memory_space<hbm>> -> memref<1x56x128xf32, #tpu.memory_space<hbm>>
      %dma_start3A_1308 = tpu.memref_squeeze %dma_start3A_1307 : memref<1x56x128xf32, #tpu.memory_space<hbm>> -> memref<56x128xf32, #tpu.memory_space<hbm>>
      %dma_start3A_1309 = arith.constant 0 : i32
      %dma_start3A_1310 = arith.constant 0 : i32
      %dma_start3A_1311 = tpu.memref_slice %dma_start3A_1308[%dma_start3A_1309, %dma_start3A_1310] : memref<56x128xf32, #tpu.memory_space<hbm>> -> memref<50x64xf32, #tpu.memory_space<hbm>>
      %dma_start3A_1312 = arith.constant 0 : i32
      %dma_start3A_1313 = arith.constant 0 : i32
      %dma_start3A_1314 = arith.constant 0 : i32
      %dma_start3A_1315 = tpu.memref_slice %arg6[%dma_start3A_1284, %dma_start3A_1312, %dma_start3A_1313, %dma_start3A_1314] : memref<4x4x50x64xf32, #tpu.memory_space<vmem>> -> memref<1x4x50x64xf32, #tpu.memory_space<vmem>>
      %dma_start3A_1316 = tpu.memref_squeeze %dma_start3A_1315 : memref<1x4x50x64xf32, #tpu.memory_space<vmem>> -> memref<4x50x64xf32, #tpu.memory_space<vmem>>
      %dma_start3A_1317 = arith.constant 0 : i32
      %dma_start3A_1318 = arith.constant 0 : i32
      %dma_start3A_1319 = tpu.memref_slice %dma_start3A_1316[%dma_start3A_1285, %dma_start3A_1317, %dma_start3A_1318] : memref<4x50x64xf32, #tpu.memory_space<vmem>> -> memref<1x50x64xf32, #tpu.memory_space<vmem>>
      %dma_start3A_1320 = tpu.memref_squeeze %dma_start3A_1319 : memref<1x50x64xf32, #tpu.memory_space<vmem>> -> memref<50x64xf32, #tpu.memory_space<vmem>>
      tpu.enqueue_dma source(%dma_start3A_1320 : memref<50x64xf32, #tpu.memory_space<vmem>>) target(%dma_start3A_1311 : memref<50x64xf32, #tpu.memory_space<hbm>>) target_semaphore(%dma_start3A_1304 : memref<!tpu.dma_semaphore, #tpu.memory_space<semaphore_mem>>)
      %mul3A_1321 = arith.constant 4 : i32
      %mul3A_1322 = arith.muli %add3A_1278, %mul3A_1321 : i32
      %add3A_1323 = arith.addi %mul3A_2, %mul3A_1322 : i32
      %add3A_1324 = arith.constant 1 : i32
      %add3A_1325 = arith.addi %add3A_1323, %add3A_1324 : i32
      %dma_start3A_1326 = arith.constant 1 : i32
      %dma_start3A_1327 = arith.constant 1 : i32
      %dma_start3A_1328 = arith.constant 1 : i32
      %dma_start3A_1329 = arith.constant 0 : i32
      %dma_start3A_1330 = arith.constant 0 : i32
      %dma_start3A_1331 = arith.constant 0 : i32
      %dma_start3A_1332 = tpu.memref_slice %arg6[%dma_start3A_1326, %dma_start3A_1329, %dma_start3A_1330, %dma_start3A_1331] : memref<4x4x50x64xf32, #tpu.memory_space<vmem>> -> memref<1x4x50x64xf32, #tpu.memory_space<vmem>>
      %dma_start3A_1333 = tpu.memref_squeeze %dma_start3A_1332 : memref<1x4x50x64xf32, #tpu.memory_space<vmem>> -> memref<4x50x64xf32, #tpu.memory_space<vmem>>
      %dma_start3A_1334 = arith.constant 0 : i32
      %dma_start3A_1335 = arith.constant 0 : i32
      %dma_start3A_1336 = tpu.memref_slice %dma_start3A_1333[%dma_start3A_1327, %dma_start3A_1334, %dma_start3A_1335] : memref<4x50x64xf32, #tpu.memory_space<vmem>> -> memref<1x50x64xf32, #tpu.memory_space<vmem>>
      %dma_start3A_1337 = tpu.memref_squeeze %dma_start3A_1336 : memref<1x50x64xf32, #tpu.memory_space<vmem>> -> memref<50x64xf32, #tpu.memory_space<vmem>>
      %dma_start3A_1338 = arith.constant 0 : i32
      %dma_start3A_1339 = arith.constant 0 : i32
      %dma_start3A_1340 = tpu.memref_slice %arg4[%add3A_1325, %dma_start3A_1338, %dma_start3A_1339] : memref<16384x56x128xf32, #tpu.memory_space<hbm>> -> memref<1x56x128xf32, #tpu.memory_space<hbm>>
      %dma_start3A_1341 = tpu.memref_squeeze %dma_start3A_1340 : memref<1x56x128xf32, #tpu.memory_space<hbm>> -> memref<56x128xf32, #tpu.memory_space<hbm>>
      %dma_start3A_1342 = arith.constant 0 : i32
      %dma_start3A_1343 = arith.constant 0 : i32
      %dma_start3A_1344 = tpu.memref_slice %dma_start3A_1341[%dma_start3A_1342, %dma_start3A_1343] : memref<56x128xf32, #tpu.memory_space<hbm>> -> memref<50x64xf32, #tpu.memory_space<hbm>>
      %dma_start3A_1345 = tpu.memref_slice %arg8[%dma_start3A_1328] : memref<4x!tpu.dma_semaphore, #tpu.memory_space<semaphore_mem>> -> memref<1x!tpu.dma_semaphore, #tpu.memory_space<semaphore_mem>>
      %dma_start3A_1346 = tpu.memref_squeeze %dma_start3A_1345 : memref<1x!tpu.dma_semaphore, #tpu.memory_space<semaphore_mem>> -> memref<!tpu.dma_semaphore, #tpu.memory_space<semaphore_mem>>
      %dma_start3A_1347 = arith.constant 0 : i32
      %dma_start3A_1348 = arith.constant 0 : i32
      %dma_start3A_1349 = tpu.memref_slice %arg4[%add3A_1325, %dma_start3A_1347, %dma_start3A_1348] : memref<16384x56x128xf32, #tpu.memory_space<hbm>> -> memref<1x56x128xf32, #tpu.memory_space<hbm>>
      %dma_start3A_1350 = tpu.memref_squeeze %dma_start3A_1349 : memref<1x56x128xf32, #tpu.memory_space<hbm>> -> memref<56x128xf32, #tpu.memory_space<hbm>>
      %dma_start3A_1351 = arith.constant 0 : i32
      %dma_start3A_1352 = arith.constant 0 : i32
      %dma_start3A_1353 = tpu.memref_slice %dma_start3A_1350[%dma_start3A_1351, %dma_start3A_1352] : memref<56x128xf32, #tpu.memory_space<hbm>> -> memref<50x64xf32, #tpu.memory_space<hbm>>
      %dma_start3A_1354 = arith.constant 0 : i32
      %dma_start3A_1355 = arith.constant 0 : i32
      %dma_start3A_1356 = arith.constant 0 : i32
      %dma_start3A_1357 = tpu.memref_slice %arg6[%dma_start3A_1326, %dma_start3A_1354, %dma_start3A_1355, %dma_start3A_1356] : memref<4x4x50x64xf32, #tpu.memory_space<vmem>> -> memref<1x4x50x64xf32, #tpu.memory_space<vmem>>
      %dma_start3A_1358 = tpu.memref_squeeze %dma_start3A_1357 : memref<1x4x50x64xf32, #tpu.memory_space<vmem>> -> memref<4x50x64xf32, #tpu.memory_space<vmem>>
      %dma_start3A_1359 = arith.constant 0 : i32
      %dma_start3A_1360 = arith.constant 0 : i32
      %dma_start3A_1361 = tpu.memref_slice %dma_start3A_1358[%dma_start3A_1327, %dma_start3A_1359, %dma_start3A_1360] : memref<4x50x64xf32, #tpu.memory_space<vmem>> -> memref<1x50x64xf32, #tpu.memory_space<vmem>>
      %dma_start3A_1362 = tpu.memref_squeeze %dma_start3A_1361 : memref<1x50x64xf32, #tpu.memory_space<vmem>> -> memref<50x64xf32, #tpu.memory_space<vmem>>
      tpu.enqueue_dma source(%dma_start3A_1362 : memref<50x64xf32, #tpu.memory_space<vmem>>) target(%dma_start3A_1353 : memref<50x64xf32, #tpu.memory_space<hbm>>) target_semaphore(%dma_start3A_1346 : memref<!tpu.dma_semaphore, #tpu.memory_space<semaphore_mem>>)
      %mul3A_1363 = arith.constant 4 : i32
      %mul3A_1364 = arith.muli %add3A_1278, %mul3A_1363 : i32
      %add3A_1365 = arith.addi %mul3A_2, %mul3A_1364 : i32
      %add3A_1366 = arith.constant 2 : i32
      %add3A_1367 = arith.addi %add3A_1365, %add3A_1366 : i32
      %dma_start3A_1368 = arith.constant 1 : i32
      %dma_start3A_1369 = arith.constant 2 : i32
      %dma_start3A_1370 = arith.constant 1 : i32
      %dma_start3A_1371 = arith.constant 0 : i32
      %dma_start3A_1372 = arith.constant 0 : i32
      %dma_start3A_1373 = arith.constant 0 : i32
      %dma_start3A_1374 = tpu.memref_slice %arg6[%dma_start3A_1368, %dma_start3A_1371, %dma_start3A_1372, %dma_start3A_1373] : memref<4x4x50x64xf32, #tpu.memory_space<vmem>> -> memref<1x4x50x64xf32, #tpu.memory_space<vmem>>
      %dma_start3A_1375 = tpu.memref_squeeze %dma_start3A_1374 : memref<1x4x50x64xf32, #tpu.memory_space<vmem>> -> memref<4x50x64xf32, #tpu.memory_space<vmem>>
      %dma_start3A_1376 = arith.constant 0 : i32
      %dma_start3A_1377 = arith.constant 0 : i32
      %dma_start3A_1378 = tpu.memref_slice %dma_start3A_1375[%dma_start3A_1369, %dma_start3A_1376, %dma_start3A_1377] : memref<4x50x64xf32, #tpu.memory_space<vmem>> -> memref<1x50x64xf32, #tpu.memory_space<vmem>>
      %dma_start3A_1379 = tpu.memref_squeeze %dma_start3A_1378 : memref<1x50x64xf32, #tpu.memory_space<vmem>> -> memref<50x64xf32, #tpu.memory_space<vmem>>
      %dma_start3A_1380 = arith.constant 0 : i32
      %dma_start3A_1381 = arith.constant 0 : i32
      %dma_start3A_1382 = tpu.memref_slice %arg4[%add3A_1367, %dma_start3A_1380, %dma_start3A_1381] : memref<16384x56x128xf32, #tpu.memory_space<hbm>> -> memref<1x56x128xf32, #tpu.memory_space<hbm>>
      %dma_start3A_1383 = tpu.memref_squeeze %dma_start3A_1382 : memref<1x56x128xf32, #tpu.memory_space<hbm>> -> memref<56x128xf32, #tpu.memory_space<hbm>>
      %dma_start3A_1384 = arith.constant 0 : i32
      %dma_start3A_1385 = arith.constant 0 : i32
      %dma_start3A_1386 = tpu.memref_slice %dma_start3A_1383[%dma_start3A_1384, %dma_start3A_1385] : memref<56x128xf32, #tpu.memory_space<hbm>> -> memref<50x64xf32, #tpu.memory_space<hbm>>
      %dma_start3A_1387 = tpu.memref_slice %arg8[%dma_start3A_1370] : memref<4x!tpu.dma_semaphore, #tpu.memory_space<semaphore_mem>> -> memref<1x!tpu.dma_semaphore, #tpu.memory_space<semaphore_mem>>
      %dma_start3A_1388 = tpu.memref_squeeze %dma_start3A_1387 : memref<1x!tpu.dma_semaphore, #tpu.memory_space<semaphore_mem>> -> memref<!tpu.dma_semaphore, #tpu.memory_space<semaphore_mem>>
      %dma_start3A_1389 = arith.constant 0 : i32
      %dma_start3A_1390 = arith.constant 0 : i32
      %dma_start3A_1391 = tpu.memref_slice %arg4[%add3A_1367, %dma_start3A_1389, %dma_start3A_1390] : memref<16384x56x128xf32, #tpu.memory_space<hbm>> -> memref<1x56x128xf32, #tpu.memory_space<hbm>>
      %dma_start3A_1392 = tpu.memref_squeeze %dma_start3A_1391 : memref<1x56x128xf32, #tpu.memory_space<hbm>> -> memref<56x128xf32, #tpu.memory_space<hbm>>
      %dma_start3A_1393 = arith.constant 0 : i32
      %dma_start3A_1394 = arith.constant 0 : i32
      %dma_start3A_1395 = tpu.memref_slice %dma_start3A_1392[%dma_start3A_1393, %dma_start3A_1394] : memref<56x128xf32, #tpu.memory_space<hbm>> -> memref<50x64xf32, #tpu.memory_space<hbm>>
      %dma_start3A_1396 = arith.constant 0 : i32
      %dma_start3A_1397 = arith.constant 0 : i32
      %dma_start3A_1398 = arith.constant 0 : i32
      %dma_start3A_1399 = tpu.memref_slice %arg6[%dma_start3A_1368, %dma_start3A_1396, %dma_start3A_1397, %dma_start3A_1398] : memref<4x4x50x64xf32, #tpu.memory_space<vmem>> -> memref<1x4x50x64xf32, #tpu.memory_space<vmem>>
      %dma_start3A_1400 = tpu.memref_squeeze %dma_start3A_1399 : memref<1x4x50x64xf32, #tpu.memory_space<vmem>> -> memref<4x50x64xf32, #tpu.memory_space<vmem>>
      %dma_start3A_1401 = arith.constant 0 : i32
      %dma_start3A_1402 = arith.constant 0 : i32
      %dma_start3A_1403 = tpu.memref_slice %dma_start3A_1400[%dma_start3A_1369, %dma_start3A_1401, %dma_start3A_1402] : memref<4x50x64xf32, #tpu.memory_space<vmem>> -> memref<1x50x64xf32, #tpu.memory_space<vmem>>
      %dma_start3A_1404 = tpu.memref_squeeze %dma_start3A_1403 : memref<1x50x64xf32, #tpu.memory_space<vmem>> -> memref<50x64xf32, #tpu.memory_space<vmem>>
      tpu.enqueue_dma source(%dma_start3A_1404 : memref<50x64xf32, #tpu.memory_space<vmem>>) target(%dma_start3A_1395 : memref<50x64xf32, #tpu.memory_space<hbm>>) target_semaphore(%dma_start3A_1388 : memref<!tpu.dma_semaphore, #tpu.memory_space<semaphore_mem>>)
      %mul3A_1405 = arith.constant 4 : i32
      %mul3A_1406 = arith.muli %add3A_1278, %mul3A_1405 : i32
      %add3A_1407 = arith.addi %mul3A_2, %mul3A_1406 : i32
      %add3A_1408 = arith.constant 3 : i32
      %add3A_1409 = arith.addi %add3A_1407, %add3A_1408 : i32
      %dma_start3A_1410 = arith.constant 1 : i32
      %dma_start3A_1411 = arith.constant 3 : i32
      %dma_start3A_1412 = arith.constant 1 : i32
      %dma_start3A_1413 = arith.constant 0 : i32
      %dma_start3A_1414 = arith.constant 0 : i32
      %dma_start3A_1415 = arith.constant 0 : i32
      %dma_start3A_1416 = tpu.memref_slice %arg6[%dma_start3A_1410, %dma_start3A_1413, %dma_start3A_1414, %dma_start3A_1415] : memref<4x4x50x64xf32, #tpu.memory_space<vmem>> -> memref<1x4x50x64xf32, #tpu.memory_space<vmem>>
      %dma_start3A_1417 = tpu.memref_squeeze %dma_start3A_1416 : memref<1x4x50x64xf32, #tpu.memory_space<vmem>> -> memref<4x50x64xf32, #tpu.memory_space<vmem>>
      %dma_start3A_1418 = arith.constant 0 : i32
      %dma_start3A_1419 = arith.constant 0 : i32
      %dma_start3A_1420 = tpu.memref_slice %dma_start3A_1417[%dma_start3A_1411, %dma_start3A_1418, %dma_start3A_1419] : memref<4x50x64xf32, #tpu.memory_space<vmem>> -> memref<1x50x64xf32, #tpu.memory_space<vmem>>
      %dma_start3A_1421 = tpu.memref_squeeze %dma_start3A_1420 : memref<1x50x64xf32, #tpu.memory_space<vmem>> -> memref<50x64xf32, #tpu.memory_space<vmem>>
      %dma_start3A_1422 = arith.constant 0 : i32
      %dma_start3A_1423 = arith.constant 0 : i32
      %dma_start3A_1424 = tpu.memref_slice %arg4[%add3A_1409, %dma_start3A_1422, %dma_start3A_1423] : memref<16384x56x128xf32, #tpu.memory_space<hbm>> -> memref<1x56x128xf32, #tpu.memory_space<hbm>>
      %dma_start3A_1425 = tpu.memref_squeeze %dma_start3A_1424 : memref<1x56x128xf32, #tpu.memory_space<hbm>> -> memref<56x128xf32, #tpu.memory_space<hbm>>
      %dma_start3A_1426 = arith.constant 0 : i32
      %dma_start3A_1427 = arith.constant 0 : i32
      %dma_start3A_1428 = tpu.memref_slice %dma_start3A_1425[%dma_start3A_1426, %dma_start3A_1427] : memref<56x128xf32, #tpu.memory_space<hbm>> -> memref<50x64xf32, #tpu.memory_space<hbm>>
      %dma_start3A_1429 = tpu.memref_slice %arg8[%dma_start3A_1412] : memref<4x!tpu.dma_semaphore, #tpu.memory_space<semaphore_mem>> -> memref<1x!tpu.dma_semaphore, #tpu.memory_space<semaphore_mem>>
      %dma_start3A_1430 = tpu.memref_squeeze %dma_start3A_1429 : memref<1x!tpu.dma_semaphore, #tpu.memory_space<semaphore_mem>> -> memref<!tpu.dma_semaphore, #tpu.memory_space<semaphore_mem>>
      %dma_start3A_1431 = arith.constant 0 : i32
      %dma_start3A_1432 = arith.constant 0 : i32
      %dma_start3A_1433 = tpu.memref_slice %arg4[%add3A_1409, %dma_start3A_1431, %dma_start3A_1432] : memref<16384x56x128xf32, #tpu.memory_space<hbm>> -> memref<1x56x128xf32, #tpu.memory_space<hbm>>
      %dma_start3A_1434 = tpu.memref_squeeze %dma_start3A_1433 : memref<1x56x128xf32, #tpu.memory_space<hbm>> -> memref<56x128xf32, #tpu.memory_space<hbm>>
      %dma_start3A_1435 = arith.constant 0 : i32
      %dma_start3A_1436 = arith.constant 0 : i32
      %dma_start3A_1437 = tpu.memref_slice %dma_start3A_1434[%dma_start3A_1435, %dma_start3A_1436] : memref<56x128xf32, #tpu.memory_space<hbm>> -> memref<50x64xf32, #tpu.memory_space<hbm>>
      %dma_start3A_1438 = arith.constant 0 : i32
      %dma_start3A_1439 = arith.constant 0 : i32
      %dma_start3A_1440 = arith.constant 0 : i32
      %dma_start3A_1441 = tpu.memref_slice %arg6[%dma_start3A_1410, %dma_start3A_1438, %dma_start3A_1439, %dma_start3A_1440] : memref<4x4x50x64xf32, #tpu.memory_space<vmem>> -> memref<1x4x50x64xf32, #tpu.memory_space<vmem>>
      %dma_start3A_1442 = tpu.memref_squeeze %dma_start3A_1441 : memref<1x4x50x64xf32, #tpu.memory_space<vmem>> -> memref<4x50x64xf32, #tpu.memory_space<vmem>>
      %dma_start3A_1443 = arith.constant 0 : i32
      %dma_start3A_1444 = arith.constant 0 : i32
      %dma_start3A_1445 = tpu.memref_slice %dma_start3A_1442[%dma_start3A_1411, %dma_start3A_1443, %dma_start3A_1444] : memref<4x50x64xf32, #tpu.memory_space<vmem>> -> memref<1x50x64xf32, #tpu.memory_space<vmem>>
      %dma_start3A_1446 = tpu.memref_squeeze %dma_start3A_1445 : memref<1x50x64xf32, #tpu.memory_space<vmem>> -> memref<50x64xf32, #tpu.memory_space<vmem>>
      tpu.enqueue_dma source(%dma_start3A_1446 : memref<50x64xf32, #tpu.memory_space<vmem>>) target(%dma_start3A_1437 : memref<50x64xf32, #tpu.memory_space<hbm>>) target_semaphore(%dma_start3A_1430 : memref<!tpu.dma_semaphore, #tpu.memory_space<semaphore_mem>>)
      %dma_wait3A_1447 = arith.constant 0 : i32
      %dma_wait3A_1448 = arith.constant 2 : i32
      %dma_wait3A_1449 = arith.constant 0 : i32
      %dma_wait3A_1450 = arith.constant 2 : i32
      %dma_wait3A_1451 = arith.constant 0 : i32
      %dma_wait3A_1452 = arith.constant 0 : i32
      %dma_wait3A_1453 = arith.constant 0 : i32
      %dma_wait3A_1454 = tpu.memref_slice %arg6[%dma_wait3A_1448, %dma_wait3A_1451, %dma_wait3A_1452, %dma_wait3A_1453] : memref<4x4x50x64xf32, #tpu.memory_space<vmem>> -> memref<1x4x50x64xf32, #tpu.memory_space<vmem>>
      %dma_wait3A_1455 = tpu.memref_squeeze %dma_wait3A_1454 : memref<1x4x50x64xf32, #tpu.memory_space<vmem>> -> memref<4x50x64xf32, #tpu.memory_space<vmem>>
      %dma_wait3A_1456 = arith.constant 0 : i32
      %dma_wait3A_1457 = arith.constant 0 : i32
      %dma_wait3A_1458 = tpu.memref_slice %dma_wait3A_1455[%dma_wait3A_1449, %dma_wait3A_1456, %dma_wait3A_1457] : memref<4x50x64xf32, #tpu.memory_space<vmem>> -> memref<1x50x64xf32, #tpu.memory_space<vmem>>
      %dma_wait3A_1459 = tpu.memref_squeeze %dma_wait3A_1458 : memref<1x50x64xf32, #tpu.memory_space<vmem>> -> memref<50x64xf32, #tpu.memory_space<vmem>>
      %dma_wait3A_1460 = arith.constant 0 : i32
      %dma_wait3A_1461 = tpu.memref_slice %arg5[%dma_wait3A_1447, %dma_wait3A_1460] : memref<512x50xi32, #tpu.memory_space<vmem>> -> memref<1x50xi32, #tpu.memory_space<vmem>>
      %dma_wait3A_1462 = tpu.memref_squeeze %dma_wait3A_1461 : memref<1x50xi32, #tpu.memory_space<vmem>> -> memref<50xi32, #tpu.memory_space<vmem>>
      %dma_wait3A_1463 = arith.constant 0 : i32
      %dma_wait3A_1464 = arith.constant 0 : i32
      %dma_wait3A_1465 = tpu.memref_slice %arg3[%dma_wait3A_1463, %dma_wait3A_1464] : memref<2000000x64xf32, #tpu.memory_space<hbm>> -> memref<2000000x64xf32, #tpu.memory_space<hbm>>
      %dma_wait3A_1466 = tpu.memref_slice %arg7[%dma_wait3A_1450] : memref<4x!tpu.dma_semaphore, #tpu.memory_space<semaphore_mem>> -> memref<1x!tpu.dma_semaphore, #tpu.memory_space<semaphore_mem>>
      %dma_wait3A_1467 = tpu.memref_squeeze %dma_wait3A_1466 : memref<1x!tpu.dma_semaphore, #tpu.memory_space<semaphore_mem>> -> memref<!tpu.dma_semaphore, #tpu.memory_space<semaphore_mem>>
      tpu.wait_indirect_dma semaphore(%dma_wait3A_1467 : memref<!tpu.dma_semaphore, #tpu.memory_space<semaphore_mem>>) src(%dma_wait3A_1465 : memref<2000000x64xf32, #tpu.memory_space<hbm>>) dst(%dma_wait3A_1459 : memref<50x64xf32, #tpu.memory_space<vmem>>)
      %dma_wait3A_1468 = arith.constant 0 : i32
      %dma_wait3A_1469 = arith.constant 2 : i32
      %dma_wait3A_1470 = arith.constant 1 : i32
      %dma_wait3A_1471 = arith.constant 2 : i32
      %dma_wait3A_1472 = arith.constant 0 : i32
      %dma_wait3A_1473 = arith.constant 0 : i32
      %dma_wait3A_1474 = arith.constant 0 : i32
      %dma_wait3A_1475 = tpu.memref_slice %arg6[%dma_wait3A_1469, %dma_wait3A_1472, %dma_wait3A_1473, %dma_wait3A_1474] : memref<4x4x50x64xf32, #tpu.memory_space<vmem>> -> memref<1x4x50x64xf32, #tpu.memory_space<vmem>>
      %dma_wait3A_1476 = tpu.memref_squeeze %dma_wait3A_1475 : memref<1x4x50x64xf32, #tpu.memory_space<vmem>> -> memref<4x50x64xf32, #tpu.memory_space<vmem>>
      %dma_wait3A_1477 = arith.constant 0 : i32
      %dma_wait3A_1478 = arith.constant 0 : i32
      %dma_wait3A_1479 = tpu.memref_slice %dma_wait3A_1476[%dma_wait3A_1470, %dma_wait3A_1477, %dma_wait3A_1478] : memref<4x50x64xf32, #tpu.memory_space<vmem>> -> memref<1x50x64xf32, #tpu.memory_space<vmem>>
      %dma_wait3A_1480 = tpu.memref_squeeze %dma_wait3A_1479 : memref<1x50x64xf32, #tpu.memory_space<vmem>> -> memref<50x64xf32, #tpu.memory_space<vmem>>
      %dma_wait3A_1481 = arith.constant 0 : i32
      %dma_wait3A_1482 = tpu.memref_slice %arg5[%dma_wait3A_1468, %dma_wait3A_1481] : memref<512x50xi32, #tpu.memory_space<vmem>> -> memref<1x50xi32, #tpu.memory_space<vmem>>
      %dma_wait3A_1483 = tpu.memref_squeeze %dma_wait3A_1482 : memref<1x50xi32, #tpu.memory_space<vmem>> -> memref<50xi32, #tpu.memory_space<vmem>>
      %dma_wait3A_1484 = arith.constant 0 : i32
      %dma_wait3A_1485 = arith.constant 0 : i32
      %dma_wait3A_1486 = tpu.memref_slice %arg3[%dma_wait3A_1484, %dma_wait3A_1485] : memref<2000000x64xf32, #tpu.memory_space<hbm>> -> memref<2000000x64xf32, #tpu.memory_space<hbm>>
      %dma_wait3A_1487 = tpu.memref_slice %arg7[%dma_wait3A_1471] : memref<4x!tpu.dma_semaphore, #tpu.memory_space<semaphore_mem>> -> memref<1x!tpu.dma_semaphore, #tpu.memory_space<semaphore_mem>>
      %dma_wait3A_1488 = tpu.memref_squeeze %dma_wait3A_1487 : memref<1x!tpu.dma_semaphore, #tpu.memory_space<semaphore_mem>> -> memref<!tpu.dma_semaphore, #tpu.memory_space<semaphore_mem>>
      tpu.wait_indirect_dma semaphore(%dma_wait3A_1488 : memref<!tpu.dma_semaphore, #tpu.memory_space<semaphore_mem>>) src(%dma_wait3A_1486 : memref<2000000x64xf32, #tpu.memory_space<hbm>>) dst(%dma_wait3A_1480 : memref<50x64xf32, #tpu.memory_space<vmem>>)
      %dma_wait3A_1489 = arith.constant 0 : i32
      %dma_wait3A_1490 = arith.constant 2 : i32
      %dma_wait3A_1491 = arith.constant 2 : i32
      %dma_wait3A_1492 = arith.constant 2 : i32
      %dma_wait3A_1493 = arith.constant 0 : i32
      %dma_wait3A_1494 = arith.constant 0 : i32
      %dma_wait3A_1495 = arith.constant 0 : i32
      %dma_wait3A_1496 = tpu.memref_slice %arg6[%dma_wait3A_1490, %dma_wait3A_1493, %dma_wait3A_1494, %dma_wait3A_1495] : memref<4x4x50x64xf32, #tpu.memory_space<vmem>> -> memref<1x4x50x64xf32, #tpu.memory_space<vmem>>
      %dma_wait3A_1497 = tpu.memref_squeeze %dma_wait3A_1496 : memref<1x4x50x64xf32, #tpu.memory_space<vmem>> -> memref<4x50x64xf32, #tpu.memory_space<vmem>>
      %dma_wait3A_1498 = arith.constant 0 : i32
      %dma_wait3A_1499 = arith.constant 0 : i32
      %dma_wait3A_1500 = tpu.memref_slice %dma_wait3A_1497[%dma_wait3A_1491, %dma_wait3A_1498, %dma_wait3A_1499] : memref<4x50x64xf32, #tpu.memory_space<vmem>> -> memref<1x50x64xf32, #tpu.memory_space<vmem>>
      %dma_wait3A_1501 = tpu.memref_squeeze %dma_wait3A_1500 : memref<1x50x64xf32, #tpu.memory_space<vmem>> -> memref<50x64xf32, #tpu.memory_space<vmem>>
      %dma_wait3A_1502 = arith.constant 0 : i32
      %dma_wait3A_1503 = tpu.memref_slice %arg5[%dma_wait3A_1489, %dma_wait3A_1502] : memref<512x50xi32, #tpu.memory_space<vmem>> -> memref<1x50xi32, #tpu.memory_space<vmem>>
      %dma_wait3A_1504 = tpu.memref_squeeze %dma_wait3A_1503 : memref<1x50xi32, #tpu.memory_space<vmem>> -> memref<50xi32, #tpu.memory_space<vmem>>
      %dma_wait3A_1505 = arith.constant 0 : i32
      %dma_wait3A_1506 = arith.constant 0 : i32
      %dma_wait3A_1507 = tpu.memref_slice %arg3[%dma_wait3A_1505, %dma_wait3A_1506] : memref<2000000x64xf32, #tpu.memory_space<hbm>> -> memref<2000000x64xf32, #tpu.memory_space<hbm>>
      %dma_wait3A_1508 = tpu.memref_slice %arg7[%dma_wait3A_1492] : memref<4x!tpu.dma_semaphore, #tpu.memory_space<semaphore_mem>> -> memref<1x!tpu.dma_semaphore, #tpu.memory_space<semaphore_mem>>
      %dma_wait3A_1509 = tpu.memref_squeeze %dma_wait3A_1508 : memref<1x!tpu.dma_semaphore, #tpu.memory_space<semaphore_mem>> -> memref<!tpu.dma_semaphore, #tpu.memory_space<semaphore_mem>>
      tpu.wait_indirect_dma semaphore(%dma_wait3A_1509 : memref<!tpu.dma_semaphore, #tpu.memory_space<semaphore_mem>>) src(%dma_wait3A_1507 : memref<2000000x64xf32, #tpu.memory_space<hbm>>) dst(%dma_wait3A_1501 : memref<50x64xf32, #tpu.memory_space<vmem>>)
      %dma_wait3A_1510 = arith.constant 0 : i32
      %dma_wait3A_1511 = arith.constant 2 : i32
      %dma_wait3A_1512 = arith.constant 3 : i32
      %dma_wait3A_1513 = arith.constant 2 : i32
      %dma_wait3A_1514 = arith.constant 0 : i32
      %dma_wait3A_1515 = arith.constant 0 : i32
      %dma_wait3A_1516 = arith.constant 0 : i32
      %dma_wait3A_1517 = tpu.memref_slice %arg6[%dma_wait3A_1511, %dma_wait3A_1514, %dma_wait3A_1515, %dma_wait3A_1516] : memref<4x4x50x64xf32, #tpu.memory_space<vmem>> -> memref<1x4x50x64xf32, #tpu.memory_space<vmem>>
      %dma_wait3A_1518 = tpu.memref_squeeze %dma_wait3A_1517 : memref<1x4x50x64xf32, #tpu.memory_space<vmem>> -> memref<4x50x64xf32, #tpu.memory_space<vmem>>
      %dma_wait3A_1519 = arith.constant 0 : i32
      %dma_wait3A_1520 = arith.constant 0 : i32
      %dma_wait3A_1521 = tpu.memref_slice %dma_wait3A_1518[%dma_wait3A_1512, %dma_wait3A_1519, %dma_wait3A_1520] : memref<4x50x64xf32, #tpu.memory_space<vmem>> -> memref<1x50x64xf32, #tpu.memory_space<vmem>>
      %dma_wait3A_1522 = tpu.memref_squeeze %dma_wait3A_1521 : memref<1x50x64xf32, #tpu.memory_space<vmem>> -> memref<50x64xf32, #tpu.memory_space<vmem>>
      %dma_wait3A_1523 = arith.constant 0 : i32
      %dma_wait3A_1524 = tpu.memref_slice %arg5[%dma_wait3A_1510, %dma_wait3A_1523] : memref<512x50xi32, #tpu.memory_space<vmem>> -> memref<1x50xi32, #tpu.memory_space<vmem>>
      %dma_wait3A_1525 = tpu.memref_squeeze %dma_wait3A_1524 : memref<1x50xi32, #tpu.memory_space<vmem>> -> memref<50xi32, #tpu.memory_space<vmem>>
      %dma_wait3A_1526 = arith.constant 0 : i32
      %dma_wait3A_1527 = arith.constant 0 : i32
      %dma_wait3A_1528 = tpu.memref_slice %arg3[%dma_wait3A_1526, %dma_wait3A_1527] : memref<2000000x64xf32, #tpu.memory_space<hbm>> -> memref<2000000x64xf32, #tpu.memory_space<hbm>>
      %dma_wait3A_1529 = tpu.memref_slice %arg7[%dma_wait3A_1513] : memref<4x!tpu.dma_semaphore, #tpu.memory_space<semaphore_mem>> -> memref<1x!tpu.dma_semaphore, #tpu.memory_space<semaphore_mem>>
      %dma_wait3A_1530 = tpu.memref_squeeze %dma_wait3A_1529 : memref<1x!tpu.dma_semaphore, #tpu.memory_space<semaphore_mem>> -> memref<!tpu.dma_semaphore, #tpu.memory_space<semaphore_mem>>
      tpu.wait_indirect_dma semaphore(%dma_wait3A_1530 : memref<!tpu.dma_semaphore, #tpu.memory_space<semaphore_mem>>) src(%dma_wait3A_1528 : memref<2000000x64xf32, #tpu.memory_space<hbm>>) dst(%dma_wait3A_1522 : memref<50x64xf32, #tpu.memory_space<vmem>>)
      %mul3A_1531 = arith.constant 4 : i32
      %mul3A_1532 = arith.muli %scan3A_934, %mul3A_1531 : i32
      %add3A_1533 = arith.constant 2 : i32
      %add3A_1534 = arith.addi %mul3A_1532, %add3A_1533 : i32
      %mul3A_1535 = arith.constant 4 : i32
      %mul3A_1536 = arith.muli %add3A_1534, %mul3A_1535 : i32
      %add3A_1537 = arith.addi %mul3A_2, %mul3A_1536 : i32
      %add3A_1538 = arith.constant 0 : i32
      %add3A_1539 = arith.addi %add3A_1537, %add3A_1538 : i32
      %dma_start3A_1540 = arith.constant 2 : i32
      %dma_start3A_1541 = arith.constant 0 : i32
      %dma_start3A_1542 = arith.constant 2 : i32
      %dma_start3A_1543 = arith.constant 0 : i32
      %dma_start3A_1544 = arith.constant 0 : i32
      %dma_start3A_1545 = arith.constant 0 : i32
      %dma_start3A_1546 = tpu.memref_slice %arg6[%dma_start3A_1540, %dma_start3A_1543, %dma_start3A_1544, %dma_start3A_1545] : memref<4x4x50x64xf32, #tpu.memory_space<vmem>> -> memref<1x4x50x64xf32, #tpu.memory_space<vmem>>
      %dma_start3A_1547 = tpu.memref_squeeze %dma_start3A_1546 : memref<1x4x50x64xf32, #tpu.memory_space<vmem>> -> memref<4x50x64xf32, #tpu.memory_space<vmem>>
      %dma_start3A_1548 = arith.constant 0 : i32
      %dma_start3A_1549 = arith.constant 0 : i32
      %dma_start3A_1550 = tpu.memref_slice %dma_start3A_1547[%dma_start3A_1541, %dma_start3A_1548, %dma_start3A_1549] : memref<4x50x64xf32, #tpu.memory_space<vmem>> -> memref<1x50x64xf32, #tpu.memory_space<vmem>>
      %dma_start3A_1551 = tpu.memref_squeeze %dma_start3A_1550 : memref<1x50x64xf32, #tpu.memory_space<vmem>> -> memref<50x64xf32, #tpu.memory_space<vmem>>
      %dma_start3A_1552 = arith.constant 0 : i32
      %dma_start3A_1553 = arith.constant 0 : i32
      %dma_start3A_1554 = tpu.memref_slice %arg4[%add3A_1539, %dma_start3A_1552, %dma_start3A_1553] : memref<16384x56x128xf32, #tpu.memory_space<hbm>> -> memref<1x56x128xf32, #tpu.memory_space<hbm>>
      %dma_start3A_1555 = tpu.memref_squeeze %dma_start3A_1554 : memref<1x56x128xf32, #tpu.memory_space<hbm>> -> memref<56x128xf32, #tpu.memory_space<hbm>>
      %dma_start3A_1556 = arith.constant 0 : i32
      %dma_start3A_1557 = arith.constant 0 : i32
      %dma_start3A_1558 = tpu.memref_slice %dma_start3A_1555[%dma_start3A_1556, %dma_start3A_1557] : memref<56x128xf32, #tpu.memory_space<hbm>> -> memref<50x64xf32, #tpu.memory_space<hbm>>
      %dma_start3A_1559 = tpu.memref_slice %arg8[%dma_start3A_1542] : memref<4x!tpu.dma_semaphore, #tpu.memory_space<semaphore_mem>> -> memref<1x!tpu.dma_semaphore, #tpu.memory_space<semaphore_mem>>
      %dma_start3A_1560 = tpu.memref_squeeze %dma_start3A_1559 : memref<1x!tpu.dma_semaphore, #tpu.memory_space<semaphore_mem>> -> memref<!tpu.dma_semaphore, #tpu.memory_space<semaphore_mem>>
      %dma_start3A_1561 = arith.constant 0 : i32
      %dma_start3A_1562 = arith.constant 0 : i32
      %dma_start3A_1563 = tpu.memref_slice %arg4[%add3A_1539, %dma_start3A_1561, %dma_start3A_1562] : memref<16384x56x128xf32, #tpu.memory_space<hbm>> -> memref<1x56x128xf32, #tpu.memory_space<hbm>>
      %dma_start3A_1564 = tpu.memref_squeeze %dma_start3A_1563 : memref<1x56x128xf32, #tpu.memory_space<hbm>> -> memref<56x128xf32, #tpu.memory_space<hbm>>
      %dma_start3A_1565 = arith.constant 0 : i32
      %dma_start3A_1566 = arith.constant 0 : i32
      %dma_start3A_1567 = tpu.memref_slice %dma_start3A_1564[%dma_start3A_1565, %dma_start3A_1566] : memref<56x128xf32, #tpu.memory_space<hbm>> -> memref<50x64xf32, #tpu.memory_space<hbm>>
      %dma_start3A_1568 = arith.constant 0 : i32
      %dma_start3A_1569 = arith.constant 0 : i32
      %dma_start3A_1570 = arith.constant 0 : i32
      %dma_start3A_1571 = tpu.memref_slice %arg6[%dma_start3A_1540, %dma_start3A_1568, %dma_start3A_1569, %dma_start3A_1570] : memref<4x4x50x64xf32, #tpu.memory_space<vmem>> -> memref<1x4x50x64xf32, #tpu.memory_space<vmem>>
      %dma_start3A_1572 = tpu.memref_squeeze %dma_start3A_1571 : memref<1x4x50x64xf32, #tpu.memory_space<vmem>> -> memref<4x50x64xf32, #tpu.memory_space<vmem>>
      %dma_start3A_1573 = arith.constant 0 : i32
      %dma_start3A_1574 = arith.constant 0 : i32
      %dma_start3A_1575 = tpu.memref_slice %dma_start3A_1572[%dma_start3A_1541, %dma_start3A_1573, %dma_start3A_1574] : memref<4x50x64xf32, #tpu.memory_space<vmem>> -> memref<1x50x64xf32, #tpu.memory_space<vmem>>
      %dma_start3A_1576 = tpu.memref_squeeze %dma_start3A_1575 : memref<1x50x64xf32, #tpu.memory_space<vmem>> -> memref<50x64xf32, #tpu.memory_space<vmem>>
      tpu.enqueue_dma source(%dma_start3A_1576 : memref<50x64xf32, #tpu.memory_space<vmem>>) target(%dma_start3A_1567 : memref<50x64xf32, #tpu.memory_space<hbm>>) target_semaphore(%dma_start3A_1560 : memref<!tpu.dma_semaphore, #tpu.memory_space<semaphore_mem>>)
      %mul3A_1577 = arith.constant 4 : i32
      %mul3A_1578 = arith.muli %add3A_1534, %mul3A_1577 : i32
      %add3A_1579 = arith.addi %mul3A_2, %mul3A_1578 : i32
      %add3A_1580 = arith.constant 1 : i32
      %add3A_1581 = arith.addi %add3A_1579, %add3A_1580 : i32
      %dma_start3A_1582 = arith.constant 2 : i32
      %dma_start3A_1583 = arith.constant 1 : i32
      %dma_start3A_1584 = arith.constant 2 : i32
      %dma_start3A_1585 = arith.constant 0 : i32
      %dma_start3A_1586 = arith.constant 0 : i32
      %dma_start3A_1587 = arith.constant 0 : i32
      %dma_start3A_1588 = tpu.memref_slice %arg6[%dma_start3A_1582, %dma_start3A_1585, %dma_start3A_1586, %dma_start3A_1587] : memref<4x4x50x64xf32, #tpu.memory_space<vmem>> -> memref<1x4x50x64xf32, #tpu.memory_space<vmem>>
      %dma_start3A_1589 = tpu.memref_squeeze %dma_start3A_1588 : memref<1x4x50x64xf32, #tpu.memory_space<vmem>> -> memref<4x50x64xf32, #tpu.memory_space<vmem>>
      %dma_start3A_1590 = arith.constant 0 : i32
      %dma_start3A_1591 = arith.constant 0 : i32
      %dma_start3A_1592 = tpu.memref_slice %dma_start3A_1589[%dma_start3A_1583, %dma_start3A_1590, %dma_start3A_1591] : memref<4x50x64xf32, #tpu.memory_space<vmem>> -> memref<1x50x64xf32, #tpu.memory_space<vmem>>
      %dma_start3A_1593 = tpu.memref_squeeze %dma_start3A_1592 : memref<1x50x64xf32, #tpu.memory_space<vmem>> -> memref<50x64xf32, #tpu.memory_space<vmem>>
      %dma_start3A_1594 = arith.constant 0 : i32
      %dma_start3A_1595 = arith.constant 0 : i32
      %dma_start3A_1596 = tpu.memref_slice %arg4[%add3A_1581, %dma_start3A_1594, %dma_start3A_1595] : memref<16384x56x128xf32, #tpu.memory_space<hbm>> -> memref<1x56x128xf32, #tpu.memory_space<hbm>>
      %dma_start3A_1597 = tpu.memref_squeeze %dma_start3A_1596 : memref<1x56x128xf32, #tpu.memory_space<hbm>> -> memref<56x128xf32, #tpu.memory_space<hbm>>
      %dma_start3A_1598 = arith.constant 0 : i32
      %dma_start3A_1599 = arith.constant 0 : i32
      %dma_start3A_1600 = tpu.memref_slice %dma_start3A_1597[%dma_start3A_1598, %dma_start3A_1599] : memref<56x128xf32, #tpu.memory_space<hbm>> -> memref<50x64xf32, #tpu.memory_space<hbm>>
      %dma_start3A_1601 = tpu.memref_slice %arg8[%dma_start3A_1584] : memref<4x!tpu.dma_semaphore, #tpu.memory_space<semaphore_mem>> -> memref<1x!tpu.dma_semaphore, #tpu.memory_space<semaphore_mem>>
      %dma_start3A_1602 = tpu.memref_squeeze %dma_start3A_1601 : memref<1x!tpu.dma_semaphore, #tpu.memory_space<semaphore_mem>> -> memref<!tpu.dma_semaphore, #tpu.memory_space<semaphore_mem>>
      %dma_start3A_1603 = arith.constant 0 : i32
      %dma_start3A_1604 = arith.constant 0 : i32
      %dma_start3A_1605 = tpu.memref_slice %arg4[%add3A_1581, %dma_start3A_1603, %dma_start3A_1604] : memref<16384x56x128xf32, #tpu.memory_space<hbm>> -> memref<1x56x128xf32, #tpu.memory_space<hbm>>
      %dma_start3A_1606 = tpu.memref_squeeze %dma_start3A_1605 : memref<1x56x128xf32, #tpu.memory_space<hbm>> -> memref<56x128xf32, #tpu.memory_space<hbm>>
      %dma_start3A_1607 = arith.constant 0 : i32
      %dma_start3A_1608 = arith.constant 0 : i32
      %dma_start3A_1609 = tpu.memref_slice %dma_start3A_1606[%dma_start3A_1607, %dma_start3A_1608] : memref<56x128xf32, #tpu.memory_space<hbm>> -> memref<50x64xf32, #tpu.memory_space<hbm>>
      %dma_start3A_1610 = arith.constant 0 : i32
      %dma_start3A_1611 = arith.constant 0 : i32
      %dma_start3A_1612 = arith.constant 0 : i32
      %dma_start3A_1613 = tpu.memref_slice %arg6[%dma_start3A_1582, %dma_start3A_1610, %dma_start3A_1611, %dma_start3A_1612] : memref<4x4x50x64xf32, #tpu.memory_space<vmem>> -> memref<1x4x50x64xf32, #tpu.memory_space<vmem>>
      %dma_start3A_1614 = tpu.memref_squeeze %dma_start3A_1613 : memref<1x4x50x64xf32, #tpu.memory_space<vmem>> -> memref<4x50x64xf32, #tpu.memory_space<vmem>>
      %dma_start3A_1615 = arith.constant 0 : i32
      %dma_start3A_1616 = arith.constant 0 : i32
      %dma_start3A_1617 = tpu.memref_slice %dma_start3A_1614[%dma_start3A_1583, %dma_start3A_1615, %dma_start3A_1616] : memref<4x50x64xf32, #tpu.memory_space<vmem>> -> memref<1x50x64xf32, #tpu.memory_space<vmem>>
      %dma_start3A_1618 = tpu.memref_squeeze %dma_start3A_1617 : memref<1x50x64xf32, #tpu.memory_space<vmem>> -> memref<50x64xf32, #tpu.memory_space<vmem>>
      tpu.enqueue_dma source(%dma_start3A_1618 : memref<50x64xf32, #tpu.memory_space<vmem>>) target(%dma_start3A_1609 : memref<50x64xf32, #tpu.memory_space<hbm>>) target_semaphore(%dma_start3A_1602 : memref<!tpu.dma_semaphore, #tpu.memory_space<semaphore_mem>>)
      %mul3A_1619 = arith.constant 4 : i32
      %mul3A_1620 = arith.muli %add3A_1534, %mul3A_1619 : i32
      %add3A_1621 = arith.addi %mul3A_2, %mul3A_1620 : i32
      %add3A_1622 = arith.constant 2 : i32
      %add3A_1623 = arith.addi %add3A_1621, %add3A_1622 : i32
      %dma_start3A_1624 = arith.constant 2 : i32
      %dma_start3A_1625 = arith.constant 2 : i32
      %dma_start3A_1626 = arith.constant 2 : i32
      %dma_start3A_1627 = arith.constant 0 : i32
      %dma_start3A_1628 = arith.constant 0 : i32
      %dma_start3A_1629 = arith.constant 0 : i32
      %dma_start3A_1630 = tpu.memref_slice %arg6[%dma_start3A_1624, %dma_start3A_1627, %dma_start3A_1628, %dma_start3A_1629] : memref<4x4x50x64xf32, #tpu.memory_space<vmem>> -> memref<1x4x50x64xf32, #tpu.memory_space<vmem>>
      %dma_start3A_1631 = tpu.memref_squeeze %dma_start3A_1630 : memref<1x4x50x64xf32, #tpu.memory_space<vmem>> -> memref<4x50x64xf32, #tpu.memory_space<vmem>>
      %dma_start3A_1632 = arith.constant 0 : i32
      %dma_start3A_1633 = arith.constant 0 : i32
      %dma_start3A_1634 = tpu.memref_slice %dma_start3A_1631[%dma_start3A_1625, %dma_start3A_1632, %dma_start3A_1633] : memref<4x50x64xf32, #tpu.memory_space<vmem>> -> memref<1x50x64xf32, #tpu.memory_space<vmem>>
      %dma_start3A_1635 = tpu.memref_squeeze %dma_start3A_1634 : memref<1x50x64xf32, #tpu.memory_space<vmem>> -> memref<50x64xf32, #tpu.memory_space<vmem>>
      %dma_start3A_1636 = arith.constant 0 : i32
      %dma_start3A_1637 = arith.constant 0 : i32
      %dma_start3A_1638 = tpu.memref_slice %arg4[%add3A_1623, %dma_start3A_1636, %dma_start3A_1637] : memref<16384x56x128xf32, #tpu.memory_space<hbm>> -> memref<1x56x128xf32, #tpu.memory_space<hbm>>
      %dma_start3A_1639 = tpu.memref_squeeze %dma_start3A_1638 : memref<1x56x128xf32, #tpu.memory_space<hbm>> -> memref<56x128xf32, #tpu.memory_space<hbm>>
      %dma_start3A_1640 = arith.constant 0 : i32
      %dma_start3A_1641 = arith.constant 0 : i32
      %dma_start3A_1642 = tpu.memref_slice %dma_start3A_1639[%dma_start3A_1640, %dma_start3A_1641] : memref<56x128xf32, #tpu.memory_space<hbm>> -> memref<50x64xf32, #tpu.memory_space<hbm>>
      %dma_start3A_1643 = tpu.memref_slice %arg8[%dma_start3A_1626] : memref<4x!tpu.dma_semaphore, #tpu.memory_space<semaphore_mem>> -> memref<1x!tpu.dma_semaphore, #tpu.memory_space<semaphore_mem>>
      %dma_start3A_1644 = tpu.memref_squeeze %dma_start3A_1643 : memref<1x!tpu.dma_semaphore, #tpu.memory_space<semaphore_mem>> -> memref<!tpu.dma_semaphore, #tpu.memory_space<semaphore_mem>>
      %dma_start3A_1645 = arith.constant 0 : i32
      %dma_start3A_1646 = arith.constant 0 : i32
      %dma_start3A_1647 = tpu.memref_slice %arg4[%add3A_1623, %dma_start3A_1645, %dma_start3A_1646] : memref<16384x56x128xf32, #tpu.memory_space<hbm>> -> memref<1x56x128xf32, #tpu.memory_space<hbm>>
      %dma_start3A_1648 = tpu.memref_squeeze %dma_start3A_1647 : memref<1x56x128xf32, #tpu.memory_space<hbm>> -> memref<56x128xf32, #tpu.memory_space<hbm>>
      %dma_start3A_1649 = arith.constant 0 : i32
      %dma_start3A_1650 = arith.constant 0 : i32
      %dma_start3A_1651 = tpu.memref_slice %dma_start3A_1648[%dma_start3A_1649, %dma_start3A_1650] : memref<56x128xf32, #tpu.memory_space<hbm>> -> memref<50x64xf32, #tpu.memory_space<hbm>>
      %dma_start3A_1652 = arith.constant 0 : i32
      %dma_start3A_1653 = arith.constant 0 : i32
      %dma_start3A_1654 = arith.constant 0 : i32
      %dma_start3A_1655 = tpu.memref_slice %arg6[%dma_start3A_1624, %dma_start3A_1652, %dma_start3A_1653, %dma_start3A_1654] : memref<4x4x50x64xf32, #tpu.memory_space<vmem>> -> memref<1x4x50x64xf32, #tpu.memory_space<vmem>>
      %dma_start3A_1656 = tpu.memref_squeeze %dma_start3A_1655 : memref<1x4x50x64xf32, #tpu.memory_space<vmem>> -> memref<4x50x64xf32, #tpu.memory_space<vmem>>
      %dma_start3A_1657 = arith.constant 0 : i32
      %dma_start3A_1658 = arith.constant 0 : i32
      %dma_start3A_1659 = tpu.memref_slice %dma_start3A_1656[%dma_start3A_1625, %dma_start3A_1657, %dma_start3A_1658] : memref<4x50x64xf32, #tpu.memory_space<vmem>> -> memref<1x50x64xf32, #tpu.memory_space<vmem>>
      %dma_start3A_1660 = tpu.memref_squeeze %dma_start3A_1659 : memref<1x50x64xf32, #tpu.memory_space<vmem>> -> memref<50x64xf32, #tpu.memory_space<vmem>>
      tpu.enqueue_dma source(%dma_start3A_1660 : memref<50x64xf32, #tpu.memory_space<vmem>>) target(%dma_start3A_1651 : memref<50x64xf32, #tpu.memory_space<hbm>>) target_semaphore(%dma_start3A_1644 : memref<!tpu.dma_semaphore, #tpu.memory_space<semaphore_mem>>)
      %mul3A_1661 = arith.constant 4 : i32
      %mul3A_1662 = arith.muli %add3A_1534, %mul3A_1661 : i32
      %add3A_1663 = arith.addi %mul3A_2, %mul3A_1662 : i32
      %add3A_1664 = arith.constant 3 : i32
      %add3A_1665 = arith.addi %add3A_1663, %add3A_1664 : i32
      %dma_start3A_1666 = arith.constant 2 : i32
      %dma_start3A_1667 = arith.constant 3 : i32
      %dma_start3A_1668 = arith.constant 2 : i32
      %dma_start3A_1669 = arith.constant 0 : i32
      %dma_start3A_1670 = arith.constant 0 : i32
      %dma_start3A_1671 = arith.constant 0 : i32
      %dma_start3A_1672 = tpu.memref_slice %arg6[%dma_start3A_1666, %dma_start3A_1669, %dma_start3A_1670, %dma_start3A_1671] : memref<4x4x50x64xf32, #tpu.memory_space<vmem>> -> memref<1x4x50x64xf32, #tpu.memory_space<vmem>>
      %dma_start3A_1673 = tpu.memref_squeeze %dma_start3A_1672 : memref<1x4x50x64xf32, #tpu.memory_space<vmem>> -> memref<4x50x64xf32, #tpu.memory_space<vmem>>
      %dma_start3A_1674 = arith.constant 0 : i32
      %dma_start3A_1675 = arith.constant 0 : i32
      %dma_start3A_1676 = tpu.memref_slice %dma_start3A_1673[%dma_start3A_1667, %dma_start3A_1674, %dma_start3A_1675] : memref<4x50x64xf32, #tpu.memory_space<vmem>> -> memref<1x50x64xf32, #tpu.memory_space<vmem>>
      %dma_start3A_1677 = tpu.memref_squeeze %dma_start3A_1676 : memref<1x50x64xf32, #tpu.memory_space<vmem>> -> memref<50x64xf32, #tpu.memory_space<vmem>>
      %dma_start3A_1678 = arith.constant 0 : i32
      %dma_start3A_1679 = arith.constant 0 : i32
      %dma_start3A_1680 = tpu.memref_slice %arg4[%add3A_1665, %dma_start3A_1678, %dma_start3A_1679] : memref<16384x56x128xf32, #tpu.memory_space<hbm>> -> memref<1x56x128xf32, #tpu.memory_space<hbm>>
      %dma_start3A_1681 = tpu.memref_squeeze %dma_start3A_1680 : memref<1x56x128xf32, #tpu.memory_space<hbm>> -> memref<56x128xf32, #tpu.memory_space<hbm>>
      %dma_start3A_1682 = arith.constant 0 : i32
      %dma_start3A_1683 = arith.constant 0 : i32
      %dma_start3A_1684 = tpu.memref_slice %dma_start3A_1681[%dma_start3A_1682, %dma_start3A_1683] : memref<56x128xf32, #tpu.memory_space<hbm>> -> memref<50x64xf32, #tpu.memory_space<hbm>>
      %dma_start3A_1685 = tpu.memref_slice %arg8[%dma_start3A_1668] : memref<4x!tpu.dma_semaphore, #tpu.memory_space<semaphore_mem>> -> memref<1x!tpu.dma_semaphore, #tpu.memory_space<semaphore_mem>>
      %dma_start3A_1686 = tpu.memref_squeeze %dma_start3A_1685 : memref<1x!tpu.dma_semaphore, #tpu.memory_space<semaphore_mem>> -> memref<!tpu.dma_semaphore, #tpu.memory_space<semaphore_mem>>
      %dma_start3A_1687 = arith.constant 0 : i32
      %dma_start3A_1688 = arith.constant 0 : i32
      %dma_start3A_1689 = tpu.memref_slice %arg4[%add3A_1665, %dma_start3A_1687, %dma_start3A_1688] : memref<16384x56x128xf32, #tpu.memory_space<hbm>> -> memref<1x56x128xf32, #tpu.memory_space<hbm>>
      %dma_start3A_1690 = tpu.memref_squeeze %dma_start3A_1689 : memref<1x56x128xf32, #tpu.memory_space<hbm>> -> memref<56x128xf32, #tpu.memory_space<hbm>>
      %dma_start3A_1691 = arith.constant 0 : i32
      %dma_start3A_1692 = arith.constant 0 : i32
      %dma_start3A_1693 = tpu.memref_slice %dma_start3A_1690[%dma_start3A_1691, %dma_start3A_1692] : memref<56x128xf32, #tpu.memory_space<hbm>> -> memref<50x64xf32, #tpu.memory_space<hbm>>
      %dma_start3A_1694 = arith.constant 0 : i32
      %dma_start3A_1695 = arith.constant 0 : i32
      %dma_start3A_1696 = arith.constant 0 : i32
      %dma_start3A_1697 = tpu.memref_slice %arg6[%dma_start3A_1666, %dma_start3A_1694, %dma_start3A_1695, %dma_start3A_1696] : memref<4x4x50x64xf32, #tpu.memory_space<vmem>> -> memref<1x4x50x64xf32, #tpu.memory_space<vmem>>
      %dma_start3A_1698 = tpu.memref_squeeze %dma_start3A_1697 : memref<1x4x50x64xf32, #tpu.memory_space<vmem>> -> memref<4x50x64xf32, #tpu.memory_space<vmem>>
      %dma_start3A_1699 = arith.constant 0 : i32
      %dma_start3A_1700 = arith.constant 0 : i32
      %dma_start3A_1701 = tpu.memref_slice %dma_start3A_1698[%dma_start3A_1667, %dma_start3A_1699, %dma_start3A_1700] : memref<4x50x64xf32, #tpu.memory_space<vmem>> -> memref<1x50x64xf32, #tpu.memory_space<vmem>>
      %dma_start3A_1702 = tpu.memref_squeeze %dma_start3A_1701 : memref<1x50x64xf32, #tpu.memory_space<vmem>> -> memref<50x64xf32, #tpu.memory_space<vmem>>
      tpu.enqueue_dma source(%dma_start3A_1702 : memref<50x64xf32, #tpu.memory_space<vmem>>) target(%dma_start3A_1693 : memref<50x64xf32, #tpu.memory_space<hbm>>) target_semaphore(%dma_start3A_1686 : memref<!tpu.dma_semaphore, #tpu.memory_space<semaphore_mem>>)
      %dma_wait3A_1703 = arith.constant 0 : i32
      %dma_wait3A_1704 = arith.constant 3 : i32
      %dma_wait3A_1705 = arith.constant 0 : i32
      %dma_wait3A_1706 = arith.constant 3 : i32
      %dma_wait3A_1707 = arith.constant 0 : i32
      %dma_wait3A_1708 = arith.constant 0 : i32
      %dma_wait3A_1709 = arith.constant 0 : i32
      %dma_wait3A_1710 = tpu.memref_slice %arg6[%dma_wait3A_1704, %dma_wait3A_1707, %dma_wait3A_1708, %dma_wait3A_1709] : memref<4x4x50x64xf32, #tpu.memory_space<vmem>> -> memref<1x4x50x64xf32, #tpu.memory_space<vmem>>
      %dma_wait3A_1711 = tpu.memref_squeeze %dma_wait3A_1710 : memref<1x4x50x64xf32, #tpu.memory_space<vmem>> -> memref<4x50x64xf32, #tpu.memory_space<vmem>>
      %dma_wait3A_1712 = arith.constant 0 : i32
      %dma_wait3A_1713 = arith.constant 0 : i32
      %dma_wait3A_1714 = tpu.memref_slice %dma_wait3A_1711[%dma_wait3A_1705, %dma_wait3A_1712, %dma_wait3A_1713] : memref<4x50x64xf32, #tpu.memory_space<vmem>> -> memref<1x50x64xf32, #tpu.memory_space<vmem>>
      %dma_wait3A_1715 = tpu.memref_squeeze %dma_wait3A_1714 : memref<1x50x64xf32, #tpu.memory_space<vmem>> -> memref<50x64xf32, #tpu.memory_space<vmem>>
      %dma_wait3A_1716 = arith.constant 0 : i32
      %dma_wait3A_1717 = tpu.memref_slice %arg5[%dma_wait3A_1703, %dma_wait3A_1716] : memref<512x50xi32, #tpu.memory_space<vmem>> -> memref<1x50xi32, #tpu.memory_space<vmem>>
      %dma_wait3A_1718 = tpu.memref_squeeze %dma_wait3A_1717 : memref<1x50xi32, #tpu.memory_space<vmem>> -> memref<50xi32, #tpu.memory_space<vmem>>
      %dma_wait3A_1719 = arith.constant 0 : i32
      %dma_wait3A_1720 = arith.constant 0 : i32
      %dma_wait3A_1721 = tpu.memref_slice %arg3[%dma_wait3A_1719, %dma_wait3A_1720] : memref<2000000x64xf32, #tpu.memory_space<hbm>> -> memref<2000000x64xf32, #tpu.memory_space<hbm>>
      %dma_wait3A_1722 = tpu.memref_slice %arg7[%dma_wait3A_1706] : memref<4x!tpu.dma_semaphore, #tpu.memory_space<semaphore_mem>> -> memref<1x!tpu.dma_semaphore, #tpu.memory_space<semaphore_mem>>
      %dma_wait3A_1723 = tpu.memref_squeeze %dma_wait3A_1722 : memref<1x!tpu.dma_semaphore, #tpu.memory_space<semaphore_mem>> -> memref<!tpu.dma_semaphore, #tpu.memory_space<semaphore_mem>>
      tpu.wait_indirect_dma semaphore(%dma_wait3A_1723 : memref<!tpu.dma_semaphore, #tpu.memory_space<semaphore_mem>>) src(%dma_wait3A_1721 : memref<2000000x64xf32, #tpu.memory_space<hbm>>) dst(%dma_wait3A_1715 : memref<50x64xf32, #tpu.memory_space<vmem>>)
      %dma_wait3A_1724 = arith.constant 0 : i32
      %dma_wait3A_1725 = arith.constant 3 : i32
      %dma_wait3A_1726 = arith.constant 1 : i32
      %dma_wait3A_1727 = arith.constant 3 : i32
      %dma_wait3A_1728 = arith.constant 0 : i32
      %dma_wait3A_1729 = arith.constant 0 : i32
      %dma_wait3A_1730 = arith.constant 0 : i32
      %dma_wait3A_1731 = tpu.memref_slice %arg6[%dma_wait3A_1725, %dma_wait3A_1728, %dma_wait3A_1729, %dma_wait3A_1730] : memref<4x4x50x64xf32, #tpu.memory_space<vmem>> -> memref<1x4x50x64xf32, #tpu.memory_space<vmem>>
      %dma_wait3A_1732 = tpu.memref_squeeze %dma_wait3A_1731 : memref<1x4x50x64xf32, #tpu.memory_space<vmem>> -> memref<4x50x64xf32, #tpu.memory_space<vmem>>
      %dma_wait3A_1733 = arith.constant 0 : i32
      %dma_wait3A_1734 = arith.constant 0 : i32
      %dma_wait3A_1735 = tpu.memref_slice %dma_wait3A_1732[%dma_wait3A_1726, %dma_wait3A_1733, %dma_wait3A_1734] : memref<4x50x64xf32, #tpu.memory_space<vmem>> -> memref<1x50x64xf32, #tpu.memory_space<vmem>>
      %dma_wait3A_1736 = tpu.memref_squeeze %dma_wait3A_1735 : memref<1x50x64xf32, #tpu.memory_space<vmem>> -> memref<50x64xf32, #tpu.memory_space<vmem>>
      %dma_wait3A_1737 = arith.constant 0 : i32
      %dma_wait3A_1738 = tpu.memref_slice %arg5[%dma_wait3A_1724, %dma_wait3A_1737] : memref<512x50xi32, #tpu.memory_space<vmem>> -> memref<1x50xi32, #tpu.memory_space<vmem>>
      %dma_wait3A_1739 = tpu.memref_squeeze %dma_wait3A_1738 : memref<1x50xi32, #tpu.memory_space<vmem>> -> memref<50xi32, #tpu.memory_space<vmem>>
      %dma_wait3A_1740 = arith.constant 0 : i32
      %dma_wait3A_1741 = arith.constant 0 : i32
      %dma_wait3A_1742 = tpu.memref_slice %arg3[%dma_wait3A_1740, %dma_wait3A_1741] : memref<2000000x64xf32, #tpu.memory_space<hbm>> -> memref<2000000x64xf32, #tpu.memory_space<hbm>>
      %dma_wait3A_1743 = tpu.memref_slice %arg7[%dma_wait3A_1727] : memref<4x!tpu.dma_semaphore, #tpu.memory_space<semaphore_mem>> -> memref<1x!tpu.dma_semaphore, #tpu.memory_space<semaphore_mem>>
      %dma_wait3A_1744 = tpu.memref_squeeze %dma_wait3A_1743 : memref<1x!tpu.dma_semaphore, #tpu.memory_space<semaphore_mem>> -> memref<!tpu.dma_semaphore, #tpu.memory_space<semaphore_mem>>
      tpu.wait_indirect_dma semaphore(%dma_wait3A_1744 : memref<!tpu.dma_semaphore, #tpu.memory_space<semaphore_mem>>) src(%dma_wait3A_1742 : memref<2000000x64xf32, #tpu.memory_space<hbm>>) dst(%dma_wait3A_1736 : memref<50x64xf32, #tpu.memory_space<vmem>>)
      %dma_wait3A_1745 = arith.constant 0 : i32
      %dma_wait3A_1746 = arith.constant 3 : i32
      %dma_wait3A_1747 = arith.constant 2 : i32
      %dma_wait3A_1748 = arith.constant 3 : i32
      %dma_wait3A_1749 = arith.constant 0 : i32
      %dma_wait3A_1750 = arith.constant 0 : i32
      %dma_wait3A_1751 = arith.constant 0 : i32
      %dma_wait3A_1752 = tpu.memref_slice %arg6[%dma_wait3A_1746, %dma_wait3A_1749, %dma_wait3A_1750, %dma_wait3A_1751] : memref<4x4x50x64xf32, #tpu.memory_space<vmem>> -> memref<1x4x50x64xf32, #tpu.memory_space<vmem>>
      %dma_wait3A_1753 = tpu.memref_squeeze %dma_wait3A_1752 : memref<1x4x50x64xf32, #tpu.memory_space<vmem>> -> memref<4x50x64xf32, #tpu.memory_space<vmem>>
      %dma_wait3A_1754 = arith.constant 0 : i32
      %dma_wait3A_1755 = arith.constant 0 : i32
      %dma_wait3A_1756 = tpu.memref_slice %dma_wait3A_1753[%dma_wait3A_1747, %dma_wait3A_1754, %dma_wait3A_1755] : memref<4x50x64xf32, #tpu.memory_space<vmem>> -> memref<1x50x64xf32, #tpu.memory_space<vmem>>
      %dma_wait3A_1757 = tpu.memref_squeeze %dma_wait3A_1756 : memref<1x50x64xf32, #tpu.memory_space<vmem>> -> memref<50x64xf32, #tpu.memory_space<vmem>>
      %dma_wait3A_1758 = arith.constant 0 : i32
      %dma_wait3A_1759 = tpu.memref_slice %arg5[%dma_wait3A_1745, %dma_wait3A_1758] : memref<512x50xi32, #tpu.memory_space<vmem>> -> memref<1x50xi32, #tpu.memory_space<vmem>>
      %dma_wait3A_1760 = tpu.memref_squeeze %dma_wait3A_1759 : memref<1x50xi32, #tpu.memory_space<vmem>> -> memref<50xi32, #tpu.memory_space<vmem>>
      %dma_wait3A_1761 = arith.constant 0 : i32
      %dma_wait3A_1762 = arith.constant 0 : i32
      %dma_wait3A_1763 = tpu.memref_slice %arg3[%dma_wait3A_1761, %dma_wait3A_1762] : memref<2000000x64xf32, #tpu.memory_space<hbm>> -> memref<2000000x64xf32, #tpu.memory_space<hbm>>
      %dma_wait3A_1764 = tpu.memref_slice %arg7[%dma_wait3A_1748] : memref<4x!tpu.dma_semaphore, #tpu.memory_space<semaphore_mem>> -> memref<1x!tpu.dma_semaphore, #tpu.memory_space<semaphore_mem>>
      %dma_wait3A_1765 = tpu.memref_squeeze %dma_wait3A_1764 : memref<1x!tpu.dma_semaphore, #tpu.memory_space<semaphore_mem>> -> memref<!tpu.dma_semaphore, #tpu.memory_space<semaphore_mem>>
      tpu.wait_indirect_dma semaphore(%dma_wait3A_1765 : memref<!tpu.dma_semaphore, #tpu.memory_space<semaphore_mem>>) src(%dma_wait3A_1763 : memref<2000000x64xf32, #tpu.memory_space<hbm>>) dst(%dma_wait3A_1757 : memref<50x64xf32, #tpu.memory_space<vmem>>)
      %dma_wait3A_1766 = arith.constant 0 : i32
      %dma_wait3A_1767 = arith.constant 3 : i32
      %dma_wait3A_1768 = arith.constant 3 : i32
      %dma_wait3A_1769 = arith.constant 3 : i32
      %dma_wait3A_1770 = arith.constant 0 : i32
      %dma_wait3A_1771 = arith.constant 0 : i32
      %dma_wait3A_1772 = arith.constant 0 : i32
      %dma_wait3A_1773 = tpu.memref_slice %arg6[%dma_wait3A_1767, %dma_wait3A_1770, %dma_wait3A_1771, %dma_wait3A_1772] : memref<4x4x50x64xf32, #tpu.memory_space<vmem>> -> memref<1x4x50x64xf32, #tpu.memory_space<vmem>>
      %dma_wait3A_1774 = tpu.memref_squeeze %dma_wait3A_1773 : memref<1x4x50x64xf32, #tpu.memory_space<vmem>> -> memref<4x50x64xf32, #tpu.memory_space<vmem>>
      %dma_wait3A_1775 = arith.constant 0 : i32
      %dma_wait3A_1776 = arith.constant 0 : i32
      %dma_wait3A_1777 = tpu.memref_slice %dma_wait3A_1774[%dma_wait3A_1768, %dma_wait3A_1775, %dma_wait3A_1776] : memref<4x50x64xf32, #tpu.memory_space<vmem>> -> memref<1x50x64xf32, #tpu.memory_space<vmem>>
      %dma_wait3A_1778 = tpu.memref_squeeze %dma_wait3A_1777 : memref<1x50x64xf32, #tpu.memory_space<vmem>> -> memref<50x64xf32, #tpu.memory_space<vmem>>
      %dma_wait3A_1779 = arith.constant 0 : i32
      %dma_wait3A_1780 = tpu.memref_slice %arg5[%dma_wait3A_1766, %dma_wait3A_1779] : memref<512x50xi32, #tpu.memory_space<vmem>> -> memref<1x50xi32, #tpu.memory_space<vmem>>
      %dma_wait3A_1781 = tpu.memref_squeeze %dma_wait3A_1780 : memref<1x50xi32, #tpu.memory_space<vmem>> -> memref<50xi32, #tpu.memory_space<vmem>>
      %dma_wait3A_1782 = arith.constant 0 : i32
      %dma_wait3A_1783 = arith.constant 0 : i32
      %dma_wait3A_1784 = tpu.memref_slice %arg3[%dma_wait3A_1782, %dma_wait3A_1783] : memref<2000000x64xf32, #tpu.memory_space<hbm>> -> memref<2000000x64xf32, #tpu.memory_space<hbm>>
      %dma_wait3A_1785 = tpu.memref_slice %arg7[%dma_wait3A_1769] : memref<4x!tpu.dma_semaphore, #tpu.memory_space<semaphore_mem>> -> memref<1x!tpu.dma_semaphore, #tpu.memory_space<semaphore_mem>>
      %dma_wait3A_1786 = tpu.memref_squeeze %dma_wait3A_1785 : memref<1x!tpu.dma_semaphore, #tpu.memory_space<semaphore_mem>> -> memref<!tpu.dma_semaphore, #tpu.memory_space<semaphore_mem>>
      tpu.wait_indirect_dma semaphore(%dma_wait3A_1786 : memref<!tpu.dma_semaphore, #tpu.memory_space<semaphore_mem>>) src(%dma_wait3A_1784 : memref<2000000x64xf32, #tpu.memory_space<hbm>>) dst(%dma_wait3A_1778 : memref<50x64xf32, #tpu.memory_space<vmem>>)
      %mul3A_1787 = arith.constant 4 : i32
      %mul3A_1788 = arith.muli %scan3A_934, %mul3A_1787 : i32
      %add3A_1789 = arith.constant 3 : i32
      %add3A_1790 = arith.addi %mul3A_1788, %add3A_1789 : i32
      %mul3A_1791 = arith.constant 4 : i32
      %mul3A_1792 = arith.muli %add3A_1790, %mul3A_1791 : i32
      %add3A_1793 = arith.addi %mul3A_2, %mul3A_1792 : i32
      %add3A_1794 = arith.constant 0 : i32
      %add3A_1795 = arith.addi %add3A_1793, %add3A_1794 : i32
      %dma_start3A_1796 = arith.constant 3 : i32
      %dma_start3A_1797 = arith.constant 0 : i32
      %dma_start3A_1798 = arith.constant 3 : i32
      %dma_start3A_1799 = arith.constant 0 : i32
      %dma_start3A_1800 = arith.constant 0 : i32
      %dma_start3A_1801 = arith.constant 0 : i32
      %dma_start3A_1802 = tpu.memref_slice %arg6[%dma_start3A_1796, %dma_start3A_1799, %dma_start3A_1800, %dma_start3A_1801] : memref<4x4x50x64xf32, #tpu.memory_space<vmem>> -> memref<1x4x50x64xf32, #tpu.memory_space<vmem>>
      %dma_start3A_1803 = tpu.memref_squeeze %dma_start3A_1802 : memref<1x4x50x64xf32, #tpu.memory_space<vmem>> -> memref<4x50x64xf32, #tpu.memory_space<vmem>>
      %dma_start3A_1804 = arith.constant 0 : i32
      %dma_start3A_1805 = arith.constant 0 : i32
      %dma_start3A_1806 = tpu.memref_slice %dma_start3A_1803[%dma_start3A_1797, %dma_start3A_1804, %dma_start3A_1805] : memref<4x50x64xf32, #tpu.memory_space<vmem>> -> memref<1x50x64xf32, #tpu.memory_space<vmem>>
      %dma_start3A_1807 = tpu.memref_squeeze %dma_start3A_1806 : memref<1x50x64xf32, #tpu.memory_space<vmem>> -> memref<50x64xf32, #tpu.memory_space<vmem>>
      %dma_start3A_1808 = arith.constant 0 : i32
      %dma_start3A_1809 = arith.constant 0 : i32
      %dma_start3A_1810 = tpu.memref_slice %arg4[%add3A_1795, %dma_start3A_1808, %dma_start3A_1809] : memref<16384x56x128xf32, #tpu.memory_space<hbm>> -> memref<1x56x128xf32, #tpu.memory_space<hbm>>
      %dma_start3A_1811 = tpu.memref_squeeze %dma_start3A_1810 : memref<1x56x128xf32, #tpu.memory_space<hbm>> -> memref<56x128xf32, #tpu.memory_space<hbm>>
      %dma_start3A_1812 = arith.constant 0 : i32
      %dma_start3A_1813 = arith.constant 0 : i32
      %dma_start3A_1814 = tpu.memref_slice %dma_start3A_1811[%dma_start3A_1812, %dma_start3A_1813] : memref<56x128xf32, #tpu.memory_space<hbm>> -> memref<50x64xf32, #tpu.memory_space<hbm>>
      %dma_start3A_1815 = tpu.memref_slice %arg8[%dma_start3A_1798] : memref<4x!tpu.dma_semaphore, #tpu.memory_space<semaphore_mem>> -> memref<1x!tpu.dma_semaphore, #tpu.memory_space<semaphore_mem>>
      %dma_start3A_1816 = tpu.memref_squeeze %dma_start3A_1815 : memref<1x!tpu.dma_semaphore, #tpu.memory_space<semaphore_mem>> -> memref<!tpu.dma_semaphore, #tpu.memory_space<semaphore_mem>>
      %dma_start3A_1817 = arith.constant 0 : i32
      %dma_start3A_1818 = arith.constant 0 : i32
      %dma_start3A_1819 = tpu.memref_slice %arg4[%add3A_1795, %dma_start3A_1817, %dma_start3A_1818] : memref<16384x56x128xf32, #tpu.memory_space<hbm>> -> memref<1x56x128xf32, #tpu.memory_space<hbm>>
      %dma_start3A_1820 = tpu.memref_squeeze %dma_start3A_1819 : memref<1x56x128xf32, #tpu.memory_space<hbm>> -> memref<56x128xf32, #tpu.memory_space<hbm>>
      %dma_start3A_1821 = arith.constant 0 : i32
      %dma_start3A_1822 = arith.constant 0 : i32
      %dma_start3A_1823 = tpu.memref_slice %dma_start3A_1820[%dma_start3A_1821, %dma_start3A_1822] : memref<56x128xf32, #tpu.memory_space<hbm>> -> memref<50x64xf32, #tpu.memory_space<hbm>>
      %dma_start3A_1824 = arith.constant 0 : i32
      %dma_start3A_1825 = arith.constant 0 : i32
      %dma_start3A_1826 = arith.constant 0 : i32
      %dma_start3A_1827 = tpu.memref_slice %arg6[%dma_start3A_1796, %dma_start3A_1824, %dma_start3A_1825, %dma_start3A_1826] : memref<4x4x50x64xf32, #tpu.memory_space<vmem>> -> memref<1x4x50x64xf32, #tpu.memory_space<vmem>>
      %dma_start3A_1828 = tpu.memref_squeeze %dma_start3A_1827 : memref<1x4x50x64xf32, #tpu.memory_space<vmem>> -> memref<4x50x64xf32, #tpu.memory_space<vmem>>
      %dma_start3A_1829 = arith.constant 0 : i32
      %dma_start3A_1830 = arith.constant 0 : i32
      %dma_start3A_1831 = tpu.memref_slice %dma_start3A_1828[%dma_start3A_1797, %dma_start3A_1829, %dma_start3A_1830] : memref<4x50x64xf32, #tpu.memory_space<vmem>> -> memref<1x50x64xf32, #tpu.memory_space<vmem>>
      %dma_start3A_1832 = tpu.memref_squeeze %dma_start3A_1831 : memref<1x50x64xf32, #tpu.memory_space<vmem>> -> memref<50x64xf32, #tpu.memory_space<vmem>>
      tpu.enqueue_dma source(%dma_start3A_1832 : memref<50x64xf32, #tpu.memory_space<vmem>>) target(%dma_start3A_1823 : memref<50x64xf32, #tpu.memory_space<hbm>>) target_semaphore(%dma_start3A_1816 : memref<!tpu.dma_semaphore, #tpu.memory_space<semaphore_mem>>)
      %mul3A_1833 = arith.constant 4 : i32
      %mul3A_1834 = arith.muli %add3A_1790, %mul3A_1833 : i32
      %add3A_1835 = arith.addi %mul3A_2, %mul3A_1834 : i32
      %add3A_1836 = arith.constant 1 : i32
      %add3A_1837 = arith.addi %add3A_1835, %add3A_1836 : i32
      %dma_start3A_1838 = arith.constant 3 : i32
      %dma_start3A_1839 = arith.constant 1 : i32
      %dma_start3A_1840 = arith.constant 3 : i32
      %dma_start3A_1841 = arith.constant 0 : i32
      %dma_start3A_1842 = arith.constant 0 : i32
      %dma_start3A_1843 = arith.constant 0 : i32
      %dma_start3A_1844 = tpu.memref_slice %arg6[%dma_start3A_1838, %dma_start3A_1841, %dma_start3A_1842, %dma_start3A_1843] : memref<4x4x50x64xf32, #tpu.memory_space<vmem>> -> memref<1x4x50x64xf32, #tpu.memory_space<vmem>>
      %dma_start3A_1845 = tpu.memref_squeeze %dma_start3A_1844 : memref<1x4x50x64xf32, #tpu.memory_space<vmem>> -> memref<4x50x64xf32, #tpu.memory_space<vmem>>
      %dma_start3A_1846 = arith.constant 0 : i32
      %dma_start3A_1847 = arith.constant 0 : i32
      %dma_start3A_1848 = tpu.memref_slice %dma_start3A_1845[%dma_start3A_1839, %dma_start3A_1846, %dma_start3A_1847] : memref<4x50x64xf32, #tpu.memory_space<vmem>> -> memref<1x50x64xf32, #tpu.memory_space<vmem>>
      %dma_start3A_1849 = tpu.memref_squeeze %dma_start3A_1848 : memref<1x50x64xf32, #tpu.memory_space<vmem>> -> memref<50x64xf32, #tpu.memory_space<vmem>>
      %dma_start3A_1850 = arith.constant 0 : i32
      %dma_start3A_1851 = arith.constant 0 : i32
      %dma_start3A_1852 = tpu.memref_slice %arg4[%add3A_1837, %dma_start3A_1850, %dma_start3A_1851] : memref<16384x56x128xf32, #tpu.memory_space<hbm>> -> memref<1x56x128xf32, #tpu.memory_space<hbm>>
      %dma_start3A_1853 = tpu.memref_squeeze %dma_start3A_1852 : memref<1x56x128xf32, #tpu.memory_space<hbm>> -> memref<56x128xf32, #tpu.memory_space<hbm>>
      %dma_start3A_1854 = arith.constant 0 : i32
      %dma_start3A_1855 = arith.constant 0 : i32
      %dma_start3A_1856 = tpu.memref_slice %dma_start3A_1853[%dma_start3A_1854, %dma_start3A_1855] : memref<56x128xf32, #tpu.memory_space<hbm>> -> memref<50x64xf32, #tpu.memory_space<hbm>>
      %dma_start3A_1857 = tpu.memref_slice %arg8[%dma_start3A_1840] : memref<4x!tpu.dma_semaphore, #tpu.memory_space<semaphore_mem>> -> memref<1x!tpu.dma_semaphore, #tpu.memory_space<semaphore_mem>>
      %dma_start3A_1858 = tpu.memref_squeeze %dma_start3A_1857 : memref<1x!tpu.dma_semaphore, #tpu.memory_space<semaphore_mem>> -> memref<!tpu.dma_semaphore, #tpu.memory_space<semaphore_mem>>
      %dma_start3A_1859 = arith.constant 0 : i32
      %dma_start3A_1860 = arith.constant 0 : i32
      %dma_start3A_1861 = tpu.memref_slice %arg4[%add3A_1837, %dma_start3A_1859, %dma_start3A_1860] : memref<16384x56x128xf32, #tpu.memory_space<hbm>> -> memref<1x56x128xf32, #tpu.memory_space<hbm>>
      %dma_start3A_1862 = tpu.memref_squeeze %dma_start3A_1861 : memref<1x56x128xf32, #tpu.memory_space<hbm>> -> memref<56x128xf32, #tpu.memory_space<hbm>>
      %dma_start3A_1863 = arith.constant 0 : i32
      %dma_start3A_1864 = arith.constant 0 : i32
      %dma_start3A_1865 = tpu.memref_slice %dma_start3A_1862[%dma_start3A_1863, %dma_start3A_1864] : memref<56x128xf32, #tpu.memory_space<hbm>> -> memref<50x64xf32, #tpu.memory_space<hbm>>
      %dma_start3A_1866 = arith.constant 0 : i32
      %dma_start3A_1867 = arith.constant 0 : i32
      %dma_start3A_1868 = arith.constant 0 : i32
      %dma_start3A_1869 = tpu.memref_slice %arg6[%dma_start3A_1838, %dma_start3A_1866, %dma_start3A_1867, %dma_start3A_1868] : memref<4x4x50x64xf32, #tpu.memory_space<vmem>> -> memref<1x4x50x64xf32, #tpu.memory_space<vmem>>
      %dma_start3A_1870 = tpu.memref_squeeze %dma_start3A_1869 : memref<1x4x50x64xf32, #tpu.memory_space<vmem>> -> memref<4x50x64xf32, #tpu.memory_space<vmem>>
      %dma_start3A_1871 = arith.constant 0 : i32
      %dma_start3A_1872 = arith.constant 0 : i32
      %dma_start3A_1873 = tpu.memref_slice %dma_start3A_1870[%dma_start3A_1839, %dma_start3A_1871, %dma_start3A_1872] : memref<4x50x64xf32, #tpu.memory_space<vmem>> -> memref<1x50x64xf32, #tpu.memory_space<vmem>>
      %dma_start3A_1874 = tpu.memref_squeeze %dma_start3A_1873 : memref<1x50x64xf32, #tpu.memory_space<vmem>> -> memref<50x64xf32, #tpu.memory_space<vmem>>
      tpu.enqueue_dma source(%dma_start3A_1874 : memref<50x64xf32, #tpu.memory_space<vmem>>) target(%dma_start3A_1865 : memref<50x64xf32, #tpu.memory_space<hbm>>) target_semaphore(%dma_start3A_1858 : memref<!tpu.dma_semaphore, #tpu.memory_space<semaphore_mem>>)
      %mul3A_1875 = arith.constant 4 : i32
      %mul3A_1876 = arith.muli %add3A_1790, %mul3A_1875 : i32
      %add3A_1877 = arith.addi %mul3A_2, %mul3A_1876 : i32
      %add3A_1878 = arith.constant 2 : i32
      %add3A_1879 = arith.addi %add3A_1877, %add3A_1878 : i32
      %dma_start3A_1880 = arith.constant 3 : i32
      %dma_start3A_1881 = arith.constant 2 : i32
      %dma_start3A_1882 = arith.constant 3 : i32
      %dma_start3A_1883 = arith.constant 0 : i32
      %dma_start3A_1884 = arith.constant 0 : i32
      %dma_start3A_1885 = arith.constant 0 : i32
      %dma_start3A_1886 = tpu.memref_slice %arg6[%dma_start3A_1880, %dma_start3A_1883, %dma_start3A_1884, %dma_start3A_1885] : memref<4x4x50x64xf32, #tpu.memory_space<vmem>> -> memref<1x4x50x64xf32, #tpu.memory_space<vmem>>
      %dma_start3A_1887 = tpu.memref_squeeze %dma_start3A_1886 : memref<1x4x50x64xf32, #tpu.memory_space<vmem>> -> memref<4x50x64xf32, #tpu.memory_space<vmem>>
      %dma_start3A_1888 = arith.constant 0 : i32
      %dma_start3A_1889 = arith.constant 0 : i32
      %dma_start3A_1890 = tpu.memref_slice %dma_start3A_1887[%dma_start3A_1881, %dma_start3A_1888, %dma_start3A_1889] : memref<4x50x64xf32, #tpu.memory_space<vmem>> -> memref<1x50x64xf32, #tpu.memory_space<vmem>>
      %dma_start3A_1891 = tpu.memref_squeeze %dma_start3A_1890 : memref<1x50x64xf32, #tpu.memory_space<vmem>> -> memref<50x64xf32, #tpu.memory_space<vmem>>
      %dma_start3A_1892 = arith.constant 0 : i32
      %dma_start3A_1893 = arith.constant 0 : i32
      %dma_start3A_1894 = tpu.memref_slice %arg4[%add3A_1879, %dma_start3A_1892, %dma_start3A_1893] : memref<16384x56x128xf32, #tpu.memory_space<hbm>> -> memref<1x56x128xf32, #tpu.memory_space<hbm>>
      %dma_start3A_1895 = tpu.memref_squeeze %dma_start3A_1894 : memref<1x56x128xf32, #tpu.memory_space<hbm>> -> memref<56x128xf32, #tpu.memory_space<hbm>>
      %dma_start3A_1896 = arith.constant 0 : i32
      %dma_start3A_1897 = arith.constant 0 : i32
      %dma_start3A_1898 = tpu.memref_slice %dma_start3A_1895[%dma_start3A_1896, %dma_start3A_1897] : memref<56x128xf32, #tpu.memory_space<hbm>> -> memref<50x64xf32, #tpu.memory_space<hbm>>
      %dma_start3A_1899 = tpu.memref_slice %arg8[%dma_start3A_1882] : memref<4x!tpu.dma_semaphore, #tpu.memory_space<semaphore_mem>> -> memref<1x!tpu.dma_semaphore, #tpu.memory_space<semaphore_mem>>
      %dma_start3A_1900 = tpu.memref_squeeze %dma_start3A_1899 : memref<1x!tpu.dma_semaphore, #tpu.memory_space<semaphore_mem>> -> memref<!tpu.dma_semaphore, #tpu.memory_space<semaphore_mem>>
      %dma_start3A_1901 = arith.constant 0 : i32
      %dma_start3A_1902 = arith.constant 0 : i32
      %dma_start3A_1903 = tpu.memref_slice %arg4[%add3A_1879, %dma_start3A_1901, %dma_start3A_1902] : memref<16384x56x128xf32, #tpu.memory_space<hbm>> -> memref<1x56x128xf32, #tpu.memory_space<hbm>>
      %dma_start3A_1904 = tpu.memref_squeeze %dma_start3A_1903 : memref<1x56x128xf32, #tpu.memory_space<hbm>> -> memref<56x128xf32, #tpu.memory_space<hbm>>
      %dma_start3A_1905 = arith.constant 0 : i32
      %dma_start3A_1906 = arith.constant 0 : i32
      %dma_start3A_1907 = tpu.memref_slice %dma_start3A_1904[%dma_start3A_1905, %dma_start3A_1906] : memref<56x128xf32, #tpu.memory_space<hbm>> -> memref<50x64xf32, #tpu.memory_space<hbm>>
      %dma_start3A_1908 = arith.constant 0 : i32
      %dma_start3A_1909 = arith.constant 0 : i32
      %dma_start3A_1910 = arith.constant 0 : i32
      %dma_start3A_1911 = tpu.memref_slice %arg6[%dma_start3A_1880, %dma_start3A_1908, %dma_start3A_1909, %dma_start3A_1910] : memref<4x4x50x64xf32, #tpu.memory_space<vmem>> -> memref<1x4x50x64xf32, #tpu.memory_space<vmem>>
      %dma_start3A_1912 = tpu.memref_squeeze %dma_start3A_1911 : memref<1x4x50x64xf32, #tpu.memory_space<vmem>> -> memref<4x50x64xf32, #tpu.memory_space<vmem>>
      %dma_start3A_1913 = arith.constant 0 : i32
      %dma_start3A_1914 = arith.constant 0 : i32
      %dma_start3A_1915 = tpu.memref_slice %dma_start3A_1912[%dma_start3A_1881, %dma_start3A_1913, %dma_start3A_1914] : memref<4x50x64xf32, #tpu.memory_space<vmem>> -> memref<1x50x64xf32, #tpu.memory_space<vmem>>
      %dma_start3A_1916 = tpu.memref_squeeze %dma_start3A_1915 : memref<1x50x64xf32, #tpu.memory_space<vmem>> -> memref<50x64xf32, #tpu.memory_space<vmem>>
      tpu.enqueue_dma source(%dma_start3A_1916 : memref<50x64xf32, #tpu.memory_space<vmem>>) target(%dma_start3A_1907 : memref<50x64xf32, #tpu.memory_space<hbm>>) target_semaphore(%dma_start3A_1900 : memref<!tpu.dma_semaphore, #tpu.memory_space<semaphore_mem>>)
      %mul3A_1917 = arith.constant 4 : i32
      %mul3A_1918 = arith.muli %add3A_1790, %mul3A_1917 : i32
      %add3A_1919 = arith.addi %mul3A_2, %mul3A_1918 : i32
      %add3A_1920 = arith.constant 3 : i32
      %add3A_1921 = arith.addi %add3A_1919, %add3A_1920 : i32
      %dma_start3A_1922 = arith.constant 3 : i32
      %dma_start3A_1923 = arith.constant 3 : i32
      %dma_start3A_1924 = arith.constant 3 : i32
      %dma_start3A_1925 = arith.constant 0 : i32
      %dma_start3A_1926 = arith.constant 0 : i32
      %dma_start3A_1927 = arith.constant 0 : i32
      %dma_start3A_1928 = tpu.memref_slice %arg6[%dma_start3A_1922, %dma_start3A_1925, %dma_start3A_1926, %dma_start3A_1927] : memref<4x4x50x64xf32, #tpu.memory_space<vmem>> -> memref<1x4x50x64xf32, #tpu.memory_space<vmem>>
      %dma_start3A_1929 = tpu.memref_squeeze %dma_start3A_1928 : memref<1x4x50x64xf32, #tpu.memory_space<vmem>> -> memref<4x50x64xf32, #tpu.memory_space<vmem>>
      %dma_start3A_1930 = arith.constant 0 : i32
      %dma_start3A_1931 = arith.constant 0 : i32
      %dma_start3A_1932 = tpu.memref_slice %dma_start3A_1929[%dma_start3A_1923, %dma_start3A_1930, %dma_start3A_1931] : memref<4x50x64xf32, #tpu.memory_space<vmem>> -> memref<1x50x64xf32, #tpu.memory_space<vmem>>
      %dma_start3A_1933 = tpu.memref_squeeze %dma_start3A_1932 : memref<1x50x64xf32, #tpu.memory_space<vmem>> -> memref<50x64xf32, #tpu.memory_space<vmem>>
      %dma_start3A_1934 = arith.constant 0 : i32
      %dma_start3A_1935 = arith.constant 0 : i32
      %dma_start3A_1936 = tpu.memref_slice %arg4[%add3A_1921, %dma_start3A_1934, %dma_start3A_1935] : memref<16384x56x128xf32, #tpu.memory_space<hbm>> -> memref<1x56x128xf32, #tpu.memory_space<hbm>>
      %dma_start3A_1937 = tpu.memref_squeeze %dma_start3A_1936 : memref<1x56x128xf32, #tpu.memory_space<hbm>> -> memref<56x128xf32, #tpu.memory_space<hbm>>
      %dma_start3A_1938 = arith.constant 0 : i32
      %dma_start3A_1939 = arith.constant 0 : i32
      %dma_start3A_1940 = tpu.memref_slice %dma_start3A_1937[%dma_start3A_1938, %dma_start3A_1939] : memref<56x128xf32, #tpu.memory_space<hbm>> -> memref<50x64xf32, #tpu.memory_space<hbm>>
      %dma_start3A_1941 = tpu.memref_slice %arg8[%dma_start3A_1924] : memref<4x!tpu.dma_semaphore, #tpu.memory_space<semaphore_mem>> -> memref<1x!tpu.dma_semaphore, #tpu.memory_space<semaphore_mem>>
      %dma_start3A_1942 = tpu.memref_squeeze %dma_start3A_1941 : memref<1x!tpu.dma_semaphore, #tpu.memory_space<semaphore_mem>> -> memref<!tpu.dma_semaphore, #tpu.memory_space<semaphore_mem>>
      %dma_start3A_1943 = arith.constant 0 : i32
      %dma_start3A_1944 = arith.constant 0 : i32
      %dma_start3A_1945 = tpu.memref_slice %arg4[%add3A_1921, %dma_start3A_1943, %dma_start3A_1944] : memref<16384x56x128xf32, #tpu.memory_space<hbm>> -> memref<1x56x128xf32, #tpu.memory_space<hbm>>
      %dma_start3A_1946 = tpu.memref_squeeze %dma_start3A_1945 : memref<1x56x128xf32, #tpu.memory_space<hbm>> -> memref<56x128xf32, #tpu.memory_space<hbm>>
      %dma_start3A_1947 = arith.constant 0 : i32
      %dma_start3A_1948 = arith.constant 0 : i32
      %dma_start3A_1949 = tpu.memref_slice %dma_start3A_1946[%dma_start3A_1947, %dma_start3A_1948] : memref<56x128xf32, #tpu.memory_space<hbm>> -> memref<50x64xf32, #tpu.memory_space<hbm>>
      %dma_start3A_1950 = arith.constant 0 : i32
      %dma_start3A_1951 = arith.constant 0 : i32
      %dma_start3A_1952 = arith.constant 0 : i32
      %dma_start3A_1953 = tpu.memref_slice %arg6[%dma_start3A_1922, %dma_start3A_1950, %dma_start3A_1951, %dma_start3A_1952] : memref<4x4x50x64xf32, #tpu.memory_space<vmem>> -> memref<1x4x50x64xf32, #tpu.memory_space<vmem>>
      %dma_start3A_1954 = tpu.memref_squeeze %dma_start3A_1953 : memref<1x4x50x64xf32, #tpu.memory_space<vmem>> -> memref<4x50x64xf32, #tpu.memory_space<vmem>>
      %dma_start3A_1955 = arith.constant 0 : i32
      %dma_start3A_1956 = arith.constant 0 : i32
      %dma_start3A_1957 = tpu.memref_slice %dma_start3A_1954[%dma_start3A_1923, %dma_start3A_1955, %dma_start3A_1956] : memref<4x50x64xf32, #tpu.memory_space<vmem>> -> memref<1x50x64xf32, #tpu.memory_space<vmem>>
      %dma_start3A_1958 = tpu.memref_squeeze %dma_start3A_1957 : memref<1x50x64xf32, #tpu.memory_space<vmem>> -> memref<50x64xf32, #tpu.memory_space<vmem>>
      tpu.enqueue_dma source(%dma_start3A_1958 : memref<50x64xf32, #tpu.memory_space<vmem>>) target(%dma_start3A_1949 : memref<50x64xf32, #tpu.memory_space<hbm>>) target_semaphore(%dma_start3A_1942 : memref<!tpu.dma_semaphore, #tpu.memory_space<semaphore_mem>>)
      %lt3A = arith.constant 31 : i32
      %lt3A_1959 = arith.cmpi slt, %scan3A_934, %lt3A : i32
      %convert_element_type3A = arith.extui %lt3A_1959 : i1 to i32
      %cond3A = arith.constant 0 : i32
      %cond3A_1960 = arith.cmpi ne, %convert_element_type3A, %cond3A : i32
      scf.if %cond3A_1960 {
        %dma_wait3A_1961 = arith.constant 0 : i32
        %dma_wait3A_1962 = arith.constant 0 : i32
        %dma_wait3A_1963 = arith.constant 0 : i32
        %dma_wait3A_1964 = arith.constant 0 : i32
        %dma_wait3A_1965 = arith.constant 0 : i32
        %dma_wait3A_1966 = arith.constant 0 : i32
        %dma_wait3A_1967 = tpu.memref_slice %arg6[%dma_wait3A_1961, %dma_wait3A_1964, %dma_wait3A_1965, %dma_wait3A_1966] : memref<4x4x50x64xf32, #tpu.memory_space<vmem>> -> memref<1x4x50x64xf32, #tpu.memory_space<vmem>>
        %dma_wait3A_1968 = tpu.memref_squeeze %dma_wait3A_1967 : memref<1x4x50x64xf32, #tpu.memory_space<vmem>> -> memref<4x50x64xf32, #tpu.memory_space<vmem>>
        %dma_wait3A_1969 = arith.constant 0 : i32
        %dma_wait3A_1970 = arith.constant 0 : i32
        %dma_wait3A_1971 = tpu.memref_slice %dma_wait3A_1968[%dma_wait3A_1962, %dma_wait3A_1969, %dma_wait3A_1970] : memref<4x50x64xf32, #tpu.memory_space<vmem>> -> memref<1x50x64xf32, #tpu.memory_space<vmem>>
        %dma_wait3A_1972 = tpu.memref_squeeze %dma_wait3A_1971 : memref<1x50x64xf32, #tpu.memory_space<vmem>> -> memref<50x64xf32, #tpu.memory_space<vmem>>
        %dma_wait3A_1973 = arith.constant 0 : i32
        %dma_wait3A_1974 = arith.constant 0 : i32
        %dma_wait3A_1975 = tpu.memref_slice %arg4[%mul3A_2, %dma_wait3A_1973, %dma_wait3A_1974] : memref<16384x56x128xf32, #tpu.memory_space<hbm>> -> memref<1x56x128xf32, #tpu.memory_space<hbm>>
        %dma_wait3A_1976 = tpu.memref_squeeze %dma_wait3A_1975 : memref<1x56x128xf32, #tpu.memory_space<hbm>> -> memref<56x128xf32, #tpu.memory_space<hbm>>
        %dma_wait3A_1977 = arith.constant 0 : i32
        %dma_wait3A_1978 = arith.constant 0 : i32
        %dma_wait3A_1979 = tpu.memref_slice %dma_wait3A_1976[%dma_wait3A_1977, %dma_wait3A_1978] : memref<56x128xf32, #tpu.memory_space<hbm>> -> memref<50x64xf32, #tpu.memory_space<hbm>>
        %dma_wait3A_1980 = tpu.memref_slice %arg8[%dma_wait3A_1963] : memref<4x!tpu.dma_semaphore, #tpu.memory_space<semaphore_mem>> -> memref<1x!tpu.dma_semaphore, #tpu.memory_space<semaphore_mem>>
        %dma_wait3A_1981 = tpu.memref_squeeze %dma_wait3A_1980 : memref<1x!tpu.dma_semaphore, #tpu.memory_space<semaphore_mem>> -> memref<!tpu.dma_semaphore, #tpu.memory_space<semaphore_mem>>
        %dma_wait3A_1982 = arith.constant 0 : i32
        %dma_wait3A_1983 = arith.constant 0 : i32
        %dma_wait3A_1984 = tpu.memref_slice %arg4[%mul3A_2, %dma_wait3A_1982, %dma_wait3A_1983] : memref<16384x56x128xf32, #tpu.memory_space<hbm>> -> memref<1x56x128xf32, #tpu.memory_space<hbm>>
        %dma_wait3A_1985 = tpu.memref_squeeze %dma_wait3A_1984 : memref<1x56x128xf32, #tpu.memory_space<hbm>> -> memref<56x128xf32, #tpu.memory_space<hbm>>
        %dma_wait3A_1986 = arith.constant 0 : i32
        %dma_wait3A_1987 = arith.constant 0 : i32
        %dma_wait3A_1988 = tpu.memref_slice %dma_wait3A_1985[%dma_wait3A_1986, %dma_wait3A_1987] : memref<56x128xf32, #tpu.memory_space<hbm>> -> memref<50x64xf32, #tpu.memory_space<hbm>>
        %dma_wait3A_1989 = arith.constant 0 : i32
        %dma_wait3A_1990 = arith.constant 0 : i32
        %dma_wait3A_1991 = arith.constant 0 : i32
        %dma_wait3A_1992 = tpu.memref_slice %arg6[%dma_wait3A_1961, %dma_wait3A_1989, %dma_wait3A_1990, %dma_wait3A_1991] : memref<4x4x50x64xf32, #tpu.memory_space<vmem>> -> memref<1x4x50x64xf32, #tpu.memory_space<vmem>>
        %dma_wait3A_1993 = tpu.memref_squeeze %dma_wait3A_1992 : memref<1x4x50x64xf32, #tpu.memory_space<vmem>> -> memref<4x50x64xf32, #tpu.memory_space<vmem>>
        %dma_wait3A_1994 = arith.constant 0 : i32
        %dma_wait3A_1995 = arith.constant 0 : i32
        %dma_wait3A_1996 = tpu.memref_slice %dma_wait3A_1993[%dma_wait3A_1962, %dma_wait3A_1994, %dma_wait3A_1995] : memref<4x50x64xf32, #tpu.memory_space<vmem>> -> memref<1x50x64xf32, #tpu.memory_space<vmem>>
        %dma_wait3A_1997 = tpu.memref_squeeze %dma_wait3A_1996 : memref<1x50x64xf32, #tpu.memory_space<vmem>> -> memref<50x64xf32, #tpu.memory_space<vmem>>
        tpu.wait_dma2 semaphore(%dma_wait3A_1981 : memref<!tpu.dma_semaphore, #tpu.memory_space<semaphore_mem>>) src(%dma_wait3A_1997 : memref<50x64xf32, #tpu.memory_space<vmem>>) dst(%dma_wait3A_1988 : memref<50x64xf32, #tpu.memory_space<hbm>>)
        %dma_wait3A_1998 = arith.constant 0 : i32
        %dma_wait3A_1999 = arith.constant 1 : i32
        %dma_wait3A_2000 = arith.constant 0 : i32
        %dma_wait3A_2001 = arith.constant 0 : i32
        %dma_wait3A_2002 = arith.constant 0 : i32
        %dma_wait3A_2003 = arith.constant 0 : i32
        %dma_wait3A_2004 = tpu.memref_slice %arg6[%dma_wait3A_1998, %dma_wait3A_2001, %dma_wait3A_2002, %dma_wait3A_2003] : memref<4x4x50x64xf32, #tpu.memory_space<vmem>> -> memref<1x4x50x64xf32, #tpu.memory_space<vmem>>
        %dma_wait3A_2005 = tpu.memref_squeeze %dma_wait3A_2004 : memref<1x4x50x64xf32, #tpu.memory_space<vmem>> -> memref<4x50x64xf32, #tpu.memory_space<vmem>>
        %dma_wait3A_2006 = arith.constant 0 : i32
        %dma_wait3A_2007 = arith.constant 0 : i32
        %dma_wait3A_2008 = tpu.memref_slice %dma_wait3A_2005[%dma_wait3A_1999, %dma_wait3A_2006, %dma_wait3A_2007] : memref<4x50x64xf32, #tpu.memory_space<vmem>> -> memref<1x50x64xf32, #tpu.memory_space<vmem>>
        %dma_wait3A_2009 = tpu.memref_squeeze %dma_wait3A_2008 : memref<1x50x64xf32, #tpu.memory_space<vmem>> -> memref<50x64xf32, #tpu.memory_space<vmem>>
        %dma_wait3A_2010 = arith.constant 0 : i32
        %dma_wait3A_2011 = arith.constant 0 : i32
        %dma_wait3A_2012 = tpu.memref_slice %arg4[%mul3A_2, %dma_wait3A_2010, %dma_wait3A_2011] : memref<16384x56x128xf32, #tpu.memory_space<hbm>> -> memref<1x56x128xf32, #tpu.memory_space<hbm>>
        %dma_wait3A_2013 = tpu.memref_squeeze %dma_wait3A_2012 : memref<1x56x128xf32, #tpu.memory_space<hbm>> -> memref<56x128xf32, #tpu.memory_space<hbm>>
        %dma_wait3A_2014 = arith.constant 0 : i32
        %dma_wait3A_2015 = arith.constant 0 : i32
        %dma_wait3A_2016 = tpu.memref_slice %dma_wait3A_2013[%dma_wait3A_2014, %dma_wait3A_2015] : memref<56x128xf32, #tpu.memory_space<hbm>> -> memref<50x64xf32, #tpu.memory_space<hbm>>
        %dma_wait3A_2017 = tpu.memref_slice %arg8[%dma_wait3A_2000] : memref<4x!tpu.dma_semaphore, #tpu.memory_space<semaphore_mem>> -> memref<1x!tpu.dma_semaphore, #tpu.memory_space<semaphore_mem>>
        %dma_wait3A_2018 = tpu.memref_squeeze %dma_wait3A_2017 : memref<1x!tpu.dma_semaphore, #tpu.memory_space<semaphore_mem>> -> memref<!tpu.dma_semaphore, #tpu.memory_space<semaphore_mem>>
        %dma_wait3A_2019 = arith.constant 0 : i32
        %dma_wait3A_2020 = arith.constant 0 : i32
        %dma_wait3A_2021 = tpu.memref_slice %arg4[%mul3A_2, %dma_wait3A_2019, %dma_wait3A_2020] : memref<16384x56x128xf32, #tpu.memory_space<hbm>> -> memref<1x56x128xf32, #tpu.memory_space<hbm>>
        %dma_wait3A_2022 = tpu.memref_squeeze %dma_wait3A_2021 : memref<1x56x128xf32, #tpu.memory_space<hbm>> -> memref<56x128xf32, #tpu.memory_space<hbm>>
        %dma_wait3A_2023 = arith.constant 0 : i32
        %dma_wait3A_2024 = arith.constant 0 : i32
        %dma_wait3A_2025 = tpu.memref_slice %dma_wait3A_2022[%dma_wait3A_2023, %dma_wait3A_2024] : memref<56x128xf32, #tpu.memory_space<hbm>> -> memref<50x64xf32, #tpu.memory_space<hbm>>
        %dma_wait3A_2026 = arith.constant 0 : i32
        %dma_wait3A_2027 = arith.constant 0 : i32
        %dma_wait3A_2028 = arith.constant 0 : i32
        %dma_wait3A_2029 = tpu.memref_slice %arg6[%dma_wait3A_1998, %dma_wait3A_2026, %dma_wait3A_2027, %dma_wait3A_2028] : memref<4x4x50x64xf32, #tpu.memory_space<vmem>> -> memref<1x4x50x64xf32, #tpu.memory_space<vmem>>
        %dma_wait3A_2030 = tpu.memref_squeeze %dma_wait3A_2029 : memref<1x4x50x64xf32, #tpu.memory_space<vmem>> -> memref<4x50x64xf32, #tpu.memory_space<vmem>>
        %dma_wait3A_2031 = arith.constant 0 : i32
        %dma_wait3A_2032 = arith.constant 0 : i32
        %dma_wait3A_2033 = tpu.memref_slice %dma_wait3A_2030[%dma_wait3A_1999, %dma_wait3A_2031, %dma_wait3A_2032] : memref<4x50x64xf32, #tpu.memory_space<vmem>> -> memref<1x50x64xf32, #tpu.memory_space<vmem>>
        %dma_wait3A_2034 = tpu.memref_squeeze %dma_wait3A_2033 : memref<1x50x64xf32, #tpu.memory_space<vmem>> -> memref<50x64xf32, #tpu.memory_space<vmem>>
        tpu.wait_dma2 semaphore(%dma_wait3A_2018 : memref<!tpu.dma_semaphore, #tpu.memory_space<semaphore_mem>>) src(%dma_wait3A_2034 : memref<50x64xf32, #tpu.memory_space<vmem>>) dst(%dma_wait3A_2025 : memref<50x64xf32, #tpu.memory_space<hbm>>)
        %dma_wait3A_2035 = arith.constant 0 : i32
        %dma_wait3A_2036 = arith.constant 2 : i32
        %dma_wait3A_2037 = arith.constant 0 : i32
        %dma_wait3A_2038 = arith.constant 0 : i32
        %dma_wait3A_2039 = arith.constant 0 : i32
        %dma_wait3A_2040 = arith.constant 0 : i32
        %dma_wait3A_2041 = tpu.memref_slice %arg6[%dma_wait3A_2035, %dma_wait3A_2038, %dma_wait3A_2039, %dma_wait3A_2040] : memref<4x4x50x64xf32, #tpu.memory_space<vmem>> -> memref<1x4x50x64xf32, #tpu.memory_space<vmem>>
        %dma_wait3A_2042 = tpu.memref_squeeze %dma_wait3A_2041 : memref<1x4x50x64xf32, #tpu.memory_space<vmem>> -> memref<4x50x64xf32, #tpu.memory_space<vmem>>
        %dma_wait3A_2043 = arith.constant 0 : i32
        %dma_wait3A_2044 = arith.constant 0 : i32
        %dma_wait3A_2045 = tpu.memref_slice %dma_wait3A_2042[%dma_wait3A_2036, %dma_wait3A_2043, %dma_wait3A_2044] : memref<4x50x64xf32, #tpu.memory_space<vmem>> -> memref<1x50x64xf32, #tpu.memory_space<vmem>>
        %dma_wait3A_2046 = tpu.memref_squeeze %dma_wait3A_2045 : memref<1x50x64xf32, #tpu.memory_space<vmem>> -> memref<50x64xf32, #tpu.memory_space<vmem>>
        %dma_wait3A_2047 = arith.constant 0 : i32
        %dma_wait3A_2048 = arith.constant 0 : i32
        %dma_wait3A_2049 = tpu.memref_slice %arg4[%mul3A_2, %dma_wait3A_2047, %dma_wait3A_2048] : memref<16384x56x128xf32, #tpu.memory_space<hbm>> -> memref<1x56x128xf32, #tpu.memory_space<hbm>>
        %dma_wait3A_2050 = tpu.memref_squeeze %dma_wait3A_2049 : memref<1x56x128xf32, #tpu.memory_space<hbm>> -> memref<56x128xf32, #tpu.memory_space<hbm>>
        %dma_wait3A_2051 = arith.constant 0 : i32
        %dma_wait3A_2052 = arith.constant 0 : i32
        %dma_wait3A_2053 = tpu.memref_slice %dma_wait3A_2050[%dma_wait3A_2051, %dma_wait3A_2052] : memref<56x128xf32, #tpu.memory_space<hbm>> -> memref<50x64xf32, #tpu.memory_space<hbm>>
        %dma_wait3A_2054 = tpu.memref_slice %arg8[%dma_wait3A_2037] : memref<4x!tpu.dma_semaphore, #tpu.memory_space<semaphore_mem>> -> memref<1x!tpu.dma_semaphore, #tpu.memory_space<semaphore_mem>>
        %dma_wait3A_2055 = tpu.memref_squeeze %dma_wait3A_2054 : memref<1x!tpu.dma_semaphore, #tpu.memory_space<semaphore_mem>> -> memref<!tpu.dma_semaphore, #tpu.memory_space<semaphore_mem>>
        %dma_wait3A_2056 = arith.constant 0 : i32
        %dma_wait3A_2057 = arith.constant 0 : i32
        %dma_wait3A_2058 = tpu.memref_slice %arg4[%mul3A_2, %dma_wait3A_2056, %dma_wait3A_2057] : memref<16384x56x128xf32, #tpu.memory_space<hbm>> -> memref<1x56x128xf32, #tpu.memory_space<hbm>>
        %dma_wait3A_2059 = tpu.memref_squeeze %dma_wait3A_2058 : memref<1x56x128xf32, #tpu.memory_space<hbm>> -> memref<56x128xf32, #tpu.memory_space<hbm>>
        %dma_wait3A_2060 = arith.constant 0 : i32
        %dma_wait3A_2061 = arith.constant 0 : i32
        %dma_wait3A_2062 = tpu.memref_slice %dma_wait3A_2059[%dma_wait3A_2060, %dma_wait3A_2061] : memref<56x128xf32, #tpu.memory_space<hbm>> -> memref<50x64xf32, #tpu.memory_space<hbm>>
        %dma_wait3A_2063 = arith.constant 0 : i32
        %dma_wait3A_2064 = arith.constant 0 : i32
        %dma_wait3A_2065 = arith.constant 0 : i32
        %dma_wait3A_2066 = tpu.memref_slice %arg6[%dma_wait3A_2035, %dma_wait3A_2063, %dma_wait3A_2064, %dma_wait3A_2065] : memref<4x4x50x64xf32, #tpu.memory_space<vmem>> -> memref<1x4x50x64xf32, #tpu.memory_space<vmem>>
        %dma_wait3A_2067 = tpu.memref_squeeze %dma_wait3A_2066 : memref<1x4x50x64xf32, #tpu.memory_space<vmem>> -> memref<4x50x64xf32, #tpu.memory_space<vmem>>
        %dma_wait3A_2068 = arith.constant 0 : i32
        %dma_wait3A_2069 = arith.constant 0 : i32
        %dma_wait3A_2070 = tpu.memref_slice %dma_wait3A_2067[%dma_wait3A_2036, %dma_wait3A_2068, %dma_wait3A_2069] : memref<4x50x64xf32, #tpu.memory_space<vmem>> -> memref<1x50x64xf32, #tpu.memory_space<vmem>>
        %dma_wait3A_2071 = tpu.memref_squeeze %dma_wait3A_2070 : memref<1x50x64xf32, #tpu.memory_space<vmem>> -> memref<50x64xf32, #tpu.memory_space<vmem>>
        tpu.wait_dma2 semaphore(%dma_wait3A_2055 : memref<!tpu.dma_semaphore, #tpu.memory_space<semaphore_mem>>) src(%dma_wait3A_2071 : memref<50x64xf32, #tpu.memory_space<vmem>>) dst(%dma_wait3A_2062 : memref<50x64xf32, #tpu.memory_space<hbm>>)
        %dma_wait3A_2072 = arith.constant 0 : i32
        %dma_wait3A_2073 = arith.constant 3 : i32
        %dma_wait3A_2074 = arith.constant 0 : i32
        %dma_wait3A_2075 = arith.constant 0 : i32
        %dma_wait3A_2076 = arith.constant 0 : i32
        %dma_wait3A_2077 = arith.constant 0 : i32
        %dma_wait3A_2078 = tpu.memref_slice %arg6[%dma_wait3A_2072, %dma_wait3A_2075, %dma_wait3A_2076, %dma_wait3A_2077] : memref<4x4x50x64xf32, #tpu.memory_space<vmem>> -> memref<1x4x50x64xf32, #tpu.memory_space<vmem>>
        %dma_wait3A_2079 = tpu.memref_squeeze %dma_wait3A_2078 : memref<1x4x50x64xf32, #tpu.memory_space<vmem>> -> memref<4x50x64xf32, #tpu.memory_space<vmem>>
        %dma_wait3A_2080 = arith.constant 0 : i32
        %dma_wait3A_2081 = arith.constant 0 : i32
        %dma_wait3A_2082 = tpu.memref_slice %dma_wait3A_2079[%dma_wait3A_2073, %dma_wait3A_2080, %dma_wait3A_2081] : memref<4x50x64xf32, #tpu.memory_space<vmem>> -> memref<1x50x64xf32, #tpu.memory_space<vmem>>
        %dma_wait3A_2083 = tpu.memref_squeeze %dma_wait3A_2082 : memref<1x50x64xf32, #tpu.memory_space<vmem>> -> memref<50x64xf32, #tpu.memory_space<vmem>>
        %dma_wait3A_2084 = arith.constant 0 : i32
        %dma_wait3A_2085 = arith.constant 0 : i32
        %dma_wait3A_2086 = tpu.memref_slice %arg4[%mul3A_2, %dma_wait3A_2084, %dma_wait3A_2085] : memref<16384x56x128xf32, #tpu.memory_space<hbm>> -> memref<1x56x128xf32, #tpu.memory_space<hbm>>
        %dma_wait3A_2087 = tpu.memref_squeeze %dma_wait3A_2086 : memref<1x56x128xf32, #tpu.memory_space<hbm>> -> memref<56x128xf32, #tpu.memory_space<hbm>>
        %dma_wait3A_2088 = arith.constant 0 : i32
        %dma_wait3A_2089 = arith.constant 0 : i32
        %dma_wait3A_2090 = tpu.memref_slice %dma_wait3A_2087[%dma_wait3A_2088, %dma_wait3A_2089] : memref<56x128xf32, #tpu.memory_space<hbm>> -> memref<50x64xf32, #tpu.memory_space<hbm>>
        %dma_wait3A_2091 = tpu.memref_slice %arg8[%dma_wait3A_2074] : memref<4x!tpu.dma_semaphore, #tpu.memory_space<semaphore_mem>> -> memref<1x!tpu.dma_semaphore, #tpu.memory_space<semaphore_mem>>
        %dma_wait3A_2092 = tpu.memref_squeeze %dma_wait3A_2091 : memref<1x!tpu.dma_semaphore, #tpu.memory_space<semaphore_mem>> -> memref<!tpu.dma_semaphore, #tpu.memory_space<semaphore_mem>>
        %dma_wait3A_2093 = arith.constant 0 : i32
        %dma_wait3A_2094 = arith.constant 0 : i32
        %dma_wait3A_2095 = tpu.memref_slice %arg4[%mul3A_2, %dma_wait3A_2093, %dma_wait3A_2094] : memref<16384x56x128xf32, #tpu.memory_space<hbm>> -> memref<1x56x128xf32, #tpu.memory_space<hbm>>
        %dma_wait3A_2096 = tpu.memref_squeeze %dma_wait3A_2095 : memref<1x56x128xf32, #tpu.memory_space<hbm>> -> memref<56x128xf32, #tpu.memory_space<hbm>>
        %dma_wait3A_2097 = arith.constant 0 : i32
        %dma_wait3A_2098 = arith.constant 0 : i32
        %dma_wait3A_2099 = tpu.memref_slice %dma_wait3A_2096[%dma_wait3A_2097, %dma_wait3A_2098] : memref<56x128xf32, #tpu.memory_space<hbm>> -> memref<50x64xf32, #tpu.memory_space<hbm>>
        %dma_wait3A_2100 = arith.constant 0 : i32
        %dma_wait3A_2101 = arith.constant 0 : i32
        %dma_wait3A_2102 = arith.constant 0 : i32
        %dma_wait3A_2103 = tpu.memref_slice %arg6[%dma_wait3A_2072, %dma_wait3A_2100, %dma_wait3A_2101, %dma_wait3A_2102] : memref<4x4x50x64xf32, #tpu.memory_space<vmem>> -> memref<1x4x50x64xf32, #tpu.memory_space<vmem>>
        %dma_wait3A_2104 = tpu.memref_squeeze %dma_wait3A_2103 : memref<1x4x50x64xf32, #tpu.memory_space<vmem>> -> memref<4x50x64xf32, #tpu.memory_space<vmem>>
        %dma_wait3A_2105 = arith.constant 0 : i32
        %dma_wait3A_2106 = arith.constant 0 : i32
        %dma_wait3A_2107 = tpu.memref_slice %dma_wait3A_2104[%dma_wait3A_2073, %dma_wait3A_2105, %dma_wait3A_2106] : memref<4x50x64xf32, #tpu.memory_space<vmem>> -> memref<1x50x64xf32, #tpu.memory_space<vmem>>
        %dma_wait3A_2108 = tpu.memref_squeeze %dma_wait3A_2107 : memref<1x50x64xf32, #tpu.memory_space<vmem>> -> memref<50x64xf32, #tpu.memory_space<vmem>>
        tpu.wait_dma2 semaphore(%dma_wait3A_2092 : memref<!tpu.dma_semaphore, #tpu.memory_space<semaphore_mem>>) src(%dma_wait3A_2108 : memref<50x64xf32, #tpu.memory_space<vmem>>) dst(%dma_wait3A_2099 : memref<50x64xf32, #tpu.memory_space<hbm>>)
        %add3A_2109 = arith.constant 1 : i32
        %add3A_2110 = arith.addi %scan3A_934, %add3A_2109 : i32
        %mul3A_2111 = arith.constant 4 : i32
        %mul3A_2112 = arith.muli %add3A_2110, %mul3A_2111 : i32
        %add3A_2113 = arith.constant 0 : i32
        %add3A_2114 = arith.addi %mul3A_2112, %add3A_2113 : i32
        %mul3A_2115 = arith.constant 4 : i32
        %mul3A_2116 = arith.muli %add3A_2114, %mul3A_2115 : i32
        %add3A_2117 = arith.constant 0 : i32
        %add3A_2118 = arith.addi %mul3A_2116, %add3A_2117 : i32
        %dma_start3A_2119 = arith.constant 0 : i32
        %dma_start3A_2120 = arith.constant 0 : i32
        %dma_start3A_2121 = arith.constant 0 : i32
        %dma_start3A_2122 = arith.constant 0 : i32
        %dma_start3A_2123 = arith.constant 0 : i32
        %dma_start3A_2124 = arith.constant 0 : i32
        %dma_start3A_2125 = tpu.memref_slice %arg6[%dma_start3A_2119, %dma_start3A_2122, %dma_start3A_2123, %dma_start3A_2124] : memref<4x4x50x64xf32, #tpu.memory_space<vmem>> -> memref<1x4x50x64xf32, #tpu.memory_space<vmem>>
        %dma_start3A_2126 = tpu.memref_squeeze %dma_start3A_2125 : memref<1x4x50x64xf32, #tpu.memory_space<vmem>> -> memref<4x50x64xf32, #tpu.memory_space<vmem>>
        %dma_start3A_2127 = arith.constant 0 : i32
        %dma_start3A_2128 = arith.constant 0 : i32
        %dma_start3A_2129 = tpu.memref_slice %dma_start3A_2126[%dma_start3A_2120, %dma_start3A_2127, %dma_start3A_2128] : memref<4x50x64xf32, #tpu.memory_space<vmem>> -> memref<1x50x64xf32, #tpu.memory_space<vmem>>
        %dma_start3A_2130 = tpu.memref_squeeze %dma_start3A_2129 : memref<1x50x64xf32, #tpu.memory_space<vmem>> -> memref<50x64xf32, #tpu.memory_space<vmem>>
        %dma_start3A_2131 = arith.constant 0 : i32
        %dma_start3A_2132 = tpu.memref_slice %arg5[%add3A_2118, %dma_start3A_2131] : memref<512x50xi32, #tpu.memory_space<vmem>> -> memref<1x50xi32, #tpu.memory_space<vmem>>
        %dma_start3A_2133 = tpu.memref_squeeze %dma_start3A_2132 : memref<1x50xi32, #tpu.memory_space<vmem>> -> memref<50xi32, #tpu.memory_space<vmem>>
        %dma_start3A_2134 = arith.constant 0 : i32
        %dma_start3A_2135 = arith.constant 0 : i32
        %dma_start3A_2136 = tpu.memref_slice %arg3[%dma_start3A_2134, %dma_start3A_2135] : memref<2000000x64xf32, #tpu.memory_space<hbm>> -> memref<2000000x64xf32, #tpu.memory_space<hbm>>
        %dma_start3A_2137 = tpu.memref_slice %arg7[%dma_start3A_2121] : memref<4x!tpu.dma_semaphore, #tpu.memory_space<semaphore_mem>> -> memref<1x!tpu.dma_semaphore, #tpu.memory_space<semaphore_mem>>
        %dma_start3A_2138 = tpu.memref_squeeze %dma_start3A_2137 : memref<1x!tpu.dma_semaphore, #tpu.memory_space<semaphore_mem>> -> memref<!tpu.dma_semaphore, #tpu.memory_space<semaphore_mem>>
        tpu.enqueue_indirect_dma source(%dma_start3A_2136 : memref<2000000x64xf32, #tpu.memory_space<hbm>>) target(%dma_start3A_2130 : memref<50x64xf32, #tpu.memory_space<vmem>>) offsets(%dma_start3A_2133 : memref<50xi32, #tpu.memory_space<vmem>>) semaphore(%dma_start3A_2138 : memref<!tpu.dma_semaphore, #tpu.memory_space<semaphore_mem>>)
        %mul3A_2139 = arith.constant 4 : i32
        %mul3A_2140 = arith.muli %add3A_2114, %mul3A_2139 : i32
        %add3A_2141 = arith.constant 1 : i32
        %add3A_2142 = arith.addi %mul3A_2140, %add3A_2141 : i32
        %dma_start3A_2143 = arith.constant 0 : i32
        %dma_start3A_2144 = arith.constant 1 : i32
        %dma_start3A_2145 = arith.constant 0 : i32
        %dma_start3A_2146 = arith.constant 0 : i32
        %dma_start3A_2147 = arith.constant 0 : i32
        %dma_start3A_2148 = arith.constant 0 : i32
        %dma_start3A_2149 = tpu.memref_slice %arg6[%dma_start3A_2143, %dma_start3A_2146, %dma_start3A_2147, %dma_start3A_2148] : memref<4x4x50x64xf32, #tpu.memory_space<vmem>> -> memref<1x4x50x64xf32, #tpu.memory_space<vmem>>
        %dma_start3A_2150 = tpu.memref_squeeze %dma_start3A_2149 : memref<1x4x50x64xf32, #tpu.memory_space<vmem>> -> memref<4x50x64xf32, #tpu.memory_space<vmem>>
        %dma_start3A_2151 = arith.constant 0 : i32
        %dma_start3A_2152 = arith.constant 0 : i32
        %dma_start3A_2153 = tpu.memref_slice %dma_start3A_2150[%dma_start3A_2144, %dma_start3A_2151, %dma_start3A_2152] : memref<4x50x64xf32, #tpu.memory_space<vmem>> -> memref<1x50x64xf32, #tpu.memory_space<vmem>>
        %dma_start3A_2154 = tpu.memref_squeeze %dma_start3A_2153 : memref<1x50x64xf32, #tpu.memory_space<vmem>> -> memref<50x64xf32, #tpu.memory_space<vmem>>
        %dma_start3A_2155 = arith.constant 0 : i32
        %dma_start3A_2156 = tpu.memref_slice %arg5[%add3A_2142, %dma_start3A_2155] : memref<512x50xi32, #tpu.memory_space<vmem>> -> memref<1x50xi32, #tpu.memory_space<vmem>>
        %dma_start3A_2157 = tpu.memref_squeeze %dma_start3A_2156 : memref<1x50xi32, #tpu.memory_space<vmem>> -> memref<50xi32, #tpu.memory_space<vmem>>
        %dma_start3A_2158 = arith.constant 0 : i32
        %dma_start3A_2159 = arith.constant 0 : i32
        %dma_start3A_2160 = tpu.memref_slice %arg3[%dma_start3A_2158, %dma_start3A_2159] : memref<2000000x64xf32, #tpu.memory_space<hbm>> -> memref<2000000x64xf32, #tpu.memory_space<hbm>>
        %dma_start3A_2161 = tpu.memref_slice %arg7[%dma_start3A_2145] : memref<4x!tpu.dma_semaphore, #tpu.memory_space<semaphore_mem>> -> memref<1x!tpu.dma_semaphore, #tpu.memory_space<semaphore_mem>>
        %dma_start3A_2162 = tpu.memref_squeeze %dma_start3A_2161 : memref<1x!tpu.dma_semaphore, #tpu.memory_space<semaphore_mem>> -> memref<!tpu.dma_semaphore, #tpu.memory_space<semaphore_mem>>
        tpu.enqueue_indirect_dma source(%dma_start3A_2160 : memref<2000000x64xf32, #tpu.memory_space<hbm>>) target(%dma_start3A_2154 : memref<50x64xf32, #tpu.memory_space<vmem>>) offsets(%dma_start3A_2157 : memref<50xi32, #tpu.memory_space<vmem>>) semaphore(%dma_start3A_2162 : memref<!tpu.dma_semaphore, #tpu.memory_space<semaphore_mem>>)
        %mul3A_2163 = arith.constant 4 : i32
        %mul3A_2164 = arith.muli %add3A_2114, %mul3A_2163 : i32
        %add3A_2165 = arith.constant 2 : i32
        %add3A_2166 = arith.addi %mul3A_2164, %add3A_2165 : i32
        %dma_start3A_2167 = arith.constant 0 : i32
        %dma_start3A_2168 = arith.constant 2 : i32
        %dma_start3A_2169 = arith.constant 0 : i32
        %dma_start3A_2170 = arith.constant 0 : i32
        %dma_start3A_2171 = arith.constant 0 : i32
        %dma_start3A_2172 = arith.constant 0 : i32
        %dma_start3A_2173 = tpu.memref_slice %arg6[%dma_start3A_2167, %dma_start3A_2170, %dma_start3A_2171, %dma_start3A_2172] : memref<4x4x50x64xf32, #tpu.memory_space<vmem>> -> memref<1x4x50x64xf32, #tpu.memory_space<vmem>>
        %dma_start3A_2174 = tpu.memref_squeeze %dma_start3A_2173 : memref<1x4x50x64xf32, #tpu.memory_space<vmem>> -> memref<4x50x64xf32, #tpu.memory_space<vmem>>
        %dma_start3A_2175 = arith.constant 0 : i32
        %dma_start3A_2176 = arith.constant 0 : i32
        %dma_start3A_2177 = tpu.memref_slice %dma_start3A_2174[%dma_start3A_2168, %dma_start3A_2175, %dma_start3A_2176] : memref<4x50x64xf32, #tpu.memory_space<vmem>> -> memref<1x50x64xf32, #tpu.memory_space<vmem>>
        %dma_start3A_2178 = tpu.memref_squeeze %dma_start3A_2177 : memref<1x50x64xf32, #tpu.memory_space<vmem>> -> memref<50x64xf32, #tpu.memory_space<vmem>>
        %dma_start3A_2179 = arith.constant 0 : i32
        %dma_start3A_2180 = tpu.memref_slice %arg5[%add3A_2166, %dma_start3A_2179] : memref<512x50xi32, #tpu.memory_space<vmem>> -> memref<1x50xi32, #tpu.memory_space<vmem>>
        %dma_start3A_2181 = tpu.memref_squeeze %dma_start3A_2180 : memref<1x50xi32, #tpu.memory_space<vmem>> -> memref<50xi32, #tpu.memory_space<vmem>>
        %dma_start3A_2182 = arith.constant 0 : i32
        %dma_start3A_2183 = arith.constant 0 : i32
        %dma_start3A_2184 = tpu.memref_slice %arg3[%dma_start3A_2182, %dma_start3A_2183] : memref<2000000x64xf32, #tpu.memory_space<hbm>> -> memref<2000000x64xf32, #tpu.memory_space<hbm>>
        %dma_start3A_2185 = tpu.memref_slice %arg7[%dma_start3A_2169] : memref<4x!tpu.dma_semaphore, #tpu.memory_space<semaphore_mem>> -> memref<1x!tpu.dma_semaphore, #tpu.memory_space<semaphore_mem>>
        %dma_start3A_2186 = tpu.memref_squeeze %dma_start3A_2185 : memref<1x!tpu.dma_semaphore, #tpu.memory_space<semaphore_mem>> -> memref<!tpu.dma_semaphore, #tpu.memory_space<semaphore_mem>>
        tpu.enqueue_indirect_dma source(%dma_start3A_2184 : memref<2000000x64xf32, #tpu.memory_space<hbm>>) target(%dma_start3A_2178 : memref<50x64xf32, #tpu.memory_space<vmem>>) offsets(%dma_start3A_2181 : memref<50xi32, #tpu.memory_space<vmem>>) semaphore(%dma_start3A_2186 : memref<!tpu.dma_semaphore, #tpu.memory_space<semaphore_mem>>)
        %mul3A_2187 = arith.constant 4 : i32
        %mul3A_2188 = arith.muli %add3A_2114, %mul3A_2187 : i32
        %add3A_2189 = arith.constant 3 : i32
        %add3A_2190 = arith.addi %mul3A_2188, %add3A_2189 : i32
        %dma_start3A_2191 = arith.constant 0 : i32
        %dma_start3A_2192 = arith.constant 3 : i32
        %dma_start3A_2193 = arith.constant 0 : i32
        %dma_start3A_2194 = arith.constant 0 : i32
        %dma_start3A_2195 = arith.constant 0 : i32
        %dma_start3A_2196 = arith.constant 0 : i32
        %dma_start3A_2197 = tpu.memref_slice %arg6[%dma_start3A_2191, %dma_start3A_2194, %dma_start3A_2195, %dma_start3A_2196] : memref<4x4x50x64xf32, #tpu.memory_space<vmem>> -> memref<1x4x50x64xf32, #tpu.memory_space<vmem>>
        %dma_start3A_2198 = tpu.memref_squeeze %dma_start3A_2197 : memref<1x4x50x64xf32, #tpu.memory_space<vmem>> -> memref<4x50x64xf32, #tpu.memory_space<vmem>>
        %dma_start3A_2199 = arith.constant 0 : i32
        %dma_start3A_2200 = arith.constant 0 : i32
        %dma_start3A_2201 = tpu.memref_slice %dma_start3A_2198[%dma_start3A_2192, %dma_start3A_2199, %dma_start3A_2200] : memref<4x50x64xf32, #tpu.memory_space<vmem>> -> memref<1x50x64xf32, #tpu.memory_space<vmem>>
        %dma_start3A_2202 = tpu.memref_squeeze %dma_start3A_2201 : memref<1x50x64xf32, #tpu.memory_space<vmem>> -> memref<50x64xf32, #tpu.memory_space<vmem>>
        %dma_start3A_2203 = arith.constant 0 : i32
        %dma_start3A_2204 = tpu.memref_slice %arg5[%add3A_2190, %dma_start3A_2203] : memref<512x50xi32, #tpu.memory_space<vmem>> -> memref<1x50xi32, #tpu.memory_space<vmem>>
        %dma_start3A_2205 = tpu.memref_squeeze %dma_start3A_2204 : memref<1x50xi32, #tpu.memory_space<vmem>> -> memref<50xi32, #tpu.memory_space<vmem>>
        %dma_start3A_2206 = arith.constant 0 : i32
        %dma_start3A_2207 = arith.constant 0 : i32
        %dma_start3A_2208 = tpu.memref_slice %arg3[%dma_start3A_2206, %dma_start3A_2207] : memref<2000000x64xf32, #tpu.memory_space<hbm>> -> memref<2000000x64xf32, #tpu.memory_space<hbm>>
        %dma_start3A_2209 = tpu.memref_slice %arg7[%dma_start3A_2193] : memref<4x!tpu.dma_semaphore, #tpu.memory_space<semaphore_mem>> -> memref<1x!tpu.dma_semaphore, #tpu.memory_space<semaphore_mem>>
        %dma_start3A_2210 = tpu.memref_squeeze %dma_start3A_2209 : memref<1x!tpu.dma_semaphore, #tpu.memory_space<semaphore_mem>> -> memref<!tpu.dma_semaphore, #tpu.memory_space<semaphore_mem>>
        tpu.enqueue_indirect_dma source(%dma_start3A_2208 : memref<2000000x64xf32, #tpu.memory_space<hbm>>) target(%dma_start3A_2202 : memref<50x64xf32, #tpu.memory_space<vmem>>) offsets(%dma_start3A_2205 : memref<50xi32, #tpu.memory_space<vmem>>) semaphore(%dma_start3A_2210 : memref<!tpu.dma_semaphore, #tpu.memory_space<semaphore_mem>>)
        %dma_wait3A_2211 = arith.constant 1 : i32
        %dma_wait3A_2212 = arith.constant 0 : i32
        %dma_wait3A_2213 = arith.constant 1 : i32
        %dma_wait3A_2214 = arith.constant 0 : i32
        %dma_wait3A_2215 = arith.constant 0 : i32
        %dma_wait3A_2216 = arith.constant 0 : i32
        %dma_wait3A_2217 = tpu.memref_slice %arg6[%dma_wait3A_2211, %dma_wait3A_2214, %dma_wait3A_2215, %dma_wait3A_2216] : memref<4x4x50x64xf32, #tpu.memory_space<vmem>> -> memref<1x4x50x64xf32, #tpu.memory_space<vmem>>
        %dma_wait3A_2218 = tpu.memref_squeeze %dma_wait3A_2217 : memref<1x4x50x64xf32, #tpu.memory_space<vmem>> -> memref<4x50x64xf32, #tpu.memory_space<vmem>>
        %dma_wait3A_2219 = arith.constant 0 : i32
        %dma_wait3A_2220 = arith.constant 0 : i32
        %dma_wait3A_2221 = tpu.memref_slice %dma_wait3A_2218[%dma_wait3A_2212, %dma_wait3A_2219, %dma_wait3A_2220] : memref<4x50x64xf32, #tpu.memory_space<vmem>> -> memref<1x50x64xf32, #tpu.memory_space<vmem>>
        %dma_wait3A_2222 = tpu.memref_squeeze %dma_wait3A_2221 : memref<1x50x64xf32, #tpu.memory_space<vmem>> -> memref<50x64xf32, #tpu.memory_space<vmem>>
        %dma_wait3A_2223 = arith.constant 0 : i32
        %dma_wait3A_2224 = arith.constant 0 : i32
        %dma_wait3A_2225 = tpu.memref_slice %arg4[%mul3A_2, %dma_wait3A_2223, %dma_wait3A_2224] : memref<16384x56x128xf32, #tpu.memory_space<hbm>> -> memref<1x56x128xf32, #tpu.memory_space<hbm>>
        %dma_wait3A_2226 = tpu.memref_squeeze %dma_wait3A_2225 : memref<1x56x128xf32, #tpu.memory_space<hbm>> -> memref<56x128xf32, #tpu.memory_space<hbm>>
        %dma_wait3A_2227 = arith.constant 0 : i32
        %dma_wait3A_2228 = arith.constant 0 : i32
        %dma_wait3A_2229 = tpu.memref_slice %dma_wait3A_2226[%dma_wait3A_2227, %dma_wait3A_2228] : memref<56x128xf32, #tpu.memory_space<hbm>> -> memref<50x64xf32, #tpu.memory_space<hbm>>
        %dma_wait3A_2230 = tpu.memref_slice %arg8[%dma_wait3A_2213] : memref<4x!tpu.dma_semaphore, #tpu.memory_space<semaphore_mem>> -> memref<1x!tpu.dma_semaphore, #tpu.memory_space<semaphore_mem>>
        %dma_wait3A_2231 = tpu.memref_squeeze %dma_wait3A_2230 : memref<1x!tpu.dma_semaphore, #tpu.memory_space<semaphore_mem>> -> memref<!tpu.dma_semaphore, #tpu.memory_space<semaphore_mem>>
        %dma_wait3A_2232 = arith.constant 0 : i32
        %dma_wait3A_2233 = arith.constant 0 : i32
        %dma_wait3A_2234 = tpu.memref_slice %arg4[%mul3A_2, %dma_wait3A_2232, %dma_wait3A_2233] : memref<16384x56x128xf32, #tpu.memory_space<hbm>> -> memref<1x56x128xf32, #tpu.memory_space<hbm>>
        %dma_wait3A_2235 = tpu.memref_squeeze %dma_wait3A_2234 : memref<1x56x128xf32, #tpu.memory_space<hbm>> -> memref<56x128xf32, #tpu.memory_space<hbm>>
        %dma_wait3A_2236 = arith.constant 0 : i32
        %dma_wait3A_2237 = arith.constant 0 : i32
        %dma_wait3A_2238 = tpu.memref_slice %dma_wait3A_2235[%dma_wait3A_2236, %dma_wait3A_2237] : memref<56x128xf32, #tpu.memory_space<hbm>> -> memref<50x64xf32, #tpu.memory_space<hbm>>
        %dma_wait3A_2239 = arith.constant 0 : i32
        %dma_wait3A_2240 = arith.constant 0 : i32
        %dma_wait3A_2241 = arith.constant 0 : i32
        %dma_wait3A_2242 = tpu.memref_slice %arg6[%dma_wait3A_2211, %dma_wait3A_2239, %dma_wait3A_2240, %dma_wait3A_2241] : memref<4x4x50x64xf32, #tpu.memory_space<vmem>> -> memref<1x4x50x64xf32, #tpu.memory_space<vmem>>
        %dma_wait3A_2243 = tpu.memref_squeeze %dma_wait3A_2242 : memref<1x4x50x64xf32, #tpu.memory_space<vmem>> -> memref<4x50x64xf32, #tpu.memory_space<vmem>>
        %dma_wait3A_2244 = arith.constant 0 : i32
        %dma_wait3A_2245 = arith.constant 0 : i32
        %dma_wait3A_2246 = tpu.memref_slice %dma_wait3A_2243[%dma_wait3A_2212, %dma_wait3A_2244, %dma_wait3A_2245] : memref<4x50x64xf32, #tpu.memory_space<vmem>> -> memref<1x50x64xf32, #tpu.memory_space<vmem>>
        %dma_wait3A_2247 = tpu.memref_squeeze %dma_wait3A_2246 : memref<1x50x64xf32, #tpu.memory_space<vmem>> -> memref<50x64xf32, #tpu.memory_space<vmem>>
        tpu.wait_dma2 semaphore(%dma_wait3A_2231 : memref<!tpu.dma_semaphore, #tpu.memory_space<semaphore_mem>>) src(%dma_wait3A_2247 : memref<50x64xf32, #tpu.memory_space<vmem>>) dst(%dma_wait3A_2238 : memref<50x64xf32, #tpu.memory_space<hbm>>)
        %dma_wait3A_2248 = arith.constant 1 : i32
        %dma_wait3A_2249 = arith.constant 1 : i32
        %dma_wait3A_2250 = arith.constant 1 : i32
        %dma_wait3A_2251 = arith.constant 0 : i32
        %dma_wait3A_2252 = arith.constant 0 : i32
        %dma_wait3A_2253 = arith.constant 0 : i32
        %dma_wait3A_2254 = tpu.memref_slice %arg6[%dma_wait3A_2248, %dma_wait3A_2251, %dma_wait3A_2252, %dma_wait3A_2253] : memref<4x4x50x64xf32, #tpu.memory_space<vmem>> -> memref<1x4x50x64xf32, #tpu.memory_space<vmem>>
        %dma_wait3A_2255 = tpu.memref_squeeze %dma_wait3A_2254 : memref<1x4x50x64xf32, #tpu.memory_space<vmem>> -> memref<4x50x64xf32, #tpu.memory_space<vmem>>
        %dma_wait3A_2256 = arith.constant 0 : i32
        %dma_wait3A_2257 = arith.constant 0 : i32
        %dma_wait3A_2258 = tpu.memref_slice %dma_wait3A_2255[%dma_wait3A_2249, %dma_wait3A_2256, %dma_wait3A_2257] : memref<4x50x64xf32, #tpu.memory_space<vmem>> -> memref<1x50x64xf32, #tpu.memory_space<vmem>>
        %dma_wait3A_2259 = tpu.memref_squeeze %dma_wait3A_2258 : memref<1x50x64xf32, #tpu.memory_space<vmem>> -> memref<50x64xf32, #tpu.memory_space<vmem>>
        %dma_wait3A_2260 = arith.constant 0 : i32
        %dma_wait3A_2261 = arith.constant 0 : i32
        %dma_wait3A_2262 = tpu.memref_slice %arg4[%mul3A_2, %dma_wait3A_2260, %dma_wait3A_2261] : memref<16384x56x128xf32, #tpu.memory_space<hbm>> -> memref<1x56x128xf32, #tpu.memory_space<hbm>>
        %dma_wait3A_2263 = tpu.memref_squeeze %dma_wait3A_2262 : memref<1x56x128xf32, #tpu.memory_space<hbm>> -> memref<56x128xf32, #tpu.memory_space<hbm>>
        %dma_wait3A_2264 = arith.constant 0 : i32
        %dma_wait3A_2265 = arith.constant 0 : i32
        %dma_wait3A_2266 = tpu.memref_slice %dma_wait3A_2263[%dma_wait3A_2264, %dma_wait3A_2265] : memref<56x128xf32, #tpu.memory_space<hbm>> -> memref<50x64xf32, #tpu.memory_space<hbm>>
        %dma_wait3A_2267 = tpu.memref_slice %arg8[%dma_wait3A_2250] : memref<4x!tpu.dma_semaphore, #tpu.memory_space<semaphore_mem>> -> memref<1x!tpu.dma_semaphore, #tpu.memory_space<semaphore_mem>>
        %dma_wait3A_2268 = tpu.memref_squeeze %dma_wait3A_2267 : memref<1x!tpu.dma_semaphore, #tpu.memory_space<semaphore_mem>> -> memref<!tpu.dma_semaphore, #tpu.memory_space<semaphore_mem>>
        %dma_wait3A_2269 = arith.constant 0 : i32
        %dma_wait3A_2270 = arith.constant 0 : i32
        %dma_wait3A_2271 = tpu.memref_slice %arg4[%mul3A_2, %dma_wait3A_2269, %dma_wait3A_2270] : memref<16384x56x128xf32, #tpu.memory_space<hbm>> -> memref<1x56x128xf32, #tpu.memory_space<hbm>>
        %dma_wait3A_2272 = tpu.memref_squeeze %dma_wait3A_2271 : memref<1x56x128xf32, #tpu.memory_space<hbm>> -> memref<56x128xf32, #tpu.memory_space<hbm>>
        %dma_wait3A_2273 = arith.constant 0 : i32
        %dma_wait3A_2274 = arith.constant 0 : i32
        %dma_wait3A_2275 = tpu.memref_slice %dma_wait3A_2272[%dma_wait3A_2273, %dma_wait3A_2274] : memref<56x128xf32, #tpu.memory_space<hbm>> -> memref<50x64xf32, #tpu.memory_space<hbm>>
        %dma_wait3A_2276 = arith.constant 0 : i32
        %dma_wait3A_2277 = arith.constant 0 : i32
        %dma_wait3A_2278 = arith.constant 0 : i32
        %dma_wait3A_2279 = tpu.memref_slice %arg6[%dma_wait3A_2248, %dma_wait3A_2276, %dma_wait3A_2277, %dma_wait3A_2278] : memref<4x4x50x64xf32, #tpu.memory_space<vmem>> -> memref<1x4x50x64xf32, #tpu.memory_space<vmem>>
        %dma_wait3A_2280 = tpu.memref_squeeze %dma_wait3A_2279 : memref<1x4x50x64xf32, #tpu.memory_space<vmem>> -> memref<4x50x64xf32, #tpu.memory_space<vmem>>
        %dma_wait3A_2281 = arith.constant 0 : i32
        %dma_wait3A_2282 = arith.constant 0 : i32
        %dma_wait3A_2283 = tpu.memref_slice %dma_wait3A_2280[%dma_wait3A_2249, %dma_wait3A_2281, %dma_wait3A_2282] : memref<4x50x64xf32, #tpu.memory_space<vmem>> -> memref<1x50x64xf32, #tpu.memory_space<vmem>>
        %dma_wait3A_2284 = tpu.memref_squeeze %dma_wait3A_2283 : memref<1x50x64xf32, #tpu.memory_space<vmem>> -> memref<50x64xf32, #tpu.memory_space<vmem>>
        tpu.wait_dma2 semaphore(%dma_wait3A_2268 : memref<!tpu.dma_semaphore, #tpu.memory_space<semaphore_mem>>) src(%dma_wait3A_2284 : memref<50x64xf32, #tpu.memory_space<vmem>>) dst(%dma_wait3A_2275 : memref<50x64xf32, #tpu.memory_space<hbm>>)
        %dma_wait3A_2285 = arith.constant 1 : i32
        %dma_wait3A_2286 = arith.constant 2 : i32
        %dma_wait3A_2287 = arith.constant 1 : i32
        %dma_wait3A_2288 = arith.constant 0 : i32
        %dma_wait3A_2289 = arith.constant 0 : i32
        %dma_wait3A_2290 = arith.constant 0 : i32
        %dma_wait3A_2291 = tpu.memref_slice %arg6[%dma_wait3A_2285, %dma_wait3A_2288, %dma_wait3A_2289, %dma_wait3A_2290] : memref<4x4x50x64xf32, #tpu.memory_space<vmem>> -> memref<1x4x50x64xf32, #tpu.memory_space<vmem>>
        %dma_wait3A_2292 = tpu.memref_squeeze %dma_wait3A_2291 : memref<1x4x50x64xf32, #tpu.memory_space<vmem>> -> memref<4x50x64xf32, #tpu.memory_space<vmem>>
        %dma_wait3A_2293 = arith.constant 0 : i32
        %dma_wait3A_2294 = arith.constant 0 : i32
        %dma_wait3A_2295 = tpu.memref_slice %dma_wait3A_2292[%dma_wait3A_2286, %dma_wait3A_2293, %dma_wait3A_2294] : memref<4x50x64xf32, #tpu.memory_space<vmem>> -> memref<1x50x64xf32, #tpu.memory_space<vmem>>
        %dma_wait3A_2296 = tpu.memref_squeeze %dma_wait3A_2295 : memref<1x50x64xf32, #tpu.memory_space<vmem>> -> memref<50x64xf32, #tpu.memory_space<vmem>>
        %dma_wait3A_2297 = arith.constant 0 : i32
        %dma_wait3A_2298 = arith.constant 0 : i32
        %dma_wait3A_2299 = tpu.memref_slice %arg4[%mul3A_2, %dma_wait3A_2297, %dma_wait3A_2298] : memref<16384x56x128xf32, #tpu.memory_space<hbm>> -> memref<1x56x128xf32, #tpu.memory_space<hbm>>
        %dma_wait3A_2300 = tpu.memref_squeeze %dma_wait3A_2299 : memref<1x56x128xf32, #tpu.memory_space<hbm>> -> memref<56x128xf32, #tpu.memory_space<hbm>>
        %dma_wait3A_2301 = arith.constant 0 : i32
        %dma_wait3A_2302 = arith.constant 0 : i32
        %dma_wait3A_2303 = tpu.memref_slice %dma_wait3A_2300[%dma_wait3A_2301, %dma_wait3A_2302] : memref<56x128xf32, #tpu.memory_space<hbm>> -> memref<50x64xf32, #tpu.memory_space<hbm>>
        %dma_wait3A_2304 = tpu.memref_slice %arg8[%dma_wait3A_2287] : memref<4x!tpu.dma_semaphore, #tpu.memory_space<semaphore_mem>> -> memref<1x!tpu.dma_semaphore, #tpu.memory_space<semaphore_mem>>
        %dma_wait3A_2305 = tpu.memref_squeeze %dma_wait3A_2304 : memref<1x!tpu.dma_semaphore, #tpu.memory_space<semaphore_mem>> -> memref<!tpu.dma_semaphore, #tpu.memory_space<semaphore_mem>>
        %dma_wait3A_2306 = arith.constant 0 : i32
        %dma_wait3A_2307 = arith.constant 0 : i32
        %dma_wait3A_2308 = tpu.memref_slice %arg4[%mul3A_2, %dma_wait3A_2306, %dma_wait3A_2307] : memref<16384x56x128xf32, #tpu.memory_space<hbm>> -> memref<1x56x128xf32, #tpu.memory_space<hbm>>
        %dma_wait3A_2309 = tpu.memref_squeeze %dma_wait3A_2308 : memref<1x56x128xf32, #tpu.memory_space<hbm>> -> memref<56x128xf32, #tpu.memory_space<hbm>>
        %dma_wait3A_2310 = arith.constant 0 : i32
        %dma_wait3A_2311 = arith.constant 0 : i32
        %dma_wait3A_2312 = tpu.memref_slice %dma_wait3A_2309[%dma_wait3A_2310, %dma_wait3A_2311] : memref<56x128xf32, #tpu.memory_space<hbm>> -> memref<50x64xf32, #tpu.memory_space<hbm>>
        %dma_wait3A_2313 = arith.constant 0 : i32
        %dma_wait3A_2314 = arith.constant 0 : i32
        %dma_wait3A_2315 = arith.constant 0 : i32
        %dma_wait3A_2316 = tpu.memref_slice %arg6[%dma_wait3A_2285, %dma_wait3A_2313, %dma_wait3A_2314, %dma_wait3A_2315] : memref<4x4x50x64xf32, #tpu.memory_space<vmem>> -> memref<1x4x50x64xf32, #tpu.memory_space<vmem>>
        %dma_wait3A_2317 = tpu.memref_squeeze %dma_wait3A_2316 : memref<1x4x50x64xf32, #tpu.memory_space<vmem>> -> memref<4x50x64xf32, #tpu.memory_space<vmem>>
        %dma_wait3A_2318 = arith.constant 0 : i32
        %dma_wait3A_2319 = arith.constant 0 : i32
        %dma_wait3A_2320 = tpu.memref_slice %dma_wait3A_2317[%dma_wait3A_2286, %dma_wait3A_2318, %dma_wait3A_2319] : memref<4x50x64xf32, #tpu.memory_space<vmem>> -> memref<1x50x64xf32, #tpu.memory_space<vmem>>
        %dma_wait3A_2321 = tpu.memref_squeeze %dma_wait3A_2320 : memref<1x50x64xf32, #tpu.memory_space<vmem>> -> memref<50x64xf32, #tpu.memory_space<vmem>>
        tpu.wait_dma2 semaphore(%dma_wait3A_2305 : memref<!tpu.dma_semaphore, #tpu.memory_space<semaphore_mem>>) src(%dma_wait3A_2321 : memref<50x64xf32, #tpu.memory_space<vmem>>) dst(%dma_wait3A_2312 : memref<50x64xf32, #tpu.memory_space<hbm>>)
        %dma_wait3A_2322 = arith.constant 1 : i32
        %dma_wait3A_2323 = arith.constant 3 : i32
        %dma_wait3A_2324 = arith.constant 1 : i32
        %dma_wait3A_2325 = arith.constant 0 : i32
        %dma_wait3A_2326 = arith.constant 0 : i32
        %dma_wait3A_2327 = arith.constant 0 : i32
        %dma_wait3A_2328 = tpu.memref_slice %arg6[%dma_wait3A_2322, %dma_wait3A_2325, %dma_wait3A_2326, %dma_wait3A_2327] : memref<4x4x50x64xf32, #tpu.memory_space<vmem>> -> memref<1x4x50x64xf32, #tpu.memory_space<vmem>>
        %dma_wait3A_2329 = tpu.memref_squeeze %dma_wait3A_2328 : memref<1x4x50x64xf32, #tpu.memory_space<vmem>> -> memref<4x50x64xf32, #tpu.memory_space<vmem>>
        %dma_wait3A_2330 = arith.constant 0 : i32
        %dma_wait3A_2331 = arith.constant 0 : i32
        %dma_wait3A_2332 = tpu.memref_slice %dma_wait3A_2329[%dma_wait3A_2323, %dma_wait3A_2330, %dma_wait3A_2331] : memref<4x50x64xf32, #tpu.memory_space<vmem>> -> memref<1x50x64xf32, #tpu.memory_space<vmem>>
        %dma_wait3A_2333 = tpu.memref_squeeze %dma_wait3A_2332 : memref<1x50x64xf32, #tpu.memory_space<vmem>> -> memref<50x64xf32, #tpu.memory_space<vmem>>
        %dma_wait3A_2334 = arith.constant 0 : i32
        %dma_wait3A_2335 = arith.constant 0 : i32
        %dma_wait3A_2336 = tpu.memref_slice %arg4[%mul3A_2, %dma_wait3A_2334, %dma_wait3A_2335] : memref<16384x56x128xf32, #tpu.memory_space<hbm>> -> memref<1x56x128xf32, #tpu.memory_space<hbm>>
        %dma_wait3A_2337 = tpu.memref_squeeze %dma_wait3A_2336 : memref<1x56x128xf32, #tpu.memory_space<hbm>> -> memref<56x128xf32, #tpu.memory_space<hbm>>
        %dma_wait3A_2338 = arith.constant 0 : i32
        %dma_wait3A_2339 = arith.constant 0 : i32
        %dma_wait3A_2340 = tpu.memref_slice %dma_wait3A_2337[%dma_wait3A_2338, %dma_wait3A_2339] : memref<56x128xf32, #tpu.memory_space<hbm>> -> memref<50x64xf32, #tpu.memory_space<hbm>>
        %dma_wait3A_2341 = tpu.memref_slice %arg8[%dma_wait3A_2324] : memref<4x!tpu.dma_semaphore, #tpu.memory_space<semaphore_mem>> -> memref<1x!tpu.dma_semaphore, #tpu.memory_space<semaphore_mem>>
        %dma_wait3A_2342 = tpu.memref_squeeze %dma_wait3A_2341 : memref<1x!tpu.dma_semaphore, #tpu.memory_space<semaphore_mem>> -> memref<!tpu.dma_semaphore, #tpu.memory_space<semaphore_mem>>
        %dma_wait3A_2343 = arith.constant 0 : i32
        %dma_wait3A_2344 = arith.constant 0 : i32
        %dma_wait3A_2345 = tpu.memref_slice %arg4[%mul3A_2, %dma_wait3A_2343, %dma_wait3A_2344] : memref<16384x56x128xf32, #tpu.memory_space<hbm>> -> memref<1x56x128xf32, #tpu.memory_space<hbm>>
        %dma_wait3A_2346 = tpu.memref_squeeze %dma_wait3A_2345 : memref<1x56x128xf32, #tpu.memory_space<hbm>> -> memref<56x128xf32, #tpu.memory_space<hbm>>
        %dma_wait3A_2347 = arith.constant 0 : i32
        %dma_wait3A_2348 = arith.constant 0 : i32
        %dma_wait3A_2349 = tpu.memref_slice %dma_wait3A_2346[%dma_wait3A_2347, %dma_wait3A_2348] : memref<56x128xf32, #tpu.memory_space<hbm>> -> memref<50x64xf32, #tpu.memory_space<hbm>>
        %dma_wait3A_2350 = arith.constant 0 : i32
        %dma_wait3A_2351 = arith.constant 0 : i32
        %dma_wait3A_2352 = arith.constant 0 : i32
        %dma_wait3A_2353 = tpu.memref_slice %arg6[%dma_wait3A_2322, %dma_wait3A_2350, %dma_wait3A_2351, %dma_wait3A_2352] : memref<4x4x50x64xf32, #tpu.memory_space<vmem>> -> memref<1x4x50x64xf32, #tpu.memory_space<vmem>>
        %dma_wait3A_2354 = tpu.memref_squeeze %dma_wait3A_2353 : memref<1x4x50x64xf32, #tpu.memory_space<vmem>> -> memref<4x50x64xf32, #tpu.memory_space<vmem>>
        %dma_wait3A_2355 = arith.constant 0 : i32
        %dma_wait3A_2356 = arith.constant 0 : i32
        %dma_wait3A_2357 = tpu.memref_slice %dma_wait3A_2354[%dma_wait3A_2323, %dma_wait3A_2355, %dma_wait3A_2356] : memref<4x50x64xf32, #tpu.memory_space<vmem>> -> memref<1x50x64xf32, #tpu.memory_space<vmem>>
        %dma_wait3A_2358 = tpu.memref_squeeze %dma_wait3A_2357 : memref<1x50x64xf32, #tpu.memory_space<vmem>> -> memref<50x64xf32, #tpu.memory_space<vmem>>
        tpu.wait_dma2 semaphore(%dma_wait3A_2342 : memref<!tpu.dma_semaphore, #tpu.memory_space<semaphore_mem>>) src(%dma_wait3A_2358 : memref<50x64xf32, #tpu.memory_space<vmem>>) dst(%dma_wait3A_2349 : memref<50x64xf32, #tpu.memory_space<hbm>>)
        %add3A_2359 = arith.constant 1 : i32
        %add3A_2360 = arith.addi %scan3A_934, %add3A_2359 : i32
        %mul3A_2361 = arith.constant 4 : i32
        %mul3A_2362 = arith.muli %add3A_2360, %mul3A_2361 : i32
        %add3A_2363 = arith.constant 1 : i32
        %add3A_2364 = arith.addi %mul3A_2362, %add3A_2363 : i32
        %mul3A_2365 = arith.constant 4 : i32
        %mul3A_2366 = arith.muli %add3A_2364, %mul3A_2365 : i32
        %add3A_2367 = arith.constant 0 : i32
        %add3A_2368 = arith.addi %mul3A_2366, %add3A_2367 : i32
        %dma_start3A_2369 = arith.constant 1 : i32
        %dma_start3A_2370 = arith.constant 0 : i32
        %dma_start3A_2371 = arith.constant 1 : i32
        %dma_start3A_2372 = arith.constant 0 : i32
        %dma_start3A_2373 = arith.constant 0 : i32
        %dma_start3A_2374 = arith.constant 0 : i32
        %dma_start3A_2375 = tpu.memref_slice %arg6[%dma_start3A_2369, %dma_start3A_2372, %dma_start3A_2373, %dma_start3A_2374] : memref<4x4x50x64xf32, #tpu.memory_space<vmem>> -> memref<1x4x50x64xf32, #tpu.memory_space<vmem>>
        %dma_start3A_2376 = tpu.memref_squeeze %dma_start3A_2375 : memref<1x4x50x64xf32, #tpu.memory_space<vmem>> -> memref<4x50x64xf32, #tpu.memory_space<vmem>>
        %dma_start3A_2377 = arith.constant 0 : i32
        %dma_start3A_2378 = arith.constant 0 : i32
        %dma_start3A_2379 = tpu.memref_slice %dma_start3A_2376[%dma_start3A_2370, %dma_start3A_2377, %dma_start3A_2378] : memref<4x50x64xf32, #tpu.memory_space<vmem>> -> memref<1x50x64xf32, #tpu.memory_space<vmem>>
        %dma_start3A_2380 = tpu.memref_squeeze %dma_start3A_2379 : memref<1x50x64xf32, #tpu.memory_space<vmem>> -> memref<50x64xf32, #tpu.memory_space<vmem>>
        %dma_start3A_2381 = arith.constant 0 : i32
        %dma_start3A_2382 = tpu.memref_slice %arg5[%add3A_2368, %dma_start3A_2381] : memref<512x50xi32, #tpu.memory_space<vmem>> -> memref<1x50xi32, #tpu.memory_space<vmem>>
        %dma_start3A_2383 = tpu.memref_squeeze %dma_start3A_2382 : memref<1x50xi32, #tpu.memory_space<vmem>> -> memref<50xi32, #tpu.memory_space<vmem>>
        %dma_start3A_2384 = arith.constant 0 : i32
        %dma_start3A_2385 = arith.constant 0 : i32
        %dma_start3A_2386 = tpu.memref_slice %arg3[%dma_start3A_2384, %dma_start3A_2385] : memref<2000000x64xf32, #tpu.memory_space<hbm>> -> memref<2000000x64xf32, #tpu.memory_space<hbm>>
        %dma_start3A_2387 = tpu.memref_slice %arg7[%dma_start3A_2371] : memref<4x!tpu.dma_semaphore, #tpu.memory_space<semaphore_mem>> -> memref<1x!tpu.dma_semaphore, #tpu.memory_space<semaphore_mem>>
        %dma_start3A_2388 = tpu.memref_squeeze %dma_start3A_2387 : memref<1x!tpu.dma_semaphore, #tpu.memory_space<semaphore_mem>> -> memref<!tpu.dma_semaphore, #tpu.memory_space<semaphore_mem>>
        tpu.enqueue_indirect_dma source(%dma_start3A_2386 : memref<2000000x64xf32, #tpu.memory_space<hbm>>) target(%dma_start3A_2380 : memref<50x64xf32, #tpu.memory_space<vmem>>) offsets(%dma_start3A_2383 : memref<50xi32, #tpu.memory_space<vmem>>) semaphore(%dma_start3A_2388 : memref<!tpu.dma_semaphore, #tpu.memory_space<semaphore_mem>>)
        %mul3A_2389 = arith.constant 4 : i32
        %mul3A_2390 = arith.muli %add3A_2364, %mul3A_2389 : i32
        %add3A_2391 = arith.constant 1 : i32
        %add3A_2392 = arith.addi %mul3A_2390, %add3A_2391 : i32
        %dma_start3A_2393 = arith.constant 1 : i32
        %dma_start3A_2394 = arith.constant 1 : i32
        %dma_start3A_2395 = arith.constant 1 : i32
        %dma_start3A_2396 = arith.constant 0 : i32
        %dma_start3A_2397 = arith.constant 0 : i32
        %dma_start3A_2398 = arith.constant 0 : i32
        %dma_start3A_2399 = tpu.memref_slice %arg6[%dma_start3A_2393, %dma_start3A_2396, %dma_start3A_2397, %dma_start3A_2398] : memref<4x4x50x64xf32, #tpu.memory_space<vmem>> -> memref<1x4x50x64xf32, #tpu.memory_space<vmem>>
        %dma_start3A_2400 = tpu.memref_squeeze %dma_start3A_2399 : memref<1x4x50x64xf32, #tpu.memory_space<vmem>> -> memref<4x50x64xf32, #tpu.memory_space<vmem>>
        %dma_start3A_2401 = arith.constant 0 : i32
        %dma_start3A_2402 = arith.constant 0 : i32
        %dma_start3A_2403 = tpu.memref_slice %dma_start3A_2400[%dma_start3A_2394, %dma_start3A_2401, %dma_start3A_2402] : memref<4x50x64xf32, #tpu.memory_space<vmem>> -> memref<1x50x64xf32, #tpu.memory_space<vmem>>
        %dma_start3A_2404 = tpu.memref_squeeze %dma_start3A_2403 : memref<1x50x64xf32, #tpu.memory_space<vmem>> -> memref<50x64xf32, #tpu.memory_space<vmem>>
        %dma_start3A_2405 = arith.constant 0 : i32
        %dma_start3A_2406 = tpu.memref_slice %arg5[%add3A_2392, %dma_start3A_2405] : memref<512x50xi32, #tpu.memory_space<vmem>> -> memref<1x50xi32, #tpu.memory_space<vmem>>
        %dma_start3A_2407 = tpu.memref_squeeze %dma_start3A_2406 : memref<1x50xi32, #tpu.memory_space<vmem>> -> memref<50xi32, #tpu.memory_space<vmem>>
        %dma_start3A_2408 = arith.constant 0 : i32
        %dma_start3A_2409 = arith.constant 0 : i32
        %dma_start3A_2410 = tpu.memref_slice %arg3[%dma_start3A_2408, %dma_start3A_2409] : memref<2000000x64xf32, #tpu.memory_space<hbm>> -> memref<2000000x64xf32, #tpu.memory_space<hbm>>
        %dma_start3A_2411 = tpu.memref_slice %arg7[%dma_start3A_2395] : memref<4x!tpu.dma_semaphore, #tpu.memory_space<semaphore_mem>> -> memref<1x!tpu.dma_semaphore, #tpu.memory_space<semaphore_mem>>
        %dma_start3A_2412 = tpu.memref_squeeze %dma_start3A_2411 : memref<1x!tpu.dma_semaphore, #tpu.memory_space<semaphore_mem>> -> memref<!tpu.dma_semaphore, #tpu.memory_space<semaphore_mem>>
        tpu.enqueue_indirect_dma source(%dma_start3A_2410 : memref<2000000x64xf32, #tpu.memory_space<hbm>>) target(%dma_start3A_2404 : memref<50x64xf32, #tpu.memory_space<vmem>>) offsets(%dma_start3A_2407 : memref<50xi32, #tpu.memory_space<vmem>>) semaphore(%dma_start3A_2412 : memref<!tpu.dma_semaphore, #tpu.memory_space<semaphore_mem>>)
        %mul3A_2413 = arith.constant 4 : i32
        %mul3A_2414 = arith.muli %add3A_2364, %mul3A_2413 : i32
        %add3A_2415 = arith.constant 2 : i32
        %add3A_2416 = arith.addi %mul3A_2414, %add3A_2415 : i32
        %dma_start3A_2417 = arith.constant 1 : i32
        %dma_start3A_2418 = arith.constant 2 : i32
        %dma_start3A_2419 = arith.constant 1 : i32
        %dma_start3A_2420 = arith.constant 0 : i32
        %dma_start3A_2421 = arith.constant 0 : i32
        %dma_start3A_2422 = arith.constant 0 : i32
        %dma_start3A_2423 = tpu.memref_slice %arg6[%dma_start3A_2417, %dma_start3A_2420, %dma_start3A_2421, %dma_start3A_2422] : memref<4x4x50x64xf32, #tpu.memory_space<vmem>> -> memref<1x4x50x64xf32, #tpu.memory_space<vmem>>
        %dma_start3A_2424 = tpu.memref_squeeze %dma_start3A_2423 : memref<1x4x50x64xf32, #tpu.memory_space<vmem>> -> memref<4x50x64xf32, #tpu.memory_space<vmem>>
        %dma_start3A_2425 = arith.constant 0 : i32
        %dma_start3A_2426 = arith.constant 0 : i32
        %dma_start3A_2427 = tpu.memref_slice %dma_start3A_2424[%dma_start3A_2418, %dma_start3A_2425, %dma_start3A_2426] : memref<4x50x64xf32, #tpu.memory_space<vmem>> -> memref<1x50x64xf32, #tpu.memory_space<vmem>>
        %dma_start3A_2428 = tpu.memref_squeeze %dma_start3A_2427 : memref<1x50x64xf32, #tpu.memory_space<vmem>> -> memref<50x64xf32, #tpu.memory_space<vmem>>
        %dma_start3A_2429 = arith.constant 0 : i32
        %dma_start3A_2430 = tpu.memref_slice %arg5[%add3A_2416, %dma_start3A_2429] : memref<512x50xi32, #tpu.memory_space<vmem>> -> memref<1x50xi32, #tpu.memory_space<vmem>>
        %dma_start3A_2431 = tpu.memref_squeeze %dma_start3A_2430 : memref<1x50xi32, #tpu.memory_space<vmem>> -> memref<50xi32, #tpu.memory_space<vmem>>
        %dma_start3A_2432 = arith.constant 0 : i32
        %dma_start3A_2433 = arith.constant 0 : i32
        %dma_start3A_2434 = tpu.memref_slice %arg3[%dma_start3A_2432, %dma_start3A_2433] : memref<2000000x64xf32, #tpu.memory_space<hbm>> -> memref<2000000x64xf32, #tpu.memory_space<hbm>>
        %dma_start3A_2435 = tpu.memref_slice %arg7[%dma_start3A_2419] : memref<4x!tpu.dma_semaphore, #tpu.memory_space<semaphore_mem>> -> memref<1x!tpu.dma_semaphore, #tpu.memory_space<semaphore_mem>>
        %dma_start3A_2436 = tpu.memref_squeeze %dma_start3A_2435 : memref<1x!tpu.dma_semaphore, #tpu.memory_space<semaphore_mem>> -> memref<!tpu.dma_semaphore, #tpu.memory_space<semaphore_mem>>
        tpu.enqueue_indirect_dma source(%dma_start3A_2434 : memref<2000000x64xf32, #tpu.memory_space<hbm>>) target(%dma_start3A_2428 : memref<50x64xf32, #tpu.memory_space<vmem>>) offsets(%dma_start3A_2431 : memref<50xi32, #tpu.memory_space<vmem>>) semaphore(%dma_start3A_2436 : memref<!tpu.dma_semaphore, #tpu.memory_space<semaphore_mem>>)
        %mul3A_2437 = arith.constant 4 : i32
        %mul3A_2438 = arith.muli %add3A_2364, %mul3A_2437 : i32
        %add3A_2439 = arith.constant 3 : i32
        %add3A_2440 = arith.addi %mul3A_2438, %add3A_2439 : i32
        %dma_start3A_2441 = arith.constant 1 : i32
        %dma_start3A_2442 = arith.constant 3 : i32
        %dma_start3A_2443 = arith.constant 1 : i32
        %dma_start3A_2444 = arith.constant 0 : i32
        %dma_start3A_2445 = arith.constant 0 : i32
        %dma_start3A_2446 = arith.constant 0 : i32
        %dma_start3A_2447 = tpu.memref_slice %arg6[%dma_start3A_2441, %dma_start3A_2444, %dma_start3A_2445, %dma_start3A_2446] : memref<4x4x50x64xf32, #tpu.memory_space<vmem>> -> memref<1x4x50x64xf32, #tpu.memory_space<vmem>>
        %dma_start3A_2448 = tpu.memref_squeeze %dma_start3A_2447 : memref<1x4x50x64xf32, #tpu.memory_space<vmem>> -> memref<4x50x64xf32, #tpu.memory_space<vmem>>
        %dma_start3A_2449 = arith.constant 0 : i32
        %dma_start3A_2450 = arith.constant 0 : i32
        %dma_start3A_2451 = tpu.memref_slice %dma_start3A_2448[%dma_start3A_2442, %dma_start3A_2449, %dma_start3A_2450] : memref<4x50x64xf32, #tpu.memory_space<vmem>> -> memref<1x50x64xf32, #tpu.memory_space<vmem>>
        %dma_start3A_2452 = tpu.memref_squeeze %dma_start3A_2451 : memref<1x50x64xf32, #tpu.memory_space<vmem>> -> memref<50x64xf32, #tpu.memory_space<vmem>>
        %dma_start3A_2453 = arith.constant 0 : i32
        %dma_start3A_2454 = tpu.memref_slice %arg5[%add3A_2440, %dma_start3A_2453] : memref<512x50xi32, #tpu.memory_space<vmem>> -> memref<1x50xi32, #tpu.memory_space<vmem>>
        %dma_start3A_2455 = tpu.memref_squeeze %dma_start3A_2454 : memref<1x50xi32, #tpu.memory_space<vmem>> -> memref<50xi32, #tpu.memory_space<vmem>>
        %dma_start3A_2456 = arith.constant 0 : i32
        %dma_start3A_2457 = arith.constant 0 : i32
        %dma_start3A_2458 = tpu.memref_slice %arg3[%dma_start3A_2456, %dma_start3A_2457] : memref<2000000x64xf32, #tpu.memory_space<hbm>> -> memref<2000000x64xf32, #tpu.memory_space<hbm>>
        %dma_start3A_2459 = tpu.memref_slice %arg7[%dma_start3A_2443] : memref<4x!tpu.dma_semaphore, #tpu.memory_space<semaphore_mem>> -> memref<1x!tpu.dma_semaphore, #tpu.memory_space<semaphore_mem>>
        %dma_start3A_2460 = tpu.memref_squeeze %dma_start3A_2459 : memref<1x!tpu.dma_semaphore, #tpu.memory_space<semaphore_mem>> -> memref<!tpu.dma_semaphore, #tpu.memory_space<semaphore_mem>>
        tpu.enqueue_indirect_dma source(%dma_start3A_2458 : memref<2000000x64xf32, #tpu.memory_space<hbm>>) target(%dma_start3A_2452 : memref<50x64xf32, #tpu.memory_space<vmem>>) offsets(%dma_start3A_2455 : memref<50xi32, #tpu.memory_space<vmem>>) semaphore(%dma_start3A_2460 : memref<!tpu.dma_semaphore, #tpu.memory_space<semaphore_mem>>)
        %dma_wait3A_2461 = arith.constant 2 : i32
        %dma_wait3A_2462 = arith.constant 0 : i32
        %dma_wait3A_2463 = arith.constant 2 : i32
        %dma_wait3A_2464 = arith.constant 0 : i32
        %dma_wait3A_2465 = arith.constant 0 : i32
        %dma_wait3A_2466 = arith.constant 0 : i32
        %dma_wait3A_2467 = tpu.memref_slice %arg6[%dma_wait3A_2461, %dma_wait3A_2464, %dma_wait3A_2465, %dma_wait3A_2466] : memref<4x4x50x64xf32, #tpu.memory_space<vmem>> -> memref<1x4x50x64xf32, #tpu.memory_space<vmem>>
        %dma_wait3A_2468 = tpu.memref_squeeze %dma_wait3A_2467 : memref<1x4x50x64xf32, #tpu.memory_space<vmem>> -> memref<4x50x64xf32, #tpu.memory_space<vmem>>
        %dma_wait3A_2469 = arith.constant 0 : i32
        %dma_wait3A_2470 = arith.constant 0 : i32
        %dma_wait3A_2471 = tpu.memref_slice %dma_wait3A_2468[%dma_wait3A_2462, %dma_wait3A_2469, %dma_wait3A_2470] : memref<4x50x64xf32, #tpu.memory_space<vmem>> -> memref<1x50x64xf32, #tpu.memory_space<vmem>>
        %dma_wait3A_2472 = tpu.memref_squeeze %dma_wait3A_2471 : memref<1x50x64xf32, #tpu.memory_space<vmem>> -> memref<50x64xf32, #tpu.memory_space<vmem>>
        %dma_wait3A_2473 = arith.constant 0 : i32
        %dma_wait3A_2474 = arith.constant 0 : i32
        %dma_wait3A_2475 = tpu.memref_slice %arg4[%mul3A_2, %dma_wait3A_2473, %dma_wait3A_2474] : memref<16384x56x128xf32, #tpu.memory_space<hbm>> -> memref<1x56x128xf32, #tpu.memory_space<hbm>>
        %dma_wait3A_2476 = tpu.memref_squeeze %dma_wait3A_2475 : memref<1x56x128xf32, #tpu.memory_space<hbm>> -> memref<56x128xf32, #tpu.memory_space<hbm>>
        %dma_wait3A_2477 = arith.constant 0 : i32
        %dma_wait3A_2478 = arith.constant 0 : i32
        %dma_wait3A_2479 = tpu.memref_slice %dma_wait3A_2476[%dma_wait3A_2477, %dma_wait3A_2478] : memref<56x128xf32, #tpu.memory_space<hbm>> -> memref<50x64xf32, #tpu.memory_space<hbm>>
        %dma_wait3A_2480 = tpu.memref_slice %arg8[%dma_wait3A_2463] : memref<4x!tpu.dma_semaphore, #tpu.memory_space<semaphore_mem>> -> memref<1x!tpu.dma_semaphore, #tpu.memory_space<semaphore_mem>>
        %dma_wait3A_2481 = tpu.memref_squeeze %dma_wait3A_2480 : memref<1x!tpu.dma_semaphore, #tpu.memory_space<semaphore_mem>> -> memref<!tpu.dma_semaphore, #tpu.memory_space<semaphore_mem>>
        %dma_wait3A_2482 = arith.constant 0 : i32
        %dma_wait3A_2483 = arith.constant 0 : i32
        %dma_wait3A_2484 = tpu.memref_slice %arg4[%mul3A_2, %dma_wait3A_2482, %dma_wait3A_2483] : memref<16384x56x128xf32, #tpu.memory_space<hbm>> -> memref<1x56x128xf32, #tpu.memory_space<hbm>>
        %dma_wait3A_2485 = tpu.memref_squeeze %dma_wait3A_2484 : memref<1x56x128xf32, #tpu.memory_space<hbm>> -> memref<56x128xf32, #tpu.memory_space<hbm>>
        %dma_wait3A_2486 = arith.constant 0 : i32
        %dma_wait3A_2487 = arith.constant 0 : i32
        %dma_wait3A_2488 = tpu.memref_slice %dma_wait3A_2485[%dma_wait3A_2486, %dma_wait3A_2487] : memref<56x128xf32, #tpu.memory_space<hbm>> -> memref<50x64xf32, #tpu.memory_space<hbm>>
        %dma_wait3A_2489 = arith.constant 0 : i32
        %dma_wait3A_2490 = arith.constant 0 : i32
        %dma_wait3A_2491 = arith.constant 0 : i32
        %dma_wait3A_2492 = tpu.memref_slice %arg6[%dma_wait3A_2461, %dma_wait3A_2489, %dma_wait3A_2490, %dma_wait3A_2491] : memref<4x4x50x64xf32, #tpu.memory_space<vmem>> -> memref<1x4x50x64xf32, #tpu.memory_space<vmem>>
        %dma_wait3A_2493 = tpu.memref_squeeze %dma_wait3A_2492 : memref<1x4x50x64xf32, #tpu.memory_space<vmem>> -> memref<4x50x64xf32, #tpu.memory_space<vmem>>
        %dma_wait3A_2494 = arith.constant 0 : i32
        %dma_wait3A_2495 = arith.constant 0 : i32
        %dma_wait3A_2496 = tpu.memref_slice %dma_wait3A_2493[%dma_wait3A_2462, %dma_wait3A_2494, %dma_wait3A_2495] : memref<4x50x64xf32, #tpu.memory_space<vmem>> -> memref<1x50x64xf32, #tpu.memory_space<vmem>>
        %dma_wait3A_2497 = tpu.memref_squeeze %dma_wait3A_2496 : memref<1x50x64xf32, #tpu.memory_space<vmem>> -> memref<50x64xf32, #tpu.memory_space<vmem>>
        tpu.wait_dma2 semaphore(%dma_wait3A_2481 : memref<!tpu.dma_semaphore, #tpu.memory_space<semaphore_mem>>) src(%dma_wait3A_2497 : memref<50x64xf32, #tpu.memory_space<vmem>>) dst(%dma_wait3A_2488 : memref<50x64xf32, #tpu.memory_space<hbm>>)
        %dma_wait3A_2498 = arith.constant 2 : i32
        %dma_wait3A_2499 = arith.constant 1 : i32
        %dma_wait3A_2500 = arith.constant 2 : i32
        %dma_wait3A_2501 = arith.constant 0 : i32
        %dma_wait3A_2502 = arith.constant 0 : i32
        %dma_wait3A_2503 = arith.constant 0 : i32
        %dma_wait3A_2504 = tpu.memref_slice %arg6[%dma_wait3A_2498, %dma_wait3A_2501, %dma_wait3A_2502, %dma_wait3A_2503] : memref<4x4x50x64xf32, #tpu.memory_space<vmem>> -> memref<1x4x50x64xf32, #tpu.memory_space<vmem>>
        %dma_wait3A_2505 = tpu.memref_squeeze %dma_wait3A_2504 : memref<1x4x50x64xf32, #tpu.memory_space<vmem>> -> memref<4x50x64xf32, #tpu.memory_space<vmem>>
        %dma_wait3A_2506 = arith.constant 0 : i32
        %dma_wait3A_2507 = arith.constant 0 : i32
        %dma_wait3A_2508 = tpu.memref_slice %dma_wait3A_2505[%dma_wait3A_2499, %dma_wait3A_2506, %dma_wait3A_2507] : memref<4x50x64xf32, #tpu.memory_space<vmem>> -> memref<1x50x64xf32, #tpu.memory_space<vmem>>
        %dma_wait3A_2509 = tpu.memref_squeeze %dma_wait3A_2508 : memref<1x50x64xf32, #tpu.memory_space<vmem>> -> memref<50x64xf32, #tpu.memory_space<vmem>>
        %dma_wait3A_2510 = arith.constant 0 : i32
        %dma_wait3A_2511 = arith.constant 0 : i32
        %dma_wait3A_2512 = tpu.memref_slice %arg4[%mul3A_2, %dma_wait3A_2510, %dma_wait3A_2511] : memref<16384x56x128xf32, #tpu.memory_space<hbm>> -> memref<1x56x128xf32, #tpu.memory_space<hbm>>
        %dma_wait3A_2513 = tpu.memref_squeeze %dma_wait3A_2512 : memref<1x56x128xf32, #tpu.memory_space<hbm>> -> memref<56x128xf32, #tpu.memory_space<hbm>>
        %dma_wait3A_2514 = arith.constant 0 : i32
        %dma_wait3A_2515 = arith.constant 0 : i32
        %dma_wait3A_2516 = tpu.memref_slice %dma_wait3A_2513[%dma_wait3A_2514, %dma_wait3A_2515] : memref<56x128xf32, #tpu.memory_space<hbm>> -> memref<50x64xf32, #tpu.memory_space<hbm>>
        %dma_wait3A_2517 = tpu.memref_slice %arg8[%dma_wait3A_2500] : memref<4x!tpu.dma_semaphore, #tpu.memory_space<semaphore_mem>> -> memref<1x!tpu.dma_semaphore, #tpu.memory_space<semaphore_mem>>
        %dma_wait3A_2518 = tpu.memref_squeeze %dma_wait3A_2517 : memref<1x!tpu.dma_semaphore, #tpu.memory_space<semaphore_mem>> -> memref<!tpu.dma_semaphore, #tpu.memory_space<semaphore_mem>>
        %dma_wait3A_2519 = arith.constant 0 : i32
        %dma_wait3A_2520 = arith.constant 0 : i32
        %dma_wait3A_2521 = tpu.memref_slice %arg4[%mul3A_2, %dma_wait3A_2519, %dma_wait3A_2520] : memref<16384x56x128xf32, #tpu.memory_space<hbm>> -> memref<1x56x128xf32, #tpu.memory_space<hbm>>
        %dma_wait3A_2522 = tpu.memref_squeeze %dma_wait3A_2521 : memref<1x56x128xf32, #tpu.memory_space<hbm>> -> memref<56x128xf32, #tpu.memory_space<hbm>>
        %dma_wait3A_2523 = arith.constant 0 : i32
        %dma_wait3A_2524 = arith.constant 0 : i32
        %dma_wait3A_2525 = tpu.memref_slice %dma_wait3A_2522[%dma_wait3A_2523, %dma_wait3A_2524] : memref<56x128xf32, #tpu.memory_space<hbm>> -> memref<50x64xf32, #tpu.memory_space<hbm>>
        %dma_wait3A_2526 = arith.constant 0 : i32
        %dma_wait3A_2527 = arith.constant 0 : i32
        %dma_wait3A_2528 = arith.constant 0 : i32
        %dma_wait3A_2529 = tpu.memref_slice %arg6[%dma_wait3A_2498, %dma_wait3A_2526, %dma_wait3A_2527, %dma_wait3A_2528] : memref<4x4x50x64xf32, #tpu.memory_space<vmem>> -> memref<1x4x50x64xf32, #tpu.memory_space<vmem>>
        %dma_wait3A_2530 = tpu.memref_squeeze %dma_wait3A_2529 : memref<1x4x50x64xf32, #tpu.memory_space<vmem>> -> memref<4x50x64xf32, #tpu.memory_space<vmem>>
        %dma_wait3A_2531 = arith.constant 0 : i32
        %dma_wait3A_2532 = arith.constant 0 : i32
        %dma_wait3A_2533 = tpu.memref_slice %dma_wait3A_2530[%dma_wait3A_2499, %dma_wait3A_2531, %dma_wait3A_2532] : memref<4x50x64xf32, #tpu.memory_space<vmem>> -> memref<1x50x64xf32, #tpu.memory_space<vmem>>
        %dma_wait3A_2534 = tpu.memref_squeeze %dma_wait3A_2533 : memref<1x50x64xf32, #tpu.memory_space<vmem>> -> memref<50x64xf32, #tpu.memory_space<vmem>>
        tpu.wait_dma2 semaphore(%dma_wait3A_2518 : memref<!tpu.dma_semaphore, #tpu.memory_space<semaphore_mem>>) src(%dma_wait3A_2534 : memref<50x64xf32, #tpu.memory_space<vmem>>) dst(%dma_wait3A_2525 : memref<50x64xf32, #tpu.memory_space<hbm>>)
        %dma_wait3A_2535 = arith.constant 2 : i32
        %dma_wait3A_2536 = arith.constant 2 : i32
        %dma_wait3A_2537 = arith.constant 2 : i32
        %dma_wait3A_2538 = arith.constant 0 : i32
        %dma_wait3A_2539 = arith.constant 0 : i32
        %dma_wait3A_2540 = arith.constant 0 : i32
        %dma_wait3A_2541 = tpu.memref_slice %arg6[%dma_wait3A_2535, %dma_wait3A_2538, %dma_wait3A_2539, %dma_wait3A_2540] : memref<4x4x50x64xf32, #tpu.memory_space<vmem>> -> memref<1x4x50x64xf32, #tpu.memory_space<vmem>>
        %dma_wait3A_2542 = tpu.memref_squeeze %dma_wait3A_2541 : memref<1x4x50x64xf32, #tpu.memory_space<vmem>> -> memref<4x50x64xf32, #tpu.memory_space<vmem>>
        %dma_wait3A_2543 = arith.constant 0 : i32
        %dma_wait3A_2544 = arith.constant 0 : i32
        %dma_wait3A_2545 = tpu.memref_slice %dma_wait3A_2542[%dma_wait3A_2536, %dma_wait3A_2543, %dma_wait3A_2544] : memref<4x50x64xf32, #tpu.memory_space<vmem>> -> memref<1x50x64xf32, #tpu.memory_space<vmem>>
        %dma_wait3A_2546 = tpu.memref_squeeze %dma_wait3A_2545 : memref<1x50x64xf32, #tpu.memory_space<vmem>> -> memref<50x64xf32, #tpu.memory_space<vmem>>
        %dma_wait3A_2547 = arith.constant 0 : i32
        %dma_wait3A_2548 = arith.constant 0 : i32
        %dma_wait3A_2549 = tpu.memref_slice %arg4[%mul3A_2, %dma_wait3A_2547, %dma_wait3A_2548] : memref<16384x56x128xf32, #tpu.memory_space<hbm>> -> memref<1x56x128xf32, #tpu.memory_space<hbm>>
        %dma_wait3A_2550 = tpu.memref_squeeze %dma_wait3A_2549 : memref<1x56x128xf32, #tpu.memory_space<hbm>> -> memref<56x128xf32, #tpu.memory_space<hbm>>
        %dma_wait3A_2551 = arith.constant 0 : i32
        %dma_wait3A_2552 = arith.constant 0 : i32
        %dma_wait3A_2553 = tpu.memref_slice %dma_wait3A_2550[%dma_wait3A_2551, %dma_wait3A_2552] : memref<56x128xf32, #tpu.memory_space<hbm>> -> memref<50x64xf32, #tpu.memory_space<hbm>>
        %dma_wait3A_2554 = tpu.memref_slice %arg8[%dma_wait3A_2537] : memref<4x!tpu.dma_semaphore, #tpu.memory_space<semaphore_mem>> -> memref<1x!tpu.dma_semaphore, #tpu.memory_space<semaphore_mem>>
        %dma_wait3A_2555 = tpu.memref_squeeze %dma_wait3A_2554 : memref<1x!tpu.dma_semaphore, #tpu.memory_space<semaphore_mem>> -> memref<!tpu.dma_semaphore, #tpu.memory_space<semaphore_mem>>
        %dma_wait3A_2556 = arith.constant 0 : i32
        %dma_wait3A_2557 = arith.constant 0 : i32
        %dma_wait3A_2558 = tpu.memref_slice %arg4[%mul3A_2, %dma_wait3A_2556, %dma_wait3A_2557] : memref<16384x56x128xf32, #tpu.memory_space<hbm>> -> memref<1x56x128xf32, #tpu.memory_space<hbm>>
        %dma_wait3A_2559 = tpu.memref_squeeze %dma_wait3A_2558 : memref<1x56x128xf32, #tpu.memory_space<hbm>> -> memref<56x128xf32, #tpu.memory_space<hbm>>
        %dma_wait3A_2560 = arith.constant 0 : i32
        %dma_wait3A_2561 = arith.constant 0 : i32
        %dma_wait3A_2562 = tpu.memref_slice %dma_wait3A_2559[%dma_wait3A_2560, %dma_wait3A_2561] : memref<56x128xf32, #tpu.memory_space<hbm>> -> memref<50x64xf32, #tpu.memory_space<hbm>>
        %dma_wait3A_2563 = arith.constant 0 : i32
        %dma_wait3A_2564 = arith.constant 0 : i32
        %dma_wait3A_2565 = arith.constant 0 : i32
        %dma_wait3A_2566 = tpu.memref_slice %arg6[%dma_wait3A_2535, %dma_wait3A_2563, %dma_wait3A_2564, %dma_wait3A_2565] : memref<4x4x50x64xf32, #tpu.memory_space<vmem>> -> memref<1x4x50x64xf32, #tpu.memory_space<vmem>>
        %dma_wait3A_2567 = tpu.memref_squeeze %dma_wait3A_2566 : memref<1x4x50x64xf32, #tpu.memory_space<vmem>> -> memref<4x50x64xf32, #tpu.memory_space<vmem>>
        %dma_wait3A_2568 = arith.constant 0 : i32
        %dma_wait3A_2569 = arith.constant 0 : i32
        %dma_wait3A_2570 = tpu.memref_slice %dma_wait3A_2567[%dma_wait3A_2536, %dma_wait3A_2568, %dma_wait3A_2569] : memref<4x50x64xf32, #tpu.memory_space<vmem>> -> memref<1x50x64xf32, #tpu.memory_space<vmem>>
        %dma_wait3A_2571 = tpu.memref_squeeze %dma_wait3A_2570 : memref<1x50x64xf32, #tpu.memory_space<vmem>> -> memref<50x64xf32, #tpu.memory_space<vmem>>
        tpu.wait_dma2 semaphore(%dma_wait3A_2555 : memref<!tpu.dma_semaphore, #tpu.memory_space<semaphore_mem>>) src(%dma_wait3A_2571 : memref<50x64xf32, #tpu.memory_space<vmem>>) dst(%dma_wait3A_2562 : memref<50x64xf32, #tpu.memory_space<hbm>>)
        %dma_wait3A_2572 = arith.constant 2 : i32
        %dma_wait3A_2573 = arith.constant 3 : i32
        %dma_wait3A_2574 = arith.constant 2 : i32
        %dma_wait3A_2575 = arith.constant 0 : i32
        %dma_wait3A_2576 = arith.constant 0 : i32
        %dma_wait3A_2577 = arith.constant 0 : i32
        %dma_wait3A_2578 = tpu.memref_slice %arg6[%dma_wait3A_2572, %dma_wait3A_2575, %dma_wait3A_2576, %dma_wait3A_2577] : memref<4x4x50x64xf32, #tpu.memory_space<vmem>> -> memref<1x4x50x64xf32, #tpu.memory_space<vmem>>
        %dma_wait3A_2579 = tpu.memref_squeeze %dma_wait3A_2578 : memref<1x4x50x64xf32, #tpu.memory_space<vmem>> -> memref<4x50x64xf32, #tpu.memory_space<vmem>>
        %dma_wait3A_2580 = arith.constant 0 : i32
        %dma_wait3A_2581 = arith.constant 0 : i32
        %dma_wait3A_2582 = tpu.memref_slice %dma_wait3A_2579[%dma_wait3A_2573, %dma_wait3A_2580, %dma_wait3A_2581] : memref<4x50x64xf32, #tpu.memory_space<vmem>> -> memref<1x50x64xf32, #tpu.memory_space<vmem>>
        %dma_wait3A_2583 = tpu.memref_squeeze %dma_wait3A_2582 : memref<1x50x64xf32, #tpu.memory_space<vmem>> -> memref<50x64xf32, #tpu.memory_space<vmem>>
        %dma_wait3A_2584 = arith.constant 0 : i32
        %dma_wait3A_2585 = arith.constant 0 : i32
        %dma_wait3A_2586 = tpu.memref_slice %arg4[%mul3A_2, %dma_wait3A_2584, %dma_wait3A_2585] : memref<16384x56x128xf32, #tpu.memory_space<hbm>> -> memref<1x56x128xf32, #tpu.memory_space<hbm>>
        %dma_wait3A_2587 = tpu.memref_squeeze %dma_wait3A_2586 : memref<1x56x128xf32, #tpu.memory_space<hbm>> -> memref<56x128xf32, #tpu.memory_space<hbm>>
        %dma_wait3A_2588 = arith.constant 0 : i32
        %dma_wait3A_2589 = arith.constant 0 : i32
        %dma_wait3A_2590 = tpu.memref_slice %dma_wait3A_2587[%dma_wait3A_2588, %dma_wait3A_2589] : memref<56x128xf32, #tpu.memory_space<hbm>> -> memref<50x64xf32, #tpu.memory_space<hbm>>
        %dma_wait3A_2591 = tpu.memref_slice %arg8[%dma_wait3A_2574] : memref<4x!tpu.dma_semaphore, #tpu.memory_space<semaphore_mem>> -> memref<1x!tpu.dma_semaphore, #tpu.memory_space<semaphore_mem>>
        %dma_wait3A_2592 = tpu.memref_squeeze %dma_wait3A_2591 : memref<1x!tpu.dma_semaphore, #tpu.memory_space<semaphore_mem>> -> memref<!tpu.dma_semaphore, #tpu.memory_space<semaphore_mem>>
        %dma_wait3A_2593 = arith.constant 0 : i32
        %dma_wait3A_2594 = arith.constant 0 : i32
        %dma_wait3A_2595 = tpu.memref_slice %arg4[%mul3A_2, %dma_wait3A_2593, %dma_wait3A_2594] : memref<16384x56x128xf32, #tpu.memory_space<hbm>> -> memref<1x56x128xf32, #tpu.memory_space<hbm>>
        %dma_wait3A_2596 = tpu.memref_squeeze %dma_wait3A_2595 : memref<1x56x128xf32, #tpu.memory_space<hbm>> -> memref<56x128xf32, #tpu.memory_space<hbm>>
        %dma_wait3A_2597 = arith.constant 0 : i32
        %dma_wait3A_2598 = arith.constant 0 : i32
        %dma_wait3A_2599 = tpu.memref_slice %dma_wait3A_2596[%dma_wait3A_2597, %dma_wait3A_2598] : memref<56x128xf32, #tpu.memory_space<hbm>> -> memref<50x64xf32, #tpu.memory_space<hbm>>
        %dma_wait3A_2600 = arith.constant 0 : i32
        %dma_wait3A_2601 = arith.constant 0 : i32
        %dma_wait3A_2602 = arith.constant 0 : i32
        %dma_wait3A_2603 = tpu.memref_slice %arg6[%dma_wait3A_2572, %dma_wait3A_2600, %dma_wait3A_2601, %dma_wait3A_2602] : memref<4x4x50x64xf32, #tpu.memory_space<vmem>> -> memref<1x4x50x64xf32, #tpu.memory_space<vmem>>
        %dma_wait3A_2604 = tpu.memref_squeeze %dma_wait3A_2603 : memref<1x4x50x64xf32, #tpu.memory_space<vmem>> -> memref<4x50x64xf32, #tpu.memory_space<vmem>>
        %dma_wait3A_2605 = arith.constant 0 : i32
        %dma_wait3A_2606 = arith.constant 0 : i32
        %dma_wait3A_2607 = tpu.memref_slice %dma_wait3A_2604[%dma_wait3A_2573, %dma_wait3A_2605, %dma_wait3A_2606] : memref<4x50x64xf32, #tpu.memory_space<vmem>> -> memref<1x50x64xf32, #tpu.memory_space<vmem>>
        %dma_wait3A_2608 = tpu.memref_squeeze %dma_wait3A_2607 : memref<1x50x64xf32, #tpu.memory_space<vmem>> -> memref<50x64xf32, #tpu.memory_space<vmem>>
        tpu.wait_dma2 semaphore(%dma_wait3A_2592 : memref<!tpu.dma_semaphore, #tpu.memory_space<semaphore_mem>>) src(%dma_wait3A_2608 : memref<50x64xf32, #tpu.memory_space<vmem>>) dst(%dma_wait3A_2599 : memref<50x64xf32, #tpu.memory_space<hbm>>)
        %add3A_2609 = arith.constant 1 : i32
        %add3A_2610 = arith.addi %scan3A_934, %add3A_2609 : i32
        %mul3A_2611 = arith.constant 4 : i32
        %mul3A_2612 = arith.muli %add3A_2610, %mul3A_2611 : i32
        %add3A_2613 = arith.constant 2 : i32
        %add3A_2614 = arith.addi %mul3A_2612, %add3A_2613 : i32
        %mul3A_2615 = arith.constant 4 : i32
        %mul3A_2616 = arith.muli %add3A_2614, %mul3A_2615 : i32
        %add3A_2617 = arith.constant 0 : i32
        %add3A_2618 = arith.addi %mul3A_2616, %add3A_2617 : i32
        %dma_start3A_2619 = arith.constant 2 : i32
        %dma_start3A_2620 = arith.constant 0 : i32
        %dma_start3A_2621 = arith.constant 2 : i32
        %dma_start3A_2622 = arith.constant 0 : i32
        %dma_start3A_2623 = arith.constant 0 : i32
        %dma_start3A_2624 = arith.constant 0 : i32
        %dma_start3A_2625 = tpu.memref_slice %arg6[%dma_start3A_2619, %dma_start3A_2622, %dma_start3A_2623, %dma_start3A_2624] : memref<4x4x50x64xf32, #tpu.memory_space<vmem>> -> memref<1x4x50x64xf32, #tpu.memory_space<vmem>>
        %dma_start3A_2626 = tpu.memref_squeeze %dma_start3A_2625 : memref<1x4x50x64xf32, #tpu.memory_space<vmem>> -> memref<4x50x64xf32, #tpu.memory_space<vmem>>
        %dma_start3A_2627 = arith.constant 0 : i32
        %dma_start3A_2628 = arith.constant 0 : i32
        %dma_start3A_2629 = tpu.memref_slice %dma_start3A_2626[%dma_start3A_2620, %dma_start3A_2627, %dma_start3A_2628] : memref<4x50x64xf32, #tpu.memory_space<vmem>> -> memref<1x50x64xf32, #tpu.memory_space<vmem>>
        %dma_start3A_2630 = tpu.memref_squeeze %dma_start3A_2629 : memref<1x50x64xf32, #tpu.memory_space<vmem>> -> memref<50x64xf32, #tpu.memory_space<vmem>>
        %dma_start3A_2631 = arith.constant 0 : i32
        %dma_start3A_2632 = tpu.memref_slice %arg5[%add3A_2618, %dma_start3A_2631] : memref<512x50xi32, #tpu.memory_space<vmem>> -> memref<1x50xi32, #tpu.memory_space<vmem>>
        %dma_start3A_2633 = tpu.memref_squeeze %dma_start3A_2632 : memref<1x50xi32, #tpu.memory_space<vmem>> -> memref<50xi32, #tpu.memory_space<vmem>>
        %dma_start3A_2634 = arith.constant 0 : i32
        %dma_start3A_2635 = arith.constant 0 : i32
        %dma_start3A_2636 = tpu.memref_slice %arg3[%dma_start3A_2634, %dma_start3A_2635] : memref<2000000x64xf32, #tpu.memory_space<hbm>> -> memref<2000000x64xf32, #tpu.memory_space<hbm>>
        %dma_start3A_2637 = tpu.memref_slice %arg7[%dma_start3A_2621] : memref<4x!tpu.dma_semaphore, #tpu.memory_space<semaphore_mem>> -> memref<1x!tpu.dma_semaphore, #tpu.memory_space<semaphore_mem>>
        %dma_start3A_2638 = tpu.memref_squeeze %dma_start3A_2637 : memref<1x!tpu.dma_semaphore, #tpu.memory_space<semaphore_mem>> -> memref<!tpu.dma_semaphore, #tpu.memory_space<semaphore_mem>>
        tpu.enqueue_indirect_dma source(%dma_start3A_2636 : memref<2000000x64xf32, #tpu.memory_space<hbm>>) target(%dma_start3A_2630 : memref<50x64xf32, #tpu.memory_space<vmem>>) offsets(%dma_start3A_2633 : memref<50xi32, #tpu.memory_space<vmem>>) semaphore(%dma_start3A_2638 : memref<!tpu.dma_semaphore, #tpu.memory_space<semaphore_mem>>)
        %mul3A_2639 = arith.constant 4 : i32
        %mul3A_2640 = arith.muli %add3A_2614, %mul3A_2639 : i32
        %add3A_2641 = arith.constant 1 : i32
        %add3A_2642 = arith.addi %mul3A_2640, %add3A_2641 : i32
        %dma_start3A_2643 = arith.constant 2 : i32
        %dma_start3A_2644 = arith.constant 1 : i32
        %dma_start3A_2645 = arith.constant 2 : i32
        %dma_start3A_2646 = arith.constant 0 : i32
        %dma_start3A_2647 = arith.constant 0 : i32
        %dma_start3A_2648 = arith.constant 0 : i32
        %dma_start3A_2649 = tpu.memref_slice %arg6[%dma_start3A_2643, %dma_start3A_2646, %dma_start3A_2647, %dma_start3A_2648] : memref<4x4x50x64xf32, #tpu.memory_space<vmem>> -> memref<1x4x50x64xf32, #tpu.memory_space<vmem>>
        %dma_start3A_2650 = tpu.memref_squeeze %dma_start3A_2649 : memref<1x4x50x64xf32, #tpu.memory_space<vmem>> -> memref<4x50x64xf32, #tpu.memory_space<vmem>>
        %dma_start3A_2651 = arith.constant 0 : i32
        %dma_start3A_2652 = arith.constant 0 : i32
        %dma_start3A_2653 = tpu.memref_slice %dma_start3A_2650[%dma_start3A_2644, %dma_start3A_2651, %dma_start3A_2652] : memref<4x50x64xf32, #tpu.memory_space<vmem>> -> memref<1x50x64xf32, #tpu.memory_space<vmem>>
        %dma_start3A_2654 = tpu.memref_squeeze %dma_start3A_2653 : memref<1x50x64xf32, #tpu.memory_space<vmem>> -> memref<50x64xf32, #tpu.memory_space<vmem>>
        %dma_start3A_2655 = arith.constant 0 : i32
        %dma_start3A_2656 = tpu.memref_slice %arg5[%add3A_2642, %dma_start3A_2655] : memref<512x50xi32, #tpu.memory_space<vmem>> -> memref<1x50xi32, #tpu.memory_space<vmem>>
        %dma_start3A_2657 = tpu.memref_squeeze %dma_start3A_2656 : memref<1x50xi32, #tpu.memory_space<vmem>> -> memref<50xi32, #tpu.memory_space<vmem>>
        %dma_start3A_2658 = arith.constant 0 : i32
        %dma_start3A_2659 = arith.constant 0 : i32
        %dma_start3A_2660 = tpu.memref_slice %arg3[%dma_start3A_2658, %dma_start3A_2659] : memref<2000000x64xf32, #tpu.memory_space<hbm>> -> memref<2000000x64xf32, #tpu.memory_space<hbm>>
        %dma_start3A_2661 = tpu.memref_slice %arg7[%dma_start3A_2645] : memref<4x!tpu.dma_semaphore, #tpu.memory_space<semaphore_mem>> -> memref<1x!tpu.dma_semaphore, #tpu.memory_space<semaphore_mem>>
        %dma_start3A_2662 = tpu.memref_squeeze %dma_start3A_2661 : memref<1x!tpu.dma_semaphore, #tpu.memory_space<semaphore_mem>> -> memref<!tpu.dma_semaphore, #tpu.memory_space<semaphore_mem>>
        tpu.enqueue_indirect_dma source(%dma_start3A_2660 : memref<2000000x64xf32, #tpu.memory_space<hbm>>) target(%dma_start3A_2654 : memref<50x64xf32, #tpu.memory_space<vmem>>) offsets(%dma_start3A_2657 : memref<50xi32, #tpu.memory_space<vmem>>) semaphore(%dma_start3A_2662 : memref<!tpu.dma_semaphore, #tpu.memory_space<semaphore_mem>>)
        %mul3A_2663 = arith.constant 4 : i32
        %mul3A_2664 = arith.muli %add3A_2614, %mul3A_2663 : i32
        %add3A_2665 = arith.constant 2 : i32
        %add3A_2666 = arith.addi %mul3A_2664, %add3A_2665 : i32
        %dma_start3A_2667 = arith.constant 2 : i32
        %dma_start3A_2668 = arith.constant 2 : i32
        %dma_start3A_2669 = arith.constant 2 : i32
        %dma_start3A_2670 = arith.constant 0 : i32
        %dma_start3A_2671 = arith.constant 0 : i32
        %dma_start3A_2672 = arith.constant 0 : i32
        %dma_start3A_2673 = tpu.memref_slice %arg6[%dma_start3A_2667, %dma_start3A_2670, %dma_start3A_2671, %dma_start3A_2672] : memref<4x4x50x64xf32, #tpu.memory_space<vmem>> -> memref<1x4x50x64xf32, #tpu.memory_space<vmem>>
        %dma_start3A_2674 = tpu.memref_squeeze %dma_start3A_2673 : memref<1x4x50x64xf32, #tpu.memory_space<vmem>> -> memref<4x50x64xf32, #tpu.memory_space<vmem>>
        %dma_start3A_2675 = arith.constant 0 : i32
        %dma_start3A_2676 = arith.constant 0 : i32
        %dma_start3A_2677 = tpu.memref_slice %dma_start3A_2674[%dma_start3A_2668, %dma_start3A_2675, %dma_start3A_2676] : memref<4x50x64xf32, #tpu.memory_space<vmem>> -> memref<1x50x64xf32, #tpu.memory_space<vmem>>
        %dma_start3A_2678 = tpu.memref_squeeze %dma_start3A_2677 : memref<1x50x64xf32, #tpu.memory_space<vmem>> -> memref<50x64xf32, #tpu.memory_space<vmem>>
        %dma_start3A_2679 = arith.constant 0 : i32
        %dma_start3A_2680 = tpu.memref_slice %arg5[%add3A_2666, %dma_start3A_2679] : memref<512x50xi32, #tpu.memory_space<vmem>> -> memref<1x50xi32, #tpu.memory_space<vmem>>
        %dma_start3A_2681 = tpu.memref_squeeze %dma_start3A_2680 : memref<1x50xi32, #tpu.memory_space<vmem>> -> memref<50xi32, #tpu.memory_space<vmem>>
        %dma_start3A_2682 = arith.constant 0 : i32
        %dma_start3A_2683 = arith.constant 0 : i32
        %dma_start3A_2684 = tpu.memref_slice %arg3[%dma_start3A_2682, %dma_start3A_2683] : memref<2000000x64xf32, #tpu.memory_space<hbm>> -> memref<2000000x64xf32, #tpu.memory_space<hbm>>
        %dma_start3A_2685 = tpu.memref_slice %arg7[%dma_start3A_2669] : memref<4x!tpu.dma_semaphore, #tpu.memory_space<semaphore_mem>> -> memref<1x!tpu.dma_semaphore, #tpu.memory_space<semaphore_mem>>
        %dma_start3A_2686 = tpu.memref_squeeze %dma_start3A_2685 : memref<1x!tpu.dma_semaphore, #tpu.memory_space<semaphore_mem>> -> memref<!tpu.dma_semaphore, #tpu.memory_space<semaphore_mem>>
        tpu.enqueue_indirect_dma source(%dma_start3A_2684 : memref<2000000x64xf32, #tpu.memory_space<hbm>>) target(%dma_start3A_2678 : memref<50x64xf32, #tpu.memory_space<vmem>>) offsets(%dma_start3A_2681 : memref<50xi32, #tpu.memory_space<vmem>>) semaphore(%dma_start3A_2686 : memref<!tpu.dma_semaphore, #tpu.memory_space<semaphore_mem>>)
        %mul3A_2687 = arith.constant 4 : i32
        %mul3A_2688 = arith.muli %add3A_2614, %mul3A_2687 : i32
        %add3A_2689 = arith.constant 3 : i32
        %add3A_2690 = arith.addi %mul3A_2688, %add3A_2689 : i32
        %dma_start3A_2691 = arith.constant 2 : i32
        %dma_start3A_2692 = arith.constant 3 : i32
        %dma_start3A_2693 = arith.constant 2 : i32
        %dma_start3A_2694 = arith.constant 0 : i32
        %dma_start3A_2695 = arith.constant 0 : i32
        %dma_start3A_2696 = arith.constant 0 : i32
        %dma_start3A_2697 = tpu.memref_slice %arg6[%dma_start3A_2691, %dma_start3A_2694, %dma_start3A_2695, %dma_start3A_2696] : memref<4x4x50x64xf32, #tpu.memory_space<vmem>> -> memref<1x4x50x64xf32, #tpu.memory_space<vmem>>
        %dma_start3A_2698 = tpu.memref_squeeze %dma_start3A_2697 : memref<1x4x50x64xf32, #tpu.memory_space<vmem>> -> memref<4x50x64xf32, #tpu.memory_space<vmem>>
        %dma_start3A_2699 = arith.constant 0 : i32
        %dma_start3A_2700 = arith.constant 0 : i32
        %dma_start3A_2701 = tpu.memref_slice %dma_start3A_2698[%dma_start3A_2692, %dma_start3A_2699, %dma_start3A_2700] : memref<4x50x64xf32, #tpu.memory_space<vmem>> -> memref<1x50x64xf32, #tpu.memory_space<vmem>>
        %dma_start3A_2702 = tpu.memref_squeeze %dma_start3A_2701 : memref<1x50x64xf32, #tpu.memory_space<vmem>> -> memref<50x64xf32, #tpu.memory_space<vmem>>
        %dma_start3A_2703 = arith.constant 0 : i32
        %dma_start3A_2704 = tpu.memref_slice %arg5[%add3A_2690, %dma_start3A_2703] : memref<512x50xi32, #tpu.memory_space<vmem>> -> memref<1x50xi32, #tpu.memory_space<vmem>>
        %dma_start3A_2705 = tpu.memref_squeeze %dma_start3A_2704 : memref<1x50xi32, #tpu.memory_space<vmem>> -> memref<50xi32, #tpu.memory_space<vmem>>
        %dma_start3A_2706 = arith.constant 0 : i32
        %dma_start3A_2707 = arith.constant 0 : i32
        %dma_start3A_2708 = tpu.memref_slice %arg3[%dma_start3A_2706, %dma_start3A_2707] : memref<2000000x64xf32, #tpu.memory_space<hbm>> -> memref<2000000x64xf32, #tpu.memory_space<hbm>>
        %dma_start3A_2709 = tpu.memref_slice %arg7[%dma_start3A_2693] : memref<4x!tpu.dma_semaphore, #tpu.memory_space<semaphore_mem>> -> memref<1x!tpu.dma_semaphore, #tpu.memory_space<semaphore_mem>>
        %dma_start3A_2710 = tpu.memref_squeeze %dma_start3A_2709 : memref<1x!tpu.dma_semaphore, #tpu.memory_space<semaphore_mem>> -> memref<!tpu.dma_semaphore, #tpu.memory_space<semaphore_mem>>
        tpu.enqueue_indirect_dma source(%dma_start3A_2708 : memref<2000000x64xf32, #tpu.memory_space<hbm>>) target(%dma_start3A_2702 : memref<50x64xf32, #tpu.memory_space<vmem>>) offsets(%dma_start3A_2705 : memref<50xi32, #tpu.memory_space<vmem>>) semaphore(%dma_start3A_2710 : memref<!tpu.dma_semaphore, #tpu.memory_space<semaphore_mem>>)
        %dma_wait3A_2711 = arith.constant 3 : i32
        %dma_wait3A_2712 = arith.constant 0 : i32
        %dma_wait3A_2713 = arith.constant 3 : i32
        %dma_wait3A_2714 = arith.constant 0 : i32
        %dma_wait3A_2715 = arith.constant 0 : i32
        %dma_wait3A_2716 = arith.constant 0 : i32
        %dma_wait3A_2717 = tpu.memref_slice %arg6[%dma_wait3A_2711, %dma_wait3A_2714, %dma_wait3A_2715, %dma_wait3A_2716] : memref<4x4x50x64xf32, #tpu.memory_space<vmem>> -> memref<1x4x50x64xf32, #tpu.memory_space<vmem>>
        %dma_wait3A_2718 = tpu.memref_squeeze %dma_wait3A_2717 : memref<1x4x50x64xf32, #tpu.memory_space<vmem>> -> memref<4x50x64xf32, #tpu.memory_space<vmem>>
        %dma_wait3A_2719 = arith.constant 0 : i32
        %dma_wait3A_2720 = arith.constant 0 : i32
        %dma_wait3A_2721 = tpu.memref_slice %dma_wait3A_2718[%dma_wait3A_2712, %dma_wait3A_2719, %dma_wait3A_2720] : memref<4x50x64xf32, #tpu.memory_space<vmem>> -> memref<1x50x64xf32, #tpu.memory_space<vmem>>
        %dma_wait3A_2722 = tpu.memref_squeeze %dma_wait3A_2721 : memref<1x50x64xf32, #tpu.memory_space<vmem>> -> memref<50x64xf32, #tpu.memory_space<vmem>>
        %dma_wait3A_2723 = arith.constant 0 : i32
        %dma_wait3A_2724 = arith.constant 0 : i32
        %dma_wait3A_2725 = tpu.memref_slice %arg4[%mul3A_2, %dma_wait3A_2723, %dma_wait3A_2724] : memref<16384x56x128xf32, #tpu.memory_space<hbm>> -> memref<1x56x128xf32, #tpu.memory_space<hbm>>
        %dma_wait3A_2726 = tpu.memref_squeeze %dma_wait3A_2725 : memref<1x56x128xf32, #tpu.memory_space<hbm>> -> memref<56x128xf32, #tpu.memory_space<hbm>>
        %dma_wait3A_2727 = arith.constant 0 : i32
        %dma_wait3A_2728 = arith.constant 0 : i32
        %dma_wait3A_2729 = tpu.memref_slice %dma_wait3A_2726[%dma_wait3A_2727, %dma_wait3A_2728] : memref<56x128xf32, #tpu.memory_space<hbm>> -> memref<50x64xf32, #tpu.memory_space<hbm>>
        %dma_wait3A_2730 = tpu.memref_slice %arg8[%dma_wait3A_2713] : memref<4x!tpu.dma_semaphore, #tpu.memory_space<semaphore_mem>> -> memref<1x!tpu.dma_semaphore, #tpu.memory_space<semaphore_mem>>
        %dma_wait3A_2731 = tpu.memref_squeeze %dma_wait3A_2730 : memref<1x!tpu.dma_semaphore, #tpu.memory_space<semaphore_mem>> -> memref<!tpu.dma_semaphore, #tpu.memory_space<semaphore_mem>>
        %dma_wait3A_2732 = arith.constant 0 : i32
        %dma_wait3A_2733 = arith.constant 0 : i32
        %dma_wait3A_2734 = tpu.memref_slice %arg4[%mul3A_2, %dma_wait3A_2732, %dma_wait3A_2733] : memref<16384x56x128xf32, #tpu.memory_space<hbm>> -> memref<1x56x128xf32, #tpu.memory_space<hbm>>
        %dma_wait3A_2735 = tpu.memref_squeeze %dma_wait3A_2734 : memref<1x56x128xf32, #tpu.memory_space<hbm>> -> memref<56x128xf32, #tpu.memory_space<hbm>>
        %dma_wait3A_2736 = arith.constant 0 : i32
        %dma_wait3A_2737 = arith.constant 0 : i32
        %dma_wait3A_2738 = tpu.memref_slice %dma_wait3A_2735[%dma_wait3A_2736, %dma_wait3A_2737] : memref<56x128xf32, #tpu.memory_space<hbm>> -> memref<50x64xf32, #tpu.memory_space<hbm>>
        %dma_wait3A_2739 = arith.constant 0 : i32
        %dma_wait3A_2740 = arith.constant 0 : i32
        %dma_wait3A_2741 = arith.constant 0 : i32
        %dma_wait3A_2742 = tpu.memref_slice %arg6[%dma_wait3A_2711, %dma_wait3A_2739, %dma_wait3A_2740, %dma_wait3A_2741] : memref<4x4x50x64xf32, #tpu.memory_space<vmem>> -> memref<1x4x50x64xf32, #tpu.memory_space<vmem>>
        %dma_wait3A_2743 = tpu.memref_squeeze %dma_wait3A_2742 : memref<1x4x50x64xf32, #tpu.memory_space<vmem>> -> memref<4x50x64xf32, #tpu.memory_space<vmem>>
        %dma_wait3A_2744 = arith.constant 0 : i32
        %dma_wait3A_2745 = arith.constant 0 : i32
        %dma_wait3A_2746 = tpu.memref_slice %dma_wait3A_2743[%dma_wait3A_2712, %dma_wait3A_2744, %dma_wait3A_2745] : memref<4x50x64xf32, #tpu.memory_space<vmem>> -> memref<1x50x64xf32, #tpu.memory_space<vmem>>
        %dma_wait3A_2747 = tpu.memref_squeeze %dma_wait3A_2746 : memref<1x50x64xf32, #tpu.memory_space<vmem>> -> memref<50x64xf32, #tpu.memory_space<vmem>>
        tpu.wait_dma2 semaphore(%dma_wait3A_2731 : memref<!tpu.dma_semaphore, #tpu.memory_space<semaphore_mem>>) src(%dma_wait3A_2747 : memref<50x64xf32, #tpu.memory_space<vmem>>) dst(%dma_wait3A_2738 : memref<50x64xf32, #tpu.memory_space<hbm>>)
        %dma_wait3A_2748 = arith.constant 3 : i32
        %dma_wait3A_2749 = arith.constant 1 : i32
        %dma_wait3A_2750 = arith.constant 3 : i32
        %dma_wait3A_2751 = arith.constant 0 : i32
        %dma_wait3A_2752 = arith.constant 0 : i32
        %dma_wait3A_2753 = arith.constant 0 : i32
        %dma_wait3A_2754 = tpu.memref_slice %arg6[%dma_wait3A_2748, %dma_wait3A_2751, %dma_wait3A_2752, %dma_wait3A_2753] : memref<4x4x50x64xf32, #tpu.memory_space<vmem>> -> memref<1x4x50x64xf32, #tpu.memory_space<vmem>>
        %dma_wait3A_2755 = tpu.memref_squeeze %dma_wait3A_2754 : memref<1x4x50x64xf32, #tpu.memory_space<vmem>> -> memref<4x50x64xf32, #tpu.memory_space<vmem>>
        %dma_wait3A_2756 = arith.constant 0 : i32
        %dma_wait3A_2757 = arith.constant 0 : i32
        %dma_wait3A_2758 = tpu.memref_slice %dma_wait3A_2755[%dma_wait3A_2749, %dma_wait3A_2756, %dma_wait3A_2757] : memref<4x50x64xf32, #tpu.memory_space<vmem>> -> memref<1x50x64xf32, #tpu.memory_space<vmem>>
        %dma_wait3A_2759 = tpu.memref_squeeze %dma_wait3A_2758 : memref<1x50x64xf32, #tpu.memory_space<vmem>> -> memref<50x64xf32, #tpu.memory_space<vmem>>
        %dma_wait3A_2760 = arith.constant 0 : i32
        %dma_wait3A_2761 = arith.constant 0 : i32
        %dma_wait3A_2762 = tpu.memref_slice %arg4[%mul3A_2, %dma_wait3A_2760, %dma_wait3A_2761] : memref<16384x56x128xf32, #tpu.memory_space<hbm>> -> memref<1x56x128xf32, #tpu.memory_space<hbm>>
        %dma_wait3A_2763 = tpu.memref_squeeze %dma_wait3A_2762 : memref<1x56x128xf32, #tpu.memory_space<hbm>> -> memref<56x128xf32, #tpu.memory_space<hbm>>
        %dma_wait3A_2764 = arith.constant 0 : i32
        %dma_wait3A_2765 = arith.constant 0 : i32
        %dma_wait3A_2766 = tpu.memref_slice %dma_wait3A_2763[%dma_wait3A_2764, %dma_wait3A_2765] : memref<56x128xf32, #tpu.memory_space<hbm>> -> memref<50x64xf32, #tpu.memory_space<hbm>>
        %dma_wait3A_2767 = tpu.memref_slice %arg8[%dma_wait3A_2750] : memref<4x!tpu.dma_semaphore, #tpu.memory_space<semaphore_mem>> -> memref<1x!tpu.dma_semaphore, #tpu.memory_space<semaphore_mem>>
        %dma_wait3A_2768 = tpu.memref_squeeze %dma_wait3A_2767 : memref<1x!tpu.dma_semaphore, #tpu.memory_space<semaphore_mem>> -> memref<!tpu.dma_semaphore, #tpu.memory_space<semaphore_mem>>
        %dma_wait3A_2769 = arith.constant 0 : i32
        %dma_wait3A_2770 = arith.constant 0 : i32
        %dma_wait3A_2771 = tpu.memref_slice %arg4[%mul3A_2, %dma_wait3A_2769, %dma_wait3A_2770] : memref<16384x56x128xf32, #tpu.memory_space<hbm>> -> memref<1x56x128xf32, #tpu.memory_space<hbm>>
        %dma_wait3A_2772 = tpu.memref_squeeze %dma_wait3A_2771 : memref<1x56x128xf32, #tpu.memory_space<hbm>> -> memref<56x128xf32, #tpu.memory_space<hbm>>
        %dma_wait3A_2773 = arith.constant 0 : i32
        %dma_wait3A_2774 = arith.constant 0 : i32
        %dma_wait3A_2775 = tpu.memref_slice %dma_wait3A_2772[%dma_wait3A_2773, %dma_wait3A_2774] : memref<56x128xf32, #tpu.memory_space<hbm>> -> memref<50x64xf32, #tpu.memory_space<hbm>>
        %dma_wait3A_2776 = arith.constant 0 : i32
        %dma_wait3A_2777 = arith.constant 0 : i32
        %dma_wait3A_2778 = arith.constant 0 : i32
        %dma_wait3A_2779 = tpu.memref_slice %arg6[%dma_wait3A_2748, %dma_wait3A_2776, %dma_wait3A_2777, %dma_wait3A_2778] : memref<4x4x50x64xf32, #tpu.memory_space<vmem>> -> memref<1x4x50x64xf32, #tpu.memory_space<vmem>>
        %dma_wait3A_2780 = tpu.memref_squeeze %dma_wait3A_2779 : memref<1x4x50x64xf32, #tpu.memory_space<vmem>> -> memref<4x50x64xf32, #tpu.memory_space<vmem>>
        %dma_wait3A_2781 = arith.constant 0 : i32
        %dma_wait3A_2782 = arith.constant 0 : i32
        %dma_wait3A_2783 = tpu.memref_slice %dma_wait3A_2780[%dma_wait3A_2749, %dma_wait3A_2781, %dma_wait3A_2782] : memref<4x50x64xf32, #tpu.memory_space<vmem>> -> memref<1x50x64xf32, #tpu.memory_space<vmem>>
        %dma_wait3A_2784 = tpu.memref_squeeze %dma_wait3A_2783 : memref<1x50x64xf32, #tpu.memory_space<vmem>> -> memref<50x64xf32, #tpu.memory_space<vmem>>
        tpu.wait_dma2 semaphore(%dma_wait3A_2768 : memref<!tpu.dma_semaphore, #tpu.memory_space<semaphore_mem>>) src(%dma_wait3A_2784 : memref<50x64xf32, #tpu.memory_space<vmem>>) dst(%dma_wait3A_2775 : memref<50x64xf32, #tpu.memory_space<hbm>>)
        %dma_wait3A_2785 = arith.constant 3 : i32
        %dma_wait3A_2786 = arith.constant 2 : i32
        %dma_wait3A_2787 = arith.constant 3 : i32
        %dma_wait3A_2788 = arith.constant 0 : i32
        %dma_wait3A_2789 = arith.constant 0 : i32
        %dma_wait3A_2790 = arith.constant 0 : i32
        %dma_wait3A_2791 = tpu.memref_slice %arg6[%dma_wait3A_2785, %dma_wait3A_2788, %dma_wait3A_2789, %dma_wait3A_2790] : memref<4x4x50x64xf32, #tpu.memory_space<vmem>> -> memref<1x4x50x64xf32, #tpu.memory_space<vmem>>
        %dma_wait3A_2792 = tpu.memref_squeeze %dma_wait3A_2791 : memref<1x4x50x64xf32, #tpu.memory_space<vmem>> -> memref<4x50x64xf32, #tpu.memory_space<vmem>>
        %dma_wait3A_2793 = arith.constant 0 : i32
        %dma_wait3A_2794 = arith.constant 0 : i32
        %dma_wait3A_2795 = tpu.memref_slice %dma_wait3A_2792[%dma_wait3A_2786, %dma_wait3A_2793, %dma_wait3A_2794] : memref<4x50x64xf32, #tpu.memory_space<vmem>> -> memref<1x50x64xf32, #tpu.memory_space<vmem>>
        %dma_wait3A_2796 = tpu.memref_squeeze %dma_wait3A_2795 : memref<1x50x64xf32, #tpu.memory_space<vmem>> -> memref<50x64xf32, #tpu.memory_space<vmem>>
        %dma_wait3A_2797 = arith.constant 0 : i32
        %dma_wait3A_2798 = arith.constant 0 : i32
        %dma_wait3A_2799 = tpu.memref_slice %arg4[%mul3A_2, %dma_wait3A_2797, %dma_wait3A_2798] : memref<16384x56x128xf32, #tpu.memory_space<hbm>> -> memref<1x56x128xf32, #tpu.memory_space<hbm>>
        %dma_wait3A_2800 = tpu.memref_squeeze %dma_wait3A_2799 : memref<1x56x128xf32, #tpu.memory_space<hbm>> -> memref<56x128xf32, #tpu.memory_space<hbm>>
        %dma_wait3A_2801 = arith.constant 0 : i32
        %dma_wait3A_2802 = arith.constant 0 : i32
        %dma_wait3A_2803 = tpu.memref_slice %dma_wait3A_2800[%dma_wait3A_2801, %dma_wait3A_2802] : memref<56x128xf32, #tpu.memory_space<hbm>> -> memref<50x64xf32, #tpu.memory_space<hbm>>
        %dma_wait3A_2804 = tpu.memref_slice %arg8[%dma_wait3A_2787] : memref<4x!tpu.dma_semaphore, #tpu.memory_space<semaphore_mem>> -> memref<1x!tpu.dma_semaphore, #tpu.memory_space<semaphore_mem>>
        %dma_wait3A_2805 = tpu.memref_squeeze %dma_wait3A_2804 : memref<1x!tpu.dma_semaphore, #tpu.memory_space<semaphore_mem>> -> memref<!tpu.dma_semaphore, #tpu.memory_space<semaphore_mem>>
        %dma_wait3A_2806 = arith.constant 0 : i32
        %dma_wait3A_2807 = arith.constant 0 : i32
        %dma_wait3A_2808 = tpu.memref_slice %arg4[%mul3A_2, %dma_wait3A_2806, %dma_wait3A_2807] : memref<16384x56x128xf32, #tpu.memory_space<hbm>> -> memref<1x56x128xf32, #tpu.memory_space<hbm>>
        %dma_wait3A_2809 = tpu.memref_squeeze %dma_wait3A_2808 : memref<1x56x128xf32, #tpu.memory_space<hbm>> -> memref<56x128xf32, #tpu.memory_space<hbm>>
        %dma_wait3A_2810 = arith.constant 0 : i32
        %dma_wait3A_2811 = arith.constant 0 : i32
        %dma_wait3A_2812 = tpu.memref_slice %dma_wait3A_2809[%dma_wait3A_2810, %dma_wait3A_2811] : memref<56x128xf32, #tpu.memory_space<hbm>> -> memref<50x64xf32, #tpu.memory_space<hbm>>
        %dma_wait3A_2813 = arith.constant 0 : i32
        %dma_wait3A_2814 = arith.constant 0 : i32
        %dma_wait3A_2815 = arith.constant 0 : i32
        %dma_wait3A_2816 = tpu.memref_slice %arg6[%dma_wait3A_2785, %dma_wait3A_2813, %dma_wait3A_2814, %dma_wait3A_2815] : memref<4x4x50x64xf32, #tpu.memory_space<vmem>> -> memref<1x4x50x64xf32, #tpu.memory_space<vmem>>
        %dma_wait3A_2817 = tpu.memref_squeeze %dma_wait3A_2816 : memref<1x4x50x64xf32, #tpu.memory_space<vmem>> -> memref<4x50x64xf32, #tpu.memory_space<vmem>>
        %dma_wait3A_2818 = arith.constant 0 : i32
        %dma_wait3A_2819 = arith.constant 0 : i32
        %dma_wait3A_2820 = tpu.memref_slice %dma_wait3A_2817[%dma_wait3A_2786, %dma_wait3A_2818, %dma_wait3A_2819] : memref<4x50x64xf32, #tpu.memory_space<vmem>> -> memref<1x50x64xf32, #tpu.memory_space<vmem>>
        %dma_wait3A_2821 = tpu.memref_squeeze %dma_wait3A_2820 : memref<1x50x64xf32, #tpu.memory_space<vmem>> -> memref<50x64xf32, #tpu.memory_space<vmem>>
        tpu.wait_dma2 semaphore(%dma_wait3A_2805 : memref<!tpu.dma_semaphore, #tpu.memory_space<semaphore_mem>>) src(%dma_wait3A_2821 : memref<50x64xf32, #tpu.memory_space<vmem>>) dst(%dma_wait3A_2812 : memref<50x64xf32, #tpu.memory_space<hbm>>)
        %dma_wait3A_2822 = arith.constant 3 : i32
        %dma_wait3A_2823 = arith.constant 3 : i32
        %dma_wait3A_2824 = arith.constant 3 : i32
        %dma_wait3A_2825 = arith.constant 0 : i32
        %dma_wait3A_2826 = arith.constant 0 : i32
        %dma_wait3A_2827 = arith.constant 0 : i32
        %dma_wait3A_2828 = tpu.memref_slice %arg6[%dma_wait3A_2822, %dma_wait3A_2825, %dma_wait3A_2826, %dma_wait3A_2827] : memref<4x4x50x64xf32, #tpu.memory_space<vmem>> -> memref<1x4x50x64xf32, #tpu.memory_space<vmem>>
        %dma_wait3A_2829 = tpu.memref_squeeze %dma_wait3A_2828 : memref<1x4x50x64xf32, #tpu.memory_space<vmem>> -> memref<4x50x64xf32, #tpu.memory_space<vmem>>
        %dma_wait3A_2830 = arith.constant 0 : i32
        %dma_wait3A_2831 = arith.constant 0 : i32
        %dma_wait3A_2832 = tpu.memref_slice %dma_wait3A_2829[%dma_wait3A_2823, %dma_wait3A_2830, %dma_wait3A_2831] : memref<4x50x64xf32, #tpu.memory_space<vmem>> -> memref<1x50x64xf32, #tpu.memory_space<vmem>>
        %dma_wait3A_2833 = tpu.memref_squeeze %dma_wait3A_2832 : memref<1x50x64xf32, #tpu.memory_space<vmem>> -> memref<50x64xf32, #tpu.memory_space<vmem>>
        %dma_wait3A_2834 = arith.constant 0 : i32
        %dma_wait3A_2835 = arith.constant 0 : i32
        %dma_wait3A_2836 = tpu.memref_slice %arg4[%mul3A_2, %dma_wait3A_2834, %dma_wait3A_2835] : memref<16384x56x128xf32, #tpu.memory_space<hbm>> -> memref<1x56x128xf32, #tpu.memory_space<hbm>>
        %dma_wait3A_2837 = tpu.memref_squeeze %dma_wait3A_2836 : memref<1x56x128xf32, #tpu.memory_space<hbm>> -> memref<56x128xf32, #tpu.memory_space<hbm>>
        %dma_wait3A_2838 = arith.constant 0 : i32
        %dma_wait3A_2839 = arith.constant 0 : i32
        %dma_wait3A_2840 = tpu.memref_slice %dma_wait3A_2837[%dma_wait3A_2838, %dma_wait3A_2839] : memref<56x128xf32, #tpu.memory_space<hbm>> -> memref<50x64xf32, #tpu.memory_space<hbm>>
        %dma_wait3A_2841 = tpu.memref_slice %arg8[%dma_wait3A_2824] : memref<4x!tpu.dma_semaphore, #tpu.memory_space<semaphore_mem>> -> memref<1x!tpu.dma_semaphore, #tpu.memory_space<semaphore_mem>>
        %dma_wait3A_2842 = tpu.memref_squeeze %dma_wait3A_2841 : memref<1x!tpu.dma_semaphore, #tpu.memory_space<semaphore_mem>> -> memref<!tpu.dma_semaphore, #tpu.memory_space<semaphore_mem>>
        %dma_wait3A_2843 = arith.constant 0 : i32
        %dma_wait3A_2844 = arith.constant 0 : i32
        %dma_wait3A_2845 = tpu.memref_slice %arg4[%mul3A_2, %dma_wait3A_2843, %dma_wait3A_2844] : memref<16384x56x128xf32, #tpu.memory_space<hbm>> -> memref<1x56x128xf32, #tpu.memory_space<hbm>>
        %dma_wait3A_2846 = tpu.memref_squeeze %dma_wait3A_2845 : memref<1x56x128xf32, #tpu.memory_space<hbm>> -> memref<56x128xf32, #tpu.memory_space<hbm>>
        %dma_wait3A_2847 = arith.constant 0 : i32
        %dma_wait3A_2848 = arith.constant 0 : i32
        %dma_wait3A_2849 = tpu.memref_slice %dma_wait3A_2846[%dma_wait3A_2847, %dma_wait3A_2848] : memref<56x128xf32, #tpu.memory_space<hbm>> -> memref<50x64xf32, #tpu.memory_space<hbm>>
        %dma_wait3A_2850 = arith.constant 0 : i32
        %dma_wait3A_2851 = arith.constant 0 : i32
        %dma_wait3A_2852 = arith.constant 0 : i32
        %dma_wait3A_2853 = tpu.memref_slice %arg6[%dma_wait3A_2822, %dma_wait3A_2850, %dma_wait3A_2851, %dma_wait3A_2852] : memref<4x4x50x64xf32, #tpu.memory_space<vmem>> -> memref<1x4x50x64xf32, #tpu.memory_space<vmem>>
        %dma_wait3A_2854 = tpu.memref_squeeze %dma_wait3A_2853 : memref<1x4x50x64xf32, #tpu.memory_space<vmem>> -> memref<4x50x64xf32, #tpu.memory_space<vmem>>
        %dma_wait3A_2855 = arith.constant 0 : i32
        %dma_wait3A_2856 = arith.constant 0 : i32
        %dma_wait3A_2857 = tpu.memref_slice %dma_wait3A_2854[%dma_wait3A_2823, %dma_wait3A_2855, %dma_wait3A_2856] : memref<4x50x64xf32, #tpu.memory_space<vmem>> -> memref<1x50x64xf32, #tpu.memory_space<vmem>>
        %dma_wait3A_2858 = tpu.memref_squeeze %dma_wait3A_2857 : memref<1x50x64xf32, #tpu.memory_space<vmem>> -> memref<50x64xf32, #tpu.memory_space<vmem>>
        tpu.wait_dma2 semaphore(%dma_wait3A_2842 : memref<!tpu.dma_semaphore, #tpu.memory_space<semaphore_mem>>) src(%dma_wait3A_2858 : memref<50x64xf32, #tpu.memory_space<vmem>>) dst(%dma_wait3A_2849 : memref<50x64xf32, #tpu.memory_space<hbm>>)
        %add3A_2859 = arith.constant 1 : i32
        %add3A_2860 = arith.addi %scan3A_934, %add3A_2859 : i32
        %mul3A_2861 = arith.constant 4 : i32
        %mul3A_2862 = arith.muli %add3A_2860, %mul3A_2861 : i32
        %add3A_2863 = arith.constant 3 : i32
        %add3A_2864 = arith.addi %mul3A_2862, %add3A_2863 : i32
        %mul3A_2865 = arith.constant 4 : i32
        %mul3A_2866 = arith.muli %add3A_2864, %mul3A_2865 : i32
        %add3A_2867 = arith.constant 0 : i32
        %add3A_2868 = arith.addi %mul3A_2866, %add3A_2867 : i32
        %dma_start3A_2869 = arith.constant 3 : i32
        %dma_start3A_2870 = arith.constant 0 : i32
        %dma_start3A_2871 = arith.constant 3 : i32
        %dma_start3A_2872 = arith.constant 0 : i32
        %dma_start3A_2873 = arith.constant 0 : i32
        %dma_start3A_2874 = arith.constant 0 : i32
        %dma_start3A_2875 = tpu.memref_slice %arg6[%dma_start3A_2869, %dma_start3A_2872, %dma_start3A_2873, %dma_start3A_2874] : memref<4x4x50x64xf32, #tpu.memory_space<vmem>> -> memref<1x4x50x64xf32, #tpu.memory_space<vmem>>
        %dma_start3A_2876 = tpu.memref_squeeze %dma_start3A_2875 : memref<1x4x50x64xf32, #tpu.memory_space<vmem>> -> memref<4x50x64xf32, #tpu.memory_space<vmem>>
        %dma_start3A_2877 = arith.constant 0 : i32
        %dma_start3A_2878 = arith.constant 0 : i32
        %dma_start3A_2879 = tpu.memref_slice %dma_start3A_2876[%dma_start3A_2870, %dma_start3A_2877, %dma_start3A_2878] : memref<4x50x64xf32, #tpu.memory_space<vmem>> -> memref<1x50x64xf32, #tpu.memory_space<vmem>>
        %dma_start3A_2880 = tpu.memref_squeeze %dma_start3A_2879 : memref<1x50x64xf32, #tpu.memory_space<vmem>> -> memref<50x64xf32, #tpu.memory_space<vmem>>
        %dma_start3A_2881 = arith.constant 0 : i32
        %dma_start3A_2882 = tpu.memref_slice %arg5[%add3A_2868, %dma_start3A_2881] : memref<512x50xi32, #tpu.memory_space<vmem>> -> memref<1x50xi32, #tpu.memory_space<vmem>>
        %dma_start3A_2883 = tpu.memref_squeeze %dma_start3A_2882 : memref<1x50xi32, #tpu.memory_space<vmem>> -> memref<50xi32, #tpu.memory_space<vmem>>
        %dma_start3A_2884 = arith.constant 0 : i32
        %dma_start3A_2885 = arith.constant 0 : i32
        %dma_start3A_2886 = tpu.memref_slice %arg3[%dma_start3A_2884, %dma_start3A_2885] : memref<2000000x64xf32, #tpu.memory_space<hbm>> -> memref<2000000x64xf32, #tpu.memory_space<hbm>>
        %dma_start3A_2887 = tpu.memref_slice %arg7[%dma_start3A_2871] : memref<4x!tpu.dma_semaphore, #tpu.memory_space<semaphore_mem>> -> memref<1x!tpu.dma_semaphore, #tpu.memory_space<semaphore_mem>>
        %dma_start3A_2888 = tpu.memref_squeeze %dma_start3A_2887 : memref<1x!tpu.dma_semaphore, #tpu.memory_space<semaphore_mem>> -> memref<!tpu.dma_semaphore, #tpu.memory_space<semaphore_mem>>
        tpu.enqueue_indirect_dma source(%dma_start3A_2886 : memref<2000000x64xf32, #tpu.memory_space<hbm>>) target(%dma_start3A_2880 : memref<50x64xf32, #tpu.memory_space<vmem>>) offsets(%dma_start3A_2883 : memref<50xi32, #tpu.memory_space<vmem>>) semaphore(%dma_start3A_2888 : memref<!tpu.dma_semaphore, #tpu.memory_space<semaphore_mem>>)
        %mul3A_2889 = arith.constant 4 : i32
        %mul3A_2890 = arith.muli %add3A_2864, %mul3A_2889 : i32
        %add3A_2891 = arith.constant 1 : i32
        %add3A_2892 = arith.addi %mul3A_2890, %add3A_2891 : i32
        %dma_start3A_2893 = arith.constant 3 : i32
        %dma_start3A_2894 = arith.constant 1 : i32
        %dma_start3A_2895 = arith.constant 3 : i32
        %dma_start3A_2896 = arith.constant 0 : i32
        %dma_start3A_2897 = arith.constant 0 : i32
        %dma_start3A_2898 = arith.constant 0 : i32
        %dma_start3A_2899 = tpu.memref_slice %arg6[%dma_start3A_2893, %dma_start3A_2896, %dma_start3A_2897, %dma_start3A_2898] : memref<4x4x50x64xf32, #tpu.memory_space<vmem>> -> memref<1x4x50x64xf32, #tpu.memory_space<vmem>>
        %dma_start3A_2900 = tpu.memref_squeeze %dma_start3A_2899 : memref<1x4x50x64xf32, #tpu.memory_space<vmem>> -> memref<4x50x64xf32, #tpu.memory_space<vmem>>
        %dma_start3A_2901 = arith.constant 0 : i32
        %dma_start3A_2902 = arith.constant 0 : i32
        %dma_start3A_2903 = tpu.memref_slice %dma_start3A_2900[%dma_start3A_2894, %dma_start3A_2901, %dma_start3A_2902] : memref<4x50x64xf32, #tpu.memory_space<vmem>> -> memref<1x50x64xf32, #tpu.memory_space<vmem>>
        %dma_start3A_2904 = tpu.memref_squeeze %dma_start3A_2903 : memref<1x50x64xf32, #tpu.memory_space<vmem>> -> memref<50x64xf32, #tpu.memory_space<vmem>>
        %dma_start3A_2905 = arith.constant 0 : i32
        %dma_start3A_2906 = tpu.memref_slice %arg5[%add3A_2892, %dma_start3A_2905] : memref<512x50xi32, #tpu.memory_space<vmem>> -> memref<1x50xi32, #tpu.memory_space<vmem>>
        %dma_start3A_2907 = tpu.memref_squeeze %dma_start3A_2906 : memref<1x50xi32, #tpu.memory_space<vmem>> -> memref<50xi32, #tpu.memory_space<vmem>>
        %dma_start3A_2908 = arith.constant 0 : i32
        %dma_start3A_2909 = arith.constant 0 : i32
        %dma_start3A_2910 = tpu.memref_slice %arg3[%dma_start3A_2908, %dma_start3A_2909] : memref<2000000x64xf32, #tpu.memory_space<hbm>> -> memref<2000000x64xf32, #tpu.memory_space<hbm>>
        %dma_start3A_2911 = tpu.memref_slice %arg7[%dma_start3A_2895] : memref<4x!tpu.dma_semaphore, #tpu.memory_space<semaphore_mem>> -> memref<1x!tpu.dma_semaphore, #tpu.memory_space<semaphore_mem>>
        %dma_start3A_2912 = tpu.memref_squeeze %dma_start3A_2911 : memref<1x!tpu.dma_semaphore, #tpu.memory_space<semaphore_mem>> -> memref<!tpu.dma_semaphore, #tpu.memory_space<semaphore_mem>>
        tpu.enqueue_indirect_dma source(%dma_start3A_2910 : memref<2000000x64xf32, #tpu.memory_space<hbm>>) target(%dma_start3A_2904 : memref<50x64xf32, #tpu.memory_space<vmem>>) offsets(%dma_start3A_2907 : memref<50xi32, #tpu.memory_space<vmem>>) semaphore(%dma_start3A_2912 : memref<!tpu.dma_semaphore, #tpu.memory_space<semaphore_mem>>)
        %mul3A_2913 = arith.constant 4 : i32
        %mul3A_2914 = arith.muli %add3A_2864, %mul3A_2913 : i32
        %add3A_2915 = arith.constant 2 : i32
        %add3A_2916 = arith.addi %mul3A_2914, %add3A_2915 : i32
        %dma_start3A_2917 = arith.constant 3 : i32
        %dma_start3A_2918 = arith.constant 2 : i32
        %dma_start3A_2919 = arith.constant 3 : i32
        %dma_start3A_2920 = arith.constant 0 : i32
        %dma_start3A_2921 = arith.constant 0 : i32
        %dma_start3A_2922 = arith.constant 0 : i32
        %dma_start3A_2923 = tpu.memref_slice %arg6[%dma_start3A_2917, %dma_start3A_2920, %dma_start3A_2921, %dma_start3A_2922] : memref<4x4x50x64xf32, #tpu.memory_space<vmem>> -> memref<1x4x50x64xf32, #tpu.memory_space<vmem>>
        %dma_start3A_2924 = tpu.memref_squeeze %dma_start3A_2923 : memref<1x4x50x64xf32, #tpu.memory_space<vmem>> -> memref<4x50x64xf32, #tpu.memory_space<vmem>>
        %dma_start3A_2925 = arith.constant 0 : i32
        %dma_start3A_2926 = arith.constant 0 : i32
        %dma_start3A_2927 = tpu.memref_slice %dma_start3A_2924[%dma_start3A_2918, %dma_start3A_2925, %dma_start3A_2926] : memref<4x50x64xf32, #tpu.memory_space<vmem>> -> memref<1x50x64xf32, #tpu.memory_space<vmem>>
        %dma_start3A_2928 = tpu.memref_squeeze %dma_start3A_2927 : memref<1x50x64xf32, #tpu.memory_space<vmem>> -> memref<50x64xf32, #tpu.memory_space<vmem>>
        %dma_start3A_2929 = arith.constant 0 : i32
        %dma_start3A_2930 = tpu.memref_slice %arg5[%add3A_2916, %dma_start3A_2929] : memref<512x50xi32, #tpu.memory_space<vmem>> -> memref<1x50xi32, #tpu.memory_space<vmem>>
        %dma_start3A_2931 = tpu.memref_squeeze %dma_start3A_2930 : memref<1x50xi32, #tpu.memory_space<vmem>> -> memref<50xi32, #tpu.memory_space<vmem>>
        %dma_start3A_2932 = arith.constant 0 : i32
        %dma_start3A_2933 = arith.constant 0 : i32
        %dma_start3A_2934 = tpu.memref_slice %arg3[%dma_start3A_2932, %dma_start3A_2933] : memref<2000000x64xf32, #tpu.memory_space<hbm>> -> memref<2000000x64xf32, #tpu.memory_space<hbm>>
        %dma_start3A_2935 = tpu.memref_slice %arg7[%dma_start3A_2919] : memref<4x!tpu.dma_semaphore, #tpu.memory_space<semaphore_mem>> -> memref<1x!tpu.dma_semaphore, #tpu.memory_space<semaphore_mem>>
        %dma_start3A_2936 = tpu.memref_squeeze %dma_start3A_2935 : memref<1x!tpu.dma_semaphore, #tpu.memory_space<semaphore_mem>> -> memref<!tpu.dma_semaphore, #tpu.memory_space<semaphore_mem>>
        tpu.enqueue_indirect_dma source(%dma_start3A_2934 : memref<2000000x64xf32, #tpu.memory_space<hbm>>) target(%dma_start3A_2928 : memref<50x64xf32, #tpu.memory_space<vmem>>) offsets(%dma_start3A_2931 : memref<50xi32, #tpu.memory_space<vmem>>) semaphore(%dma_start3A_2936 : memref<!tpu.dma_semaphore, #tpu.memory_space<semaphore_mem>>)
        %mul3A_2937 = arith.constant 4 : i32
        %mul3A_2938 = arith.muli %add3A_2864, %mul3A_2937 : i32
        %add3A_2939 = arith.constant 3 : i32
        %add3A_2940 = arith.addi %mul3A_2938, %add3A_2939 : i32
        %dma_start3A_2941 = arith.constant 3 : i32
        %dma_start3A_2942 = arith.constant 3 : i32
        %dma_start3A_2943 = arith.constant 3 : i32
        %dma_start3A_2944 = arith.constant 0 : i32
        %dma_start3A_2945 = arith.constant 0 : i32
        %dma_start3A_2946 = arith.constant 0 : i32
        %dma_start3A_2947 = tpu.memref_slice %arg6[%dma_start3A_2941, %dma_start3A_2944, %dma_start3A_2945, %dma_start3A_2946] : memref<4x4x50x64xf32, #tpu.memory_space<vmem>> -> memref<1x4x50x64xf32, #tpu.memory_space<vmem>>
        %dma_start3A_2948 = tpu.memref_squeeze %dma_start3A_2947 : memref<1x4x50x64xf32, #tpu.memory_space<vmem>> -> memref<4x50x64xf32, #tpu.memory_space<vmem>>
        %dma_start3A_2949 = arith.constant 0 : i32
        %dma_start3A_2950 = arith.constant 0 : i32
        %dma_start3A_2951 = tpu.memref_slice %dma_start3A_2948[%dma_start3A_2942, %dma_start3A_2949, %dma_start3A_2950] : memref<4x50x64xf32, #tpu.memory_space<vmem>> -> memref<1x50x64xf32, #tpu.memory_space<vmem>>
        %dma_start3A_2952 = tpu.memref_squeeze %dma_start3A_2951 : memref<1x50x64xf32, #tpu.memory_space<vmem>> -> memref<50x64xf32, #tpu.memory_space<vmem>>
        %dma_start3A_2953 = arith.constant 0 : i32
        %dma_start3A_2954 = tpu.memref_slice %arg5[%add3A_2940, %dma_start3A_2953] : memref<512x50xi32, #tpu.memory_space<vmem>> -> memref<1x50xi32, #tpu.memory_space<vmem>>
        %dma_start3A_2955 = tpu.memref_squeeze %dma_start3A_2954 : memref<1x50xi32, #tpu.memory_space<vmem>> -> memref<50xi32, #tpu.memory_space<vmem>>
        %dma_start3A_2956 = arith.constant 0 : i32
        %dma_start3A_2957 = arith.constant 0 : i32
        %dma_start3A_2958 = tpu.memref_slice %arg3[%dma_start3A_2956, %dma_start3A_2957] : memref<2000000x64xf32, #tpu.memory_space<hbm>> -> memref<2000000x64xf32, #tpu.memory_space<hbm>>
        %dma_start3A_2959 = tpu.memref_slice %arg7[%dma_start3A_2943] : memref<4x!tpu.dma_semaphore, #tpu.memory_space<semaphore_mem>> -> memref<1x!tpu.dma_semaphore, #tpu.memory_space<semaphore_mem>>
        %dma_start3A_2960 = tpu.memref_squeeze %dma_start3A_2959 : memref<1x!tpu.dma_semaphore, #tpu.memory_space<semaphore_mem>> -> memref<!tpu.dma_semaphore, #tpu.memory_space<semaphore_mem>>
        tpu.enqueue_indirect_dma source(%dma_start3A_2958 : memref<2000000x64xf32, #tpu.memory_space<hbm>>) target(%dma_start3A_2952 : memref<50x64xf32, #tpu.memory_space<vmem>>) offsets(%dma_start3A_2955 : memref<50xi32, #tpu.memory_space<vmem>>) semaphore(%dma_start3A_2960 : memref<!tpu.dma_semaphore, #tpu.memory_space<semaphore_mem>>)
      } else {
      }
    }
    %scan3A_342 = arith.constant 32 : i32
    %dma_wait3A = arith.constant 0 : i32
    %dma_wait3A_343 = arith.constant 0 : i32
    %dma_wait3A_344 = arith.constant 0 : i32
    %dma_wait3A_345 = arith.constant 0 : i32
    %dma_wait3A_346 = arith.constant 0 : i32
    %dma_wait3A_347 = arith.constant 0 : i32
    %dma_wait3A_348 = tpu.memref_slice %arg6[%dma_wait3A, %dma_wait3A_345, %dma_wait3A_346, %dma_wait3A_347] : memref<4x4x50x64xf32, #tpu.memory_space<vmem>> -> memref<1x4x50x64xf32, #tpu.memory_space<vmem>>
    %dma_wait3A_349 = tpu.memref_squeeze %dma_wait3A_348 : memref<1x4x50x64xf32, #tpu.memory_space<vmem>> -> memref<4x50x64xf32, #tpu.memory_space<vmem>>
    %dma_wait3A_350 = arith.constant 0 : i32
    %dma_wait3A_351 = arith.constant 0 : i32
    %dma_wait3A_352 = tpu.memref_slice %dma_wait3A_349[%dma_wait3A_343, %dma_wait3A_350, %dma_wait3A_351] : memref<4x50x64xf32, #tpu.memory_space<vmem>> -> memref<1x50x64xf32, #tpu.memory_space<vmem>>
    %dma_wait3A_353 = tpu.memref_squeeze %dma_wait3A_352 : memref<1x50x64xf32, #tpu.memory_space<vmem>> -> memref<50x64xf32, #tpu.memory_space<vmem>>
    %dma_wait3A_354 = arith.constant 0 : i32
    %dma_wait3A_355 = arith.constant 0 : i32
    %dma_wait3A_356 = tpu.memref_slice %arg4[%mul3A_2, %dma_wait3A_354, %dma_wait3A_355] : memref<16384x56x128xf32, #tpu.memory_space<hbm>> -> memref<1x56x128xf32, #tpu.memory_space<hbm>>
    %dma_wait3A_357 = tpu.memref_squeeze %dma_wait3A_356 : memref<1x56x128xf32, #tpu.memory_space<hbm>> -> memref<56x128xf32, #tpu.memory_space<hbm>>
    %dma_wait3A_358 = arith.constant 0 : i32
    %dma_wait3A_359 = arith.constant 0 : i32
    %dma_wait3A_360 = tpu.memref_slice %dma_wait3A_357[%dma_wait3A_358, %dma_wait3A_359] : memref<56x128xf32, #tpu.memory_space<hbm>> -> memref<50x64xf32, #tpu.memory_space<hbm>>
    %dma_wait3A_361 = tpu.memref_slice %arg8[%dma_wait3A_344] : memref<4x!tpu.dma_semaphore, #tpu.memory_space<semaphore_mem>> -> memref<1x!tpu.dma_semaphore, #tpu.memory_space<semaphore_mem>>
    %dma_wait3A_362 = tpu.memref_squeeze %dma_wait3A_361 : memref<1x!tpu.dma_semaphore, #tpu.memory_space<semaphore_mem>> -> memref<!tpu.dma_semaphore, #tpu.memory_space<semaphore_mem>>
    %dma_wait3A_363 = arith.constant 0 : i32
    %dma_wait3A_364 = arith.constant 0 : i32
    %dma_wait3A_365 = tpu.memref_slice %arg4[%mul3A_2, %dma_wait3A_363, %dma_wait3A_364] : memref<16384x56x128xf32, #tpu.memory_space<hbm>> -> memref<1x56x128xf32, #tpu.memory_space<hbm>>
    %dma_wait3A_366 = tpu.memref_squeeze %dma_wait3A_365 : memref<1x56x128xf32, #tpu.memory_space<hbm>> -> memref<56x128xf32, #tpu.memory_space<hbm>>
    %dma_wait3A_367 = arith.constant 0 : i32
    %dma_wait3A_368 = arith.constant 0 : i32
    %dma_wait3A_369 = tpu.memref_slice %dma_wait3A_366[%dma_wait3A_367, %dma_wait3A_368] : memref<56x128xf32, #tpu.memory_space<hbm>> -> memref<50x64xf32, #tpu.memory_space<hbm>>
    %dma_wait3A_370 = arith.constant 0 : i32
    %dma_wait3A_371 = arith.constant 0 : i32
    %dma_wait3A_372 = arith.constant 0 : i32
    %dma_wait3A_373 = tpu.memref_slice %arg6[%dma_wait3A, %dma_wait3A_370, %dma_wait3A_371, %dma_wait3A_372] : memref<4x4x50x64xf32, #tpu.memory_space<vmem>> -> memref<1x4x50x64xf32, #tpu.memory_space<vmem>>
    %dma_wait3A_374 = tpu.memref_squeeze %dma_wait3A_373 : memref<1x4x50x64xf32, #tpu.memory_space<vmem>> -> memref<4x50x64xf32, #tpu.memory_space<vmem>>
    %dma_wait3A_375 = arith.constant 0 : i32
    %dma_wait3A_376 = arith.constant 0 : i32
    %dma_wait3A_377 = tpu.memref_slice %dma_wait3A_374[%dma_wait3A_343, %dma_wait3A_375, %dma_wait3A_376] : memref<4x50x64xf32, #tpu.memory_space<vmem>> -> memref<1x50x64xf32, #tpu.memory_space<vmem>>
    %dma_wait3A_378 = tpu.memref_squeeze %dma_wait3A_377 : memref<1x50x64xf32, #tpu.memory_space<vmem>> -> memref<50x64xf32, #tpu.memory_space<vmem>>
    tpu.wait_dma2 semaphore(%dma_wait3A_362 : memref<!tpu.dma_semaphore, #tpu.memory_space<semaphore_mem>>) src(%dma_wait3A_378 : memref<50x64xf32, #tpu.memory_space<vmem>>) dst(%dma_wait3A_369 : memref<50x64xf32, #tpu.memory_space<hbm>>)
    %dma_wait3A_379 = arith.constant 0 : i32
    %dma_wait3A_380 = arith.constant 1 : i32
    %dma_wait3A_381 = arith.constant 0 : i32
    %dma_wait3A_382 = arith.constant 0 : i32
    %dma_wait3A_383 = arith.constant 0 : i32
    %dma_wait3A_384 = arith.constant 0 : i32
    %dma_wait3A_385 = tpu.memref_slice %arg6[%dma_wait3A_379, %dma_wait3A_382, %dma_wait3A_383, %dma_wait3A_384] : memref<4x4x50x64xf32, #tpu.memory_space<vmem>> -> memref<1x4x50x64xf32, #tpu.memory_space<vmem>>
    %dma_wait3A_386 = tpu.memref_squeeze %dma_wait3A_385 : memref<1x4x50x64xf32, #tpu.memory_space<vmem>> -> memref<4x50x64xf32, #tpu.memory_space<vmem>>
    %dma_wait3A_387 = arith.constant 0 : i32
    %dma_wait3A_388 = arith.constant 0 : i32
    %dma_wait3A_389 = tpu.memref_slice %dma_wait3A_386[%dma_wait3A_380, %dma_wait3A_387, %dma_wait3A_388] : memref<4x50x64xf32, #tpu.memory_space<vmem>> -> memref<1x50x64xf32, #tpu.memory_space<vmem>>
    %dma_wait3A_390 = tpu.memref_squeeze %dma_wait3A_389 : memref<1x50x64xf32, #tpu.memory_space<vmem>> -> memref<50x64xf32, #tpu.memory_space<vmem>>
    %dma_wait3A_391 = arith.constant 0 : i32
    %dma_wait3A_392 = arith.constant 0 : i32
    %dma_wait3A_393 = tpu.memref_slice %arg4[%mul3A_2, %dma_wait3A_391, %dma_wait3A_392] : memref<16384x56x128xf32, #tpu.memory_space<hbm>> -> memref<1x56x128xf32, #tpu.memory_space<hbm>>
    %dma_wait3A_394 = tpu.memref_squeeze %dma_wait3A_393 : memref<1x56x128xf32, #tpu.memory_space<hbm>> -> memref<56x128xf32, #tpu.memory_space<hbm>>
    %dma_wait3A_395 = arith.constant 0 : i32
    %dma_wait3A_396 = arith.constant 0 : i32
    %dma_wait3A_397 = tpu.memref_slice %dma_wait3A_394[%dma_wait3A_395, %dma_wait3A_396] : memref<56x128xf32, #tpu.memory_space<hbm>> -> memref<50x64xf32, #tpu.memory_space<hbm>>
    %dma_wait3A_398 = tpu.memref_slice %arg8[%dma_wait3A_381] : memref<4x!tpu.dma_semaphore, #tpu.memory_space<semaphore_mem>> -> memref<1x!tpu.dma_semaphore, #tpu.memory_space<semaphore_mem>>
    %dma_wait3A_399 = tpu.memref_squeeze %dma_wait3A_398 : memref<1x!tpu.dma_semaphore, #tpu.memory_space<semaphore_mem>> -> memref<!tpu.dma_semaphore, #tpu.memory_space<semaphore_mem>>
    %dma_wait3A_400 = arith.constant 0 : i32
    %dma_wait3A_401 = arith.constant 0 : i32
    %dma_wait3A_402 = tpu.memref_slice %arg4[%mul3A_2, %dma_wait3A_400, %dma_wait3A_401] : memref<16384x56x128xf32, #tpu.memory_space<hbm>> -> memref<1x56x128xf32, #tpu.memory_space<hbm>>
    %dma_wait3A_403 = tpu.memref_squeeze %dma_wait3A_402 : memref<1x56x128xf32, #tpu.memory_space<hbm>> -> memref<56x128xf32, #tpu.memory_space<hbm>>
    %dma_wait3A_404 = arith.constant 0 : i32
    %dma_wait3A_405 = arith.constant 0 : i32
    %dma_wait3A_406 = tpu.memref_slice %dma_wait3A_403[%dma_wait3A_404, %dma_wait3A_405] : memref<56x128xf32, #tpu.memory_space<hbm>> -> memref<50x64xf32, #tpu.memory_space<hbm>>
    %dma_wait3A_407 = arith.constant 0 : i32
    %dma_wait3A_408 = arith.constant 0 : i32
    %dma_wait3A_409 = arith.constant 0 : i32
    %dma_wait3A_410 = tpu.memref_slice %arg6[%dma_wait3A_379, %dma_wait3A_407, %dma_wait3A_408, %dma_wait3A_409] : memref<4x4x50x64xf32, #tpu.memory_space<vmem>> -> memref<1x4x50x64xf32, #tpu.memory_space<vmem>>
    %dma_wait3A_411 = tpu.memref_squeeze %dma_wait3A_410 : memref<1x4x50x64xf32, #tpu.memory_space<vmem>> -> memref<4x50x64xf32, #tpu.memory_space<vmem>>
    %dma_wait3A_412 = arith.constant 0 : i32
    %dma_wait3A_413 = arith.constant 0 : i32
    %dma_wait3A_414 = tpu.memref_slice %dma_wait3A_411[%dma_wait3A_380, %dma_wait3A_412, %dma_wait3A_413] : memref<4x50x64xf32, #tpu.memory_space<vmem>> -> memref<1x50x64xf32, #tpu.memory_space<vmem>>
    %dma_wait3A_415 = tpu.memref_squeeze %dma_wait3A_414 : memref<1x50x64xf32, #tpu.memory_space<vmem>> -> memref<50x64xf32, #tpu.memory_space<vmem>>
    tpu.wait_dma2 semaphore(%dma_wait3A_399 : memref<!tpu.dma_semaphore, #tpu.memory_space<semaphore_mem>>) src(%dma_wait3A_415 : memref<50x64xf32, #tpu.memory_space<vmem>>) dst(%dma_wait3A_406 : memref<50x64xf32, #tpu.memory_space<hbm>>)
    %dma_wait3A_416 = arith.constant 0 : i32
    %dma_wait3A_417 = arith.constant 2 : i32
    %dma_wait3A_418 = arith.constant 0 : i32
    %dma_wait3A_419 = arith.constant 0 : i32
    %dma_wait3A_420 = arith.constant 0 : i32
    %dma_wait3A_421 = arith.constant 0 : i32
    %dma_wait3A_422 = tpu.memref_slice %arg6[%dma_wait3A_416, %dma_wait3A_419, %dma_wait3A_420, %dma_wait3A_421] : memref<4x4x50x64xf32, #tpu.memory_space<vmem>> -> memref<1x4x50x64xf32, #tpu.memory_space<vmem>>
    %dma_wait3A_423 = tpu.memref_squeeze %dma_wait3A_422 : memref<1x4x50x64xf32, #tpu.memory_space<vmem>> -> memref<4x50x64xf32, #tpu.memory_space<vmem>>
    %dma_wait3A_424 = arith.constant 0 : i32
    %dma_wait3A_425 = arith.constant 0 : i32
    %dma_wait3A_426 = tpu.memref_slice %dma_wait3A_423[%dma_wait3A_417, %dma_wait3A_424, %dma_wait3A_425] : memref<4x50x64xf32, #tpu.memory_space<vmem>> -> memref<1x50x64xf32, #tpu.memory_space<vmem>>
    %dma_wait3A_427 = tpu.memref_squeeze %dma_wait3A_426 : memref<1x50x64xf32, #tpu.memory_space<vmem>> -> memref<50x64xf32, #tpu.memory_space<vmem>>
    %dma_wait3A_428 = arith.constant 0 : i32
    %dma_wait3A_429 = arith.constant 0 : i32
    %dma_wait3A_430 = tpu.memref_slice %arg4[%mul3A_2, %dma_wait3A_428, %dma_wait3A_429] : memref<16384x56x128xf32, #tpu.memory_space<hbm>> -> memref<1x56x128xf32, #tpu.memory_space<hbm>>
    %dma_wait3A_431 = tpu.memref_squeeze %dma_wait3A_430 : memref<1x56x128xf32, #tpu.memory_space<hbm>> -> memref<56x128xf32, #tpu.memory_space<hbm>>
    %dma_wait3A_432 = arith.constant 0 : i32
    %dma_wait3A_433 = arith.constant 0 : i32
    %dma_wait3A_434 = tpu.memref_slice %dma_wait3A_431[%dma_wait3A_432, %dma_wait3A_433] : memref<56x128xf32, #tpu.memory_space<hbm>> -> memref<50x64xf32, #tpu.memory_space<hbm>>
    %dma_wait3A_435 = tpu.memref_slice %arg8[%dma_wait3A_418] : memref<4x!tpu.dma_semaphore, #tpu.memory_space<semaphore_mem>> -> memref<1x!tpu.dma_semaphore, #tpu.memory_space<semaphore_mem>>
    %dma_wait3A_436 = tpu.memref_squeeze %dma_wait3A_435 : memref<1x!tpu.dma_semaphore, #tpu.memory_space<semaphore_mem>> -> memref<!tpu.dma_semaphore, #tpu.memory_space<semaphore_mem>>
    %dma_wait3A_437 = arith.constant 0 : i32
    %dma_wait3A_438 = arith.constant 0 : i32
    %dma_wait3A_439 = tpu.memref_slice %arg4[%mul3A_2, %dma_wait3A_437, %dma_wait3A_438] : memref<16384x56x128xf32, #tpu.memory_space<hbm>> -> memref<1x56x128xf32, #tpu.memory_space<hbm>>
    %dma_wait3A_440 = tpu.memref_squeeze %dma_wait3A_439 : memref<1x56x128xf32, #tpu.memory_space<hbm>> -> memref<56x128xf32, #tpu.memory_space<hbm>>
    %dma_wait3A_441 = arith.constant 0 : i32
    %dma_wait3A_442 = arith.constant 0 : i32
    %dma_wait3A_443 = tpu.memref_slice %dma_wait3A_440[%dma_wait3A_441, %dma_wait3A_442] : memref<56x128xf32, #tpu.memory_space<hbm>> -> memref<50x64xf32, #tpu.memory_space<hbm>>
    %dma_wait3A_444 = arith.constant 0 : i32
    %dma_wait3A_445 = arith.constant 0 : i32
    %dma_wait3A_446 = arith.constant 0 : i32
    %dma_wait3A_447 = tpu.memref_slice %arg6[%dma_wait3A_416, %dma_wait3A_444, %dma_wait3A_445, %dma_wait3A_446] : memref<4x4x50x64xf32, #tpu.memory_space<vmem>> -> memref<1x4x50x64xf32, #tpu.memory_space<vmem>>
    %dma_wait3A_448 = tpu.memref_squeeze %dma_wait3A_447 : memref<1x4x50x64xf32, #tpu.memory_space<vmem>> -> memref<4x50x64xf32, #tpu.memory_space<vmem>>
    %dma_wait3A_449 = arith.constant 0 : i32
    %dma_wait3A_450 = arith.constant 0 : i32
    %dma_wait3A_451 = tpu.memref_slice %dma_wait3A_448[%dma_wait3A_417, %dma_wait3A_449, %dma_wait3A_450] : memref<4x50x64xf32, #tpu.memory_space<vmem>> -> memref<1x50x64xf32, #tpu.memory_space<vmem>>
    %dma_wait3A_452 = tpu.memref_squeeze %dma_wait3A_451 : memref<1x50x64xf32, #tpu.memory_space<vmem>> -> memref<50x64xf32, #tpu.memory_space<vmem>>
    tpu.wait_dma2 semaphore(%dma_wait3A_436 : memref<!tpu.dma_semaphore, #tpu.memory_space<semaphore_mem>>) src(%dma_wait3A_452 : memref<50x64xf32, #tpu.memory_space<vmem>>) dst(%dma_wait3A_443 : memref<50x64xf32, #tpu.memory_space<hbm>>)
    %dma_wait3A_453 = arith.constant 0 : i32
    %dma_wait3A_454 = arith.constant 3 : i32
    %dma_wait3A_455 = arith.constant 0 : i32
    %dma_wait3A_456 = arith.constant 0 : i32
    %dma_wait3A_457 = arith.constant 0 : i32
    %dma_wait3A_458 = arith.constant 0 : i32
    %dma_wait3A_459 = tpu.memref_slice %arg6[%dma_wait3A_453, %dma_wait3A_456, %dma_wait3A_457, %dma_wait3A_458] : memref<4x4x50x64xf32, #tpu.memory_space<vmem>> -> memref<1x4x50x64xf32, #tpu.memory_space<vmem>>
    %dma_wait3A_460 = tpu.memref_squeeze %dma_wait3A_459 : memref<1x4x50x64xf32, #tpu.memory_space<vmem>> -> memref<4x50x64xf32, #tpu.memory_space<vmem>>
    %dma_wait3A_461 = arith.constant 0 : i32
    %dma_wait3A_462 = arith.constant 0 : i32
    %dma_wait3A_463 = tpu.memref_slice %dma_wait3A_460[%dma_wait3A_454, %dma_wait3A_461, %dma_wait3A_462] : memref<4x50x64xf32, #tpu.memory_space<vmem>> -> memref<1x50x64xf32, #tpu.memory_space<vmem>>
    %dma_wait3A_464 = tpu.memref_squeeze %dma_wait3A_463 : memref<1x50x64xf32, #tpu.memory_space<vmem>> -> memref<50x64xf32, #tpu.memory_space<vmem>>
    %dma_wait3A_465 = arith.constant 0 : i32
    %dma_wait3A_466 = arith.constant 0 : i32
    %dma_wait3A_467 = tpu.memref_slice %arg4[%mul3A_2, %dma_wait3A_465, %dma_wait3A_466] : memref<16384x56x128xf32, #tpu.memory_space<hbm>> -> memref<1x56x128xf32, #tpu.memory_space<hbm>>
    %dma_wait3A_468 = tpu.memref_squeeze %dma_wait3A_467 : memref<1x56x128xf32, #tpu.memory_space<hbm>> -> memref<56x128xf32, #tpu.memory_space<hbm>>
    %dma_wait3A_469 = arith.constant 0 : i32
    %dma_wait3A_470 = arith.constant 0 : i32
    %dma_wait3A_471 = tpu.memref_slice %dma_wait3A_468[%dma_wait3A_469, %dma_wait3A_470] : memref<56x128xf32, #tpu.memory_space<hbm>> -> memref<50x64xf32, #tpu.memory_space<hbm>>
    %dma_wait3A_472 = tpu.memref_slice %arg8[%dma_wait3A_455] : memref<4x!tpu.dma_semaphore, #tpu.memory_space<semaphore_mem>> -> memref<1x!tpu.dma_semaphore, #tpu.memory_space<semaphore_mem>>
    %dma_wait3A_473 = tpu.memref_squeeze %dma_wait3A_472 : memref<1x!tpu.dma_semaphore, #tpu.memory_space<semaphore_mem>> -> memref<!tpu.dma_semaphore, #tpu.memory_space<semaphore_mem>>
    %dma_wait3A_474 = arith.constant 0 : i32
    %dma_wait3A_475 = arith.constant 0 : i32
    %dma_wait3A_476 = tpu.memref_slice %arg4[%mul3A_2, %dma_wait3A_474, %dma_wait3A_475] : memref<16384x56x128xf32, #tpu.memory_space<hbm>> -> memref<1x56x128xf32, #tpu.memory_space<hbm>>
    %dma_wait3A_477 = tpu.memref_squeeze %dma_wait3A_476 : memref<1x56x128xf32, #tpu.memory_space<hbm>> -> memref<56x128xf32, #tpu.memory_space<hbm>>
    %dma_wait3A_478 = arith.constant 0 : i32
    %dma_wait3A_479 = arith.constant 0 : i32
    %dma_wait3A_480 = tpu.memref_slice %dma_wait3A_477[%dma_wait3A_478, %dma_wait3A_479] : memref<56x128xf32, #tpu.memory_space<hbm>> -> memref<50x64xf32, #tpu.memory_space<hbm>>
    %dma_wait3A_481 = arith.constant 0 : i32
    %dma_wait3A_482 = arith.constant 0 : i32
    %dma_wait3A_483 = arith.constant 0 : i32
    %dma_wait3A_484 = tpu.memref_slice %arg6[%dma_wait3A_453, %dma_wait3A_481, %dma_wait3A_482, %dma_wait3A_483] : memref<4x4x50x64xf32, #tpu.memory_space<vmem>> -> memref<1x4x50x64xf32, #tpu.memory_space<vmem>>
    %dma_wait3A_485 = tpu.memref_squeeze %dma_wait3A_484 : memref<1x4x50x64xf32, #tpu.memory_space<vmem>> -> memref<4x50x64xf32, #tpu.memory_space<vmem>>
    %dma_wait3A_486 = arith.constant 0 : i32
    %dma_wait3A_487 = arith.constant 0 : i32
    %dma_wait3A_488 = tpu.memref_slice %dma_wait3A_485[%dma_wait3A_454, %dma_wait3A_486, %dma_wait3A_487] : memref<4x50x64xf32, #tpu.memory_space<vmem>> -> memref<1x50x64xf32, #tpu.memory_space<vmem>>
    %dma_wait3A_489 = tpu.memref_squeeze %dma_wait3A_488 : memref<1x50x64xf32, #tpu.memory_space<vmem>> -> memref<50x64xf32, #tpu.memory_space<vmem>>
    tpu.wait_dma2 semaphore(%dma_wait3A_473 : memref<!tpu.dma_semaphore, #tpu.memory_space<semaphore_mem>>) src(%dma_wait3A_489 : memref<50x64xf32, #tpu.memory_space<vmem>>) dst(%dma_wait3A_480 : memref<50x64xf32, #tpu.memory_space<hbm>>)
    %dma_wait3A_490 = arith.constant 1 : i32
    %dma_wait3A_491 = arith.constant 0 : i32
    %dma_wait3A_492 = arith.constant 1 : i32
    %dma_wait3A_493 = arith.constant 0 : i32
    %dma_wait3A_494 = arith.constant 0 : i32
    %dma_wait3A_495 = arith.constant 0 : i32
    %dma_wait3A_496 = tpu.memref_slice %arg6[%dma_wait3A_490, %dma_wait3A_493, %dma_wait3A_494, %dma_wait3A_495] : memref<4x4x50x64xf32, #tpu.memory_space<vmem>> -> memref<1x4x50x64xf32, #tpu.memory_space<vmem>>
    %dma_wait3A_497 = tpu.memref_squeeze %dma_wait3A_496 : memref<1x4x50x64xf32, #tpu.memory_space<vmem>> -> memref<4x50x64xf32, #tpu.memory_space<vmem>>
    %dma_wait3A_498 = arith.constant 0 : i32
    %dma_wait3A_499 = arith.constant 0 : i32
    %dma_wait3A_500 = tpu.memref_slice %dma_wait3A_497[%dma_wait3A_491, %dma_wait3A_498, %dma_wait3A_499] : memref<4x50x64xf32, #tpu.memory_space<vmem>> -> memref<1x50x64xf32, #tpu.memory_space<vmem>>
    %dma_wait3A_501 = tpu.memref_squeeze %dma_wait3A_500 : memref<1x50x64xf32, #tpu.memory_space<vmem>> -> memref<50x64xf32, #tpu.memory_space<vmem>>
    %dma_wait3A_502 = arith.constant 0 : i32
    %dma_wait3A_503 = arith.constant 0 : i32
    %dma_wait3A_504 = tpu.memref_slice %arg4[%mul3A_2, %dma_wait3A_502, %dma_wait3A_503] : memref<16384x56x128xf32, #tpu.memory_space<hbm>> -> memref<1x56x128xf32, #tpu.memory_space<hbm>>
    %dma_wait3A_505 = tpu.memref_squeeze %dma_wait3A_504 : memref<1x56x128xf32, #tpu.memory_space<hbm>> -> memref<56x128xf32, #tpu.memory_space<hbm>>
    %dma_wait3A_506 = arith.constant 0 : i32
    %dma_wait3A_507 = arith.constant 0 : i32
    %dma_wait3A_508 = tpu.memref_slice %dma_wait3A_505[%dma_wait3A_506, %dma_wait3A_507] : memref<56x128xf32, #tpu.memory_space<hbm>> -> memref<50x64xf32, #tpu.memory_space<hbm>>
    %dma_wait3A_509 = tpu.memref_slice %arg8[%dma_wait3A_492] : memref<4x!tpu.dma_semaphore, #tpu.memory_space<semaphore_mem>> -> memref<1x!tpu.dma_semaphore, #tpu.memory_space<semaphore_mem>>
    %dma_wait3A_510 = tpu.memref_squeeze %dma_wait3A_509 : memref<1x!tpu.dma_semaphore, #tpu.memory_space<semaphore_mem>> -> memref<!tpu.dma_semaphore, #tpu.memory_space<semaphore_mem>>
    %dma_wait3A_511 = arith.constant 0 : i32
    %dma_wait3A_512 = arith.constant 0 : i32
    %dma_wait3A_513 = tpu.memref_slice %arg4[%mul3A_2, %dma_wait3A_511, %dma_wait3A_512] : memref<16384x56x128xf32, #tpu.memory_space<hbm>> -> memref<1x56x128xf32, #tpu.memory_space<hbm>>
    %dma_wait3A_514 = tpu.memref_squeeze %dma_wait3A_513 : memref<1x56x128xf32, #tpu.memory_space<hbm>> -> memref<56x128xf32, #tpu.memory_space<hbm>>
    %dma_wait3A_515 = arith.constant 0 : i32
    %dma_wait3A_516 = arith.constant 0 : i32
    %dma_wait3A_517 = tpu.memref_slice %dma_wait3A_514[%dma_wait3A_515, %dma_wait3A_516] : memref<56x128xf32, #tpu.memory_space<hbm>> -> memref<50x64xf32, #tpu.memory_space<hbm>>
    %dma_wait3A_518 = arith.constant 0 : i32
    %dma_wait3A_519 = arith.constant 0 : i32
    %dma_wait3A_520 = arith.constant 0 : i32
    %dma_wait3A_521 = tpu.memref_slice %arg6[%dma_wait3A_490, %dma_wait3A_518, %dma_wait3A_519, %dma_wait3A_520] : memref<4x4x50x64xf32, #tpu.memory_space<vmem>> -> memref<1x4x50x64xf32, #tpu.memory_space<vmem>>
    %dma_wait3A_522 = tpu.memref_squeeze %dma_wait3A_521 : memref<1x4x50x64xf32, #tpu.memory_space<vmem>> -> memref<4x50x64xf32, #tpu.memory_space<vmem>>
    %dma_wait3A_523 = arith.constant 0 : i32
    %dma_wait3A_524 = arith.constant 0 : i32
    %dma_wait3A_525 = tpu.memref_slice %dma_wait3A_522[%dma_wait3A_491, %dma_wait3A_523, %dma_wait3A_524] : memref<4x50x64xf32, #tpu.memory_space<vmem>> -> memref<1x50x64xf32, #tpu.memory_space<vmem>>
    %dma_wait3A_526 = tpu.memref_squeeze %dma_wait3A_525 : memref<1x50x64xf32, #tpu.memory_space<vmem>> -> memref<50x64xf32, #tpu.memory_space<vmem>>
    tpu.wait_dma2 semaphore(%dma_wait3A_510 : memref<!tpu.dma_semaphore, #tpu.memory_space<semaphore_mem>>) src(%dma_wait3A_526 : memref<50x64xf32, #tpu.memory_space<vmem>>) dst(%dma_wait3A_517 : memref<50x64xf32, #tpu.memory_space<hbm>>)
    %dma_wait3A_527 = arith.constant 1 : i32
    %dma_wait3A_528 = arith.constant 1 : i32
    %dma_wait3A_529 = arith.constant 1 : i32
    %dma_wait3A_530 = arith.constant 0 : i32
    %dma_wait3A_531 = arith.constant 0 : i32
    %dma_wait3A_532 = arith.constant 0 : i32
    %dma_wait3A_533 = tpu.memref_slice %arg6[%dma_wait3A_527, %dma_wait3A_530, %dma_wait3A_531, %dma_wait3A_532] : memref<4x4x50x64xf32, #tpu.memory_space<vmem>> -> memref<1x4x50x64xf32, #tpu.memory_space<vmem>>
    %dma_wait3A_534 = tpu.memref_squeeze %dma_wait3A_533 : memref<1x4x50x64xf32, #tpu.memory_space<vmem>> -> memref<4x50x64xf32, #tpu.memory_space<vmem>>
    %dma_wait3A_535 = arith.constant 0 : i32
    %dma_wait3A_536 = arith.constant 0 : i32
    %dma_wait3A_537 = tpu.memref_slice %dma_wait3A_534[%dma_wait3A_528, %dma_wait3A_535, %dma_wait3A_536] : memref<4x50x64xf32, #tpu.memory_space<vmem>> -> memref<1x50x64xf32, #tpu.memory_space<vmem>>
    %dma_wait3A_538 = tpu.memref_squeeze %dma_wait3A_537 : memref<1x50x64xf32, #tpu.memory_space<vmem>> -> memref<50x64xf32, #tpu.memory_space<vmem>>
    %dma_wait3A_539 = arith.constant 0 : i32
    %dma_wait3A_540 = arith.constant 0 : i32
    %dma_wait3A_541 = tpu.memref_slice %arg4[%mul3A_2, %dma_wait3A_539, %dma_wait3A_540] : memref<16384x56x128xf32, #tpu.memory_space<hbm>> -> memref<1x56x128xf32, #tpu.memory_space<hbm>>
    %dma_wait3A_542 = tpu.memref_squeeze %dma_wait3A_541 : memref<1x56x128xf32, #tpu.memory_space<hbm>> -> memref<56x128xf32, #tpu.memory_space<hbm>>
    %dma_wait3A_543 = arith.constant 0 : i32
    %dma_wait3A_544 = arith.constant 0 : i32
    %dma_wait3A_545 = tpu.memref_slice %dma_wait3A_542[%dma_wait3A_543, %dma_wait3A_544] : memref<56x128xf32, #tpu.memory_space<hbm>> -> memref<50x64xf32, #tpu.memory_space<hbm>>
    %dma_wait3A_546 = tpu.memref_slice %arg8[%dma_wait3A_529] : memref<4x!tpu.dma_semaphore, #tpu.memory_space<semaphore_mem>> -> memref<1x!tpu.dma_semaphore, #tpu.memory_space<semaphore_mem>>
    %dma_wait3A_547 = tpu.memref_squeeze %dma_wait3A_546 : memref<1x!tpu.dma_semaphore, #tpu.memory_space<semaphore_mem>> -> memref<!tpu.dma_semaphore, #tpu.memory_space<semaphore_mem>>
    %dma_wait3A_548 = arith.constant 0 : i32
    %dma_wait3A_549 = arith.constant 0 : i32
    %dma_wait3A_550 = tpu.memref_slice %arg4[%mul3A_2, %dma_wait3A_548, %dma_wait3A_549] : memref<16384x56x128xf32, #tpu.memory_space<hbm>> -> memref<1x56x128xf32, #tpu.memory_space<hbm>>
    %dma_wait3A_551 = tpu.memref_squeeze %dma_wait3A_550 : memref<1x56x128xf32, #tpu.memory_space<hbm>> -> memref<56x128xf32, #tpu.memory_space<hbm>>
    %dma_wait3A_552 = arith.constant 0 : i32
    %dma_wait3A_553 = arith.constant 0 : i32
    %dma_wait3A_554 = tpu.memref_slice %dma_wait3A_551[%dma_wait3A_552, %dma_wait3A_553] : memref<56x128xf32, #tpu.memory_space<hbm>> -> memref<50x64xf32, #tpu.memory_space<hbm>>
    %dma_wait3A_555 = arith.constant 0 : i32
    %dma_wait3A_556 = arith.constant 0 : i32
    %dma_wait3A_557 = arith.constant 0 : i32
    %dma_wait3A_558 = tpu.memref_slice %arg6[%dma_wait3A_527, %dma_wait3A_555, %dma_wait3A_556, %dma_wait3A_557] : memref<4x4x50x64xf32, #tpu.memory_space<vmem>> -> memref<1x4x50x64xf32, #tpu.memory_space<vmem>>
    %dma_wait3A_559 = tpu.memref_squeeze %dma_wait3A_558 : memref<1x4x50x64xf32, #tpu.memory_space<vmem>> -> memref<4x50x64xf32, #tpu.memory_space<vmem>>
    %dma_wait3A_560 = arith.constant 0 : i32
    %dma_wait3A_561 = arith.constant 0 : i32
    %dma_wait3A_562 = tpu.memref_slice %dma_wait3A_559[%dma_wait3A_528, %dma_wait3A_560, %dma_wait3A_561] : memref<4x50x64xf32, #tpu.memory_space<vmem>> -> memref<1x50x64xf32, #tpu.memory_space<vmem>>
    %dma_wait3A_563 = tpu.memref_squeeze %dma_wait3A_562 : memref<1x50x64xf32, #tpu.memory_space<vmem>> -> memref<50x64xf32, #tpu.memory_space<vmem>>
    tpu.wait_dma2 semaphore(%dma_wait3A_547 : memref<!tpu.dma_semaphore, #tpu.memory_space<semaphore_mem>>) src(%dma_wait3A_563 : memref<50x64xf32, #tpu.memory_space<vmem>>) dst(%dma_wait3A_554 : memref<50x64xf32, #tpu.memory_space<hbm>>)
    %dma_wait3A_564 = arith.constant 1 : i32
    %dma_wait3A_565 = arith.constant 2 : i32
    %dma_wait3A_566 = arith.constant 1 : i32
    %dma_wait3A_567 = arith.constant 0 : i32
    %dma_wait3A_568 = arith.constant 0 : i32
    %dma_wait3A_569 = arith.constant 0 : i32
    %dma_wait3A_570 = tpu.memref_slice %arg6[%dma_wait3A_564, %dma_wait3A_567, %dma_wait3A_568, %dma_wait3A_569] : memref<4x4x50x64xf32, #tpu.memory_space<vmem>> -> memref<1x4x50x64xf32, #tpu.memory_space<vmem>>
    %dma_wait3A_571 = tpu.memref_squeeze %dma_wait3A_570 : memref<1x4x50x64xf32, #tpu.memory_space<vmem>> -> memref<4x50x64xf32, #tpu.memory_space<vmem>>
    %dma_wait3A_572 = arith.constant 0 : i32
    %dma_wait3A_573 = arith.constant 0 : i32
    %dma_wait3A_574 = tpu.memref_slice %dma_wait3A_571[%dma_wait3A_565, %dma_wait3A_572, %dma_wait3A_573] : memref<4x50x64xf32, #tpu.memory_space<vmem>> -> memref<1x50x64xf32, #tpu.memory_space<vmem>>
    %dma_wait3A_575 = tpu.memref_squeeze %dma_wait3A_574 : memref<1x50x64xf32, #tpu.memory_space<vmem>> -> memref<50x64xf32, #tpu.memory_space<vmem>>
    %dma_wait3A_576 = arith.constant 0 : i32
    %dma_wait3A_577 = arith.constant 0 : i32
    %dma_wait3A_578 = tpu.memref_slice %arg4[%mul3A_2, %dma_wait3A_576, %dma_wait3A_577] : memref<16384x56x128xf32, #tpu.memory_space<hbm>> -> memref<1x56x128xf32, #tpu.memory_space<hbm>>
    %dma_wait3A_579 = tpu.memref_squeeze %dma_wait3A_578 : memref<1x56x128xf32, #tpu.memory_space<hbm>> -> memref<56x128xf32, #tpu.memory_space<hbm>>
    %dma_wait3A_580 = arith.constant 0 : i32
    %dma_wait3A_581 = arith.constant 0 : i32
    %dma_wait3A_582 = tpu.memref_slice %dma_wait3A_579[%dma_wait3A_580, %dma_wait3A_581] : memref<56x128xf32, #tpu.memory_space<hbm>> -> memref<50x64xf32, #tpu.memory_space<hbm>>
    %dma_wait3A_583 = tpu.memref_slice %arg8[%dma_wait3A_566] : memref<4x!tpu.dma_semaphore, #tpu.memory_space<semaphore_mem>> -> memref<1x!tpu.dma_semaphore, #tpu.memory_space<semaphore_mem>>
    %dma_wait3A_584 = tpu.memref_squeeze %dma_wait3A_583 : memref<1x!tpu.dma_semaphore, #tpu.memory_space<semaphore_mem>> -> memref<!tpu.dma_semaphore, #tpu.memory_space<semaphore_mem>>
    %dma_wait3A_585 = arith.constant 0 : i32
    %dma_wait3A_586 = arith.constant 0 : i32
    %dma_wait3A_587 = tpu.memref_slice %arg4[%mul3A_2, %dma_wait3A_585, %dma_wait3A_586] : memref<16384x56x128xf32, #tpu.memory_space<hbm>> -> memref<1x56x128xf32, #tpu.memory_space<hbm>>
    %dma_wait3A_588 = tpu.memref_squeeze %dma_wait3A_587 : memref<1x56x128xf32, #tpu.memory_space<hbm>> -> memref<56x128xf32, #tpu.memory_space<hbm>>
    %dma_wait3A_589 = arith.constant 0 : i32
    %dma_wait3A_590 = arith.constant 0 : i32
    %dma_wait3A_591 = tpu.memref_slice %dma_wait3A_588[%dma_wait3A_589, %dma_wait3A_590] : memref<56x128xf32, #tpu.memory_space<hbm>> -> memref<50x64xf32, #tpu.memory_space<hbm>>
    %dma_wait3A_592 = arith.constant 0 : i32
    %dma_wait3A_593 = arith.constant 0 : i32
    %dma_wait3A_594 = arith.constant 0 : i32
    %dma_wait3A_595 = tpu.memref_slice %arg6[%dma_wait3A_564, %dma_wait3A_592, %dma_wait3A_593, %dma_wait3A_594] : memref<4x4x50x64xf32, #tpu.memory_space<vmem>> -> memref<1x4x50x64xf32, #tpu.memory_space<vmem>>
    %dma_wait3A_596 = tpu.memref_squeeze %dma_wait3A_595 : memref<1x4x50x64xf32, #tpu.memory_space<vmem>> -> memref<4x50x64xf32, #tpu.memory_space<vmem>>
    %dma_wait3A_597 = arith.constant 0 : i32
    %dma_wait3A_598 = arith.constant 0 : i32
    %dma_wait3A_599 = tpu.memref_slice %dma_wait3A_596[%dma_wait3A_565, %dma_wait3A_597, %dma_wait3A_598] : memref<4x50x64xf32, #tpu.memory_space<vmem>> -> memref<1x50x64xf32, #tpu.memory_space<vmem>>
    %dma_wait3A_600 = tpu.memref_squeeze %dma_wait3A_599 : memref<1x50x64xf32, #tpu.memory_space<vmem>> -> memref<50x64xf32, #tpu.memory_space<vmem>>
    tpu.wait_dma2 semaphore(%dma_wait3A_584 : memref<!tpu.dma_semaphore, #tpu.memory_space<semaphore_mem>>) src(%dma_wait3A_600 : memref<50x64xf32, #tpu.memory_space<vmem>>) dst(%dma_wait3A_591 : memref<50x64xf32, #tpu.memory_space<hbm>>)
    %dma_wait3A_601 = arith.constant 1 : i32
    %dma_wait3A_602 = arith.constant 3 : i32
    %dma_wait3A_603 = arith.constant 1 : i32
    %dma_wait3A_604 = arith.constant 0 : i32
    %dma_wait3A_605 = arith.constant 0 : i32
    %dma_wait3A_606 = arith.constant 0 : i32
    %dma_wait3A_607 = tpu.memref_slice %arg6[%dma_wait3A_601, %dma_wait3A_604, %dma_wait3A_605, %dma_wait3A_606] : memref<4x4x50x64xf32, #tpu.memory_space<vmem>> -> memref<1x4x50x64xf32, #tpu.memory_space<vmem>>
    %dma_wait3A_608 = tpu.memref_squeeze %dma_wait3A_607 : memref<1x4x50x64xf32, #tpu.memory_space<vmem>> -> memref<4x50x64xf32, #tpu.memory_space<vmem>>
    %dma_wait3A_609 = arith.constant 0 : i32
    %dma_wait3A_610 = arith.constant 0 : i32
    %dma_wait3A_611 = tpu.memref_slice %dma_wait3A_608[%dma_wait3A_602, %dma_wait3A_609, %dma_wait3A_610] : memref<4x50x64xf32, #tpu.memory_space<vmem>> -> memref<1x50x64xf32, #tpu.memory_space<vmem>>
    %dma_wait3A_612 = tpu.memref_squeeze %dma_wait3A_611 : memref<1x50x64xf32, #tpu.memory_space<vmem>> -> memref<50x64xf32, #tpu.memory_space<vmem>>
    %dma_wait3A_613 = arith.constant 0 : i32
    %dma_wait3A_614 = arith.constant 0 : i32
    %dma_wait3A_615 = tpu.memref_slice %arg4[%mul3A_2, %dma_wait3A_613, %dma_wait3A_614] : memref<16384x56x128xf32, #tpu.memory_space<hbm>> -> memref<1x56x128xf32, #tpu.memory_space<hbm>>
    %dma_wait3A_616 = tpu.memref_squeeze %dma_wait3A_615 : memref<1x56x128xf32, #tpu.memory_space<hbm>> -> memref<56x128xf32, #tpu.memory_space<hbm>>
    %dma_wait3A_617 = arith.constant 0 : i32
    %dma_wait3A_618 = arith.constant 0 : i32
    %dma_wait3A_619 = tpu.memref_slice %dma_wait3A_616[%dma_wait3A_617, %dma_wait3A_618] : memref<56x128xf32, #tpu.memory_space<hbm>> -> memref<50x64xf32, #tpu.memory_space<hbm>>
    %dma_wait3A_620 = tpu.memref_slice %arg8[%dma_wait3A_603] : memref<4x!tpu.dma_semaphore, #tpu.memory_space<semaphore_mem>> -> memref<1x!tpu.dma_semaphore, #tpu.memory_space<semaphore_mem>>
    %dma_wait3A_621 = tpu.memref_squeeze %dma_wait3A_620 : memref<1x!tpu.dma_semaphore, #tpu.memory_space<semaphore_mem>> -> memref<!tpu.dma_semaphore, #tpu.memory_space<semaphore_mem>>
    %dma_wait3A_622 = arith.constant 0 : i32
    %dma_wait3A_623 = arith.constant 0 : i32
    %dma_wait3A_624 = tpu.memref_slice %arg4[%mul3A_2, %dma_wait3A_622, %dma_wait3A_623] : memref<16384x56x128xf32, #tpu.memory_space<hbm>> -> memref<1x56x128xf32, #tpu.memory_space<hbm>>
    %dma_wait3A_625 = tpu.memref_squeeze %dma_wait3A_624 : memref<1x56x128xf32, #tpu.memory_space<hbm>> -> memref<56x128xf32, #tpu.memory_space<hbm>>
    %dma_wait3A_626 = arith.constant 0 : i32
    %dma_wait3A_627 = arith.constant 0 : i32
    %dma_wait3A_628 = tpu.memref_slice %dma_wait3A_625[%dma_wait3A_626, %dma_wait3A_627] : memref<56x128xf32, #tpu.memory_space<hbm>> -> memref<50x64xf32, #tpu.memory_space<hbm>>
    %dma_wait3A_629 = arith.constant 0 : i32
    %dma_wait3A_630 = arith.constant 0 : i32
    %dma_wait3A_631 = arith.constant 0 : i32
    %dma_wait3A_632 = tpu.memref_slice %arg6[%dma_wait3A_601, %dma_wait3A_629, %dma_wait3A_630, %dma_wait3A_631] : memref<4x4x50x64xf32, #tpu.memory_space<vmem>> -> memref<1x4x50x64xf32, #tpu.memory_space<vmem>>
    %dma_wait3A_633 = tpu.memref_squeeze %dma_wait3A_632 : memref<1x4x50x64xf32, #tpu.memory_space<vmem>> -> memref<4x50x64xf32, #tpu.memory_space<vmem>>
    %dma_wait3A_634 = arith.constant 0 : i32
    %dma_wait3A_635 = arith.constant 0 : i32
    %dma_wait3A_636 = tpu.memref_slice %dma_wait3A_633[%dma_wait3A_602, %dma_wait3A_634, %dma_wait3A_635] : memref<4x50x64xf32, #tpu.memory_space<vmem>> -> memref<1x50x64xf32, #tpu.memory_space<vmem>>
    %dma_wait3A_637 = tpu.memref_squeeze %dma_wait3A_636 : memref<1x50x64xf32, #tpu.memory_space<vmem>> -> memref<50x64xf32, #tpu.memory_space<vmem>>
    tpu.wait_dma2 semaphore(%dma_wait3A_621 : memref<!tpu.dma_semaphore, #tpu.memory_space<semaphore_mem>>) src(%dma_wait3A_637 : memref<50x64xf32, #tpu.memory_space<vmem>>) dst(%dma_wait3A_628 : memref<50x64xf32, #tpu.memory_space<hbm>>)
    %dma_wait3A_638 = arith.constant 2 : i32
    %dma_wait3A_639 = arith.constant 0 : i32
    %dma_wait3A_640 = arith.constant 2 : i32
    %dma_wait3A_641 = arith.constant 0 : i32
    %dma_wait3A_642 = arith.constant 0 : i32
    %dma_wait3A_643 = arith.constant 0 : i32
    %dma_wait3A_644 = tpu.memref_slice %arg6[%dma_wait3A_638, %dma_wait3A_641, %dma_wait3A_642, %dma_wait3A_643] : memref<4x4x50x64xf32, #tpu.memory_space<vmem>> -> memref<1x4x50x64xf32, #tpu.memory_space<vmem>>
    %dma_wait3A_645 = tpu.memref_squeeze %dma_wait3A_644 : memref<1x4x50x64xf32, #tpu.memory_space<vmem>> -> memref<4x50x64xf32, #tpu.memory_space<vmem>>
    %dma_wait3A_646 = arith.constant 0 : i32
    %dma_wait3A_647 = arith.constant 0 : i32
    %dma_wait3A_648 = tpu.memref_slice %dma_wait3A_645[%dma_wait3A_639, %dma_wait3A_646, %dma_wait3A_647] : memref<4x50x64xf32, #tpu.memory_space<vmem>> -> memref<1x50x64xf32, #tpu.memory_space<vmem>>
    %dma_wait3A_649 = tpu.memref_squeeze %dma_wait3A_648 : memref<1x50x64xf32, #tpu.memory_space<vmem>> -> memref<50x64xf32, #tpu.memory_space<vmem>>
    %dma_wait3A_650 = arith.constant 0 : i32
    %dma_wait3A_651 = arith.constant 0 : i32
    %dma_wait3A_652 = tpu.memref_slice %arg4[%mul3A_2, %dma_wait3A_650, %dma_wait3A_651] : memref<16384x56x128xf32, #tpu.memory_space<hbm>> -> memref<1x56x128xf32, #tpu.memory_space<hbm>>
    %dma_wait3A_653 = tpu.memref_squeeze %dma_wait3A_652 : memref<1x56x128xf32, #tpu.memory_space<hbm>> -> memref<56x128xf32, #tpu.memory_space<hbm>>
    %dma_wait3A_654 = arith.constant 0 : i32
    %dma_wait3A_655 = arith.constant 0 : i32
    %dma_wait3A_656 = tpu.memref_slice %dma_wait3A_653[%dma_wait3A_654, %dma_wait3A_655] : memref<56x128xf32, #tpu.memory_space<hbm>> -> memref<50x64xf32, #tpu.memory_space<hbm>>
    %dma_wait3A_657 = tpu.memref_slice %arg8[%dma_wait3A_640] : memref<4x!tpu.dma_semaphore, #tpu.memory_space<semaphore_mem>> -> memref<1x!tpu.dma_semaphore, #tpu.memory_space<semaphore_mem>>
    %dma_wait3A_658 = tpu.memref_squeeze %dma_wait3A_657 : memref<1x!tpu.dma_semaphore, #tpu.memory_space<semaphore_mem>> -> memref<!tpu.dma_semaphore, #tpu.memory_space<semaphore_mem>>
    %dma_wait3A_659 = arith.constant 0 : i32
    %dma_wait3A_660 = arith.constant 0 : i32
    %dma_wait3A_661 = tpu.memref_slice %arg4[%mul3A_2, %dma_wait3A_659, %dma_wait3A_660] : memref<16384x56x128xf32, #tpu.memory_space<hbm>> -> memref<1x56x128xf32, #tpu.memory_space<hbm>>
    %dma_wait3A_662 = tpu.memref_squeeze %dma_wait3A_661 : memref<1x56x128xf32, #tpu.memory_space<hbm>> -> memref<56x128xf32, #tpu.memory_space<hbm>>
    %dma_wait3A_663 = arith.constant 0 : i32
    %dma_wait3A_664 = arith.constant 0 : i32
    %dma_wait3A_665 = tpu.memref_slice %dma_wait3A_662[%dma_wait3A_663, %dma_wait3A_664] : memref<56x128xf32, #tpu.memory_space<hbm>> -> memref<50x64xf32, #tpu.memory_space<hbm>>
    %dma_wait3A_666 = arith.constant 0 : i32
    %dma_wait3A_667 = arith.constant 0 : i32
    %dma_wait3A_668 = arith.constant 0 : i32
    %dma_wait3A_669 = tpu.memref_slice %arg6[%dma_wait3A_638, %dma_wait3A_666, %dma_wait3A_667, %dma_wait3A_668] : memref<4x4x50x64xf32, #tpu.memory_space<vmem>> -> memref<1x4x50x64xf32, #tpu.memory_space<vmem>>
    %dma_wait3A_670 = tpu.memref_squeeze %dma_wait3A_669 : memref<1x4x50x64xf32, #tpu.memory_space<vmem>> -> memref<4x50x64xf32, #tpu.memory_space<vmem>>
    %dma_wait3A_671 = arith.constant 0 : i32
    %dma_wait3A_672 = arith.constant 0 : i32
    %dma_wait3A_673 = tpu.memref_slice %dma_wait3A_670[%dma_wait3A_639, %dma_wait3A_671, %dma_wait3A_672] : memref<4x50x64xf32, #tpu.memory_space<vmem>> -> memref<1x50x64xf32, #tpu.memory_space<vmem>>
    %dma_wait3A_674 = tpu.memref_squeeze %dma_wait3A_673 : memref<1x50x64xf32, #tpu.memory_space<vmem>> -> memref<50x64xf32, #tpu.memory_space<vmem>>
    tpu.wait_dma2 semaphore(%dma_wait3A_658 : memref<!tpu.dma_semaphore, #tpu.memory_space<semaphore_mem>>) src(%dma_wait3A_674 : memref<50x64xf32, #tpu.memory_space<vmem>>) dst(%dma_wait3A_665 : memref<50x64xf32, #tpu.memory_space<hbm>>)
    %dma_wait3A_675 = arith.constant 2 : i32
    %dma_wait3A_676 = arith.constant 1 : i32
    %dma_wait3A_677 = arith.constant 2 : i32
    %dma_wait3A_678 = arith.constant 0 : i32
    %dma_wait3A_679 = arith.constant 0 : i32
    %dma_wait3A_680 = arith.constant 0 : i32
    %dma_wait3A_681 = tpu.memref_slice %arg6[%dma_wait3A_675, %dma_wait3A_678, %dma_wait3A_679, %dma_wait3A_680] : memref<4x4x50x64xf32, #tpu.memory_space<vmem>> -> memref<1x4x50x64xf32, #tpu.memory_space<vmem>>
    %dma_wait3A_682 = tpu.memref_squeeze %dma_wait3A_681 : memref<1x4x50x64xf32, #tpu.memory_space<vmem>> -> memref<4x50x64xf32, #tpu.memory_space<vmem>>
    %dma_wait3A_683 = arith.constant 0 : i32
    %dma_wait3A_684 = arith.constant 0 : i32
    %dma_wait3A_685 = tpu.memref_slice %dma_wait3A_682[%dma_wait3A_676, %dma_wait3A_683, %dma_wait3A_684] : memref<4x50x64xf32, #tpu.memory_space<vmem>> -> memref<1x50x64xf32, #tpu.memory_space<vmem>>
    %dma_wait3A_686 = tpu.memref_squeeze %dma_wait3A_685 : memref<1x50x64xf32, #tpu.memory_space<vmem>> -> memref<50x64xf32, #tpu.memory_space<vmem>>
    %dma_wait3A_687 = arith.constant 0 : i32
    %dma_wait3A_688 = arith.constant 0 : i32
    %dma_wait3A_689 = tpu.memref_slice %arg4[%mul3A_2, %dma_wait3A_687, %dma_wait3A_688] : memref<16384x56x128xf32, #tpu.memory_space<hbm>> -> memref<1x56x128xf32, #tpu.memory_space<hbm>>
    %dma_wait3A_690 = tpu.memref_squeeze %dma_wait3A_689 : memref<1x56x128xf32, #tpu.memory_space<hbm>> -> memref<56x128xf32, #tpu.memory_space<hbm>>
    %dma_wait3A_691 = arith.constant 0 : i32
    %dma_wait3A_692 = arith.constant 0 : i32
    %dma_wait3A_693 = tpu.memref_slice %dma_wait3A_690[%dma_wait3A_691, %dma_wait3A_692] : memref<56x128xf32, #tpu.memory_space<hbm>> -> memref<50x64xf32, #tpu.memory_space<hbm>>
    %dma_wait3A_694 = tpu.memref_slice %arg8[%dma_wait3A_677] : memref<4x!tpu.dma_semaphore, #tpu.memory_space<semaphore_mem>> -> memref<1x!tpu.dma_semaphore, #tpu.memory_space<semaphore_mem>>
    %dma_wait3A_695 = tpu.memref_squeeze %dma_wait3A_694 : memref<1x!tpu.dma_semaphore, #tpu.memory_space<semaphore_mem>> -> memref<!tpu.dma_semaphore, #tpu.memory_space<semaphore_mem>>
    %dma_wait3A_696 = arith.constant 0 : i32
    %dma_wait3A_697 = arith.constant 0 : i32
    %dma_wait3A_698 = tpu.memref_slice %arg4[%mul3A_2, %dma_wait3A_696, %dma_wait3A_697] : memref<16384x56x128xf32, #tpu.memory_space<hbm>> -> memref<1x56x128xf32, #tpu.memory_space<hbm>>
    %dma_wait3A_699 = tpu.memref_squeeze %dma_wait3A_698 : memref<1x56x128xf32, #tpu.memory_space<hbm>> -> memref<56x128xf32, #tpu.memory_space<hbm>>
    %dma_wait3A_700 = arith.constant 0 : i32
    %dma_wait3A_701 = arith.constant 0 : i32
    %dma_wait3A_702 = tpu.memref_slice %dma_wait3A_699[%dma_wait3A_700, %dma_wait3A_701] : memref<56x128xf32, #tpu.memory_space<hbm>> -> memref<50x64xf32, #tpu.memory_space<hbm>>
    %dma_wait3A_703 = arith.constant 0 : i32
    %dma_wait3A_704 = arith.constant 0 : i32
    %dma_wait3A_705 = arith.constant 0 : i32
    %dma_wait3A_706 = tpu.memref_slice %arg6[%dma_wait3A_675, %dma_wait3A_703, %dma_wait3A_704, %dma_wait3A_705] : memref<4x4x50x64xf32, #tpu.memory_space<vmem>> -> memref<1x4x50x64xf32, #tpu.memory_space<vmem>>
    %dma_wait3A_707 = tpu.memref_squeeze %dma_wait3A_706 : memref<1x4x50x64xf32, #tpu.memory_space<vmem>> -> memref<4x50x64xf32, #tpu.memory_space<vmem>>
    %dma_wait3A_708 = arith.constant 0 : i32
    %dma_wait3A_709 = arith.constant 0 : i32
    %dma_wait3A_710 = tpu.memref_slice %dma_wait3A_707[%dma_wait3A_676, %dma_wait3A_708, %dma_wait3A_709] : memref<4x50x64xf32, #tpu.memory_space<vmem>> -> memref<1x50x64xf32, #tpu.memory_space<vmem>>
    %dma_wait3A_711 = tpu.memref_squeeze %dma_wait3A_710 : memref<1x50x64xf32, #tpu.memory_space<vmem>> -> memref<50x64xf32, #tpu.memory_space<vmem>>
    tpu.wait_dma2 semaphore(%dma_wait3A_695 : memref<!tpu.dma_semaphore, #tpu.memory_space<semaphore_mem>>) src(%dma_wait3A_711 : memref<50x64xf32, #tpu.memory_space<vmem>>) dst(%dma_wait3A_702 : memref<50x64xf32, #tpu.memory_space<hbm>>)
    %dma_wait3A_712 = arith.constant 2 : i32
    %dma_wait3A_713 = arith.constant 2 : i32
    %dma_wait3A_714 = arith.constant 2 : i32
    %dma_wait3A_715 = arith.constant 0 : i32
    %dma_wait3A_716 = arith.constant 0 : i32
    %dma_wait3A_717 = arith.constant 0 : i32
    %dma_wait3A_718 = tpu.memref_slice %arg6[%dma_wait3A_712, %dma_wait3A_715, %dma_wait3A_716, %dma_wait3A_717] : memref<4x4x50x64xf32, #tpu.memory_space<vmem>> -> memref<1x4x50x64xf32, #tpu.memory_space<vmem>>
    %dma_wait3A_719 = tpu.memref_squeeze %dma_wait3A_718 : memref<1x4x50x64xf32, #tpu.memory_space<vmem>> -> memref<4x50x64xf32, #tpu.memory_space<vmem>>
    %dma_wait3A_720 = arith.constant 0 : i32
    %dma_wait3A_721 = arith.constant 0 : i32
    %dma_wait3A_722 = tpu.memref_slice %dma_wait3A_719[%dma_wait3A_713, %dma_wait3A_720, %dma_wait3A_721] : memref<4x50x64xf32, #tpu.memory_space<vmem>> -> memref<1x50x64xf32, #tpu.memory_space<vmem>>
    %dma_wait3A_723 = tpu.memref_squeeze %dma_wait3A_722 : memref<1x50x64xf32, #tpu.memory_space<vmem>> -> memref<50x64xf32, #tpu.memory_space<vmem>>
    %dma_wait3A_724 = arith.constant 0 : i32
    %dma_wait3A_725 = arith.constant 0 : i32
    %dma_wait3A_726 = tpu.memref_slice %arg4[%mul3A_2, %dma_wait3A_724, %dma_wait3A_725] : memref<16384x56x128xf32, #tpu.memory_space<hbm>> -> memref<1x56x128xf32, #tpu.memory_space<hbm>>
    %dma_wait3A_727 = tpu.memref_squeeze %dma_wait3A_726 : memref<1x56x128xf32, #tpu.memory_space<hbm>> -> memref<56x128xf32, #tpu.memory_space<hbm>>
    %dma_wait3A_728 = arith.constant 0 : i32
    %dma_wait3A_729 = arith.constant 0 : i32
    %dma_wait3A_730 = tpu.memref_slice %dma_wait3A_727[%dma_wait3A_728, %dma_wait3A_729] : memref<56x128xf32, #tpu.memory_space<hbm>> -> memref<50x64xf32, #tpu.memory_space<hbm>>
    %dma_wait3A_731 = tpu.memref_slice %arg8[%dma_wait3A_714] : memref<4x!tpu.dma_semaphore, #tpu.memory_space<semaphore_mem>> -> memref<1x!tpu.dma_semaphore, #tpu.memory_space<semaphore_mem>>
    %dma_wait3A_732 = tpu.memref_squeeze %dma_wait3A_731 : memref<1x!tpu.dma_semaphore, #tpu.memory_space<semaphore_mem>> -> memref<!tpu.dma_semaphore, #tpu.memory_space<semaphore_mem>>
    %dma_wait3A_733 = arith.constant 0 : i32
    %dma_wait3A_734 = arith.constant 0 : i32
    %dma_wait3A_735 = tpu.memref_slice %arg4[%mul3A_2, %dma_wait3A_733, %dma_wait3A_734] : memref<16384x56x128xf32, #tpu.memory_space<hbm>> -> memref<1x56x128xf32, #tpu.memory_space<hbm>>
    %dma_wait3A_736 = tpu.memref_squeeze %dma_wait3A_735 : memref<1x56x128xf32, #tpu.memory_space<hbm>> -> memref<56x128xf32, #tpu.memory_space<hbm>>
    %dma_wait3A_737 = arith.constant 0 : i32
    %dma_wait3A_738 = arith.constant 0 : i32
    %dma_wait3A_739 = tpu.memref_slice %dma_wait3A_736[%dma_wait3A_737, %dma_wait3A_738] : memref<56x128xf32, #tpu.memory_space<hbm>> -> memref<50x64xf32, #tpu.memory_space<hbm>>
    %dma_wait3A_740 = arith.constant 0 : i32
    %dma_wait3A_741 = arith.constant 0 : i32
    %dma_wait3A_742 = arith.constant 0 : i32
    %dma_wait3A_743 = tpu.memref_slice %arg6[%dma_wait3A_712, %dma_wait3A_740, %dma_wait3A_741, %dma_wait3A_742] : memref<4x4x50x64xf32, #tpu.memory_space<vmem>> -> memref<1x4x50x64xf32, #tpu.memory_space<vmem>>
    %dma_wait3A_744 = tpu.memref_squeeze %dma_wait3A_743 : memref<1x4x50x64xf32, #tpu.memory_space<vmem>> -> memref<4x50x64xf32, #tpu.memory_space<vmem>>
    %dma_wait3A_745 = arith.constant 0 : i32
    %dma_wait3A_746 = arith.constant 0 : i32
    %dma_wait3A_747 = tpu.memref_slice %dma_wait3A_744[%dma_wait3A_713, %dma_wait3A_745, %dma_wait3A_746] : memref<4x50x64xf32, #tpu.memory_space<vmem>> -> memref<1x50x64xf32, #tpu.memory_space<vmem>>
    %dma_wait3A_748 = tpu.memref_squeeze %dma_wait3A_747 : memref<1x50x64xf32, #tpu.memory_space<vmem>> -> memref<50x64xf32, #tpu.memory_space<vmem>>
    tpu.wait_dma2 semaphore(%dma_wait3A_732 : memref<!tpu.dma_semaphore, #tpu.memory_space<semaphore_mem>>) src(%dma_wait3A_748 : memref<50x64xf32, #tpu.memory_space<vmem>>) dst(%dma_wait3A_739 : memref<50x64xf32, #tpu.memory_space<hbm>>)
    %dma_wait3A_749 = arith.constant 2 : i32
    %dma_wait3A_750 = arith.constant 3 : i32
    %dma_wait3A_751 = arith.constant 2 : i32
    %dma_wait3A_752 = arith.constant 0 : i32
    %dma_wait3A_753 = arith.constant 0 : i32
    %dma_wait3A_754 = arith.constant 0 : i32
    %dma_wait3A_755 = tpu.memref_slice %arg6[%dma_wait3A_749, %dma_wait3A_752, %dma_wait3A_753, %dma_wait3A_754] : memref<4x4x50x64xf32, #tpu.memory_space<vmem>> -> memref<1x4x50x64xf32, #tpu.memory_space<vmem>>
    %dma_wait3A_756 = tpu.memref_squeeze %dma_wait3A_755 : memref<1x4x50x64xf32, #tpu.memory_space<vmem>> -> memref<4x50x64xf32, #tpu.memory_space<vmem>>
    %dma_wait3A_757 = arith.constant 0 : i32
    %dma_wait3A_758 = arith.constant 0 : i32
    %dma_wait3A_759 = tpu.memref_slice %dma_wait3A_756[%dma_wait3A_750, %dma_wait3A_757, %dma_wait3A_758] : memref<4x50x64xf32, #tpu.memory_space<vmem>> -> memref<1x50x64xf32, #tpu.memory_space<vmem>>
    %dma_wait3A_760 = tpu.memref_squeeze %dma_wait3A_759 : memref<1x50x64xf32, #tpu.memory_space<vmem>> -> memref<50x64xf32, #tpu.memory_space<vmem>>
    %dma_wait3A_761 = arith.constant 0 : i32
    %dma_wait3A_762 = arith.constant 0 : i32
    %dma_wait3A_763 = tpu.memref_slice %arg4[%mul3A_2, %dma_wait3A_761, %dma_wait3A_762] : memref<16384x56x128xf32, #tpu.memory_space<hbm>> -> memref<1x56x128xf32, #tpu.memory_space<hbm>>
    %dma_wait3A_764 = tpu.memref_squeeze %dma_wait3A_763 : memref<1x56x128xf32, #tpu.memory_space<hbm>> -> memref<56x128xf32, #tpu.memory_space<hbm>>
    %dma_wait3A_765 = arith.constant 0 : i32
    %dma_wait3A_766 = arith.constant 0 : i32
    %dma_wait3A_767 = tpu.memref_slice %dma_wait3A_764[%dma_wait3A_765, %dma_wait3A_766] : memref<56x128xf32, #tpu.memory_space<hbm>> -> memref<50x64xf32, #tpu.memory_space<hbm>>
    %dma_wait3A_768 = tpu.memref_slice %arg8[%dma_wait3A_751] : memref<4x!tpu.dma_semaphore, #tpu.memory_space<semaphore_mem>> -> memref<1x!tpu.dma_semaphore, #tpu.memory_space<semaphore_mem>>
    %dma_wait3A_769 = tpu.memref_squeeze %dma_wait3A_768 : memref<1x!tpu.dma_semaphore, #tpu.memory_space<semaphore_mem>> -> memref<!tpu.dma_semaphore, #tpu.memory_space<semaphore_mem>>
    %dma_wait3A_770 = arith.constant 0 : i32
    %dma_wait3A_771 = arith.constant 0 : i32
    %dma_wait3A_772 = tpu.memref_slice %arg4[%mul3A_2, %dma_wait3A_770, %dma_wait3A_771] : memref<16384x56x128xf32, #tpu.memory_space<hbm>> -> memref<1x56x128xf32, #tpu.memory_space<hbm>>
    %dma_wait3A_773 = tpu.memref_squeeze %dma_wait3A_772 : memref<1x56x128xf32, #tpu.memory_space<hbm>> -> memref<56x128xf32, #tpu.memory_space<hbm>>
    %dma_wait3A_774 = arith.constant 0 : i32
    %dma_wait3A_775 = arith.constant 0 : i32
    %dma_wait3A_776 = tpu.memref_slice %dma_wait3A_773[%dma_wait3A_774, %dma_wait3A_775] : memref<56x128xf32, #tpu.memory_space<hbm>> -> memref<50x64xf32, #tpu.memory_space<hbm>>
    %dma_wait3A_777 = arith.constant 0 : i32
    %dma_wait3A_778 = arith.constant 0 : i32
    %dma_wait3A_779 = arith.constant 0 : i32
    %dma_wait3A_780 = tpu.memref_slice %arg6[%dma_wait3A_749, %dma_wait3A_777, %dma_wait3A_778, %dma_wait3A_779] : memref<4x4x50x64xf32, #tpu.memory_space<vmem>> -> memref<1x4x50x64xf32, #tpu.memory_space<vmem>>
    %dma_wait3A_781 = tpu.memref_squeeze %dma_wait3A_780 : memref<1x4x50x64xf32, #tpu.memory_space<vmem>> -> memref<4x50x64xf32, #tpu.memory_space<vmem>>
    %dma_wait3A_782 = arith.constant 0 : i32
    %dma_wait3A_783 = arith.constant 0 : i32
    %dma_wait3A_784 = tpu.memref_slice %dma_wait3A_781[%dma_wait3A_750, %dma_wait3A_782, %dma_wait3A_783] : memref<4x50x64xf32, #tpu.memory_space<vmem>> -> memref<1x50x64xf32, #tpu.memory_space<vmem>>
    %dma_wait3A_785 = tpu.memref_squeeze %dma_wait3A_784 : memref<1x50x64xf32, #tpu.memory_space<vmem>> -> memref<50x64xf32, #tpu.memory_space<vmem>>
    tpu.wait_dma2 semaphore(%dma_wait3A_769 : memref<!tpu.dma_semaphore, #tpu.memory_space<semaphore_mem>>) src(%dma_wait3A_785 : memref<50x64xf32, #tpu.memory_space<vmem>>) dst(%dma_wait3A_776 : memref<50x64xf32, #tpu.memory_space<hbm>>)
    %dma_wait3A_786 = arith.constant 3 : i32
    %dma_wait3A_787 = arith.constant 0 : i32
    %dma_wait3A_788 = arith.constant 3 : i32
    %dma_wait3A_789 = arith.constant 0 : i32
    %dma_wait3A_790 = arith.constant 0 : i32
    %dma_wait3A_791 = arith.constant 0 : i32
    %dma_wait3A_792 = tpu.memref_slice %arg6[%dma_wait3A_786, %dma_wait3A_789, %dma_wait3A_790, %dma_wait3A_791] : memref<4x4x50x64xf32, #tpu.memory_space<vmem>> -> memref<1x4x50x64xf32, #tpu.memory_space<vmem>>
    %dma_wait3A_793 = tpu.memref_squeeze %dma_wait3A_792 : memref<1x4x50x64xf32, #tpu.memory_space<vmem>> -> memref<4x50x64xf32, #tpu.memory_space<vmem>>
    %dma_wait3A_794 = arith.constant 0 : i32
    %dma_wait3A_795 = arith.constant 0 : i32
    %dma_wait3A_796 = tpu.memref_slice %dma_wait3A_793[%dma_wait3A_787, %dma_wait3A_794, %dma_wait3A_795] : memref<4x50x64xf32, #tpu.memory_space<vmem>> -> memref<1x50x64xf32, #tpu.memory_space<vmem>>
    %dma_wait3A_797 = tpu.memref_squeeze %dma_wait3A_796 : memref<1x50x64xf32, #tpu.memory_space<vmem>> -> memref<50x64xf32, #tpu.memory_space<vmem>>
    %dma_wait3A_798 = arith.constant 0 : i32
    %dma_wait3A_799 = arith.constant 0 : i32
    %dma_wait3A_800 = tpu.memref_slice %arg4[%mul3A_2, %dma_wait3A_798, %dma_wait3A_799] : memref<16384x56x128xf32, #tpu.memory_space<hbm>> -> memref<1x56x128xf32, #tpu.memory_space<hbm>>
    %dma_wait3A_801 = tpu.memref_squeeze %dma_wait3A_800 : memref<1x56x128xf32, #tpu.memory_space<hbm>> -> memref<56x128xf32, #tpu.memory_space<hbm>>
    %dma_wait3A_802 = arith.constant 0 : i32
    %dma_wait3A_803 = arith.constant 0 : i32
    %dma_wait3A_804 = tpu.memref_slice %dma_wait3A_801[%dma_wait3A_802, %dma_wait3A_803] : memref<56x128xf32, #tpu.memory_space<hbm>> -> memref<50x64xf32, #tpu.memory_space<hbm>>
    %dma_wait3A_805 = tpu.memref_slice %arg8[%dma_wait3A_788] : memref<4x!tpu.dma_semaphore, #tpu.memory_space<semaphore_mem>> -> memref<1x!tpu.dma_semaphore, #tpu.memory_space<semaphore_mem>>
    %dma_wait3A_806 = tpu.memref_squeeze %dma_wait3A_805 : memref<1x!tpu.dma_semaphore, #tpu.memory_space<semaphore_mem>> -> memref<!tpu.dma_semaphore, #tpu.memory_space<semaphore_mem>>
    %dma_wait3A_807 = arith.constant 0 : i32
    %dma_wait3A_808 = arith.constant 0 : i32
    %dma_wait3A_809 = tpu.memref_slice %arg4[%mul3A_2, %dma_wait3A_807, %dma_wait3A_808] : memref<16384x56x128xf32, #tpu.memory_space<hbm>> -> memref<1x56x128xf32, #tpu.memory_space<hbm>>
    %dma_wait3A_810 = tpu.memref_squeeze %dma_wait3A_809 : memref<1x56x128xf32, #tpu.memory_space<hbm>> -> memref<56x128xf32, #tpu.memory_space<hbm>>
    %dma_wait3A_811 = arith.constant 0 : i32
    %dma_wait3A_812 = arith.constant 0 : i32
    %dma_wait3A_813 = tpu.memref_slice %dma_wait3A_810[%dma_wait3A_811, %dma_wait3A_812] : memref<56x128xf32, #tpu.memory_space<hbm>> -> memref<50x64xf32, #tpu.memory_space<hbm>>
    %dma_wait3A_814 = arith.constant 0 : i32
    %dma_wait3A_815 = arith.constant 0 : i32
    %dma_wait3A_816 = arith.constant 0 : i32
    %dma_wait3A_817 = tpu.memref_slice %arg6[%dma_wait3A_786, %dma_wait3A_814, %dma_wait3A_815, %dma_wait3A_816] : memref<4x4x50x64xf32, #tpu.memory_space<vmem>> -> memref<1x4x50x64xf32, #tpu.memory_space<vmem>>
    %dma_wait3A_818 = tpu.memref_squeeze %dma_wait3A_817 : memref<1x4x50x64xf32, #tpu.memory_space<vmem>> -> memref<4x50x64xf32, #tpu.memory_space<vmem>>
    %dma_wait3A_819 = arith.constant 0 : i32
    %dma_wait3A_820 = arith.constant 0 : i32
    %dma_wait3A_821 = tpu.memref_slice %dma_wait3A_818[%dma_wait3A_787, %dma_wait3A_819, %dma_wait3A_820] : memref<4x50x64xf32, #tpu.memory_space<vmem>> -> memref<1x50x64xf32, #tpu.memory_space<vmem>>
    %dma_wait3A_822 = tpu.memref_squeeze %dma_wait3A_821 : memref<1x50x64xf32, #tpu.memory_space<vmem>> -> memref<50x64xf32, #tpu.memory_space<vmem>>
    tpu.wait_dma2 semaphore(%dma_wait3A_806 : memref<!tpu.dma_semaphore, #tpu.memory_space<semaphore_mem>>) src(%dma_wait3A_822 : memref<50x64xf32, #tpu.memory_space<vmem>>) dst(%dma_wait3A_813 : memref<50x64xf32, #tpu.memory_space<hbm>>)
    %dma_wait3A_823 = arith.constant 3 : i32
    %dma_wait3A_824 = arith.constant 1 : i32
    %dma_wait3A_825 = arith.constant 3 : i32
    %dma_wait3A_826 = arith.constant 0 : i32
    %dma_wait3A_827 = arith.constant 0 : i32
    %dma_wait3A_828 = arith.constant 0 : i32
    %dma_wait3A_829 = tpu.memref_slice %arg6[%dma_wait3A_823, %dma_wait3A_826, %dma_wait3A_827, %dma_wait3A_828] : memref<4x4x50x64xf32, #tpu.memory_space<vmem>> -> memref<1x4x50x64xf32, #tpu.memory_space<vmem>>
    %dma_wait3A_830 = tpu.memref_squeeze %dma_wait3A_829 : memref<1x4x50x64xf32, #tpu.memory_space<vmem>> -> memref<4x50x64xf32, #tpu.memory_space<vmem>>
    %dma_wait3A_831 = arith.constant 0 : i32
    %dma_wait3A_832 = arith.constant 0 : i32
    %dma_wait3A_833 = tpu.memref_slice %dma_wait3A_830[%dma_wait3A_824, %dma_wait3A_831, %dma_wait3A_832] : memref<4x50x64xf32, #tpu.memory_space<vmem>> -> memref<1x50x64xf32, #tpu.memory_space<vmem>>
    %dma_wait3A_834 = tpu.memref_squeeze %dma_wait3A_833 : memref<1x50x64xf32, #tpu.memory_space<vmem>> -> memref<50x64xf32, #tpu.memory_space<vmem>>
    %dma_wait3A_835 = arith.constant 0 : i32
    %dma_wait3A_836 = arith.constant 0 : i32
    %dma_wait3A_837 = tpu.memref_slice %arg4[%mul3A_2, %dma_wait3A_835, %dma_wait3A_836] : memref<16384x56x128xf32, #tpu.memory_space<hbm>> -> memref<1x56x128xf32, #tpu.memory_space<hbm>>
    %dma_wait3A_838 = tpu.memref_squeeze %dma_wait3A_837 : memref<1x56x128xf32, #tpu.memory_space<hbm>> -> memref<56x128xf32, #tpu.memory_space<hbm>>
    %dma_wait3A_839 = arith.constant 0 : i32
    %dma_wait3A_840 = arith.constant 0 : i32
    %dma_wait3A_841 = tpu.memref_slice %dma_wait3A_838[%dma_wait3A_839, %dma_wait3A_840] : memref<56x128xf32, #tpu.memory_space<hbm>> -> memref<50x64xf32, #tpu.memory_space<hbm>>
    %dma_wait3A_842 = tpu.memref_slice %arg8[%dma_wait3A_825] : memref<4x!tpu.dma_semaphore, #tpu.memory_space<semaphore_mem>> -> memref<1x!tpu.dma_semaphore, #tpu.memory_space<semaphore_mem>>
    %dma_wait3A_843 = tpu.memref_squeeze %dma_wait3A_842 : memref<1x!tpu.dma_semaphore, #tpu.memory_space<semaphore_mem>> -> memref<!tpu.dma_semaphore, #tpu.memory_space<semaphore_mem>>
    %dma_wait3A_844 = arith.constant 0 : i32
    %dma_wait3A_845 = arith.constant 0 : i32
    %dma_wait3A_846 = tpu.memref_slice %arg4[%mul3A_2, %dma_wait3A_844, %dma_wait3A_845] : memref<16384x56x128xf32, #tpu.memory_space<hbm>> -> memref<1x56x128xf32, #tpu.memory_space<hbm>>
    %dma_wait3A_847 = tpu.memref_squeeze %dma_wait3A_846 : memref<1x56x128xf32, #tpu.memory_space<hbm>> -> memref<56x128xf32, #tpu.memory_space<hbm>>
    %dma_wait3A_848 = arith.constant 0 : i32
    %dma_wait3A_849 = arith.constant 0 : i32
    %dma_wait3A_850 = tpu.memref_slice %dma_wait3A_847[%dma_wait3A_848, %dma_wait3A_849] : memref<56x128xf32, #tpu.memory_space<hbm>> -> memref<50x64xf32, #tpu.memory_space<hbm>>
    %dma_wait3A_851 = arith.constant 0 : i32
    %dma_wait3A_852 = arith.constant 0 : i32
    %dma_wait3A_853 = arith.constant 0 : i32
    %dma_wait3A_854 = tpu.memref_slice %arg6[%dma_wait3A_823, %dma_wait3A_851, %dma_wait3A_852, %dma_wait3A_853] : memref<4x4x50x64xf32, #tpu.memory_space<vmem>> -> memref<1x4x50x64xf32, #tpu.memory_space<vmem>>
    %dma_wait3A_855 = tpu.memref_squeeze %dma_wait3A_854 : memref<1x4x50x64xf32, #tpu.memory_space<vmem>> -> memref<4x50x64xf32, #tpu.memory_space<vmem>>
    %dma_wait3A_856 = arith.constant 0 : i32
    %dma_wait3A_857 = arith.constant 0 : i32
    %dma_wait3A_858 = tpu.memref_slice %dma_wait3A_855[%dma_wait3A_824, %dma_wait3A_856, %dma_wait3A_857] : memref<4x50x64xf32, #tpu.memory_space<vmem>> -> memref<1x50x64xf32, #tpu.memory_space<vmem>>
    %dma_wait3A_859 = tpu.memref_squeeze %dma_wait3A_858 : memref<1x50x64xf32, #tpu.memory_space<vmem>> -> memref<50x64xf32, #tpu.memory_space<vmem>>
    tpu.wait_dma2 semaphore(%dma_wait3A_843 : memref<!tpu.dma_semaphore, #tpu.memory_space<semaphore_mem>>) src(%dma_wait3A_859 : memref<50x64xf32, #tpu.memory_space<vmem>>) dst(%dma_wait3A_850 : memref<50x64xf32, #tpu.memory_space<hbm>>)
    %dma_wait3A_860 = arith.constant 3 : i32
    %dma_wait3A_861 = arith.constant 2 : i32
    %dma_wait3A_862 = arith.constant 3 : i32
    %dma_wait3A_863 = arith.constant 0 : i32
    %dma_wait3A_864 = arith.constant 0 : i32
    %dma_wait3A_865 = arith.constant 0 : i32
    %dma_wait3A_866 = tpu.memref_slice %arg6[%dma_wait3A_860, %dma_wait3A_863, %dma_wait3A_864, %dma_wait3A_865] : memref<4x4x50x64xf32, #tpu.memory_space<vmem>> -> memref<1x4x50x64xf32, #tpu.memory_space<vmem>>
    %dma_wait3A_867 = tpu.memref_squeeze %dma_wait3A_866 : memref<1x4x50x64xf32, #tpu.memory_space<vmem>> -> memref<4x50x64xf32, #tpu.memory_space<vmem>>
    %dma_wait3A_868 = arith.constant 0 : i32
    %dma_wait3A_869 = arith.constant 0 : i32
    %dma_wait3A_870 = tpu.memref_slice %dma_wait3A_867[%dma_wait3A_861, %dma_wait3A_868, %dma_wait3A_869] : memref<4x50x64xf32, #tpu.memory_space<vmem>> -> memref<1x50x64xf32, #tpu.memory_space<vmem>>
    %dma_wait3A_871 = tpu.memref_squeeze %dma_wait3A_870 : memref<1x50x64xf32, #tpu.memory_space<vmem>> -> memref<50x64xf32, #tpu.memory_space<vmem>>
    %dma_wait3A_872 = arith.constant 0 : i32
    %dma_wait3A_873 = arith.constant 0 : i32
    %dma_wait3A_874 = tpu.memref_slice %arg4[%mul3A_2, %dma_wait3A_872, %dma_wait3A_873] : memref<16384x56x128xf32, #tpu.memory_space<hbm>> -> memref<1x56x128xf32, #tpu.memory_space<hbm>>
    %dma_wait3A_875 = tpu.memref_squeeze %dma_wait3A_874 : memref<1x56x128xf32, #tpu.memory_space<hbm>> -> memref<56x128xf32, #tpu.memory_space<hbm>>
    %dma_wait3A_876 = arith.constant 0 : i32
    %dma_wait3A_877 = arith.constant 0 : i32
    %dma_wait3A_878 = tpu.memref_slice %dma_wait3A_875[%dma_wait3A_876, %dma_wait3A_877] : memref<56x128xf32, #tpu.memory_space<hbm>> -> memref<50x64xf32, #tpu.memory_space<hbm>>
    %dma_wait3A_879 = tpu.memref_slice %arg8[%dma_wait3A_862] : memref<4x!tpu.dma_semaphore, #tpu.memory_space<semaphore_mem>> -> memref<1x!tpu.dma_semaphore, #tpu.memory_space<semaphore_mem>>
    %dma_wait3A_880 = tpu.memref_squeeze %dma_wait3A_879 : memref<1x!tpu.dma_semaphore, #tpu.memory_space<semaphore_mem>> -> memref<!tpu.dma_semaphore, #tpu.memory_space<semaphore_mem>>
    %dma_wait3A_881 = arith.constant 0 : i32
    %dma_wait3A_882 = arith.constant 0 : i32
    %dma_wait3A_883 = tpu.memref_slice %arg4[%mul3A_2, %dma_wait3A_881, %dma_wait3A_882] : memref<16384x56x128xf32, #tpu.memory_space<hbm>> -> memref<1x56x128xf32, #tpu.memory_space<hbm>>
    %dma_wait3A_884 = tpu.memref_squeeze %dma_wait3A_883 : memref<1x56x128xf32, #tpu.memory_space<hbm>> -> memref<56x128xf32, #tpu.memory_space<hbm>>
    %dma_wait3A_885 = arith.constant 0 : i32
    %dma_wait3A_886 = arith.constant 0 : i32
    %dma_wait3A_887 = tpu.memref_slice %dma_wait3A_884[%dma_wait3A_885, %dma_wait3A_886] : memref<56x128xf32, #tpu.memory_space<hbm>> -> memref<50x64xf32, #tpu.memory_space<hbm>>
    %dma_wait3A_888 = arith.constant 0 : i32
    %dma_wait3A_889 = arith.constant 0 : i32
    %dma_wait3A_890 = arith.constant 0 : i32
    %dma_wait3A_891 = tpu.memref_slice %arg6[%dma_wait3A_860, %dma_wait3A_888, %dma_wait3A_889, %dma_wait3A_890] : memref<4x4x50x64xf32, #tpu.memory_space<vmem>> -> memref<1x4x50x64xf32, #tpu.memory_space<vmem>>
    %dma_wait3A_892 = tpu.memref_squeeze %dma_wait3A_891 : memref<1x4x50x64xf32, #tpu.memory_space<vmem>> -> memref<4x50x64xf32, #tpu.memory_space<vmem>>
    %dma_wait3A_893 = arith.constant 0 : i32
    %dma_wait3A_894 = arith.constant 0 : i32
    %dma_wait3A_895 = tpu.memref_slice %dma_wait3A_892[%dma_wait3A_861, %dma_wait3A_893, %dma_wait3A_894] : memref<4x50x64xf32, #tpu.memory_space<vmem>> -> memref<1x50x64xf32, #tpu.memory_space<vmem>>
    %dma_wait3A_896 = tpu.memref_squeeze %dma_wait3A_895 : memref<1x50x64xf32, #tpu.memory_space<vmem>> -> memref<50x64xf32, #tpu.memory_space<vmem>>
    tpu.wait_dma2 semaphore(%dma_wait3A_880 : memref<!tpu.dma_semaphore, #tpu.memory_space<semaphore_mem>>) src(%dma_wait3A_896 : memref<50x64xf32, #tpu.memory_space<vmem>>) dst(%dma_wait3A_887 : memref<50x64xf32, #tpu.memory_space<hbm>>)
    %dma_wait3A_897 = arith.constant 3 : i32
    %dma_wait3A_898 = arith.constant 3 : i32
    %dma_wait3A_899 = arith.constant 3 : i32
    %dma_wait3A_900 = arith.constant 0 : i32
    %dma_wait3A_901 = arith.constant 0 : i32
    %dma_wait3A_902 = arith.constant 0 : i32
    %dma_wait3A_903 = tpu.memref_slice %arg6[%dma_wait3A_897, %dma_wait3A_900, %dma_wait3A_901, %dma_wait3A_902] : memref<4x4x50x64xf32, #tpu.memory_space<vmem>> -> memref<1x4x50x64xf32, #tpu.memory_space<vmem>>
    %dma_wait3A_904 = tpu.memref_squeeze %dma_wait3A_903 : memref<1x4x50x64xf32, #tpu.memory_space<vmem>> -> memref<4x50x64xf32, #tpu.memory_space<vmem>>
    %dma_wait3A_905 = arith.constant 0 : i32
    %dma_wait3A_906 = arith.constant 0 : i32
    %dma_wait3A_907 = tpu.memref_slice %dma_wait3A_904[%dma_wait3A_898, %dma_wait3A_905, %dma_wait3A_906] : memref<4x50x64xf32, #tpu.memory_space<vmem>> -> memref<1x50x64xf32, #tpu.memory_space<vmem>>
    %dma_wait3A_908 = tpu.memref_squeeze %dma_wait3A_907 : memref<1x50x64xf32, #tpu.memory_space<vmem>> -> memref<50x64xf32, #tpu.memory_space<vmem>>
    %dma_wait3A_909 = arith.constant 0 : i32
    %dma_wait3A_910 = arith.constant 0 : i32
    %dma_wait3A_911 = tpu.memref_slice %arg4[%mul3A_2, %dma_wait3A_909, %dma_wait3A_910] : memref<16384x56x128xf32, #tpu.memory_space<hbm>> -> memref<1x56x128xf32, #tpu.memory_space<hbm>>
    %dma_wait3A_912 = tpu.memref_squeeze %dma_wait3A_911 : memref<1x56x128xf32, #tpu.memory_space<hbm>> -> memref<56x128xf32, #tpu.memory_space<hbm>>
    %dma_wait3A_913 = arith.constant 0 : i32
    %dma_wait3A_914 = arith.constant 0 : i32
    %dma_wait3A_915 = tpu.memref_slice %dma_wait3A_912[%dma_wait3A_913, %dma_wait3A_914] : memref<56x128xf32, #tpu.memory_space<hbm>> -> memref<50x64xf32, #tpu.memory_space<hbm>>
    %dma_wait3A_916 = tpu.memref_slice %arg8[%dma_wait3A_899] : memref<4x!tpu.dma_semaphore, #tpu.memory_space<semaphore_mem>> -> memref<1x!tpu.dma_semaphore, #tpu.memory_space<semaphore_mem>>
    %dma_wait3A_917 = tpu.memref_squeeze %dma_wait3A_916 : memref<1x!tpu.dma_semaphore, #tpu.memory_space<semaphore_mem>> -> memref<!tpu.dma_semaphore, #tpu.memory_space<semaphore_mem>>
    %dma_wait3A_918 = arith.constant 0 : i32
    %dma_wait3A_919 = arith.constant 0 : i32
    %dma_wait3A_920 = tpu.memref_slice %arg4[%mul3A_2, %dma_wait3A_918, %dma_wait3A_919] : memref<16384x56x128xf32, #tpu.memory_space<hbm>> -> memref<1x56x128xf32, #tpu.memory_space<hbm>>
    %dma_wait3A_921 = tpu.memref_squeeze %dma_wait3A_920 : memref<1x56x128xf32, #tpu.memory_space<hbm>> -> memref<56x128xf32, #tpu.memory_space<hbm>>
    %dma_wait3A_922 = arith.constant 0 : i32
    %dma_wait3A_923 = arith.constant 0 : i32
    %dma_wait3A_924 = tpu.memref_slice %dma_wait3A_921[%dma_wait3A_922, %dma_wait3A_923] : memref<56x128xf32, #tpu.memory_space<hbm>> -> memref<50x64xf32, #tpu.memory_space<hbm>>
    %dma_wait3A_925 = arith.constant 0 : i32
    %dma_wait3A_926 = arith.constant 0 : i32
    %dma_wait3A_927 = arith.constant 0 : i32
    %dma_wait3A_928 = tpu.memref_slice %arg6[%dma_wait3A_897, %dma_wait3A_925, %dma_wait3A_926, %dma_wait3A_927] : memref<4x4x50x64xf32, #tpu.memory_space<vmem>> -> memref<1x4x50x64xf32, #tpu.memory_space<vmem>>
    %dma_wait3A_929 = tpu.memref_squeeze %dma_wait3A_928 : memref<1x4x50x64xf32, #tpu.memory_space<vmem>> -> memref<4x50x64xf32, #tpu.memory_space<vmem>>
    %dma_wait3A_930 = arith.constant 0 : i32
    %dma_wait3A_931 = arith.constant 0 : i32
    %dma_wait3A_932 = tpu.memref_slice %dma_wait3A_929[%dma_wait3A_898, %dma_wait3A_930, %dma_wait3A_931] : memref<4x50x64xf32, #tpu.memory_space<vmem>> -> memref<1x50x64xf32, #tpu.memory_space<vmem>>
    %dma_wait3A_933 = tpu.memref_squeeze %dma_wait3A_932 : memref<1x50x64xf32, #tpu.memory_space<vmem>> -> memref<50x64xf32, #tpu.memory_space<vmem>>
    tpu.wait_dma2 semaphore(%dma_wait3A_917 : memref<!tpu.dma_semaphore, #tpu.memory_space<semaphore_mem>>) src(%dma_wait3A_933 : memref<50x64xf32, #tpu.memory_space<vmem>>) dst(%dma_wait3A_924 : memref<50x64xf32, #tpu.memory_space<hbm>>)
    return
  }
}

module attributes {stable_mosaic.version = 14 : i64} {
  func.func @_tpad_body(%arg0: i32, %arg1: memref<64x16384xf32, #tpu.memory_space<vmem>>, %arg2: memref<16384x128xf32, #tpu.memory_space<vmem>>) attributes {dimension_semantics = [#tpu.dimension_semantics<arbitrary>], iteration_bounds = array<i64: 62>, scalar_prefetch = 0 : i64, scratch_operands = 0 : i64, tpu.core_type = #tpu.core_type<tc>, window_params = [{transform_indices = @transform_0, window_bounds = array<i64: 64, 16384>}, {transform_indices = @transform_1, window_bounds = array<i64: 16384, 128>}]} {
    %get3A = arith.constant 0 : index
    %get3A_0 = arith.constant 0 : index
    %get3A_1 = vector.load %arg1[%get3A, %get3A_0] : memref<64x16384xf32, #tpu.memory_space<vmem>>, vector<64x16384xf32>
    %transpose3A = tpu.transpose %get3A_1, [1, 0] : vector<64x16384xf32> -> vector<16384x64xf32>
    %swap3A = arith.constant 0 : index
    %swap3A_2 = arith.constant 0 : index
    %swap3A_3 = vector.load %arg2[%swap3A, %swap3A_2] : memref<16384x128xf32, #tpu.memory_space<vmem>>, vector<16384x64xf32>
    tpu.vector_store %arg2[%swap3A, %swap3A_2], %transpose3A {strides = array<i32>} : memref<16384x128xf32, #tpu.memory_space<vmem>>, vector<16384x64xf32>,
    return
  }
  func.func @transform_0(%arg0: i32) -> (i32, i32) {
    %c0_i32 = arith.constant 0 : i32
    %c0_i32_0 = arith.constant 0 : i32
    return %c0_i32, %arg0 : i32, i32
  }
  func.func @transform_1(%arg0: i32) -> (i32, i32) {
    %c0_i32 = arith.constant 0 : i32
    %c0_i32_0 = arith.constant 0 : i32
    return %arg0, %c0_i32 : i32, i32
  }
}

</mosaic_0001>

<sc_bundles>
// kernel: kernel.4.cloned.1.call-start
scs
__scs_entry_jumppad:
0x0: {  	(pc) =	sbr.rel $0x88, $3  }
0x1: {  	(tag) =	ssettag $0x0;
	lr =	simm.s32 $0x1  }
0x2: {  	[smem:$0x3F9F] =	sst lr;
	_ =	strace $0xD0000000  }
0x3: {  	_ = 	snop  }
0x4: {  	_ = 	snop  }
0x5: {  	_ = 	snop  }
0x6: {  	_ = 	snop  }
0x7: {  	_ = 	snop  }
__scs_overlays_trampoline_lowered:
0x8: {  	[smem:$0x3FAE] =	sst s0  }
0x9: {  	[smem:$0x3FAF] =	sst s1  }
0xa: {  	[smem:$0x3FB0] =	sst s2  }
0xb: {  	[smem:$0x3FB1] =	sst s3  }
0xc: {  	[smem:$0x3FB2] =	sst s4  }
0xd: {  	[smem:$0x3FB3] =	sst s5  }
0xe: {  	[smem:$0x3FB4] =	sst s6  }
0xf: {  	[smem:$0x3FB5] =	sst s7  }
0x10: {  	[smem:$0x3FB6] =	sst s8  }
0x11: {  	[smem:$0x3FB7] =	sst s9;
	s0 =	simm.s32 @!p0 $0x0  }
0x12: {  	s1 =	sld [smem:$0x3F9D];
	s0 =	simm.s32 @p0 $0x1  }
0x13: {  	[smem:$0x3FB8] =	sst s0;
	s0 =	simm.s32 @!p1 $0x0  }
0x14: {  	s2 =	sld [smem:$0x3F9C];
	s0 =	simm.s32 @p1 $0x1  }
0x15: {  	[smem:$0x3FB9] =	sst s0;
	s0 =	simm.s32 @!p2 $0x0  }
0x16: {  	s3 =	sld [smem:$0x3FDB];
	s0 =	simm.s32 @p2 $0x1  }
0x17: {  	s4 =	simm.s32 $0x1BF5;
	[smem:$0x3FBB] =	sst s0  }
0x18: {  	s0 =	sld [smem:$0x3F9E];
	_ =	swait.ge [sflag:s4], $0x0  }
0x19: {  	s7 =	sld [smem:$0x3F9F]  }
0x1a: {  	s8 =	sadd.s32 $0xFFFFE003, lr  }
0x1b: {  	s9 =	sadd.s32 $0xFFFFFEF7, lr;
	s5 =	simm.s32 $0xFFFFFFFF;
	p2 =	slt.u32 s8, $0xFFFFF086  }
0x1c: {  	p1 =	slt.u32 s9, $0xF7A;
	s5 =	simm.s32 @!p2 $0x0  }
0x1d: {  	s5 =	simm.s32 @p1 $0x1;
	p0 =	seq.s32 s7, s2  }
0x1e: {  	s7 =	smul.u32 @!p0 $0xF7A, s2;
	p2 =	seq.s32 @!p0 s5, $0x0  }
0x1f: {  	s9 =	smul.u32 $0xF7A, s1;
	s8 =	simm.s32 @!p0 $0x1BF5;
	p2 =	por !p2, p0  }
0x20: {  	[sflag:s8] =	ssyncset.s32 @!p0 $0xFFFFF086;
	s6 =	sadd.s32 @!p0 s3, s7;
	s7 =	simm.s32 @!p0 $0x108  }
0x21: {  	s3 =	sadd.s32 s3, s9;
	s6 =	sadd.s32 @!p0 $0x88, s6;
	s7 =	simm.s32 @p2 $0x1082  }
0x22: {  	[simem:s7], [sflag:s8] =	dma.local @!p0 [hbm:s6], $0xF7A  }
0x23: {  	s9 =	sor.u32 $0xD0000000, s2;
	s6 =	simm.s32 $0x108;
	_ =	swait.ge @!p0 [sflag:s8], $0x0  }
0x24: {  	s3 =	sadd.s32 $0x88, s3;
	s6 =	simm.s32 @!p1 $0x1082;
	[sflag:s4] =	ssyncset.s32 $0xFFFFF086  }
0x25: {  	[simem:s6], [sflag:s4] =	dma.local [hbm:s3], $0xF7A  }
0x26: {  	[smem:$0x3F9F] =	sst s1;
	(tag) =	ssettag s2;
	_ =	strace s9  }
0x27: {  	s1 =	sld [smem:$0x3FAF]  }
0x28: {  	s2 =	sld [smem:$0x3FB0]  }
0x29: {  	s4 =	sld [smem:$0x3FB2]  }
0x2a: {  	p0 =	seq.s32 s5, $0x0;
	s5 =	sld [smem:$0x3FB3]  }
0x2b: {  	s6 =	sld [smem:$0x3FB4]  }
0x2c: {  	s7 =	sld [smem:$0x3FB5]  }
0x2d: {  	s3 =	simm.s32 $0x108;
	s8 =	sld [smem:$0x3FB6]  }
0x2e: {  	s3 =	simm.s32 @!p0 $0x1082;
	s9 =	sld [smem:$0x3FB7]  }
0x2f: {  	lr =	sadd.s32 s0, s3;
	s0 =	sld [smem:$0x3FAE]  }
0x30: {  	s3 =	sld [smem:$0x3FB1]  }
0x31: {  	[smem:$0x3FBA] =	sst s10  }
0x32: {  	s10 =	sld [smem:$0x3FB8];
	_ =	sdelay $0x3  }
0x33: {  	p0 =	seq.s32 s10, $0x1;
	s10 =	sld [smem:$0x3FBA];
	_ =	sdelay $0x3  }
0x34: {  	[smem:$0x3FBA] =	sst s10  }
0x35: {  	s10 =	sld [smem:$0x3FB9];
	_ =	sdelay $0x3  }
0x36: {  	p1 =	seq.s32 s10, $0x1;
	s10 =	sld [smem:$0x3FBA];
	_ =	sdelay $0x3  }
0x37: {  	[smem:$0x3FBA] =	sst s10  }
0x38: {  	s10 =	sld [smem:$0x3FBB]  }
0x39: {  	_ = 	snop;
	(pc) =	sbr.ind lr, $3  }
0x3a: {  	_ = 	snop  }
0x3b: {  	_ = 	snop  }
0x3c: {  	p2 =	seq.s32 s10, $0x1;
	s10 =	sld [smem:$0x3FBA]  }
0x3d: {  	_ =	shalt  }
0x3e: {  	_ =	shalt  }
0x3f: {  	_ =	shalt  }
0x40: {  	_ =	shalt  }
0x41: {  	_ =	shalt  }
0x42: {  	_ =	shalt  }
0x43: {  	_ =	shalt  }
0x44: {  	_ =	shalt  }
0x45: {  	_ =	shalt  }
0x46: {  	_ =	shalt  }
0x47: {  	_ =	shalt  }
0x48: {  	_ =	shalt  }
0x49: {  	_ =	shalt  }
0x4a: {  	_ =	shalt  }
0x4b: {  	_ =	shalt  }
0x4c: {  	_ =	shalt  }
0x4d: {  	_ =	shalt  }
0x4e: {  	_ =	shalt  }
0x4f: {  	_ =	shalt  }
0x50: {  	_ =	shalt  }
0x51: {  	_ =	shalt  }
0x52: {  	_ =	shalt  }
0x53: {  	_ =	shalt  }
0x54: {  	_ =	shalt  }
0x55: {  	_ =	shalt  }
0x56: {  	_ =	shalt  }
0x57: {  	_ =	shalt  }
0x58: {  	_ =	shalt  }
0x59: {  	_ =	shalt  }
0x5a: {  	_ =	shalt  }
0x5b: {  	_ =	shalt  }
0x5c: {  	_ =	shalt  }
0x5d: {  	_ =	shalt  }
0x5e: {  	_ =	shalt  }
0x5f: {  	_ =	shalt  }
0x60: {  	_ =	shalt  }
0x61: {  	_ =	shalt  }
0x62: {  	_ =	shalt  }
0x63: {  	_ =	shalt  }
0x64: {  	_ =	shalt  }
0x65: {  	_ =	shalt  }
0x66: {  	_ =	shalt  }
0x67: {  	_ =	shalt  }
0x68: {  	_ =	shalt  }
0x69: {  	_ =	shalt  }
0x6a: {  	_ =	shalt  }
0x6b: {  	_ =	shalt  }
0x6c: {  	_ =	shalt  }
0x6d: {  	_ =	shalt  }
0x6e: {  	_ =	shalt  }
0x6f: {  	_ =	shalt  }
0x70: {  	_ =	shalt  }
0x71: {  	_ =	shalt  }
0x72: {  	_ =	shalt  }
0x73: {  	_ =	shalt  }
0x74: {  	_ =	shalt  }
0x75: {  	_ =	shalt  }
0x76: {  	_ =	shalt  }
0x77: {  	_ =	shalt  }
0x78: {  	_ =	shalt  }
0x79: {  	_ =	shalt  }
0x7a: {  	_ =	shalt  }
0x7b: {  	_ =	shalt  }
0x7c: {  	_ =	shalt  }
0x7d: {  	_ =	shalt  }
0x7e: {  	_ =	shalt  }
0x7f: {  	_ =	shalt  }
0x80: {  	_ =	shalt  }
0x81: {  	_ =	shalt  }
0x82: {  	_ =	shalt  }
0x83: {  	_ =	shalt  }
0x84: {  	_ =	shalt  }
0x85: {  	_ =	shalt  }
0x86: {  	_ =	shalt  }
0x87: {  	_ =	shalt  }
.Lfunc_end0:
.L_simem_size_0:
called_computation.1_lowered:
.L_overlay_start_0:
0x88: {  	s2 =	sld [smem:$0x3FD9]  }
0x89: {  	s3 =	sld [smem:$0x3FFE];
	_ =	sdelay $0x1  }
0x8a: {  	s1 =	srdreg.scid  }
0x8b: {  	s0 =	sand.u32 $0x1, s1  }
0x8c: {  	s17 =	sshll.u32 s0, $0xA;
	s2 =	sadd.s32 s3, s2  }
0x8d: {  	s2 =	sadd.s32 s2, s17  }
0x8e: {  	[smem:$0x3FC6] =	sst s2  }
0x8f: {  	_ = 	snop  }
0x90: {  	s2 =	sld [smem:$0x3FD0];
	(tm) =	ssettm $0x1  }
0x91: {  	s18 =	sld [smem:$0x3FFB];
	_ =	sdelay $0x3  }
0x92: {  	_ =	strace s18  }
0x93: {  	s3 =	sld [smem:$0x3FFC];
	_ =	sdelay $0x3  }
0x94: {  	_ =	strace s3  }
0x95: {  	s3 =	sld [smem:$0x3FFD];
	_ =	sdelay $0x3  }
0x96: {  	_ =	strace s3  }
0x97: {  	_ =	strace $0x8FFFFFFF  }
0x98: {  	s19 =	sld [smem:$0x3FDB];
	_ =	sdelay $0x1  }
0x99: {  	s4 =	simm.s32 $_scs_section_size  }
0x9a: {  	s5 =	simm.s32 $_size__tile_overlayer_lowered;
	s6 =	simm.s32 $_tile_overlayer_lowered  }
0x9b: {  	s22 =	simm.s32 $0x1BFF;
	s21 =	sshll.u32 s6, $0x1;
	s3 =	sadd.s32 s4, s19  }
0x9c: {  	s7 =	simm.s32 $0x0;
	s20 =	sshll.u32 s5, $0x1;
	s5 =	sadd.s32 s21, s3  }
0x9d: {  	[timem:s7], [sflag:s22] =	dma.local [hbm:s5], s20  }
0x9e: {  	_ =	swait.ge [sflag:s22], s20  }
0x9f: {  	s4 =	ssub.s32 $0x0, s20;
	[sflag:s22] =	ssyncset.done $0x0  }
0xa0: {  	[sflag:s22] =	ssyncadd.s32 s4;
	_ =	sdelay $0x1  }
0xa1: {  	s23 =	simm.s32 $0x1B8B  }
0xa2: {  	_ =	swait.ge [sflag:s23], $0x1  }
0xa3: {  	[sflag:s23] =	ssyncset.done $0x0  }
0xa4: {  	s25 =	simm.s32 $0x1B8E;
	s24 =	sld [smem:$0x3FFE];
	[sflag:s23] =	ssyncadd.s32 $0xFFFFFFFF  }
0xa5: {  	s26 =	simm.s32 $execute0_lowered;
	[smem:$0x3FD2] =	sst s25  }
0xa6: {  	s5 =	sshll.u32 s26, $0x1;
	_ =	strace $0x80000046;
	[dreg:$0x1] =	wrdreg $0xFFFFFFFF  }
0xa7: {  	s28 =	simm.s32 $_size_execute0_lowered;
	s3 =	sadd.s32 s3, s5;
	[dreg:$0x0] =	wrdreg $0x0  }
0xa8: {  	s5 =	sshll.u32 s28, $0x1;
	[dreg:$0x2] =	wrdreg s3  }
0xa9: {  	[dreg:$0x3] =	wrdreg s5  }
0xaa: {  	[dreg:$0x4] =	wrdreg $0xC0  }
0xab: {  	_ =	task [dreg:s7], $0x5FFFF  }
0xac: {  	[dreg:$0x1] =	wrdreg $0xFFFFFFFF  }
0xad: {  	[dreg:$0x0] =	wrdreg $0x60  }
0xae: {  	[dreg:$0x2] =	wrdreg s2  }
0xaf: {  	[dreg:$0x3] =	wrdreg s24  }
0xb0: {  	[dreg:$0x4] =	wrdreg $0x9  }
0xb1: {  	_ =	task.clear_ibuf [dreg:s7], $0x5FFFF;
	_ =	strace $0x90000046  }
0xb2: {  	s29 =	simm.s32 $0x9;
	_ =	strace $0x80000048  }
0xb3: {  	_ =	swait.ge [sflag:s29], $0x1  }
0xb4: {  	[sflag:s29] =	ssyncadd.s32 $0xFFFFFFFF  }
0xb5: {  	_ =	strace $0x90000048  }
0xb6: {  	_ =	sfence  }
0xb7: {  	s30 =	sld [smem:$0x0];
	_ =	sdelay $0x2  }
0xb8: {  	s31 =	sshll.u32 s1, $0xD;
	s1 =	sshrl.u32 s1, $0x2  }
0xb9: {  	s3 =	sand.u32 $0x4000, s31;
	s1 =	sadd.s32 s1, s30  }
0xba: {  	s0 =	sor.u32 s3, s0;
	s1 =	sshll.u32 s1, $0x11  }
0xbb: {  	s0 =	sor.u32 s1, s0  }
0xbc: {  	s0 =	sadd.s32 $0x8F2B, s0  }
0xbd: {  	[sflag:s0] =	ssyncadd.remote.s32 $0x1  }
0xbe: {  	_ =	sfence.sel $0xFFFF  }
0xbf: {  	[dreg:$0x0] =	wrdreg $0xFFFFFFFF;
	(pc) =	sbr.abs _section_cstart, $3  }
0xc0: {  	[dreg:$0x1] =	wrdreg $0xFFFFFFFF  }
0xc1: {  	_ =	task.clear_ibuf [dreg:s7], $0x2FFFF;
	_ =	strace $0x9FFFFFFF  }
0xc2: {  	(tm) =	ssettm $0x7FFFFFFF  }
0xc3: {  	_ =	shalt  }
tec
execute0_lowered:
.L_overlay_start_1:
0x0: {  	(tag) =	ssettag $0x1  }
0x1: {  	s0 =	srdreg.scid;
	s1 =	rddreg [dreg:$0x0]  }
0x2: {  	s8 =	stileid.u32;
	s4 =	rddreg [dreg:$0x1];
	s10 =	simm.s32 $0x0  }
0x3: {  	s28 =	simm.s32 $0xD400;
	s29 =	simm.s32 $0x10600;
	s30 =	simm.s32 $0x12B80  }
0x4: {  	s9 =	simm.s32 $0x4;
	s31 =	simm.s32 $0x10600;
	s0 =	sand.u32 $0x1, s0  }
0x5: {  	s2 =	sshll.u32 s8, $0xA;
	[smem:$0x7FF] =	sst s10;
	s5 =	smul.u32 $0x700000, s8  }
0x6: {  	s15 =	smul.u32 $0xE0000, s8;
	s8 =	simm.s32 $0x3;
	s10 =	simm.s32 $0x5  }
0x7: {  	s3 =	sshll.u32 s0, $0x9;
	_ =	strace $0x80000047;
	s7 =	smul.u32 $0x380000, s0  }
0x8: {  	s6 =	ssub.s32 $0x2, s0;
	s0 =	smul.u32 $0x70000, s0;
	s2 =	sor.u32 s3, s2  }
0x9: {  	s3 =	sadd.s32 $0x800, s4;
	s4 =	sadd.s32 $0xF42C00, s4;
	s11 =	sshrl.u32 s6, $0x1  }
0xa: {  	s2 =	smul.u32 $0x7, s2;
	[dreg:$0x3] =	wrdreg s4;
	s4 =	ssub.s32 s6, s11  }
0xb: {  	s12 =	sadd.s32 s7, s5;
	s0 =	sadd.s32 s0, s15;
	s6 =	simm.s32 $0x40  }
0xc: {  	s7 =	simm.s32 $0x2;
	s11 =	simm.s32 $0x6;
	s15 =	simm.s32 $0x0  }
0xd: {  	s13 =	smax.u32 s4, $0x1;
	s14 =	sor.u32 $0x1A400, s12;
	s5 =	sor.u32 $0x18800, s12  }
0xe: {  	s16 =	sor.u32 $0x16C00, s12;
	[dreg:$0x9] =	wrdreg s0;
	s19 =	sor.u32 $0x13400, s12  }
0xf: {  	s20 =	sor.u32 $0x11800, s12;
	s22 =	sor.u32 $0xC400, s12;
	s23 =	sor.u32 $0xA800, s12  }
0x10: {  	s24 =	sor.u32 $0x8C00, s12;
	s26 =	sor.u32 $0x5400, s12;
	s4 =	simm.s32 $0x1  }
0x11: {  	s12 =	simm.s32 $0x7;
	s1 =	sadd.s32 s1, s2;
	[dreg:$0x5] =	wrdreg s13  }
0x12: {  	s2 =	sshrl.u32 s14, $0x3;
	s17 =	sshrl.u32 s5, $0x3;
	[dreg:$0x4] =	wrdreg s1  }
0x13: {  	s18 =	sshrl.u32 s16, $0x3;
	s0 =	sshrl.u32 s19, $0x3;
	[dreg:$0x6] =	wrdreg s2  }
0x14: {  	s21 =	sshrl.u32 s20, $0x3;
	s25 =	sshrl.u32 s24, $0x3;
	[dreg:$0x7] =	wrdreg s17  }
0x15: {  	s19 =	simm.s32 $0x7000;
	s16 =	simm.s32 $0x7C80;
	[dreg:$0x8] =	wrdreg s18  }
0x16: {  	s20 =	simm.s32 $0xBB00;
	s24 =	simm.s32 $0xC780;
	[dreg:$0xa] =	wrdreg s0  }
0x17: {  	s5 =	simm.s32 $0x11F00;
	s13 =	simm.s32 $0x8;
	[dreg:$0xb] =	wrdreg s21  }
0x18: {  	s0 =	sshrl.u32 s22, $0x3;
	[dreg:$0xe] =	wrdreg s25;
	s18 =	simm.s32 $0x32  }
.Ltmp0:
0x19: {  	s21 =	simm.s32 $0x8900;
	s25 =	simm.s32 $0xA200;
	(pc) =	sbr.rel .LBB2_1-.Ltmp0, $4  }
0x1a: {  	s1 =	simm.s32 $0xAE80;
	s22 =	simm.s32 $0xF980;
	s2 =	simm.s32 $0x11280  }
0x1b: {  	s17 =	simm.s32 $0x80;
	[dreg:$0xc] =	wrdreg s0;
	s0 =	sshrl.u32 s23, $0x3  }
0x1c: {  	s23 =	simm.s32 $0x9580;
	[dreg:$0xd] =	wrdreg s0;
	s0 =	sshrl.u32 s26, $0x3  }
0x1d: {  	s26 =	simm.s32 $0xED00;
	[dreg:$0xf] =	wrdreg s0;
	s0 =	simm.s32 $0xE080  }
.LBB2_4:
0x1e: {  	_ =	swait.ge [sflag:s11], $0xC80  }
0x1f: {  	[sflag:s11] =	ssyncset.done $0x0  }
0x20: {  	[sflag:s11] =	ssyncadd.s32 $0xFFFFF380  }
0x21: {  	_ =	swait.ge [sflag:s11], $0xC80  }
0x22: {  	[sflag:s11] =	ssyncset.done $0x0  }
0x23: {  	[sflag:s11] =	ssyncadd.s32 $0xFFFFF380  }
0x24: {  	_ =	swait.ge [sflag:s11], $0xC80  }
0x25: {  	[sflag:s11] =	ssyncset.done $0x0  }
0x26: {  	[sflag:s11] =	ssyncadd.s32 $0xFFFFF380  }
0x27: {  	_ =	swait.ge [sflag:s11], $0xC80  }
0x28: {  	[sflag:s11] =	ssyncset.done $0x0  }
0x29: {  	[sflag:s11] =	ssyncadd.s32 $0xFFFFF380  }
0x2a: {  	_ =	swait.ge [sflag:s12], $0xC80  }
0x2b: {  	[sflag:s12] =	ssyncset.done $0x0  }
0x2c: {  	[sflag:s12] =	ssyncadd.s32 $0xFFFFF380  }
0x2d: {  	_ =	swait.ge [sflag:s12], $0xC80  }
0x2e: {  	[sflag:s12] =	ssyncset.done $0x0  }
0x2f: {  	[sflag:s12] =	ssyncadd.s32 $0xFFFFF380  }
0x30: {  	_ =	swait.ge [sflag:s12], $0xC80  }
0x31: {  	[sflag:s12] =	ssyncset.done $0x0  }
0x32: {  	[sflag:s12] =	ssyncadd.s32 $0xFFFFF380  }
0x33: {  	_ =	swait.ge [sflag:s12], $0xC80  }
0x34: {  	[sflag:s12] =	ssyncset.done $0x0  }
0x35: {  	[sflag:s12] =	ssyncadd.s32 $0xFFFFF380  }
0x36: {  	_ =	swait.ge [sflag:s13], $0xC80  }
0x37: {  	[sflag:s13] =	ssyncset.done $0x0  }
0x38: {  	[sflag:s13] =	ssyncadd.s32 $0xFFFFF380  }
0x39: {  	_ =	swait.ge [sflag:s13], $0xC80  }
0x3a: {  	[sflag:s13] =	ssyncset.done $0x0  }
0x3b: {  	[sflag:s13] =	ssyncadd.s32 $0xFFFFF380  }
0x3c: {  	_ =	swait.ge [sflag:s13], $0xC80  }
0x3d: {  	[sflag:s13] =	ssyncset.done $0x0  }
0x3e: {  	[sflag:s13] =	ssyncadd.s32 $0xFFFFF380  }
0x3f: {  	_ =	swait.ge [sflag:s13], $0xC80  }
0x40: {  	s19 =	simm.s32 $0x7000;
	s15 =	rddreg [dreg:$0x10]  }
0x41: {  	s16 =	simm.s32 $0x7C80;
	s14 =	rddreg [dreg:$0x5];
	s15 =	sadd.s32 $0x1, s15  }
0x42: {  	s21 =	simm.s32 $0x8900;
	s23 =	simm.s32 $0x9580;
	p0 =	sne.s32 s15, s14  }
.Ltmp1:
0x43: {  	s25 =	simm.s32 $0xA200;
	s1 =	simm.s32 $0xAE80;
	(pc) =	sbr.rel @!p0 .LBB2_5-.Ltmp1, $4  }
0x44: {  	s20 =	simm.s32 $0xBB00;
	s24 =	simm.s32 $0xC780;
	s28 =	simm.s32 $0xD400  }
0x45: {  	s0 =	simm.s32 $0xE080;
	s26 =	simm.s32 $0xED00;
	s22 =	simm.s32 $0xF980  }
0x46: {  	s29 =	simm.s32 $0x10600;
	s2 =	simm.s32 $0x11280;
	[sflag:s13] =	ssyncset.done $0x0  }
0x47: {  	s5 =	simm.s32 $0x11F00;
	s30 =	simm.s32 $0x12B80;
	[sflag:s13] =	ssyncadd.s32 $0xFFFFF380  }
.LBB2_1:
0x48: {  	[dreg:$0x10] =	wrdreg s15  }
0x49: {  	s14 =	simm.s32 $0x0;
	s15 =	rddreg [dreg:$0x4]  }
0x4a: {  	[tilespmem:s14], [sflag:$0x9] =	stream.linear.gather [hbm4b:s15+s14], $0x7000, $0x38;
	[tilespmem:$0x13800] =	vst v63  }
0x4b: {  	s15 =	simm.s32 $0x9  }
0x4c: {  	_ =	swait.ge [sflag:s15], $0x7000  }
0x4d: {  	[sflag:s15] =	ssyncset.done $0x0  }
0x4e: {  	[sflag:s15] =	ssyncadd.s32 $0xFFFF9000  }
0x4f: {  	[tilespmem:s19], [sflag:$0x1] =	stream.indirect.gather [hbm4b:s3+s18], $0x40, s14, s18, $0xb8;
	[tilespmem:$0x13800] =	vst v63  }
0x50: {  	s15 =	simm.s32 $0x38  }
0x51: {  	[tilespmem:s16], [sflag:$0x1] =	stream.indirect.gather [hbm4b:s3+s18], $0x40, s15, s18, $0xb8;
	[tilespmem:$0x13800] =	vst v63  }
0x52: {  	s15 =	simm.s32 $0x70  }
0x53: {  	[tilespmem:s21], [sflag:$0x1] =	stream.indirect.gather [hbm4b:s3+s18], $0x40, s15, s18, $0xb8;
	[tilespmem:$0x13800] =	vst v63  }
0x54: {  	s16 =	simm.s32 $0xA8  }
0x55: {  	[tilespmem:s23], [sflag:$0x1] =	stream.indirect.gather [hbm4b:s3+s18], $0x40, s16, s18, $0xb8;
	[tilespmem:$0x13800] =	vst v63  }
0x56: {  	s21 =	simm.s32 $0xE0  }
0x57: {  	[tilespmem:s25], [sflag:$0x2] =	stream.indirect.gather [hbm4b:s3+s18], $0x40, s21, s18, $0xb8;
	[tilespmem:$0x13800] =	vst v63  }
0x58: {  	s23 =	simm.s32 $0x118  }
0x59: {  	[tilespmem:s1], [sflag:$0x2] =	stream.indirect.gather [hbm4b:s3+s18], $0x40, s23, s18, $0xb8;
	[tilespmem:$0x13800] =	vst v63  }
0x5a: {  	s25 =	simm.s32 $0x150  }
0x5b: {  	[tilespmem:s20], [sflag:$0x2] =	stream.indirect.gather [hbm4b:s3+s18], $0x40, s25, s18, $0xb8;
	[tilespmem:$0x13800] =	vst v63  }
0x5c: {  	s14 =	simm.s32 $0x188  }
0x5d: {  	[tilespmem:s24], [sflag:$0x2] =	stream.indirect.gather [hbm4b:s3+s18], $0x40, s14, s18, $0xb8;
	[tilespmem:$0x13800] =	vst v63  }
0x5e: {  	s15 =	simm.s32 $0x1C0  }
0x5f: {  	[tilespmem:s28], [sflag:$0x3] =	stream.indirect.gather [hbm4b:s3+s18], $0x40, s15, s18, $0xb8;
	[tilespmem:$0x13800] =	vst v63  }
0x60: {  	s16 =	simm.s32 $0x1F8  }
0x61: {  	[tilespmem:s0], [sflag:$0x3] =	stream.indirect.gather [hbm4b:s3+s18], $0x40, s16, s18, $0xb8;
	[tilespmem:$0x13800] =	vst v63  }
0x62: {  	s21 =	simm.s32 $0x268;
	s20 =	simm.s32 $0x230  }
0x63: {  	[tilespmem:s26], [sflag:$0x3] =	stream.indirect.gather [hbm4b:s3+s18], $0x40, s20, s18, $0xb8;
	[tilespmem:$0x13800] =	vst v63  }
0x64: {  	s23 =	simm.s32 $0x2A0;
	s25 =	simm.s32 $0x310;
	s24 =	simm.s32 $0x2D8  }
0x65: {  	[tilespmem:s22], [sflag:$0x3] =	stream.indirect.gather [hbm4b:s3+s18], $0x40, s21, s18, $0xb8;
	[tilespmem:$0x13800] =	vst v63  }
0x66: {  	s14 =	rddreg [dreg:$0x3];
	s15 =	simm.s32 $0x0;
	s28 =	simm.s32 $0x12B80  }
0x67: {  	[tilespmem:s29], [sflag:$0x4] =	stream.indirect.gather [hbm4b:s3+s18], $0x40, s23, s18, $0xb8;
	[tilespmem:$0x13800] =	vst v63  }
0x68: {  	s0 =	simm.s32 $0xE080;
	s26 =	simm.s32 $0x348;
	s20 =	simm.s32 $0xBB00  }
0x69: {  	[tilespmem:s2], [sflag:$0x4] =	stream.indirect.gather [hbm4b:s3+s18], $0x40, s24, s18, $0xb8;
	[tilespmem:$0x13800] =	vst v63  }
0x6a: {  	s22 =	simm.s32 $0xF980;
	s29 =	simm.s32 $0xD400;
	s23 =	simm.s32 $0x7C80  }
0x6b: {  	[tilespmem:s5], [sflag:$0x4] =	stream.indirect.gather [hbm4b:s3+s18], $0x40, s25, s18, $0xb8;
	[tilespmem:$0x13800] =	vst v63  }
0x6c: {  	s24 =	simm.s32 $0xC780;
	s2 =	simm.s32 $0x11280;
	s5 =	simm.s32 $0x11F00  }
0x6d: {  	[tilespmem:s30], [sflag:$0x4] =	stream.indirect.gather [hbm4b:s3+s18], $0x40, s26, s18, $0xb8;
	[tilespmem:$0x13800] =	vst v63  }
0x6e: {  	s25 =	simm.s32 $0x8900;
	s26 =	simm.s32 $0xED00;
	s30 =	simm.s32 $0xA200  }
.LBB2_2:
0x6f: {  	_ =	swait.ge [sflag:s4], $0xC80  }
0x70: {  	[sflag:s4] =	ssyncset.done $0x0  }
0x71: {  	[sflag:s4] =	ssyncadd.s32 $0xFFFFF380  }
0x72: {  	_ =	swait.ge [sflag:s4], $0xC80  }
0x73: {  	[sflag:s4] =	ssyncset.done $0x0  }
0x74: {  	[sflag:s4] =	ssyncadd.s32 $0xFFFFF380  }
0x75: {  	_ =	swait.ge [sflag:s4], $0xC80  }
0x76: {  	[sflag:s4] =	ssyncset.done $0x0  }
0x77: {  	[sflag:s4] =	ssyncadd.s32 $0xFFFFF380  }
0x78: {  	_ =	swait.ge [sflag:s4], $0xC80  }
0x79: {  	[sflag:s4] =	ssyncset.done $0x0;
	s16 =	rddreg [dreg:$0x9]  }
0x7a: {  	[sflag:s4] =	ssyncadd.s32 $0xFFFFF380;
	s16 =	sadd.s32 s14, s16  }
0x7b: {  	[hbm4b:s16+s6] =	stream.strided.scatter [tilespmem:s19], [sflag:$0x5], $0xC80, s17, s6, $0x38;
	[tilespmem:$0x13800] =	vst v63  }
0x7c: {  	s1 =	sadd.s32 $0x380, s16  }
0x7d: {  	[hbm4b:s1+s6] =	stream.strided.scatter [tilespmem:s23], [sflag:$0x5], $0xC80, s17, s6, $0x38;
	[tilespmem:$0x13800] =	vst v63  }
0x7e: {  	s1 =	sadd.s32 $0x700, s16  }
0x7f: {  	[hbm4b:s1+s6] =	stream.strided.scatter [tilespmem:s25], [sflag:$0x5], $0xC80, s17, s6, $0x38;
	[tilespmem:$0x13800] =	vst v63  }
0x80: {  	s1 =	rddreg [dreg:$0xf]  }
0x81: {  	s19 =	sadd.s32 s14, s1;
	s1 =	simm.s32 $0x9580  }
0x82: {  	[hbm4b:s19+s6] =	stream.strided.scatter [tilespmem:s1], [sflag:$0x5], $0xC80, s17, s6, $0x38;
	[tilespmem:$0x13800] =	vst v63  }
0x83: {  	_ =	swait.ge [sflag:s7], $0xC80  }
0x84: {  	[sflag:s7] =	ssyncset.done $0x0  }
0x85: {  	[sflag:s7] =	ssyncadd.s32 $0xFFFFF380  }
0x86: {  	_ =	swait.ge [sflag:s7], $0xC80  }
0x87: {  	[sflag:s7] =	ssyncset.done $0x0  }
0x88: {  	[sflag:s7] =	ssyncadd.s32 $0xFFFFF380  }
0x89: {  	_ =	swait.ge [sflag:s7], $0xC80  }
0x8a: {  	[sflag:s7] =	ssyncset.done $0x0  }
0x8b: {  	[sflag:s7] =	ssyncadd.s32 $0xFFFFF380  }
0x8c: {  	_ =	swait.ge [sflag:s7], $0xC80  }
0x8d: {  	[sflag:s7] =	ssyncset.done $0x0  }
0x8e: {  	s1 =	sadd.s32 $0xE00, s16;
	[sflag:s7] =	ssyncadd.s32 $0xFFFFF380  }
0x8f: {  	[hbm4b:s1+s6] =	stream.strided.scatter [tilespmem:s30], [sflag:$0x6], $0xC80, s17, s6, $0x38;
	[tilespmem:$0x13800] =	vst v63  }
0x90: {  	s1 =	rddreg [dreg:$0xe]  }
0x91: {  	s19 =	sadd.s32 s14, s1;
	s1 =	simm.s32 $0xAE80  }
0x92: {  	[hbm4b:s19+s6] =	stream.strided.scatter [tilespmem:s1], [sflag:$0x6], $0xC80, s17, s6, $0x38;
	[tilespmem:$0x13800] =	vst v63  }
0x93: {  	s1 =	rddreg [dreg:$0xd]  }
0x94: {  	s19 =	sadd.s32 s14, s1;
	s1 =	rddreg [dreg:$0xc]  }
0x95: {  	[hbm4b:s19+s6] =	stream.strided.scatter [tilespmem:s20], [sflag:$0x6], $0xC80, s17, s6, $0x38;
	[tilespmem:$0x13800] =	vst v63  }
0x96: {  	s19 =	sadd.s32 s14, s1  }
0x97: {  	[hbm4b:s19+s6] =	stream.strided.scatter [tilespmem:s24], [sflag:$0x6], $0xC80, s17, s6, $0x38;
	[tilespmem:$0x13800] =	vst v63  }
0x98: {  	_ =	swait.ge [sflag:s8], $0xC80  }
0x99: {  	[sflag:s8] =	ssyncset.done $0x0  }
0x9a: {  	[sflag:s8] =	ssyncadd.s32 $0xFFFFF380  }
0x9b: {  	_ =	swait.ge [sflag:s8], $0xC80  }
0x9c: {  	[sflag:s8] =	ssyncset.done $0x0  }
0x9d: {  	[sflag:s8] =	ssyncadd.s32 $0xFFFFF380  }
0x9e: {  	_ =	swait.ge [sflag:s8], $0xC80  }
0x9f: {  	[sflag:s8] =	ssyncset.done $0x0  }
0xa0: {  	[sflag:s8] =	ssyncadd.s32 $0xFFFFF380  }
0xa1: {  	_ =	swait.ge [sflag:s8], $0xC80  }
0xa2: {  	[sflag:s8] =	ssyncset.done $0x0  }
0xa3: {  	s1 =	sadd.s32 $0x1C00, s16;
	[sflag:s8] =	ssyncadd.s32 $0xFFFFF380  }
0xa4: {  	[hbm4b:s1+s6] =	stream.strided.scatter [tilespmem:s29], [sflag:$0x7], $0xC80, s17, s6, $0x38;
	[tilespmem:$0x13800] =	vst v63  }
0xa5: {  	s1 =	sadd.s32 $0x1F80, s16  }
0xa6: {  	[hbm4b:s1+s6] =	stream.strided.scatter [tilespmem:s0], [sflag:$0x7], $0xC80, s17, s6, $0x38;
	[tilespmem:$0x13800] =	vst v63  }
0xa7: {  	s1 =	rddreg [dreg:$0xb]  }
0xa8: {  	s19 =	sadd.s32 s14, s1;
	s1 =	rddreg [dreg:$0xa]  }
0xa9: {  	[hbm4b:s19+s6] =	stream.strided.scatter [tilespmem:s26], [sflag:$0x7], $0xC80, s17, s6, $0x38;
	[tilespmem:$0x13800] =	vst v63  }
0xaa: {  	s19 =	sadd.s32 s14, s1  }
0xab: {  	[hbm4b:s19+s6] =	stream.strided.scatter [tilespmem:s22], [sflag:$0x7], $0xC80, s17, s6, $0x38;
	[tilespmem:$0x13800] =	vst v63  }
0xac: {  	_ =	swait.ge [sflag:s9], $0xC80  }
0xad: {  	[sflag:s9] =	ssyncset.done $0x0  }
0xae: {  	[sflag:s9] =	ssyncadd.s32 $0xFFFFF380  }
0xaf: {  	_ =	swait.ge [sflag:s9], $0xC80  }
0xb0: {  	[sflag:s9] =	ssyncset.done $0x0  }
0xb1: {  	[sflag:s9] =	ssyncadd.s32 $0xFFFFF380  }
0xb2: {  	_ =	swait.ge [sflag:s9], $0xC80  }
0xb3: {  	[sflag:s9] =	ssyncset.done $0x0  }
0xb4: {  	[sflag:s9] =	ssyncadd.s32 $0xFFFFF380  }
0xb5: {  	_ =	swait.ge [sflag:s9], $0xC80  }
0xb6: {  	[sflag:s9] =	ssyncset.done $0x0  }
0xb7: {  	s16 =	sadd.s32 $0x2A00, s16;
	s19 =	rddreg [dreg:$0x8];
	[sflag:s9] =	ssyncadd.s32 $0xFFFFF380  }
0xb8: {  	[hbm4b:s16+s6] =	stream.strided.scatter [tilespmem:s31], [sflag:$0x8], $0xC80, s17, s6, $0x38;
	[tilespmem:$0x13800] =	vst v63  }
0xb9: {  	s1 =	rddreg [dreg:$0x7];
	s16 =	sadd.s32 s14, s19  }
0xba: {  	[hbm4b:s16+s6] =	stream.strided.scatter [tilespmem:s2], [sflag:$0x8], $0xC80, s17, s6, $0x38;
	[tilespmem:$0x13800] =	vst v63  }
0xbb: {  	s19 =	rddreg [dreg:$0x6];
	s16 =	sadd.s32 s14, s1  }
0xbc: {  	[hbm4b:s16+s6] =	stream.strided.scatter [tilespmem:s5], [sflag:$0x8], $0xC80, s17, s6, $0x38;
	[tilespmem:$0x13800] =	vst v63  }
0xbd: {  	s16 =	sadd.s32 s14, s19  }
0xbe: {  	[hbm4b:s16+s6] =	stream.strided.scatter [tilespmem:s28], [sflag:$0x8], $0xC80, s17, s6, $0x38;
	[tilespmem:$0x13800] =	vst v63  }
0xbf: {  	_ =	swait.ge [sflag:s10], $0xC80  }
0xc0: {  	[sflag:s10] =	ssyncset.done $0x0  }
0xc1: {  	[sflag:s10] =	ssyncadd.s32 $0xFFFFF380  }
0xc2: {  	_ =	swait.ge [sflag:s10], $0xC80  }
0xc3: {  	[sflag:s10] =	ssyncset.done $0x0  }
0xc4: {  	[sflag:s10] =	ssyncadd.s32 $0xFFFFF380  }
0xc5: {  	p0 =	seq.s32 s15, $0x1B200;
	_ =	swait.ge [sflag:s10], $0xC80  }
.Ltmp2:
0xc6: {  	[sflag:s10] =	ssyncset.done $0x0;
	(pc) =	sbr.rel @p0 .LBB2_4-.Ltmp2, $4  }
0xc7: {  	[sflag:s10] =	ssyncadd.s32 $0xFFFFF380  }
0xc8: {  	_ =	swait.ge [sflag:s10], $0xC80  }
0xc9: {  	[sflag:s10] =	ssyncset.done $0x0  }
0xca: {  	s21 =	simm.s32 $0x7000;
	[sflag:s10] =	ssyncadd.s32 $0xFFFFF380  }
0xcb: {  	s16 =	sshra.s32 s15, $0x2  }
0xcc: {  	s19 =	sadd.s32 $0x380, s16  }
0xcd: {  	[tilespmem:s21], [sflag:$0x1] =	stream.indirect.gather [hbm4b:s3+s18], $0x40, s19, s18, $0xb8;
	[tilespmem:$0x13800] =	vst v63  }
0xce: {  	s21 =	sadd.s32 $0x3B8, s16  }
0xcf: {  	[tilespmem:s23], [sflag:$0x1] =	stream.indirect.gather [hbm4b:s3+s18], $0x40, s21, s18, $0xb8;
	[tilespmem:$0x13800] =	vst v63  }
0xd0: {  	s1 =	sadd.s32 $0x3F0, s16  }
0xd1: {  	[tilespmem:s25], [sflag:$0x1] =	stream.indirect.gather [hbm4b:s3+s18], $0x40, s1, s18, $0xb8;
	[tilespmem:$0x13800] =	vst v63  }
0xd2: {  	s21 =	sadd.s32 $0x428, s16;
	s1 =	simm.s32 $0x9580  }
0xd3: {  	[tilespmem:s1], [sflag:$0x1] =	stream.indirect.gather [hbm4b:s3+s18], $0x40, s21, s18, $0xb8;
	[tilespmem:$0x13800] =	vst v63  }
0xd4: {  	_ =	swait.ge [sflag:s11], $0xC80  }
0xd5: {  	[sflag:s11] =	ssyncset.done $0x0  }
0xd6: {  	[sflag:s11] =	ssyncadd.s32 $0xFFFFF380  }
0xd7: {  	_ =	swait.ge [sflag:s11], $0xC80  }
0xd8: {  	[sflag:s11] =	ssyncset.done $0x0  }
0xd9: {  	[sflag:s11] =	ssyncadd.s32 $0xFFFFF380  }
0xda: {  	_ =	swait.ge [sflag:s11], $0xC80  }
0xdb: {  	[sflag:s11] =	ssyncset.done $0x0  }
0xdc: {  	[sflag:s11] =	ssyncadd.s32 $0xFFFFF380  }
0xdd: {  	_ =	swait.ge [sflag:s11], $0xC80  }
0xde: {  	[sflag:s11] =	ssyncset.done $0x0  }
0xdf: {  	s21 =	sadd.s32 $0x460, s16;
	[sflag:s11] =	ssyncadd.s32 $0xFFFFF380  }
0xe0: {  	[tilespmem:s30], [sflag:$0x2] =	stream.indirect.gather [hbm4b:s3+s18], $0x40, s21, s18, $0xb8;
	[tilespmem:$0x13800] =	vst v63  }
0xe1: {  	s1 =	sadd.s32 $0x498, s16;
	s21 =	simm.s32 $0xAE80  }
0xe2: {  	[tilespmem:s21], [sflag:$0x2] =	stream.indirect.gather [hbm4b:s3+s18], $0x40, s1, s18, $0xb8;
	[tilespmem:$0x13800] =	vst v63  }
0xe3: {  	s21 =	sadd.s32 $0x4D0, s16  }
0xe4: {  	[tilespmem:s20], [sflag:$0x2] =	stream.indirect.gather [hbm4b:s3+s18], $0x40, s21, s18, $0xb8;
	[tilespmem:$0x13800] =	vst v63  }
0xe5: {  	s1 =	sadd.s32 $0x508, s16  }
0xe6: {  	[tilespmem:s24], [sflag:$0x2] =	stream.indirect.gather [hbm4b:s3+s18], $0x40, s1, s18, $0xb8;
	[tilespmem:$0x13800] =	vst v63  }
0xe7: {  	_ =	swait.ge [sflag:s12], $0xC80  }
0xe8: {  	[sflag:s12] =	ssyncset.done $0x0  }
0xe9: {  	[sflag:s12] =	ssyncadd.s32 $0xFFFFF380  }
0xea: {  	_ =	swait.ge [sflag:s12], $0xC80  }
0xeb: {  	[sflag:s12] =	ssyncset.done $0x0  }
0xec: {  	[sflag:s12] =	ssyncadd.s32 $0xFFFFF380  }
0xed: {  	_ =	swait.ge [sflag:s12], $0xC80  }
0xee: {  	[sflag:s12] =	ssyncset.done $0x0  }
0xef: {  	[sflag:s12] =	ssyncadd.s32 $0xFFFFF380  }
0xf0: {  	_ =	swait.ge [sflag:s12], $0xC80  }
0xf1: {  	[sflag:s12] =	ssyncset.done $0x0  }
0xf2: {  	s21 =	sadd.s32 $0x540, s16;
	[sflag:s12] =	ssyncadd.s32 $0xFFFFF380  }
0xf3: {  	[tilespmem:s29], [sflag:$0x3] =	stream.indirect.gather [hbm4b:s3+s18], $0x40, s21, s18, $0xb8;
	[tilespmem:$0x13800] =	vst v63  }
0xf4: {  	s1 =	sadd.s32 $0x578, s16  }
0xf5: {  	[tilespmem:s0], [sflag:$0x3] =	stream.indirect.gather [hbm4b:s3+s18], $0x40, s1, s18, $0xb8;
	[tilespmem:$0x13800] =	vst v63  }
0xf6: {  	s21 =	sadd.s32 $0x5B0, s16  }
0xf7: {  	[tilespmem:s26], [sflag:$0x3] =	stream.indirect.gather [hbm4b:s3+s18], $0x40, s21, s18, $0xb8;
	[tilespmem:$0x13800] =	vst v63  }
0xf8: {  	s1 =	sadd.s32 $0x5E8, s16  }
0xf9: {  	[tilespmem:s22], [sflag:$0x3] =	stream.indirect.gather [hbm4b:s3+s18], $0x40, s1, s18, $0xb8;
	[tilespmem:$0x13800] =	vst v63  }
0xfa: {  	_ =	swait.ge [sflag:s13], $0xC80  }
0xfb: {  	[sflag:s13] =	ssyncset.done $0x0  }
0xfc: {  	[sflag:s13] =	ssyncadd.s32 $0xFFFFF380  }
0xfd: {  	_ =	swait.ge [sflag:s13], $0xC80  }
0xfe: {  	[sflag:s13] =	ssyncset.done $0x0  }
0xff: {  	[sflag:s13] =	ssyncadd.s32 $0xFFFFF380  }
0x100: {  	_ =	swait.ge [sflag:s13], $0xC80  }
0x101: {  	[sflag:s13] =	ssyncset.done $0x0  }
0x102: {  	[sflag:s13] =	ssyncadd.s32 $0xFFFFF380  }
0x103: {  	_ =	swait.ge [sflag:s13], $0xC80  }
0x104: {  	[sflag:s13] =	ssyncset.done $0x0  }
0x105: {  	s21 =	sadd.s32 $0x620, s16;
	[sflag:s13] =	ssyncadd.s32 $0xFFFFF380  }
0x106: {  	[tilespmem:s31], [sflag:$0x4] =	stream.indirect.gather [hbm4b:s3+s18], $0x40, s21, s18, $0xb8;
	[tilespmem:$0x13800] =	vst v63  }
0x107: {  	s1 =	sadd.s32 $0x658, s16  }
0x108: {  	[tilespmem:s2], [sflag:$0x4] =	stream.indirect.gather [hbm4b:s3+s18], $0x40, s1, s18, $0xb8;
	[tilespmem:$0x13800] =	vst v63  }
.Ltmp3:
0x109: {  	_ = 	snop;
	(pc) =	sbr.rel .LBB2_2-.Ltmp3, $4  }
0x10a: {  	s15 =	sadd.s32 $0xE00, s15;
	s21 =	sadd.s32 $0x690, s16  }
0x10b: {  	[tilespmem:s5], [sflag:$0x4] =	stream.indirect.gather [hbm4b:s3+s18], $0x40, s21, s18, $0xb8;
	[tilespmem:$0x13800] =	vst v63  }
0x10c: {  	s14 =	sadd.s32 $0x3800, s14;
	s19 =	simm.s32 $0x7000;
	s16 =	sadd.s32 $0x6C8, s16  }
0x10d: {  	[tilespmem:s28], [sflag:$0x4] =	stream.indirect.gather [hbm4b:s3+s18], $0x40, s16, s18, $0xb8;
	[tilespmem:$0x13800] =	vst v63  }
.LBB2_5:
0x10e: {  	_ =	sfence.sel $0x180000  }
0x10f: {  	[bflag:$0x0] =	sbarrier.arrive $0xFFFF  }
0x110: {  	_ =	strace $0x90000047  }
0x111: {  	s0 =	stileid.u32;
	[bflag:$0x2] =	sbarrier.arrive $0xFFFF  }
0x112: {  	p0 =	sne.s32 s0, $0x0;
	s0 =	rddreg [dreg:$0x2]  }
0x113: {  	s0 =	sadd.s32 @!p0 $0x100000, s0  }
0x114: {  	[sflag:s0] =	ssyncadd.tile.s32 @!p0 $0x1;
	_ =	shalt  }
.Lfunc_end2:
_tile_overlayer_lowered:
.L_overlay_start_2:
0x115: {  	(tag) =	ssettag $0x2  }
0x116: {  	s0 =	rddreg [dreg:$0x0];
	s2 =	stileid.u32  }
0x117: {  	s1 =	rddreg [dreg:$0x1];
	p0 =	sne.s32 s2, $0x0  }
0x118: {  	s3 =	rddreg [dreg:$0x2];
	[bflag:$0x3] =	sbarrier.arrive $0xFFFF;
	s2 =	simm.s32 @!p0 $0x1C09  }
0x119: {  	[timem:s3], [sflag:s2] =	dma.local @!p0 [hbm:s0], s1  }
0x11a: {  	s0 =	simm.s32 @!p0 $0x9  }
0x11b: {  	_ =	swait.ge @!p0 [sflag:s0], s1  }
0x11c: {  	s1 =	ssub.s32 @!p0 $0x0, s1;
	[sflag:s0] =	ssyncset.done @!p0 $0x0  }
0x11d: {  	[sflag:s0] =	ssyncadd.s32 @!p0 s1  }
0x11e: {  	[bflag:$0x3] =	sbarrier.arrive $0xFFFF  }
0x11f: {  	_ =	shalt  }

// kernel: sparse-core-data-format-call.cloned.1.call-start
scs
called_computation_lowered:
.L_overlay_start_0:
0x0: {  	s2 =	sld [smem:$0x3FD9]  }
0x1: {  	s3 =	sld [smem:$0x3FFE];
	_ =	sdelay $0x1  }
0x2: {  	s1 =	srdreg.scid  }
0x3: {  	s0 =	sand.u32 $0x1, s1  }
0x4: {  	s18 =	sshll.u32 s0, $0xA;
	s2 =	sadd.s32 s3, s2  }
0x5: {  	s2 =	sadd.s32 s2, s18  }
0x6: {  	[smem:$0x3FC6] =	sst s2  }
0x7: {  	_ = 	snop  }
0x8: {  	s2 =	sld [smem:$0x3FD0];
	(tm) =	ssettm $0x1  }
0x9: {  	s19 =	sld [smem:$0x3FFB];
	_ =	sdelay $0x3  }
0xa: {  	_ =	strace s19  }
0xb: {  	s3 =	sld [smem:$0x3FFC];
	_ =	sdelay $0x3  }
0xc: {  	_ =	strace s3  }
0xd: {  	s3 =	sld [smem:$0x3FFD];
	_ =	sdelay $0x3  }
0xe: {  	_ =	strace s3  }
0xf: {  	_ =	strace $0x8FFFFFFF  }
0x10: {  	s20 =	sld [smem:$0x3FDB];
	_ =	sdelay $0x1  }
0x11: {  	s4 =	simm.s32 $_scs_section_size  }
0x12: {  	s5 =	simm.s32 $_size__tile_overlayer_lowered;
	s6 =	simm.s32 $_tile_overlayer_lowered  }
0x13: {  	s23 =	simm.s32 $0x1BFF;
	s22 =	sshll.u32 s6, $0x1;
	s3 =	sadd.s32 s4, s20  }
0x14: {  	s7 =	simm.s32 $0x0;
	s21 =	sshll.u32 s5, $0x1;
	s5 =	sadd.s32 s22, s3  }
0x15: {  	[timem:s7], [sflag:s23] =	dma.local [hbm:s5], s21  }
0x16: {  	_ =	swait.ge [sflag:s23], s21  }
0x17: {  	s4 =	ssub.s32 $0x0, s21;
	[sflag:s23] =	ssyncset.done $0x0  }
0x18: {  	[sflag:s23] =	ssyncadd.s32 s4;
	_ =	sdelay $0x1  }
0x19: {  	s24 =	simm.s32 $0x1B8B  }
0x1a: {  	_ =	swait.ge [sflag:s24], $0x1  }
0x1b: {  	[sflag:s24] =	ssyncset.done $0x0  }
0x1c: {  	s26 =	simm.s32 $0x1B8E;
	s25 =	sld [smem:$0x3FFE];
	[sflag:s24] =	ssyncadd.s32 $0xFFFFFFFF  }
0x1d: {  	s27 =	simm.s32 $execute0_lowered;
	[smem:$0x3FD2] =	sst s26  }
0x1e: {  	s5 =	sshll.u32 s27, $0x1;
	_ =	strace $0x80000049;
	[dreg:$0x1] =	wrdreg $0xFFFFFFFF  }
0x1f: {  	s28 =	simm.s32 $_size_execute0_lowered;
	s3 =	sadd.s32 s3, s5;
	[dreg:$0x0] =	wrdreg $0x0  }
0x20: {  	s5 =	sshll.u32 s28, $0x1;
	[dreg:$0x2] =	wrdreg s3  }
0x21: {  	[dreg:$0x3] =	wrdreg s5  }
0x22: {  	[dreg:$0x4] =	wrdreg $0xC0  }
0x23: {  	_ =	task [dreg:s7], $0x5FFFF  }
0x24: {  	[dreg:$0x1] =	wrdreg $0xFFFFFFFF  }
0x25: {  	[dreg:$0x0] =	wrdreg $0x60  }
0x26: {  	[dreg:$0x2] =	wrdreg s25  }
0x27: {  	[dreg:$0x3] =	wrdreg s2  }
0x28: {  	[dreg:$0x4] =	wrdreg $0x9  }
0x29: {  	_ =	task.clear_ibuf [dreg:s7], $0x5FFFF;
	_ =	strace $0x90000049  }
0x2a: {  	s29 =	simm.s32 $0x9;
	_ =	strace $0x8000004B  }
0x2b: {  	_ =	swait.ge [sflag:s29], $0x1  }
0x2c: {  	[sflag:s29] =	ssyncadd.s32 $0xFFFFFFFF  }
0x2d: {  	_ =	strace $0x9000004B  }
0x2e: {  	_ =	sfence  }
0x2f: {  	s30 =	sld [smem:$0x0];
	_ =	sdelay $0x2  }
0x30: {  	s31 =	sshll.u32 s1, $0xD;
	s1 =	sshrl.u32 s1, $0x2  }
0x31: {  	s3 =	sand.u32 $0x4000, s31;
	s1 =	sadd.s32 s1, s30  }
0x32: {  	s0 =	sor.u32 s3, s0;
	s1 =	sshll.u32 s1, $0x11  }
0x33: {  	s0 =	sor.u32 s1, s0  }
0x34: {  	s0 =	sadd.s32 $0x8F2B, s0  }
0x35: {  	[sflag:s0] =	ssyncadd.remote.s32 $0x1  }
0x36: {  	_ =	sfence.sel $0xFFFF  }
0x37: {  	[dreg:$0x0] =	wrdreg $0xFFFFFFFF;
	(pc) =	sbr.abs _section_cstart, $3  }
0x38: {  	[dreg:$0x1] =	wrdreg $0xFFFFFFFF  }
0x39: {  	_ =	task.clear_ibuf [dreg:s7], $0x2FFFF;
	_ =	strace $0x9FFFFFFF  }
0x3a: {  	(tm) =	ssettm $0x7FFFFFFF  }
0x3b: {  	_ =	shalt  }
tec
execute0_lowered:
.L_overlay_start_1:
0x0: {  	(tag) =	ssettag $0x1  }
0x1: {  	s0 =	srdreg.scid  }
0x2: {  	s1 =	sshll.u32 s0, $0x4  }
0x3: {  	s0 =	stileid.u32;
	s1 =	sand.u32 $0x10, s1  }
0x4: {  	s1 =	sor.u32 s0, s1  }
0x5: {  	s6 =	rddreg [dreg:$0x0];
	s4 =	simm.s32 $0x1;
	s2 =	sshll.u32 s1, $0x7  }
0x6: {  	s7 =	simm.s32 $0x2;
	s12 =	simm.s32 $0x0;
	s1 =	ssub.s32 $0x4000, s2  }
0x7: {  	s8 =	simm.s32 $0x20000;
	s13 =	simm.s32 $0x0;
	s3 =	sand.u32 $0xF80, s1  }
0x8: {  	s9 =	simm.s32 $0x0;
	s5 =	sshrl.u32 s1, $0xC;
	p0 =	sne.s32 s3, $0x0  }
.Ltmp0:
0x9: {  	s1 =	rddreg [dreg:$0x2];
	s4 =	simm.s32 @!p0 $0x0;
	(pc) =	sbr.rel .LBB1_1-.Ltmp0, $4  }
0xa: {  	s11 =	simm.s32 $0x0;
	s3 =	rddreg [dreg:$0x1];
	s5 =	sadd.s32 s4, s5  }
0xb: {  	_ =	strace $0x8000004A;
	s4 =	simm.s32 $0x1;
	s5 =	smul.u32 $0x32, s5  }
0xc: {  	s6 =	sadd.s32 $0xF42C00, s6;
	s10 =	smov.u32 s2;
	[sflag:s4] =	ssyncpa.u1 $0x0  }
0xd: {  	p0 =	por $0x0, $0x0;
	[sflag:s7] =	ssyncpa.u1 $0x0;
	s7 =	sor.u32 $0x1, s5  }
.LBB1_4:
0xe: {  	s16 =	sshll.u32 s13, $0x3;
	s17 =	sand.u32 $0x78, s13  }
0xf: {  	s30 =	sand.u32 $0x1F800, s13;
	s12 =	sshll.u32 s12, $0x11;
	s16 =	sand.u32 $0x3C00, s16  }
0x10: {  	[tilespmem:s15+$0x810 ss:$0x81] =	vst.msk $0xffff, v2;
	s31 =	sand.u32 $0x7, s13;
	s16 =	sor.u32 s17, s16;
	s17 =	sadd.s32 s3, s30  }
0x11: {  	[tilespmem:s15+$0x1020 ss:$0x81] =	vst.msk $0xffff, v0;
	s13 =	sshll.u32 s31, $0x12;
	s12 =	sadd.s32 s12, s17;
	s16 =	sshrl.u32 s16, $0x3  }
0x12: {  	[tilespmem:s15+$0x0 ss:$0x81] =	vst.msk $0xffff, v1;
	s13 =	sor.u32 $0x400, s13;
	s12 =	sadd.s32 s16, s12  }
0x13: {  	[hbm4b:s12+s13] =	stream.strided.scatter [tilespmem:s14], [sflag:$0x2], $0x2000, s8, s13, $0x20;
	[tilespmem:$0x8080] =	vst v63  }
.LBB1_5:
0x14: {  	s14 =	sadd.s32 $0x1, s9  }
0x15: {  	s12 =	sadd.s32 $0x1000, s10;
	s16 =	smov.u32 s10;
	p2 =	sgt.s32 s14, $0x31  }
0x16: {  	s16 =	smov.u32 @p2 s12  }
0x17: {  	s14 =	simm.s32 @p2 $0x0;
	p2 =	sgt.s32 s16, $0x3FFF  }
0x18: {  	s16 =	smov.u32 @p2 s2;
	p2 =	sne.s32 s11, s7  }
.Ltmp1:
0x19: {  	p1 =	slt.u32 s11, $0x2;
	(pc) =	sbr.rel @!p2 .LBB1_6-.Ltmp1, $4  }
0x1a: {  	s15 =	simm.s32 @!p1 $0x2  }
0x1b: {  	s13 =	smov.u32 s10;
	p0 =	por !p0, !p0;
	_ =	swait.ge @!p1 [sflag:s15], $0x2000  }
0x1c: {  	s12 =	smov.u32 s9;
	[sflag:s15] =	ssyncset.done @!p1 $0x0;
	s9 =	smov.u32 s14  }
0x1d: {  	s11 =	sadd.s32 $0x1, s11;
	[sflag:s15] =	ssyncadd.s32 @!p1 $0xFFFFE000;
	s10 =	smov.u32 s16  }
.LBB1_1:
0x1e: {  	p1 =	sge.u32 s11, s5  }
0x1f: {  	s14 =	sand.u32 @!p1 $0x1FFFFFF, s9  }
0x20: {  	s15 =	smulhi.u32 @!p1 $0x4924925, s14;
	_ =	sdelay $0x1  }
0x21: {  	s15 =	smul.u32 @!p1 $0x38, s15  }
0x22: {  	s16 =	sxor.u32 @!p1 $0xFFFFFFFF, s11;
	s17 =	smul.u32 @!p1 $0x380, s10  }
0x23: {  	s31 =	sadd.s32 $0xFFFFFFFF, s11;
	s16 =	sshll.u32 @!p1 s16, $0xD;
	s14 =	ssub.s32 @!p1 s14, s15  }
0x24: {  	s15 =	sand.u32 @!p1 $0x2000, s16;
	s16 =	sadd.s32 @!p1 s6, s17;
	s14 =	sshll.u32 @!p1 s14, $0x4  }
0x25: {  	s17 =	simm.s32 @!p1 $0x1C00;
	s14 =	sadd.s32 @!p1 s14, s16;
	s16 =	simm.s32 @!p1 $0x40  }
0x26: {  	[tilespmem:s15], [sflag:$0x1] =	stream.strided.gather @!p1 [hbm4b:s14+s16], $0x2000, s17, s16, $0x38;
	[tilespmem:$0x8080] =	vst v63  }
0x27: {  	p1 =	sge.u32 s31, s5  }
.Ltmp2:
0x28: {  	_ = 	snop;
	(pc) =	sbr.rel @p1 .LBB1_5-.Ltmp2, $1  }
0x29: {  	_ =	sdelay $0x3  }
0x2a: {  	s14 =	simm.s32 $0x1  }
0x2b: {  	_ =	swait.ge [sflag:s4], $0x2000;
	s14 =	simm.s32 @!p0 $0x0  }
0x2c: {  	[sflag:s4] =	ssyncset.done $0x0;
	s15 =	sshll.u32 s14, $0xD  }
0x2d: {  	[sflag:s4] =	ssyncadd.s32 $0xFFFFE000;
	s18 =	sor.u32 $0x20, s15  }
0x2e: {  	s14 =	smul.u32 $0x8100, s14;
	v3 =	vld [tilespmem:s18+$0x10]  }
0x2f: {  	s30 =	sand.u32 $0x1, s11;
	v2 =	vld [tilespmem:s18+$0xFFFFFFF0]  }
0x30: {  	s15 =	smul.u32 $0x8100, s30;
	s14 =	sshrl.u32 s14, $0x2;
	v0 =	vld [tilespmem:s18+$0x0]  }
0x31: {  	v1 =	vld [tilespmem:s18+$0xFFFFFFE0];
	s16 =	sor.u32 $0x4000, s14  }
0x32: {  	s31 =	sshrl.u32 s15, $0x2;
	s15 =	sadd.s32 $0x0, s16  }
0x33: {  	s17 =	simm.s32 $0x4;
	s18 =	sadd.s32 $0x40, s18;
	s14 =	sor.u32 $0x4000, s31;
	[tilespmem:s15+$0x1830 ss:$0x81] =	vst.msk $0xffff, v3  }
.LBB1_3:
0x34: {  	v3 =	vld [tilespmem:s18+$0x10];
	p1 =	sne.s32 s17, $0x1FC;
	[tilespmem:s15+$0x810 ss:$0x81] =	vst.msk $0xffff, v2;
	s19 =	smov.u32 s17;
	s17 =	sadd.s32 $0x4, s17  }
.Ltmp3:
0x35: {  	v2 =	vld [tilespmem:s18+$0xFFFFFFF0];
	[tilespmem:s15+$0x1020 ss:$0x81] =	vst.msk $0xffff, v0;
	(pc) =	sbr.rel @p1 .LBB1_3-.Ltmp3, $4  }
0x36: {  	v0 =	vld [tilespmem:s18+$0x0];
	[tilespmem:s15+$0x0 ss:$0x81] =	vst.msk $0xffff, v1  }
0x37: {  	s15 =	sshra.s32 s19, $0x2;
	v1 =	vld [tilespmem:s18+$0xFFFFFFE0]  }
0x38: {  	s15 =	sadd.s32 s15, s16  }
0x39: {  	s18 =	sadd.s32 $0x40, s18;
	[tilespmem:s15+$0x1830 ss:$0x81] =	vst.msk $0xffff, v3  }
.Ltmp4:
0x3a: {  	_ = 	snop;
	(pc) =	sbr.rel .LBB1_4-.Ltmp4, $1  }
0x3b: {  	_ =	sdelay $0x3  }
.LBB1_6:
0x3c: {  	_ =	sfence.sel $0x180000  }
0x3d: {  	s2 =	simm.s32 $0x1;
	[bflag:$0x0] =	sbarrier.arrive $0xFFFF  }
0x3e: {  	s31 =	simm.s32 $0x2;
	[sflag:s2] =	ssyncpa.u1 $0x1  }
0x3f: {  	[sflag:s31] =	ssyncpa.u1 $0x1  }
0x40: {  	p0 =	sne.s32 s0, $0x0;
	_ =	strace $0x9000004A  }
0x41: {  	s0 =	sadd.s32 @!p0 $0x100000, s1;
	[bflag:$0x2] =	sbarrier.arrive $0xFFFF  }
0x42: {  	[sflag:s0] =	ssyncadd.tile.s32 @!p0 $0x1;
	_ =	shalt  }
.Lfunc_end1:
_tile_overlayer_lowered:
.L_overlay_start_2:
0x43: {  	(tag) =	ssettag $0x2  }
0x44: {  	s0 =	rddreg [dreg:$0x0];
	s2 =	stileid.u32  }
0x45: {  	s1 =	rddreg [dreg:$0x1];
	p0 =	sne.s32 s2, $0x0  }
0x46: {  	s3 =	rddreg [dreg:$0x2];
	[bflag:$0x3] =	sbarrier.arrive $0xFFFF;
	s2 =	simm.s32 @!p0 $0x1C01  }
0x47: {  	[timem:s3], [sflag:s2] =	dma.local @!p0 [hbm:s0], s1  }
0x48: {  	s0 =	simm.s32 @!p0 $0x1  }
0x49: {  	_ =	swait.ge @!p0 [sflag:s0], s1  }
0x4a: {  	s1 =	ssub.s32 @!p0 $0x0, s1;
	[sflag:s0] =	ssyncset.done @!p0 $0x0  }
0x4b: {  	[sflag:s0] =	ssyncadd.s32 @!p0 s1  }
0x4c: {  	[bflag:$0x3] =	sbarrier.arrive $0xFFFF  }
0x4d: {  	_ =	shalt  }

</sc_bundles>
